<compile_context>
chip_gen: v7x
topology: tpu7x:2x2x1
jax: 0.10.2.dev20260603
libtpu: 0.0.44.dev20260713+nightly
codegen_flags: <defaults>
</compile_context>

<pallas_src>
import functools

import jax
import jax.numpy as jnp
from jax import lax
from jax.experimental import pallas as pl
from jax.experimental.pallas import tpu as pltpu
from jax.experimental.pallas import tpu_sc as plsc

_NTOKEN = 1000000
_NINP = 64
_BATCH = 16384
_HIST = 50
_B_TOTAL = _BATCH * _HIST
_NW = 32
_B_PER_W = _B_TOTAL // _NW
_CHUNK = 800
_N_CHUNKS = _B_PER_W // _CHUNK
_CB = _CHUNK // _HIST


def _emb_body(idx_hbm, table_hbm, out3d_hbm,
              idx0, idx1, rows0, rows1, si0, si1, sg, sw0, sw1):
    out_hbm = out3d_hbm
    idx_v = (idx0, idx1)
    rows_v = (rows0, rows1)
    si = (si0, si1)
    sw = (sw0, sw1)

    wid = lax.axis_index("s") * 2 + lax.axis_index("c")
    base = wid * _B_PER_W

    def start_idx(g, b):
        pltpu.async_copy(idx_hbm.at[pl.ds(base + g * _CHUNK, _CHUNK)],
                         idx_v[b], si[b])

    def wait_idx(b):
        pltpu.make_async_copy(idx_hbm.at[pl.ds(0, _CHUNK)], idx_v[b],
                              si[b]).wait()

    def start_write(g, b):
        r0 = (base + g * _CHUNK) // _HIST
        for k in range(_CB):
            pltpu.async_copy(rows_v[b].at[pl.ds(k * _HIST, _HIST), :],
                             out_hbm.at[r0 + k], sw[b])

    def wait_write(b):
        for k in range(_CB):
            pltpu.make_async_copy(rows_v[b].at[pl.ds(0, _HIST), :],
                                  out_hbm.at[0], sw[b]).wait()

    def gather(b):
        pltpu.async_copy(table_hbm.at[idx_v[b]], rows_v[b], sg).wait()

    start_idx(0, 0)
    start_idx(1, 1)
    for b in range(2):
        wait_idx(b)
        gather(b)
        start_idx(b + 2, b)
        start_write(b, b)

    def pair_body(i, carry):
        for b in range(2):
            g = 2 * i + b
            wait_idx(b)
            wait_write(b)
            gather(b)
            gp = jnp.minimum(g + 2, _N_CHUNKS - 1)
            start_idx(gp, b)
            start_write(g, b)
        return carry

    lax.fori_loop(1, _N_CHUNKS // 2, pair_body, 0)

    for b in range(2):
        wait_idx(b)
        wait_write(b)


_mesh = plsc.VectorSubcoreMesh(core_axis_name="c", subcore_axis_name="s")


@jax.jit
def _run(idx_flat, table):
    return pl.kernel(
        _emb_body,
        out_type=jax.ShapeDtypeStruct((_BATCH, _HIST, _NINP), jnp.float32),
        mesh=_mesh,
        scratch_types=[
            pltpu.VMEM((_CHUNK,), jnp.int32),
            pltpu.VMEM((_CHUNK,), jnp.int32),
            pltpu.VMEM((_CHUNK, _NINP), jnp.float32),
            pltpu.VMEM((_CHUNK, _NINP), jnp.float32),
            pltpu.SemaphoreType.DMA,
            pltpu.SemaphoreType.DMA,
            pltpu.SemaphoreType.DMA,
            pltpu.SemaphoreType.DMA,
            pltpu.SemaphoreType.DMA,
        ],
        compiler_params=pltpu.CompilerParams(use_tc_tiling_on_sc=False),
    )(idx_flat, table)


def kernel(input, encoder_weight):
    idx_flat = input.reshape(-1)
    return _run(idx_flat, encoder_weight)

# --- scband reference (transcript-rebuilt; emitter-appended) ---
"""Pipeline reference for scband-embedding-table-16037407883537 (READ-ONLY COPY).

The authoritative reference and input builder live on the scoring server;
editing this copy changes nothing except your own understanding.
"""

import jax, jax.numpy as jnp
import numpy as np

NTOKEN = 1000000
NINP = 64
BATCH = 16384
HIST = 50

def setup_inputs(seed: int = 0) -> dict:
    key = jax.random.key(seed)
    k_idx, k_tab = jax.random.split(key)
    input_ = jax.random.randint(k_idx, (BATCH, HIST), 0, NTOKEN, dtype=jnp.int64 if jax.config.jax_enable_x64 else jnp.int32)
    # encoder weight initialized uniform_(-0.1, 0.1) as in the torch module
    encoder_weight = jax.random.uniform(k_tab, (NTOKEN, NINP), dtype=jnp.float32, minval=-0.1, maxval=0.1)
    return {"input": input_, "encoder_weight": encoder_weight}

def reference(input, encoder_weight):
    # forward: self.drop(self.encoder(input))
    # Dropout is evaluated in eval mode (identity) for a deterministic reference.
    emb = jnp.take(encoder_weight, input, axis=0)  # [B, L, ninp]
    return emb

if __name__ == "__main__":
    import jax
    _d = setup_inputs()
    print(jax.jit(kernel)(*tuple(_d.values())))

</pallas_src>

<mosaic_0001>
#map = affine_map<(d0, d1) -> (0)>
#map1 = affine_map<(d0, d1) -> (0, 0)>
#map2 = affine_map<(d0, d1) -> (0, 0, 0)>
module attributes {stable_mosaic.version = 14 : i64} {
  func.func @_emb_body(%arg0: i32, %arg1: i32, %arg2: memref<819200xi32, #tpu.memory_space<hbm>>, %arg3: memref<1000000x64xf32, #tpu.memory_space<hbm>>, %arg4: memref<16384x50x64xf32, #tpu.memory_space<hbm>>, %arg5: memref<800xi32, #tpu.memory_space<vmem>>, %arg6: memref<800xi32, #tpu.memory_space<vmem>>, %arg7: memref<800x64xf32, #tpu.memory_space<vmem>>, %arg8: memref<800x64xf32, #tpu.memory_space<vmem>>, %arg9: memref<!tpu.dma_semaphore, #tpu.memory_space<semaphore_mem>>, %arg10: memref<!tpu.dma_semaphore, #tpu.memory_space<semaphore_mem>>, %arg11: memref<!tpu.dma_semaphore, #tpu.memory_space<semaphore_mem>>, %arg12: memref<!tpu.dma_semaphore, #tpu.memory_space<semaphore_mem>>, %arg13: memref<!tpu.dma_semaphore, #tpu.memory_space<semaphore_mem>>) attributes {dimension_semantics = [#tpu.dimension_semantics<core_parallel>, #tpu.dimension_semantics<subcore_parallel>], iteration_bounds = array<i64: 2, 16>, scalar_prefetch = 0 : i64, scratch_operands = 9 : i64, tpu.core_type = #tpu.core_type<sc_vector_subcore>, window_params = [{transform_indices = #map}, {transform_indices = #map1}, {transform_indices = #map2}]} {
    %mul3A = arith.constant 2 : i32
    %mul3A_0 = arith.muli %arg1, %mul3A : i32
    %add3A = arith.addi %mul3A_0, %arg0 : i32
    %mul3A_1 = arith.constant 25600 : i32
    %mul3A_2 = arith.muli %add3A, %mul3A_1 : i32
    %add3A_3 = arith.constant 0 : i32
    %add3A_4 = arith.addi %mul3A_2, %add3A_3 : i32
    %dma_start3A = tpu.memref_slice %arg2[%add3A_4] : memref<819200xi32, #tpu.memory_space<hbm>> -> memref<800xi32, #tpu.memory_space<hbm>>
    %dma_start3A_5 = tpu.memref_slice %arg2[%add3A_4] : memref<819200xi32, #tpu.memory_space<hbm>> -> memref<800xi32, #tpu.memory_space<hbm>>
    tpu.enqueue_dma source(%dma_start3A_5 : memref<800xi32, #tpu.memory_space<hbm>>) target(%arg5 : memref<800xi32, #tpu.memory_space<vmem>>) target_semaphore(%arg9 : memref<!tpu.dma_semaphore, #tpu.memory_space<semaphore_mem>>)
    %add3A_6 = arith.constant 800 : i32
    %add3A_7 = arith.addi %mul3A_2, %add3A_6 : i32
    %dma_start3A_8 = tpu.memref_slice %arg2[%add3A_7] : memref<819200xi32, #tpu.memory_space<hbm>> -> memref<800xi32, #tpu.memory_space<hbm>>
    %dma_start3A_9 = tpu.memref_slice %arg2[%add3A_7] : memref<819200xi32, #tpu.memory_space<hbm>> -> memref<800xi32, #tpu.memory_space<hbm>>
    tpu.enqueue_dma source(%dma_start3A_9 : memref<800xi32, #tpu.memory_space<hbm>>) target(%arg6 : memref<800xi32, #tpu.memory_space<vmem>>) target_semaphore(%arg10 : memref<!tpu.dma_semaphore, #tpu.memory_space<semaphore_mem>>)
    %dma_wait3A = arith.constant 0 : i32
    %dma_wait3A_10 = tpu.memref_slice %arg2[%dma_wait3A] : memref<819200xi32, #tpu.memory_space<hbm>> -> memref<800xi32, #tpu.memory_space<hbm>>
    %dma_wait3A_11 = arith.constant 0 : i32
    %dma_wait3A_12 = tpu.memref_slice %arg2[%dma_wait3A_11] : memref<819200xi32, #tpu.memory_space<hbm>> -> memref<800xi32, #tpu.memory_space<hbm>>
    tpu.wait_dma2 semaphore(%arg9 : memref<!tpu.dma_semaphore, #tpu.memory_space<semaphore_mem>>) src(%dma_wait3A_12 : memref<800xi32, #tpu.memory_space<hbm>>) dst(%arg5 : memref<800xi32, #tpu.memory_space<vmem>>)
    %dma_start3A_13 = arith.constant 0 : i32
    %dma_start3A_14 = arith.constant 0 : i32
    %dma_start3A_15 = tpu.memref_slice %arg3[%dma_start3A_13, %dma_start3A_14] : memref<1000000x64xf32, #tpu.memory_space<hbm>> -> memref<1000000x64xf32, #tpu.memory_space<hbm>>
    tpu.enqueue_indirect_dma source(%dma_start3A_15 : memref<1000000x64xf32, #tpu.memory_space<hbm>>) target(%arg7 : memref<800x64xf32, #tpu.memory_space<vmem>>) offsets(%arg5 : memref<800xi32, #tpu.memory_space<vmem>>) semaphore(%arg11 : memref<!tpu.dma_semaphore, #tpu.memory_space<semaphore_mem>>)
    %dma_wait3A_16 = arith.constant 0 : i32
    %dma_wait3A_17 = arith.constant 0 : i32
    %dma_wait3A_18 = tpu.memref_slice %arg3[%dma_wait3A_16, %dma_wait3A_17] : memref<1000000x64xf32, #tpu.memory_space<hbm>> -> memref<1000000x64xf32, #tpu.memory_space<hbm>>
    tpu.wait_indirect_dma semaphore(%arg11 : memref<!tpu.dma_semaphore, #tpu.memory_space<semaphore_mem>>) src(%dma_wait3A_18 : memref<1000000x64xf32, #tpu.memory_space<hbm>>) dst(%arg7 : memref<800x64xf32, #tpu.memory_space<vmem>>)
    %add3A_19 = arith.constant 1600 : i32
    %add3A_20 = arith.addi %mul3A_2, %add3A_19 : i32
    %dma_start3A_21 = tpu.memref_slice %arg2[%add3A_20] : memref<819200xi32, #tpu.memory_space<hbm>> -> memref<800xi32, #tpu.memory_space<hbm>>
    %dma_start3A_22 = tpu.memref_slice %arg2[%add3A_20] : memref<819200xi32, #tpu.memory_space<hbm>> -> memref<800xi32, #tpu.memory_space<hbm>>
    tpu.enqueue_dma source(%dma_start3A_22 : memref<800xi32, #tpu.memory_space<hbm>>) target(%arg5 : memref<800xi32, #tpu.memory_space<vmem>>) target_semaphore(%arg9 : memref<!tpu.dma_semaphore, #tpu.memory_space<semaphore_mem>>)
    %add3A_23 = arith.constant 0 : i32
    %add3A_24 = arith.addi %mul3A_2, %add3A_23 : i32
    %jit3A = arith.constant 50 : i32
    %div3A = arith.divsi %add3A_24, %jit3A : i32
    %sign3A = arith.constant 0 : i32
    %sign3A_25 = arith.cmpi sgt, %add3A_24, %sign3A : i32
    %sign3A_26 = arith.extui %sign3A_25 : i1 to i32
    %sign3A_27 = arith.constant 0 : i32
    %sign3A_28 = arith.cmpi slt, %add3A_24, %sign3A_27 : i32
    %sign3A_29 = arith.extui %sign3A_28 : i1 to i32
    %sign3A_30 = arith.subi %sign3A_26, %sign3A_29 : i32
    %sign3A_31 = arith.constant 0 : i32
    %sign3A_32 = arith.cmpi sgt, %jit3A, %sign3A_31 : i32
    %sign3A_33 = arith.extui %sign3A_32 : i1 to i32
    %sign3A_34 = arith.constant 0 : i32
    %sign3A_35 = arith.cmpi slt, %jit3A, %sign3A_34 : i32
    %sign3A_36 = arith.extui %sign3A_35 : i1 to i32
    %sign3A_37 = arith.subi %sign3A_33, %sign3A_36 : i32
    %ne3A = arith.cmpi ne, %sign3A_30, %sign3A_37 : i32
    %rem3A = arith.remsi %add3A_24, %jit3A : i32
    %ne3A_38 = arith.constant 0 : i32
    %ne3A_39 = arith.cmpi ne, %rem3A, %ne3A_38 : i32
    %and3A = arith.andi %ne3A, %ne3A_39 : i1
    %sub3A = arith.constant 1 : i32
    %sub3A_40 = arith.subi %div3A, %sub3A : i32
    %select_n3A = arith.select %and3A, %sub3A_40, %div3A : i32
    %add3A_41 = arith.constant 0 : i32
    %add3A_42 = arith.addi %select_n3A, %add3A_41 : i32
    %dma_start3A_43 = arith.constant 0 : i32
    %dma_start3A_44 = arith.constant 0 : i32
    %dma_start3A_45 = tpu.memref_slice %arg7[%dma_start3A_43, %dma_start3A_44] : memref<800x64xf32, #tpu.memory_space<vmem>> -> memref<50x64xf32, #tpu.memory_space<vmem>>
    %dma_start3A_46 = arith.constant 0 : i32
    %dma_start3A_47 = arith.constant 0 : i32
    %dma_start3A_48 = tpu.memref_slice %arg4[%add3A_42, %dma_start3A_46, %dma_start3A_47] : memref<16384x50x64xf32, #tpu.memory_space<hbm>> -> memref<1x50x64xf32, #tpu.memory_space<hbm>>
    %dma_start3A_49 = tpu.memref_squeeze %dma_start3A_48 : memref<1x50x64xf32, #tpu.memory_space<hbm>> -> memref<50x64xf32, #tpu.memory_space<hbm>>
    %dma_start3A_50 = arith.constant 0 : i32
    %dma_start3A_51 = arith.constant 0 : i32
    %dma_start3A_52 = tpu.memref_slice %arg4[%add3A_42, %dma_start3A_50, %dma_start3A_51] : memref<16384x50x64xf32, #tpu.memory_space<hbm>> -> memref<1x50x64xf32, #tpu.memory_space<hbm>>
    %dma_start3A_53 = tpu.memref_squeeze %dma_start3A_52 : memref<1x50x64xf32, #tpu.memory_space<hbm>> -> memref<50x64xf32, #tpu.memory_space<hbm>>
    %dma_start3A_54 = arith.constant 0 : i32
    %dma_start3A_55 = arith.constant 0 : i32
    %dma_start3A_56 = tpu.memref_slice %arg7[%dma_start3A_54, %dma_start3A_55] : memref<800x64xf32, #tpu.memory_space<vmem>> -> memref<50x64xf32, #tpu.memory_space<vmem>>
    tpu.enqueue_dma source(%dma_start3A_56 : memref<50x64xf32, #tpu.memory_space<vmem>>) target(%dma_start3A_53 : memref<50x64xf32, #tpu.memory_space<hbm>>) target_semaphore(%arg12 : memref<!tpu.dma_semaphore, #tpu.memory_space<semaphore_mem>>)
    %add3A_57 = arith.constant 1 : i32
    %add3A_58 = arith.addi %select_n3A, %add3A_57 : i32
    %dma_start3A_59 = arith.constant 50 : i32
    %dma_start3A_60 = arith.constant 0 : i32
    %dma_start3A_61 = tpu.memref_slice %arg7[%dma_start3A_59, %dma_start3A_60] : memref<800x64xf32, #tpu.memory_space<vmem>> -> memref<50x64xf32, #tpu.memory_space<vmem>>
    %dma_start3A_62 = arith.constant 0 : i32
    %dma_start3A_63 = arith.constant 0 : i32
    %dma_start3A_64 = tpu.memref_slice %arg4[%add3A_58, %dma_start3A_62, %dma_start3A_63] : memref<16384x50x64xf32, #tpu.memory_space<hbm>> -> memref<1x50x64xf32, #tpu.memory_space<hbm>>
    %dma_start3A_65 = tpu.memref_squeeze %dma_start3A_64 : memref<1x50x64xf32, #tpu.memory_space<hbm>> -> memref<50x64xf32, #tpu.memory_space<hbm>>
    %dma_start3A_66 = arith.constant 0 : i32
    %dma_start3A_67 = arith.constant 0 : i32
    %dma_start3A_68 = tpu.memref_slice %arg4[%add3A_58, %dma_start3A_66, %dma_start3A_67] : memref<16384x50x64xf32, #tpu.memory_space<hbm>> -> memref<1x50x64xf32, #tpu.memory_space<hbm>>
    %dma_start3A_69 = tpu.memref_squeeze %dma_start3A_68 : memref<1x50x64xf32, #tpu.memory_space<hbm>> -> memref<50x64xf32, #tpu.memory_space<hbm>>
    %dma_start3A_70 = arith.constant 50 : i32
    %dma_start3A_71 = arith.constant 0 : i32
    %dma_start3A_72 = tpu.memref_slice %arg7[%dma_start3A_70, %dma_start3A_71] : memref<800x64xf32, #tpu.memory_space<vmem>> -> memref<50x64xf32, #tpu.memory_space<vmem>>
    tpu.enqueue_dma source(%dma_start3A_72 : memref<50x64xf32, #tpu.memory_space<vmem>>) target(%dma_start3A_69 : memref<50x64xf32, #tpu.memory_space<hbm>>) target_semaphore(%arg12 : memref<!tpu.dma_semaphore, #tpu.memory_space<semaphore_mem>>)
    %add3A_73 = arith.constant 2 : i32
    %add3A_74 = arith.addi %select_n3A, %add3A_73 : i32
    %dma_start3A_75 = arith.constant 100 : i32
    %dma_start3A_76 = arith.constant 0 : i32
    %dma_start3A_77 = tpu.memref_slice %arg7[%dma_start3A_75, %dma_start3A_76] : memref<800x64xf32, #tpu.memory_space<vmem>> -> memref<50x64xf32, #tpu.memory_space<vmem>>
    %dma_start3A_78 = arith.constant 0 : i32
    %dma_start3A_79 = arith.constant 0 : i32
    %dma_start3A_80 = tpu.memref_slice %arg4[%add3A_74, %dma_start3A_78, %dma_start3A_79] : memref<16384x50x64xf32, #tpu.memory_space<hbm>> -> memref<1x50x64xf32, #tpu.memory_space<hbm>>
    %dma_start3A_81 = tpu.memref_squeeze %dma_start3A_80 : memref<1x50x64xf32, #tpu.memory_space<hbm>> -> memref<50x64xf32, #tpu.memory_space<hbm>>
    %dma_start3A_82 = arith.constant 0 : i32
    %dma_start3A_83 = arith.constant 0 : i32
    %dma_start3A_84 = tpu.memref_slice %arg4[%add3A_74, %dma_start3A_82, %dma_start3A_83] : memref<16384x50x64xf32, #tpu.memory_space<hbm>> -> memref<1x50x64xf32, #tpu.memory_space<hbm>>
    %dma_start3A_85 = tpu.memref_squeeze %dma_start3A_84 : memref<1x50x64xf32, #tpu.memory_space<hbm>> -> memref<50x64xf32, #tpu.memory_space<hbm>>
    %dma_start3A_86 = arith.constant 100 : i32
    %dma_start3A_87 = arith.constant 0 : i32
    %dma_start3A_88 = tpu.memref_slice %arg7[%dma_start3A_86, %dma_start3A_87] : memref<800x64xf32, #tpu.memory_space<vmem>> -> memref<50x64xf32, #tpu.memory_space<vmem>>
    tpu.enqueue_dma source(%dma_start3A_88 : memref<50x64xf32, #tpu.memory_space<vmem>>) target(%dma_start3A_85 : memref<50x64xf32, #tpu.memory_space<hbm>>) target_semaphore(%arg12 : memref<!tpu.dma_semaphore, #tpu.memory_space<semaphore_mem>>)
    %add3A_89 = arith.constant 3 : i32
    %add3A_90 = arith.addi %select_n3A, %add3A_89 : i32
    %dma_start3A_91 = arith.constant 150 : i32
    %dma_start3A_92 = arith.constant 0 : i32
    %dma_start3A_93 = tpu.memref_slice %arg7[%dma_start3A_91, %dma_start3A_92] : memref<800x64xf32, #tpu.memory_space<vmem>> -> memref<50x64xf32, #tpu.memory_space<vmem>>
    %dma_start3A_94 = arith.constant 0 : i32
    %dma_start3A_95 = arith.constant 0 : i32
    %dma_start3A_96 = tpu.memref_slice %arg4[%add3A_90, %dma_start3A_94, %dma_start3A_95] : memref<16384x50x64xf32, #tpu.memory_space<hbm>> -> memref<1x50x64xf32, #tpu.memory_space<hbm>>
    %dma_start3A_97 = tpu.memref_squeeze %dma_start3A_96 : memref<1x50x64xf32, #tpu.memory_space<hbm>> -> memref<50x64xf32, #tpu.memory_space<hbm>>
    %dma_start3A_98 = arith.constant 0 : i32
    %dma_start3A_99 = arith.constant 0 : i32
    %dma_start3A_100 = tpu.memref_slice %arg4[%add3A_90, %dma_start3A_98, %dma_start3A_99] : memref<16384x50x64xf32, #tpu.memory_space<hbm>> -> memref<1x50x64xf32, #tpu.memory_space<hbm>>
    %dma_start3A_101 = tpu.memref_squeeze %dma_start3A_100 : memref<1x50x64xf32, #tpu.memory_space<hbm>> -> memref<50x64xf32, #tpu.memory_space<hbm>>
    %dma_start3A_102 = arith.constant 150 : i32
    %dma_start3A_103 = arith.constant 0 : i32
    %dma_start3A_104 = tpu.memref_slice %arg7[%dma_start3A_102, %dma_start3A_103] : memref<800x64xf32, #tpu.memory_space<vmem>> -> memref<50x64xf32, #tpu.memory_space<vmem>>
    tpu.enqueue_dma source(%dma_start3A_104 : memref<50x64xf32, #tpu.memory_space<vmem>>) target(%dma_start3A_101 : memref<50x64xf32, #tpu.memory_space<hbm>>) target_semaphore(%arg12 : memref<!tpu.dma_semaphore, #tpu.memory_space<semaphore_mem>>)
    %add3A_105 = arith.constant 4 : i32
    %add3A_106 = arith.addi %select_n3A, %add3A_105 : i32
    %dma_start3A_107 = arith.constant 200 : i32
    %dma_start3A_108 = arith.constant 0 : i32
    %dma_start3A_109 = tpu.memref_slice %arg7[%dma_start3A_107, %dma_start3A_108] : memref<800x64xf32, #tpu.memory_space<vmem>> -> memref<50x64xf32, #tpu.memory_space<vmem>>
    %dma_start3A_110 = arith.constant 0 : i32
    %dma_start3A_111 = arith.constant 0 : i32
    %dma_start3A_112 = tpu.memref_slice %arg4[%add3A_106, %dma_start3A_110, %dma_start3A_111] : memref<16384x50x64xf32, #tpu.memory_space<hbm>> -> memref<1x50x64xf32, #tpu.memory_space<hbm>>
    %dma_start3A_113 = tpu.memref_squeeze %dma_start3A_112 : memref<1x50x64xf32, #tpu.memory_space<hbm>> -> memref<50x64xf32, #tpu.memory_space<hbm>>
    %dma_start3A_114 = arith.constant 0 : i32
    %dma_start3A_115 = arith.constant 0 : i32
    %dma_start3A_116 = tpu.memref_slice %arg4[%add3A_106, %dma_start3A_114, %dma_start3A_115] : memref<16384x50x64xf32, #tpu.memory_space<hbm>> -> memref<1x50x64xf32, #tpu.memory_space<hbm>>
    %dma_start3A_117 = tpu.memref_squeeze %dma_start3A_116 : memref<1x50x64xf32, #tpu.memory_space<hbm>> -> memref<50x64xf32, #tpu.memory_space<hbm>>
    %dma_start3A_118 = arith.constant 200 : i32
    %dma_start3A_119 = arith.constant 0 : i32
    %dma_start3A_120 = tpu.memref_slice %arg7[%dma_start3A_118, %dma_start3A_119] : memref<800x64xf32, #tpu.memory_space<vmem>> -> memref<50x64xf32, #tpu.memory_space<vmem>>
    tpu.enqueue_dma source(%dma_start3A_120 : memref<50x64xf32, #tpu.memory_space<vmem>>) target(%dma_start3A_117 : memref<50x64xf32, #tpu.memory_space<hbm>>) target_semaphore(%arg12 : memref<!tpu.dma_semaphore, #tpu.memory_space<semaphore_mem>>)
    %add3A_121 = arith.constant 5 : i32
    %add3A_122 = arith.addi %select_n3A, %add3A_121 : i32
    %dma_start3A_123 = arith.constant 250 : i32
    %dma_start3A_124 = arith.constant 0 : i32
    %dma_start3A_125 = tpu.memref_slice %arg7[%dma_start3A_123, %dma_start3A_124] : memref<800x64xf32, #tpu.memory_space<vmem>> -> memref<50x64xf32, #tpu.memory_space<vmem>>
    %dma_start3A_126 = arith.constant 0 : i32
    %dma_start3A_127 = arith.constant 0 : i32
    %dma_start3A_128 = tpu.memref_slice %arg4[%add3A_122, %dma_start3A_126, %dma_start3A_127] : memref<16384x50x64xf32, #tpu.memory_space<hbm>> -> memref<1x50x64xf32, #tpu.memory_space<hbm>>
    %dma_start3A_129 = tpu.memref_squeeze %dma_start3A_128 : memref<1x50x64xf32, #tpu.memory_space<hbm>> -> memref<50x64xf32, #tpu.memory_space<hbm>>
    %dma_start3A_130 = arith.constant 0 : i32
    %dma_start3A_131 = arith.constant 0 : i32
    %dma_start3A_132 = tpu.memref_slice %arg4[%add3A_122, %dma_start3A_130, %dma_start3A_131] : memref<16384x50x64xf32, #tpu.memory_space<hbm>> -> memref<1x50x64xf32, #tpu.memory_space<hbm>>
    %dma_start3A_133 = tpu.memref_squeeze %dma_start3A_132 : memref<1x50x64xf32, #tpu.memory_space<hbm>> -> memref<50x64xf32, #tpu.memory_space<hbm>>
    %dma_start3A_134 = arith.constant 250 : i32
    %dma_start3A_135 = arith.constant 0 : i32
    %dma_start3A_136 = tpu.memref_slice %arg7[%dma_start3A_134, %dma_start3A_135] : memref<800x64xf32, #tpu.memory_space<vmem>> -> memref<50x64xf32, #tpu.memory_space<vmem>>
    tpu.enqueue_dma source(%dma_start3A_136 : memref<50x64xf32, #tpu.memory_space<vmem>>) target(%dma_start3A_133 : memref<50x64xf32, #tpu.memory_space<hbm>>) target_semaphore(%arg12 : memref<!tpu.dma_semaphore, #tpu.memory_space<semaphore_mem>>)
    %add3A_137 = arith.constant 6 : i32
    %add3A_138 = arith.addi %select_n3A, %add3A_137 : i32
    %dma_start3A_139 = arith.constant 300 : i32
    %dma_start3A_140 = arith.constant 0 : i32
    %dma_start3A_141 = tpu.memref_slice %arg7[%dma_start3A_139, %dma_start3A_140] : memref<800x64xf32, #tpu.memory_space<vmem>> -> memref<50x64xf32, #tpu.memory_space<vmem>>
    %dma_start3A_142 = arith.constant 0 : i32
    %dma_start3A_143 = arith.constant 0 : i32
    %dma_start3A_144 = tpu.memref_slice %arg4[%add3A_138, %dma_start3A_142, %dma_start3A_143] : memref<16384x50x64xf32, #tpu.memory_space<hbm>> -> memref<1x50x64xf32, #tpu.memory_space<hbm>>
    %dma_start3A_145 = tpu.memref_squeeze %dma_start3A_144 : memref<1x50x64xf32, #tpu.memory_space<hbm>> -> memref<50x64xf32, #tpu.memory_space<hbm>>
    %dma_start3A_146 = arith.constant 0 : i32
    %dma_start3A_147 = arith.constant 0 : i32
    %dma_start3A_148 = tpu.memref_slice %arg4[%add3A_138, %dma_start3A_146, %dma_start3A_147] : memref<16384x50x64xf32, #tpu.memory_space<hbm>> -> memref<1x50x64xf32, #tpu.memory_space<hbm>>
    %dma_start3A_149 = tpu.memref_squeeze %dma_start3A_148 : memref<1x50x64xf32, #tpu.memory_space<hbm>> -> memref<50x64xf32, #tpu.memory_space<hbm>>
    %dma_start3A_150 = arith.constant 300 : i32
    %dma_start3A_151 = arith.constant 0 : i32
    %dma_start3A_152 = tpu.memref_slice %arg7[%dma_start3A_150, %dma_start3A_151] : memref<800x64xf32, #tpu.memory_space<vmem>> -> memref<50x64xf32, #tpu.memory_space<vmem>>
    tpu.enqueue_dma source(%dma_start3A_152 : memref<50x64xf32, #tpu.memory_space<vmem>>) target(%dma_start3A_149 : memref<50x64xf32, #tpu.memory_space<hbm>>) target_semaphore(%arg12 : memref<!tpu.dma_semaphore, #tpu.memory_space<semaphore_mem>>)
    %add3A_153 = arith.constant 7 : i32
    %add3A_154 = arith.addi %select_n3A, %add3A_153 : i32
    %dma_start3A_155 = arith.constant 350 : i32
    %dma_start3A_156 = arith.constant 0 : i32
    %dma_start3A_157 = tpu.memref_slice %arg7[%dma_start3A_155, %dma_start3A_156] : memref<800x64xf32, #tpu.memory_space<vmem>> -> memref<50x64xf32, #tpu.memory_space<vmem>>
    %dma_start3A_158 = arith.constant 0 : i32
    %dma_start3A_159 = arith.constant 0 : i32
    %dma_start3A_160 = tpu.memref_slice %arg4[%add3A_154, %dma_start3A_158, %dma_start3A_159] : memref<16384x50x64xf32, #tpu.memory_space<hbm>> -> memref<1x50x64xf32, #tpu.memory_space<hbm>>
    %dma_start3A_161 = tpu.memref_squeeze %dma_start3A_160 : memref<1x50x64xf32, #tpu.memory_space<hbm>> -> memref<50x64xf32, #tpu.memory_space<hbm>>
    %dma_start3A_162 = arith.constant 0 : i32
    %dma_start3A_163 = arith.constant 0 : i32
    %dma_start3A_164 = tpu.memref_slice %arg4[%add3A_154, %dma_start3A_162, %dma_start3A_163] : memref<16384x50x64xf32, #tpu.memory_space<hbm>> -> memref<1x50x64xf32, #tpu.memory_space<hbm>>
    %dma_start3A_165 = tpu.memref_squeeze %dma_start3A_164 : memref<1x50x64xf32, #tpu.memory_space<hbm>> -> memref<50x64xf32, #tpu.memory_space<hbm>>
    %dma_start3A_166 = arith.constant 350 : i32
    %dma_start3A_167 = arith.constant 0 : i32
    %dma_start3A_168 = tpu.memref_slice %arg7[%dma_start3A_166, %dma_start3A_167] : memref<800x64xf32, #tpu.memory_space<vmem>> -> memref<50x64xf32, #tpu.memory_space<vmem>>
    tpu.enqueue_dma source(%dma_start3A_168 : memref<50x64xf32, #tpu.memory_space<vmem>>) target(%dma_start3A_165 : memref<50x64xf32, #tpu.memory_space<hbm>>) target_semaphore(%arg12 : memref<!tpu.dma_semaphore, #tpu.memory_space<semaphore_mem>>)
    %add3A_169 = arith.constant 8 : i32
    %add3A_170 = arith.addi %select_n3A, %add3A_169 : i32
    %dma_start3A_171 = arith.constant 400 : i32
    %dma_start3A_172 = arith.constant 0 : i32
    %dma_start3A_173 = tpu.memref_slice %arg7[%dma_start3A_171, %dma_start3A_172] : memref<800x64xf32, #tpu.memory_space<vmem>> -> memref<50x64xf32, #tpu.memory_space<vmem>>
    %dma_start3A_174 = arith.constant 0 : i32
    %dma_start3A_175 = arith.constant 0 : i32
    %dma_start3A_176 = tpu.memref_slice %arg4[%add3A_170, %dma_start3A_174, %dma_start3A_175] : memref<16384x50x64xf32, #tpu.memory_space<hbm>> -> memref<1x50x64xf32, #tpu.memory_space<hbm>>
    %dma_start3A_177 = tpu.memref_squeeze %dma_start3A_176 : memref<1x50x64xf32, #tpu.memory_space<hbm>> -> memref<50x64xf32, #tpu.memory_space<hbm>>
    %dma_start3A_178 = arith.constant 0 : i32
    %dma_start3A_179 = arith.constant 0 : i32
    %dma_start3A_180 = tpu.memref_slice %arg4[%add3A_170, %dma_start3A_178, %dma_start3A_179] : memref<16384x50x64xf32, #tpu.memory_space<hbm>> -> memref<1x50x64xf32, #tpu.memory_space<hbm>>
    %dma_start3A_181 = tpu.memref_squeeze %dma_start3A_180 : memref<1x50x64xf32, #tpu.memory_space<hbm>> -> memref<50x64xf32, #tpu.memory_space<hbm>>
    %dma_start3A_182 = arith.constant 400 : i32
    %dma_start3A_183 = arith.constant 0 : i32
    %dma_start3A_184 = tpu.memref_slice %arg7[%dma_start3A_182, %dma_start3A_183] : memref<800x64xf32, #tpu.memory_space<vmem>> -> memref<50x64xf32, #tpu.memory_space<vmem>>
    tpu.enqueue_dma source(%dma_start3A_184 : memref<50x64xf32, #tpu.memory_space<vmem>>) target(%dma_start3A_181 : memref<50x64xf32, #tpu.memory_space<hbm>>) target_semaphore(%arg12 : memref<!tpu.dma_semaphore, #tpu.memory_space<semaphore_mem>>)
    %add3A_185 = arith.constant 9 : i32
    %add3A_186 = arith.addi %select_n3A, %add3A_185 : i32
    %dma_start3A_187 = arith.constant 450 : i32
    %dma_start3A_188 = arith.constant 0 : i32
    %dma_start3A_189 = tpu.memref_slice %arg7[%dma_start3A_187, %dma_start3A_188] : memref<800x64xf32, #tpu.memory_space<vmem>> -> memref<50x64xf32, #tpu.memory_space<vmem>>
    %dma_start3A_190 = arith.constant 0 : i32
    %dma_start3A_191 = arith.constant 0 : i32
    %dma_start3A_192 = tpu.memref_slice %arg4[%add3A_186, %dma_start3A_190, %dma_start3A_191] : memref<16384x50x64xf32, #tpu.memory_space<hbm>> -> memref<1x50x64xf32, #tpu.memory_space<hbm>>
    %dma_start3A_193 = tpu.memref_squeeze %dma_start3A_192 : memref<1x50x64xf32, #tpu.memory_space<hbm>> -> memref<50x64xf32, #tpu.memory_space<hbm>>
    %dma_start3A_194 = arith.constant 0 : i32
    %dma_start3A_195 = arith.constant 0 : i32
    %dma_start3A_196 = tpu.memref_slice %arg4[%add3A_186, %dma_start3A_194, %dma_start3A_195] : memref<16384x50x64xf32, #tpu.memory_space<hbm>> -> memref<1x50x64xf32, #tpu.memory_space<hbm>>
    %dma_start3A_197 = tpu.memref_squeeze %dma_start3A_196 : memref<1x50x64xf32, #tpu.memory_space<hbm>> -> memref<50x64xf32, #tpu.memory_space<hbm>>
    %dma_start3A_198 = arith.constant 450 : i32
    %dma_start3A_199 = arith.constant 0 : i32
    %dma_start3A_200 = tpu.memref_slice %arg7[%dma_start3A_198, %dma_start3A_199] : memref<800x64xf32, #tpu.memory_space<vmem>> -> memref<50x64xf32, #tpu.memory_space<vmem>>
    tpu.enqueue_dma source(%dma_start3A_200 : memref<50x64xf32, #tpu.memory_space<vmem>>) target(%dma_start3A_197 : memref<50x64xf32, #tpu.memory_space<hbm>>) target_semaphore(%arg12 : memref<!tpu.dma_semaphore, #tpu.memory_space<semaphore_mem>>)
    %add3A_201 = arith.constant 10 : i32
    %add3A_202 = arith.addi %select_n3A, %add3A_201 : i32
    %dma_start3A_203 = arith.constant 500 : i32
    %dma_start3A_204 = arith.constant 0 : i32
    %dma_start3A_205 = tpu.memref_slice %arg7[%dma_start3A_203, %dma_start3A_204] : memref<800x64xf32, #tpu.memory_space<vmem>> -> memref<50x64xf32, #tpu.memory_space<vmem>>
    %dma_start3A_206 = arith.constant 0 : i32
    %dma_start3A_207 = arith.constant 0 : i32
    %dma_start3A_208 = tpu.memref_slice %arg4[%add3A_202, %dma_start3A_206, %dma_start3A_207] : memref<16384x50x64xf32, #tpu.memory_space<hbm>> -> memref<1x50x64xf32, #tpu.memory_space<hbm>>
    %dma_start3A_209 = tpu.memref_squeeze %dma_start3A_208 : memref<1x50x64xf32, #tpu.memory_space<hbm>> -> memref<50x64xf32, #tpu.memory_space<hbm>>
    %dma_start3A_210 = arith.constant 0 : i32
    %dma_start3A_211 = arith.constant 0 : i32
    %dma_start3A_212 = tpu.memref_slice %arg4[%add3A_202, %dma_start3A_210, %dma_start3A_211] : memref<16384x50x64xf32, #tpu.memory_space<hbm>> -> memref<1x50x64xf32, #tpu.memory_space<hbm>>
    %dma_start3A_213 = tpu.memref_squeeze %dma_start3A_212 : memref<1x50x64xf32, #tpu.memory_space<hbm>> -> memref<50x64xf32, #tpu.memory_space<hbm>>
    %dma_start3A_214 = arith.constant 500 : i32
    %dma_start3A_215 = arith.constant 0 : i32
    %dma_start3A_216 = tpu.memref_slice %arg7[%dma_start3A_214, %dma_start3A_215] : memref<800x64xf32, #tpu.memory_space<vmem>> -> memref<50x64xf32, #tpu.memory_space<vmem>>
    tpu.enqueue_dma source(%dma_start3A_216 : memref<50x64xf32, #tpu.memory_space<vmem>>) target(%dma_start3A_213 : memref<50x64xf32, #tpu.memory_space<hbm>>) target_semaphore(%arg12 : memref<!tpu.dma_semaphore, #tpu.memory_space<semaphore_mem>>)
    %add3A_217 = arith.constant 11 : i32
    %add3A_218 = arith.addi %select_n3A, %add3A_217 : i32
    %dma_start3A_219 = arith.constant 550 : i32
    %dma_start3A_220 = arith.constant 0 : i32
    %dma_start3A_221 = tpu.memref_slice %arg7[%dma_start3A_219, %dma_start3A_220] : memref<800x64xf32, #tpu.memory_space<vmem>> -> memref<50x64xf32, #tpu.memory_space<vmem>>
    %dma_start3A_222 = arith.constant 0 : i32
    %dma_start3A_223 = arith.constant 0 : i32
    %dma_start3A_224 = tpu.memref_slice %arg4[%add3A_218, %dma_start3A_222, %dma_start3A_223] : memref<16384x50x64xf32, #tpu.memory_space<hbm>> -> memref<1x50x64xf32, #tpu.memory_space<hbm>>
    %dma_start3A_225 = tpu.memref_squeeze %dma_start3A_224 : memref<1x50x64xf32, #tpu.memory_space<hbm>> -> memref<50x64xf32, #tpu.memory_space<hbm>>
    %dma_start3A_226 = arith.constant 0 : i32
    %dma_start3A_227 = arith.constant 0 : i32
    %dma_start3A_228 = tpu.memref_slice %arg4[%add3A_218, %dma_start3A_226, %dma_start3A_227] : memref<16384x50x64xf32, #tpu.memory_space<hbm>> -> memref<1x50x64xf32, #tpu.memory_space<hbm>>
    %dma_start3A_229 = tpu.memref_squeeze %dma_start3A_228 : memref<1x50x64xf32, #tpu.memory_space<hbm>> -> memref<50x64xf32, #tpu.memory_space<hbm>>
    %dma_start3A_230 = arith.constant 550 : i32
    %dma_start3A_231 = arith.constant 0 : i32
    %dma_start3A_232 = tpu.memref_slice %arg7[%dma_start3A_230, %dma_start3A_231] : memref<800x64xf32, #tpu.memory_space<vmem>> -> memref<50x64xf32, #tpu.memory_space<vmem>>
    tpu.enqueue_dma source(%dma_start3A_232 : memref<50x64xf32, #tpu.memory_space<vmem>>) target(%dma_start3A_229 : memref<50x64xf32, #tpu.memory_space<hbm>>) target_semaphore(%arg12 : memref<!tpu.dma_semaphore, #tpu.memory_space<semaphore_mem>>)
    %add3A_233 = arith.constant 12 : i32
    %add3A_234 = arith.addi %select_n3A, %add3A_233 : i32
    %dma_start3A_235 = arith.constant 600 : i32
    %dma_start3A_236 = arith.constant 0 : i32
    %dma_start3A_237 = tpu.memref_slice %arg7[%dma_start3A_235, %dma_start3A_236] : memref<800x64xf32, #tpu.memory_space<vmem>> -> memref<50x64xf32, #tpu.memory_space<vmem>>
    %dma_start3A_238 = arith.constant 0 : i32
    %dma_start3A_239 = arith.constant 0 : i32
    %dma_start3A_240 = tpu.memref_slice %arg4[%add3A_234, %dma_start3A_238, %dma_start3A_239] : memref<16384x50x64xf32, #tpu.memory_space<hbm>> -> memref<1x50x64xf32, #tpu.memory_space<hbm>>
    %dma_start3A_241 = tpu.memref_squeeze %dma_start3A_240 : memref<1x50x64xf32, #tpu.memory_space<hbm>> -> memref<50x64xf32, #tpu.memory_space<hbm>>
    %dma_start3A_242 = arith.constant 0 : i32
    %dma_start3A_243 = arith.constant 0 : i32
    %dma_start3A_244 = tpu.memref_slice %arg4[%add3A_234, %dma_start3A_242, %dma_start3A_243] : memref<16384x50x64xf32, #tpu.memory_space<hbm>> -> memref<1x50x64xf32, #tpu.memory_space<hbm>>
    %dma_start3A_245 = tpu.memref_squeeze %dma_start3A_244 : memref<1x50x64xf32, #tpu.memory_space<hbm>> -> memref<50x64xf32, #tpu.memory_space<hbm>>
    %dma_start3A_246 = arith.constant 600 : i32
    %dma_start3A_247 = arith.constant 0 : i32
    %dma_start3A_248 = tpu.memref_slice %arg7[%dma_start3A_246, %dma_start3A_247] : memref<800x64xf32, #tpu.memory_space<vmem>> -> memref<50x64xf32, #tpu.memory_space<vmem>>
    tpu.enqueue_dma source(%dma_start3A_248 : memref<50x64xf32, #tpu.memory_space<vmem>>) target(%dma_start3A_245 : memref<50x64xf32, #tpu.memory_space<hbm>>) target_semaphore(%arg12 : memref<!tpu.dma_semaphore, #tpu.memory_space<semaphore_mem>>)
    %add3A_249 = arith.constant 13 : i32
    %add3A_250 = arith.addi %select_n3A, %add3A_249 : i32
    %dma_start3A_251 = arith.constant 650 : i32
    %dma_start3A_252 = arith.constant 0 : i32
    %dma_start3A_253 = tpu.memref_slice %arg7[%dma_start3A_251, %dma_start3A_252] : memref<800x64xf32, #tpu.memory_space<vmem>> -> memref<50x64xf32, #tpu.memory_space<vmem>>
    %dma_start3A_254 = arith.constant 0 : i32
    %dma_start3A_255 = arith.constant 0 : i32
    %dma_start3A_256 = tpu.memref_slice %arg4[%add3A_250, %dma_start3A_254, %dma_start3A_255] : memref<16384x50x64xf32, #tpu.memory_space<hbm>> -> memref<1x50x64xf32, #tpu.memory_space<hbm>>
    %dma_start3A_257 = tpu.memref_squeeze %dma_start3A_256 : memref<1x50x64xf32, #tpu.memory_space<hbm>> -> memref<50x64xf32, #tpu.memory_space<hbm>>
    %dma_start3A_258 = arith.constant 0 : i32
    %dma_start3A_259 = arith.constant 0 : i32
    %dma_start3A_260 = tpu.memref_slice %arg4[%add3A_250, %dma_start3A_258, %dma_start3A_259] : memref<16384x50x64xf32, #tpu.memory_space<hbm>> -> memref<1x50x64xf32, #tpu.memory_space<hbm>>
    %dma_start3A_261 = tpu.memref_squeeze %dma_start3A_260 : memref<1x50x64xf32, #tpu.memory_space<hbm>> -> memref<50x64xf32, #tpu.memory_space<hbm>>
    %dma_start3A_262 = arith.constant 650 : i32
    %dma_start3A_263 = arith.constant 0 : i32
    %dma_start3A_264 = tpu.memref_slice %arg7[%dma_start3A_262, %dma_start3A_263] : memref<800x64xf32, #tpu.memory_space<vmem>> -> memref<50x64xf32, #tpu.memory_space<vmem>>
    tpu.enqueue_dma source(%dma_start3A_264 : memref<50x64xf32, #tpu.memory_space<vmem>>) target(%dma_start3A_261 : memref<50x64xf32, #tpu.memory_space<hbm>>) target_semaphore(%arg12 : memref<!tpu.dma_semaphore, #tpu.memory_space<semaphore_mem>>)
    %add3A_265 = arith.constant 14 : i32
    %add3A_266 = arith.addi %select_n3A, %add3A_265 : i32
    %dma_start3A_267 = arith.constant 700 : i32
    %dma_start3A_268 = arith.constant 0 : i32
    %dma_start3A_269 = tpu.memref_slice %arg7[%dma_start3A_267, %dma_start3A_268] : memref<800x64xf32, #tpu.memory_space<vmem>> -> memref<50x64xf32, #tpu.memory_space<vmem>>
    %dma_start3A_270 = arith.constant 0 : i32
    %dma_start3A_271 = arith.constant 0 : i32
    %dma_start3A_272 = tpu.memref_slice %arg4[%add3A_266, %dma_start3A_270, %dma_start3A_271] : memref<16384x50x64xf32, #tpu.memory_space<hbm>> -> memref<1x50x64xf32, #tpu.memory_space<hbm>>
    %dma_start3A_273 = tpu.memref_squeeze %dma_start3A_272 : memref<1x50x64xf32, #tpu.memory_space<hbm>> -> memref<50x64xf32, #tpu.memory_space<hbm>>
    %dma_start3A_274 = arith.constant 0 : i32
    %dma_start3A_275 = arith.constant 0 : i32
    %dma_start3A_276 = tpu.memref_slice %arg4[%add3A_266, %dma_start3A_274, %dma_start3A_275] : memref<16384x50x64xf32, #tpu.memory_space<hbm>> -> memref<1x50x64xf32, #tpu.memory_space<hbm>>
    %dma_start3A_277 = tpu.memref_squeeze %dma_start3A_276 : memref<1x50x64xf32, #tpu.memory_space<hbm>> -> memref<50x64xf32, #tpu.memory_space<hbm>>
    %dma_start3A_278 = arith.constant 700 : i32
    %dma_start3A_279 = arith.constant 0 : i32
    %dma_start3A_280 = tpu.memref_slice %arg7[%dma_start3A_278, %dma_start3A_279] : memref<800x64xf32, #tpu.memory_space<vmem>> -> memref<50x64xf32, #tpu.memory_space<vmem>>
    tpu.enqueue_dma source(%dma_start3A_280 : memref<50x64xf32, #tpu.memory_space<vmem>>) target(%dma_start3A_277 : memref<50x64xf32, #tpu.memory_space<hbm>>) target_semaphore(%arg12 : memref<!tpu.dma_semaphore, #tpu.memory_space<semaphore_mem>>)
    %add3A_281 = arith.constant 15 : i32
    %add3A_282 = arith.addi %select_n3A, %add3A_281 : i32
    %dma_start3A_283 = arith.constant 750 : i32
    %dma_start3A_284 = arith.constant 0 : i32
    %dma_start3A_285 = tpu.memref_slice %arg7[%dma_start3A_283, %dma_start3A_284] : memref<800x64xf32, #tpu.memory_space<vmem>> -> memref<50x64xf32, #tpu.memory_space<vmem>>
    %dma_start3A_286 = arith.constant 0 : i32
    %dma_start3A_287 = arith.constant 0 : i32
    %dma_start3A_288 = tpu.memref_slice %arg4[%add3A_282, %dma_start3A_286, %dma_start3A_287] : memref<16384x50x64xf32, #tpu.memory_space<hbm>> -> memref<1x50x64xf32, #tpu.memory_space<hbm>>
    %dma_start3A_289 = tpu.memref_squeeze %dma_start3A_288 : memref<1x50x64xf32, #tpu.memory_space<hbm>> -> memref<50x64xf32, #tpu.memory_space<hbm>>
    %dma_start3A_290 = arith.constant 0 : i32
    %dma_start3A_291 = arith.constant 0 : i32
    %dma_start3A_292 = tpu.memref_slice %arg4[%add3A_282, %dma_start3A_290, %dma_start3A_291] : memref<16384x50x64xf32, #tpu.memory_space<hbm>> -> memref<1x50x64xf32, #tpu.memory_space<hbm>>
    %dma_start3A_293 = tpu.memref_squeeze %dma_start3A_292 : memref<1x50x64xf32, #tpu.memory_space<hbm>> -> memref<50x64xf32, #tpu.memory_space<hbm>>
    %dma_start3A_294 = arith.constant 750 : i32
    %dma_start3A_295 = arith.constant 0 : i32
    %dma_start3A_296 = tpu.memref_slice %arg7[%dma_start3A_294, %dma_start3A_295] : memref<800x64xf32, #tpu.memory_space<vmem>> -> memref<50x64xf32, #tpu.memory_space<vmem>>
    tpu.enqueue_dma source(%dma_start3A_296 : memref<50x64xf32, #tpu.memory_space<vmem>>) target(%dma_start3A_293 : memref<50x64xf32, #tpu.memory_space<hbm>>) target_semaphore(%arg12 : memref<!tpu.dma_semaphore, #tpu.memory_space<semaphore_mem>>)
    %dma_wait3A_297 = arith.constant 0 : i32
    %dma_wait3A_298 = tpu.memref_slice %arg2[%dma_wait3A_297] : memref<819200xi32, #tpu.memory_space<hbm>> -> memref<800xi32, #tpu.memory_space<hbm>>
    %dma_wait3A_299 = arith.constant 0 : i32
    %dma_wait3A_300 = tpu.memref_slice %arg2[%dma_wait3A_299] : memref<819200xi32, #tpu.memory_space<hbm>> -> memref<800xi32, #tpu.memory_space<hbm>>
    tpu.wait_dma2 semaphore(%arg10 : memref<!tpu.dma_semaphore, #tpu.memory_space<semaphore_mem>>) src(%dma_wait3A_300 : memref<800xi32, #tpu.memory_space<hbm>>) dst(%arg6 : memref<800xi32, #tpu.memory_space<vmem>>)
    %dma_start3A_301 = arith.constant 0 : i32
    %dma_start3A_302 = arith.constant 0 : i32
    %dma_start3A_303 = tpu.memref_slice %arg3[%dma_start3A_301, %dma_start3A_302] : memref<1000000x64xf32, #tpu.memory_space<hbm>> -> memref<1000000x64xf32, #tpu.memory_space<hbm>>
    tpu.enqueue_indirect_dma source(%dma_start3A_303 : memref<1000000x64xf32, #tpu.memory_space<hbm>>) target(%arg8 : memref<800x64xf32, #tpu.memory_space<vmem>>) offsets(%arg6 : memref<800xi32, #tpu.memory_space<vmem>>) semaphore(%arg11 : memref<!tpu.dma_semaphore, #tpu.memory_space<semaphore_mem>>)
    %dma_wait3A_304 = arith.constant 0 : i32
    %dma_wait3A_305 = arith.constant 0 : i32
    %dma_wait3A_306 = tpu.memref_slice %arg3[%dma_wait3A_304, %dma_wait3A_305] : memref<1000000x64xf32, #tpu.memory_space<hbm>> -> memref<1000000x64xf32, #tpu.memory_space<hbm>>
    tpu.wait_indirect_dma semaphore(%arg11 : memref<!tpu.dma_semaphore, #tpu.memory_space<semaphore_mem>>) src(%dma_wait3A_306 : memref<1000000x64xf32, #tpu.memory_space<hbm>>) dst(%arg8 : memref<800x64xf32, #tpu.memory_space<vmem>>)
    %add3A_307 = arith.constant 2400 : i32
    %add3A_308 = arith.addi %mul3A_2, %add3A_307 : i32
    %dma_start3A_309 = tpu.memref_slice %arg2[%add3A_308] : memref<819200xi32, #tpu.memory_space<hbm>> -> memref<800xi32, #tpu.memory_space<hbm>>
    %dma_start3A_310 = tpu.memref_slice %arg2[%add3A_308] : memref<819200xi32, #tpu.memory_space<hbm>> -> memref<800xi32, #tpu.memory_space<hbm>>
    tpu.enqueue_dma source(%dma_start3A_310 : memref<800xi32, #tpu.memory_space<hbm>>) target(%arg6 : memref<800xi32, #tpu.memory_space<vmem>>) target_semaphore(%arg10 : memref<!tpu.dma_semaphore, #tpu.memory_space<semaphore_mem>>)
    %add3A_311 = arith.constant 800 : i32
    %add3A_312 = arith.addi %mul3A_2, %add3A_311 : i32
    %jit3A_313 = arith.constant 50 : i32
    %div3A_314 = arith.divsi %add3A_312, %jit3A_313 : i32
    %sign3A_315 = arith.constant 0 : i32
    %sign3A_316 = arith.cmpi sgt, %add3A_312, %sign3A_315 : i32
    %sign3A_317 = arith.extui %sign3A_316 : i1 to i32
    %sign3A_318 = arith.constant 0 : i32
    %sign3A_319 = arith.cmpi slt, %add3A_312, %sign3A_318 : i32
    %sign3A_320 = arith.extui %sign3A_319 : i1 to i32
    %sign3A_321 = arith.subi %sign3A_317, %sign3A_320 : i32
    %sign3A_322 = arith.constant 0 : i32
    %sign3A_323 = arith.cmpi sgt, %jit3A_313, %sign3A_322 : i32
    %sign3A_324 = arith.extui %sign3A_323 : i1 to i32
    %sign3A_325 = arith.constant 0 : i32
    %sign3A_326 = arith.cmpi slt, %jit3A_313, %sign3A_325 : i32
    %sign3A_327 = arith.extui %sign3A_326 : i1 to i32
    %sign3A_328 = arith.subi %sign3A_324, %sign3A_327 : i32
    %ne3A_329 = arith.cmpi ne, %sign3A_321, %sign3A_328 : i32
    %rem3A_330 = arith.remsi %add3A_312, %jit3A_313 : i32
    %ne3A_331 = arith.constant 0 : i32
    %ne3A_332 = arith.cmpi ne, %rem3A_330, %ne3A_331 : i32
    %and3A_333 = arith.andi %ne3A_329, %ne3A_332 : i1
    %sub3A_334 = arith.constant 1 : i32
    %sub3A_335 = arith.subi %div3A_314, %sub3A_334 : i32
    %select_n3A_336 = arith.select %and3A_333, %sub3A_335, %div3A_314 : i32
    %add3A_337 = arith.constant 0 : i32
    %add3A_338 = arith.addi %select_n3A_336, %add3A_337 : i32
    %dma_start3A_339 = arith.constant 0 : i32
    %dma_start3A_340 = arith.constant 0 : i32
    %dma_start3A_341 = tpu.memref_slice %arg8[%dma_start3A_339, %dma_start3A_340] : memref<800x64xf32, #tpu.memory_space<vmem>> -> memref<50x64xf32, #tpu.memory_space<vmem>>
    %dma_start3A_342 = arith.constant 0 : i32
    %dma_start3A_343 = arith.constant 0 : i32
    %dma_start3A_344 = tpu.memref_slice %arg4[%add3A_338, %dma_start3A_342, %dma_start3A_343] : memref<16384x50x64xf32, #tpu.memory_space<hbm>> -> memref<1x50x64xf32, #tpu.memory_space<hbm>>
    %dma_start3A_345 = tpu.memref_squeeze %dma_start3A_344 : memref<1x50x64xf32, #tpu.memory_space<hbm>> -> memref<50x64xf32, #tpu.memory_space<hbm>>
    %dma_start3A_346 = arith.constant 0 : i32
    %dma_start3A_347 = arith.constant 0 : i32
    %dma_start3A_348 = tpu.memref_slice %arg4[%add3A_338, %dma_start3A_346, %dma_start3A_347] : memref<16384x50x64xf32, #tpu.memory_space<hbm>> -> memref<1x50x64xf32, #tpu.memory_space<hbm>>
    %dma_start3A_349 = tpu.memref_squeeze %dma_start3A_348 : memref<1x50x64xf32, #tpu.memory_space<hbm>> -> memref<50x64xf32, #tpu.memory_space<hbm>>
    %dma_start3A_350 = arith.constant 0 : i32
    %dma_start3A_351 = arith.constant 0 : i32
    %dma_start3A_352 = tpu.memref_slice %arg8[%dma_start3A_350, %dma_start3A_351] : memref<800x64xf32, #tpu.memory_space<vmem>> -> memref<50x64xf32, #tpu.memory_space<vmem>>
    tpu.enqueue_dma source(%dma_start3A_352 : memref<50x64xf32, #tpu.memory_space<vmem>>) target(%dma_start3A_349 : memref<50x64xf32, #tpu.memory_space<hbm>>) target_semaphore(%arg13 : memref<!tpu.dma_semaphore, #tpu.memory_space<semaphore_mem>>)
    %add3A_353 = arith.constant 1 : i32
    %add3A_354 = arith.addi %select_n3A_336, %add3A_353 : i32
    %dma_start3A_355 = arith.constant 50 : i32
    %dma_start3A_356 = arith.constant 0 : i32
    %dma_start3A_357 = tpu.memref_slice %arg8[%dma_start3A_355, %dma_start3A_356] : memref<800x64xf32, #tpu.memory_space<vmem>> -> memref<50x64xf32, #tpu.memory_space<vmem>>
    %dma_start3A_358 = arith.constant 0 : i32
    %dma_start3A_359 = arith.constant 0 : i32
    %dma_start3A_360 = tpu.memref_slice %arg4[%add3A_354, %dma_start3A_358, %dma_start3A_359] : memref<16384x50x64xf32, #tpu.memory_space<hbm>> -> memref<1x50x64xf32, #tpu.memory_space<hbm>>
    %dma_start3A_361 = tpu.memref_squeeze %dma_start3A_360 : memref<1x50x64xf32, #tpu.memory_space<hbm>> -> memref<50x64xf32, #tpu.memory_space<hbm>>
    %dma_start3A_362 = arith.constant 0 : i32
    %dma_start3A_363 = arith.constant 0 : i32
    %dma_start3A_364 = tpu.memref_slice %arg4[%add3A_354, %dma_start3A_362, %dma_start3A_363] : memref<16384x50x64xf32, #tpu.memory_space<hbm>> -> memref<1x50x64xf32, #tpu.memory_space<hbm>>
    %dma_start3A_365 = tpu.memref_squeeze %dma_start3A_364 : memref<1x50x64xf32, #tpu.memory_space<hbm>> -> memref<50x64xf32, #tpu.memory_space<hbm>>
    %dma_start3A_366 = arith.constant 50 : i32
    %dma_start3A_367 = arith.constant 0 : i32
    %dma_start3A_368 = tpu.memref_slice %arg8[%dma_start3A_366, %dma_start3A_367] : memref<800x64xf32, #tpu.memory_space<vmem>> -> memref<50x64xf32, #tpu.memory_space<vmem>>
    tpu.enqueue_dma source(%dma_start3A_368 : memref<50x64xf32, #tpu.memory_space<vmem>>) target(%dma_start3A_365 : memref<50x64xf32, #tpu.memory_space<hbm>>) target_semaphore(%arg13 : memref<!tpu.dma_semaphore, #tpu.memory_space<semaphore_mem>>)
    %add3A_369 = arith.constant 2 : i32
    %add3A_370 = arith.addi %select_n3A_336, %add3A_369 : i32
    %dma_start3A_371 = arith.constant 100 : i32
    %dma_start3A_372 = arith.constant 0 : i32
    %dma_start3A_373 = tpu.memref_slice %arg8[%dma_start3A_371, %dma_start3A_372] : memref<800x64xf32, #tpu.memory_space<vmem>> -> memref<50x64xf32, #tpu.memory_space<vmem>>
    %dma_start3A_374 = arith.constant 0 : i32
    %dma_start3A_375 = arith.constant 0 : i32
    %dma_start3A_376 = tpu.memref_slice %arg4[%add3A_370, %dma_start3A_374, %dma_start3A_375] : memref<16384x50x64xf32, #tpu.memory_space<hbm>> -> memref<1x50x64xf32, #tpu.memory_space<hbm>>
    %dma_start3A_377 = tpu.memref_squeeze %dma_start3A_376 : memref<1x50x64xf32, #tpu.memory_space<hbm>> -> memref<50x64xf32, #tpu.memory_space<hbm>>
    %dma_start3A_378 = arith.constant 0 : i32
    %dma_start3A_379 = arith.constant 0 : i32
    %dma_start3A_380 = tpu.memref_slice %arg4[%add3A_370, %dma_start3A_378, %dma_start3A_379] : memref<16384x50x64xf32, #tpu.memory_space<hbm>> -> memref<1x50x64xf32, #tpu.memory_space<hbm>>
    %dma_start3A_381 = tpu.memref_squeeze %dma_start3A_380 : memref<1x50x64xf32, #tpu.memory_space<hbm>> -> memref<50x64xf32, #tpu.memory_space<hbm>>
    %dma_start3A_382 = arith.constant 100 : i32
    %dma_start3A_383 = arith.constant 0 : i32
    %dma_start3A_384 = tpu.memref_slice %arg8[%dma_start3A_382, %dma_start3A_383] : memref<800x64xf32, #tpu.memory_space<vmem>> -> memref<50x64xf32, #tpu.memory_space<vmem>>
    tpu.enqueue_dma source(%dma_start3A_384 : memref<50x64xf32, #tpu.memory_space<vmem>>) target(%dma_start3A_381 : memref<50x64xf32, #tpu.memory_space<hbm>>) target_semaphore(%arg13 : memref<!tpu.dma_semaphore, #tpu.memory_space<semaphore_mem>>)
    %add3A_385 = arith.constant 3 : i32
    %add3A_386 = arith.addi %select_n3A_336, %add3A_385 : i32
    %dma_start3A_387 = arith.constant 150 : i32
    %dma_start3A_388 = arith.constant 0 : i32
    %dma_start3A_389 = tpu.memref_slice %arg8[%dma_start3A_387, %dma_start3A_388] : memref<800x64xf32, #tpu.memory_space<vmem>> -> memref<50x64xf32, #tpu.memory_space<vmem>>
    %dma_start3A_390 = arith.constant 0 : i32
    %dma_start3A_391 = arith.constant 0 : i32
    %dma_start3A_392 = tpu.memref_slice %arg4[%add3A_386, %dma_start3A_390, %dma_start3A_391] : memref<16384x50x64xf32, #tpu.memory_space<hbm>> -> memref<1x50x64xf32, #tpu.memory_space<hbm>>
    %dma_start3A_393 = tpu.memref_squeeze %dma_start3A_392 : memref<1x50x64xf32, #tpu.memory_space<hbm>> -> memref<50x64xf32, #tpu.memory_space<hbm>>
    %dma_start3A_394 = arith.constant 0 : i32
    %dma_start3A_395 = arith.constant 0 : i32
    %dma_start3A_396 = tpu.memref_slice %arg4[%add3A_386, %dma_start3A_394, %dma_start3A_395] : memref<16384x50x64xf32, #tpu.memory_space<hbm>> -> memref<1x50x64xf32, #tpu.memory_space<hbm>>
    %dma_start3A_397 = tpu.memref_squeeze %dma_start3A_396 : memref<1x50x64xf32, #tpu.memory_space<hbm>> -> memref<50x64xf32, #tpu.memory_space<hbm>>
    %dma_start3A_398 = arith.constant 150 : i32
    %dma_start3A_399 = arith.constant 0 : i32
    %dma_start3A_400 = tpu.memref_slice %arg8[%dma_start3A_398, %dma_start3A_399] : memref<800x64xf32, #tpu.memory_space<vmem>> -> memref<50x64xf32, #tpu.memory_space<vmem>>
    tpu.enqueue_dma source(%dma_start3A_400 : memref<50x64xf32, #tpu.memory_space<vmem>>) target(%dma_start3A_397 : memref<50x64xf32, #tpu.memory_space<hbm>>) target_semaphore(%arg13 : memref<!tpu.dma_semaphore, #tpu.memory_space<semaphore_mem>>)
    %add3A_401 = arith.constant 4 : i32
    %add3A_402 = arith.addi %select_n3A_336, %add3A_401 : i32
    %dma_start3A_403 = arith.constant 200 : i32
    %dma_start3A_404 = arith.constant 0 : i32
    %dma_start3A_405 = tpu.memref_slice %arg8[%dma_start3A_403, %dma_start3A_404] : memref<800x64xf32, #tpu.memory_space<vmem>> -> memref<50x64xf32, #tpu.memory_space<vmem>>
    %dma_start3A_406 = arith.constant 0 : i32
    %dma_start3A_407 = arith.constant 0 : i32
    %dma_start3A_408 = tpu.memref_slice %arg4[%add3A_402, %dma_start3A_406, %dma_start3A_407] : memref<16384x50x64xf32, #tpu.memory_space<hbm>> -> memref<1x50x64xf32, #tpu.memory_space<hbm>>
    %dma_start3A_409 = tpu.memref_squeeze %dma_start3A_408 : memref<1x50x64xf32, #tpu.memory_space<hbm>> -> memref<50x64xf32, #tpu.memory_space<hbm>>
    %dma_start3A_410 = arith.constant 0 : i32
    %dma_start3A_411 = arith.constant 0 : i32
    %dma_start3A_412 = tpu.memref_slice %arg4[%add3A_402, %dma_start3A_410, %dma_start3A_411] : memref<16384x50x64xf32, #tpu.memory_space<hbm>> -> memref<1x50x64xf32, #tpu.memory_space<hbm>>
    %dma_start3A_413 = tpu.memref_squeeze %dma_start3A_412 : memref<1x50x64xf32, #tpu.memory_space<hbm>> -> memref<50x64xf32, #tpu.memory_space<hbm>>
    %dma_start3A_414 = arith.constant 200 : i32
    %dma_start3A_415 = arith.constant 0 : i32
    %dma_start3A_416 = tpu.memref_slice %arg8[%dma_start3A_414, %dma_start3A_415] : memref<800x64xf32, #tpu.memory_space<vmem>> -> memref<50x64xf32, #tpu.memory_space<vmem>>
    tpu.enqueue_dma source(%dma_start3A_416 : memref<50x64xf32, #tpu.memory_space<vmem>>) target(%dma_start3A_413 : memref<50x64xf32, #tpu.memory_space<hbm>>) target_semaphore(%arg13 : memref<!tpu.dma_semaphore, #tpu.memory_space<semaphore_mem>>)
    %add3A_417 = arith.constant 5 : i32
    %add3A_418 = arith.addi %select_n3A_336, %add3A_417 : i32
    %dma_start3A_419 = arith.constant 250 : i32
    %dma_start3A_420 = arith.constant 0 : i32
    %dma_start3A_421 = tpu.memref_slice %arg8[%dma_start3A_419, %dma_start3A_420] : memref<800x64xf32, #tpu.memory_space<vmem>> -> memref<50x64xf32, #tpu.memory_space<vmem>>
    %dma_start3A_422 = arith.constant 0 : i32
    %dma_start3A_423 = arith.constant 0 : i32
    %dma_start3A_424 = tpu.memref_slice %arg4[%add3A_418, %dma_start3A_422, %dma_start3A_423] : memref<16384x50x64xf32, #tpu.memory_space<hbm>> -> memref<1x50x64xf32, #tpu.memory_space<hbm>>
    %dma_start3A_425 = tpu.memref_squeeze %dma_start3A_424 : memref<1x50x64xf32, #tpu.memory_space<hbm>> -> memref<50x64xf32, #tpu.memory_space<hbm>>
    %dma_start3A_426 = arith.constant 0 : i32
    %dma_start3A_427 = arith.constant 0 : i32
    %dma_start3A_428 = tpu.memref_slice %arg4[%add3A_418, %dma_start3A_426, %dma_start3A_427] : memref<16384x50x64xf32, #tpu.memory_space<hbm>> -> memref<1x50x64xf32, #tpu.memory_space<hbm>>
    %dma_start3A_429 = tpu.memref_squeeze %dma_start3A_428 : memref<1x50x64xf32, #tpu.memory_space<hbm>> -> memref<50x64xf32, #tpu.memory_space<hbm>>
    %dma_start3A_430 = arith.constant 250 : i32
    %dma_start3A_431 = arith.constant 0 : i32
    %dma_start3A_432 = tpu.memref_slice %arg8[%dma_start3A_430, %dma_start3A_431] : memref<800x64xf32, #tpu.memory_space<vmem>> -> memref<50x64xf32, #tpu.memory_space<vmem>>
    tpu.enqueue_dma source(%dma_start3A_432 : memref<50x64xf32, #tpu.memory_space<vmem>>) target(%dma_start3A_429 : memref<50x64xf32, #tpu.memory_space<hbm>>) target_semaphore(%arg13 : memref<!tpu.dma_semaphore, #tpu.memory_space<semaphore_mem>>)
    %add3A_433 = arith.constant 6 : i32
    %add3A_434 = arith.addi %select_n3A_336, %add3A_433 : i32
    %dma_start3A_435 = arith.constant 300 : i32
    %dma_start3A_436 = arith.constant 0 : i32
    %dma_start3A_437 = tpu.memref_slice %arg8[%dma_start3A_435, %dma_start3A_436] : memref<800x64xf32, #tpu.memory_space<vmem>> -> memref<50x64xf32, #tpu.memory_space<vmem>>
    %dma_start3A_438 = arith.constant 0 : i32
    %dma_start3A_439 = arith.constant 0 : i32
    %dma_start3A_440 = tpu.memref_slice %arg4[%add3A_434, %dma_start3A_438, %dma_start3A_439] : memref<16384x50x64xf32, #tpu.memory_space<hbm>> -> memref<1x50x64xf32, #tpu.memory_space<hbm>>
    %dma_start3A_441 = tpu.memref_squeeze %dma_start3A_440 : memref<1x50x64xf32, #tpu.memory_space<hbm>> -> memref<50x64xf32, #tpu.memory_space<hbm>>
    %dma_start3A_442 = arith.constant 0 : i32
    %dma_start3A_443 = arith.constant 0 : i32
    %dma_start3A_444 = tpu.memref_slice %arg4[%add3A_434, %dma_start3A_442, %dma_start3A_443] : memref<16384x50x64xf32, #tpu.memory_space<hbm>> -> memref<1x50x64xf32, #tpu.memory_space<hbm>>
    %dma_start3A_445 = tpu.memref_squeeze %dma_start3A_444 : memref<1x50x64xf32, #tpu.memory_space<hbm>> -> memref<50x64xf32, #tpu.memory_space<hbm>>
    %dma_start3A_446 = arith.constant 300 : i32
    %dma_start3A_447 = arith.constant 0 : i32
    %dma_start3A_448 = tpu.memref_slice %arg8[%dma_start3A_446, %dma_start3A_447] : memref<800x64xf32, #tpu.memory_space<vmem>> -> memref<50x64xf32, #tpu.memory_space<vmem>>
    tpu.enqueue_dma source(%dma_start3A_448 : memref<50x64xf32, #tpu.memory_space<vmem>>) target(%dma_start3A_445 : memref<50x64xf32, #tpu.memory_space<hbm>>) target_semaphore(%arg13 : memref<!tpu.dma_semaphore, #tpu.memory_space<semaphore_mem>>)
    %add3A_449 = arith.constant 7 : i32
    %add3A_450 = arith.addi %select_n3A_336, %add3A_449 : i32
    %dma_start3A_451 = arith.constant 350 : i32
    %dma_start3A_452 = arith.constant 0 : i32
    %dma_start3A_453 = tpu.memref_slice %arg8[%dma_start3A_451, %dma_start3A_452] : memref<800x64xf32, #tpu.memory_space<vmem>> -> memref<50x64xf32, #tpu.memory_space<vmem>>
    %dma_start3A_454 = arith.constant 0 : i32
    %dma_start3A_455 = arith.constant 0 : i32
    %dma_start3A_456 = tpu.memref_slice %arg4[%add3A_450, %dma_start3A_454, %dma_start3A_455] : memref<16384x50x64xf32, #tpu.memory_space<hbm>> -> memref<1x50x64xf32, #tpu.memory_space<hbm>>
    %dma_start3A_457 = tpu.memref_squeeze %dma_start3A_456 : memref<1x50x64xf32, #tpu.memory_space<hbm>> -> memref<50x64xf32, #tpu.memory_space<hbm>>
    %dma_start3A_458 = arith.constant 0 : i32
    %dma_start3A_459 = arith.constant 0 : i32
    %dma_start3A_460 = tpu.memref_slice %arg4[%add3A_450, %dma_start3A_458, %dma_start3A_459] : memref<16384x50x64xf32, #tpu.memory_space<hbm>> -> memref<1x50x64xf32, #tpu.memory_space<hbm>>
    %dma_start3A_461 = tpu.memref_squeeze %dma_start3A_460 : memref<1x50x64xf32, #tpu.memory_space<hbm>> -> memref<50x64xf32, #tpu.memory_space<hbm>>
    %dma_start3A_462 = arith.constant 350 : i32
    %dma_start3A_463 = arith.constant 0 : i32
    %dma_start3A_464 = tpu.memref_slice %arg8[%dma_start3A_462, %dma_start3A_463] : memref<800x64xf32, #tpu.memory_space<vmem>> -> memref<50x64xf32, #tpu.memory_space<vmem>>
    tpu.enqueue_dma source(%dma_start3A_464 : memref<50x64xf32, #tpu.memory_space<vmem>>) target(%dma_start3A_461 : memref<50x64xf32, #tpu.memory_space<hbm>>) target_semaphore(%arg13 : memref<!tpu.dma_semaphore, #tpu.memory_space<semaphore_mem>>)
    %add3A_465 = arith.constant 8 : i32
    %add3A_466 = arith.addi %select_n3A_336, %add3A_465 : i32
    %dma_start3A_467 = arith.constant 400 : i32
    %dma_start3A_468 = arith.constant 0 : i32
    %dma_start3A_469 = tpu.memref_slice %arg8[%dma_start3A_467, %dma_start3A_468] : memref<800x64xf32, #tpu.memory_space<vmem>> -> memref<50x64xf32, #tpu.memory_space<vmem>>
    %dma_start3A_470 = arith.constant 0 : i32
    %dma_start3A_471 = arith.constant 0 : i32
    %dma_start3A_472 = tpu.memref_slice %arg4[%add3A_466, %dma_start3A_470, %dma_start3A_471] : memref<16384x50x64xf32, #tpu.memory_space<hbm>> -> memref<1x50x64xf32, #tpu.memory_space<hbm>>
    %dma_start3A_473 = tpu.memref_squeeze %dma_start3A_472 : memref<1x50x64xf32, #tpu.memory_space<hbm>> -> memref<50x64xf32, #tpu.memory_space<hbm>>
    %dma_start3A_474 = arith.constant 0 : i32
    %dma_start3A_475 = arith.constant 0 : i32
    %dma_start3A_476 = tpu.memref_slice %arg4[%add3A_466, %dma_start3A_474, %dma_start3A_475] : memref<16384x50x64xf32, #tpu.memory_space<hbm>> -> memref<1x50x64xf32, #tpu.memory_space<hbm>>
    %dma_start3A_477 = tpu.memref_squeeze %dma_start3A_476 : memref<1x50x64xf32, #tpu.memory_space<hbm>> -> memref<50x64xf32, #tpu.memory_space<hbm>>
    %dma_start3A_478 = arith.constant 400 : i32
    %dma_start3A_479 = arith.constant 0 : i32
    %dma_start3A_480 = tpu.memref_slice %arg8[%dma_start3A_478, %dma_start3A_479] : memref<800x64xf32, #tpu.memory_space<vmem>> -> memref<50x64xf32, #tpu.memory_space<vmem>>
    tpu.enqueue_dma source(%dma_start3A_480 : memref<50x64xf32, #tpu.memory_space<vmem>>) target(%dma_start3A_477 : memref<50x64xf32, #tpu.memory_space<hbm>>) target_semaphore(%arg13 : memref<!tpu.dma_semaphore, #tpu.memory_space<semaphore_mem>>)
    %add3A_481 = arith.constant 9 : i32
    %add3A_482 = arith.addi %select_n3A_336, %add3A_481 : i32
    %dma_start3A_483 = arith.constant 450 : i32
    %dma_start3A_484 = arith.constant 0 : i32
    %dma_start3A_485 = tpu.memref_slice %arg8[%dma_start3A_483, %dma_start3A_484] : memref<800x64xf32, #tpu.memory_space<vmem>> -> memref<50x64xf32, #tpu.memory_space<vmem>>
    %dma_start3A_486 = arith.constant 0 : i32
    %dma_start3A_487 = arith.constant 0 : i32
    %dma_start3A_488 = tpu.memref_slice %arg4[%add3A_482, %dma_start3A_486, %dma_start3A_487] : memref<16384x50x64xf32, #tpu.memory_space<hbm>> -> memref<1x50x64xf32, #tpu.memory_space<hbm>>
    %dma_start3A_489 = tpu.memref_squeeze %dma_start3A_488 : memref<1x50x64xf32, #tpu.memory_space<hbm>> -> memref<50x64xf32, #tpu.memory_space<hbm>>
    %dma_start3A_490 = arith.constant 0 : i32
    %dma_start3A_491 = arith.constant 0 : i32
    %dma_start3A_492 = tpu.memref_slice %arg4[%add3A_482, %dma_start3A_490, %dma_start3A_491] : memref<16384x50x64xf32, #tpu.memory_space<hbm>> -> memref<1x50x64xf32, #tpu.memory_space<hbm>>
    %dma_start3A_493 = tpu.memref_squeeze %dma_start3A_492 : memref<1x50x64xf32, #tpu.memory_space<hbm>> -> memref<50x64xf32, #tpu.memory_space<hbm>>
    %dma_start3A_494 = arith.constant 450 : i32
    %dma_start3A_495 = arith.constant 0 : i32
    %dma_start3A_496 = tpu.memref_slice %arg8[%dma_start3A_494, %dma_start3A_495] : memref<800x64xf32, #tpu.memory_space<vmem>> -> memref<50x64xf32, #tpu.memory_space<vmem>>
    tpu.enqueue_dma source(%dma_start3A_496 : memref<50x64xf32, #tpu.memory_space<vmem>>) target(%dma_start3A_493 : memref<50x64xf32, #tpu.memory_space<hbm>>) target_semaphore(%arg13 : memref<!tpu.dma_semaphore, #tpu.memory_space<semaphore_mem>>)
    %add3A_497 = arith.constant 10 : i32
    %add3A_498 = arith.addi %select_n3A_336, %add3A_497 : i32
    %dma_start3A_499 = arith.constant 500 : i32
    %dma_start3A_500 = arith.constant 0 : i32
    %dma_start3A_501 = tpu.memref_slice %arg8[%dma_start3A_499, %dma_start3A_500] : memref<800x64xf32, #tpu.memory_space<vmem>> -> memref<50x64xf32, #tpu.memory_space<vmem>>
    %dma_start3A_502 = arith.constant 0 : i32
    %dma_start3A_503 = arith.constant 0 : i32
    %dma_start3A_504 = tpu.memref_slice %arg4[%add3A_498, %dma_start3A_502, %dma_start3A_503] : memref<16384x50x64xf32, #tpu.memory_space<hbm>> -> memref<1x50x64xf32, #tpu.memory_space<hbm>>
    %dma_start3A_505 = tpu.memref_squeeze %dma_start3A_504 : memref<1x50x64xf32, #tpu.memory_space<hbm>> -> memref<50x64xf32, #tpu.memory_space<hbm>>
    %dma_start3A_506 = arith.constant 0 : i32
    %dma_start3A_507 = arith.constant 0 : i32
    %dma_start3A_508 = tpu.memref_slice %arg4[%add3A_498, %dma_start3A_506, %dma_start3A_507] : memref<16384x50x64xf32, #tpu.memory_space<hbm>> -> memref<1x50x64xf32, #tpu.memory_space<hbm>>
    %dma_start3A_509 = tpu.memref_squeeze %dma_start3A_508 : memref<1x50x64xf32, #tpu.memory_space<hbm>> -> memref<50x64xf32, #tpu.memory_space<hbm>>
    %dma_start3A_510 = arith.constant 500 : i32
    %dma_start3A_511 = arith.constant 0 : i32
    %dma_start3A_512 = tpu.memref_slice %arg8[%dma_start3A_510, %dma_start3A_511] : memref<800x64xf32, #tpu.memory_space<vmem>> -> memref<50x64xf32, #tpu.memory_space<vmem>>
    tpu.enqueue_dma source(%dma_start3A_512 : memref<50x64xf32, #tpu.memory_space<vmem>>) target(%dma_start3A_509 : memref<50x64xf32, #tpu.memory_space<hbm>>) target_semaphore(%arg13 : memref<!tpu.dma_semaphore, #tpu.memory_space<semaphore_mem>>)
    %add3A_513 = arith.constant 11 : i32
    %add3A_514 = arith.addi %select_n3A_336, %add3A_513 : i32
    %dma_start3A_515 = arith.constant 550 : i32
    %dma_start3A_516 = arith.constant 0 : i32
    %dma_start3A_517 = tpu.memref_slice %arg8[%dma_start3A_515, %dma_start3A_516] : memref<800x64xf32, #tpu.memory_space<vmem>> -> memref<50x64xf32, #tpu.memory_space<vmem>>
    %dma_start3A_518 = arith.constant 0 : i32
    %dma_start3A_519 = arith.constant 0 : i32
    %dma_start3A_520 = tpu.memref_slice %arg4[%add3A_514, %dma_start3A_518, %dma_start3A_519] : memref<16384x50x64xf32, #tpu.memory_space<hbm>> -> memref<1x50x64xf32, #tpu.memory_space<hbm>>
    %dma_start3A_521 = tpu.memref_squeeze %dma_start3A_520 : memref<1x50x64xf32, #tpu.memory_space<hbm>> -> memref<50x64xf32, #tpu.memory_space<hbm>>
    %dma_start3A_522 = arith.constant 0 : i32
    %dma_start3A_523 = arith.constant 0 : i32
    %dma_start3A_524 = tpu.memref_slice %arg4[%add3A_514, %dma_start3A_522, %dma_start3A_523] : memref<16384x50x64xf32, #tpu.memory_space<hbm>> -> memref<1x50x64xf32, #tpu.memory_space<hbm>>
    %dma_start3A_525 = tpu.memref_squeeze %dma_start3A_524 : memref<1x50x64xf32, #tpu.memory_space<hbm>> -> memref<50x64xf32, #tpu.memory_space<hbm>>
    %dma_start3A_526 = arith.constant 550 : i32
    %dma_start3A_527 = arith.constant 0 : i32
    %dma_start3A_528 = tpu.memref_slice %arg8[%dma_start3A_526, %dma_start3A_527] : memref<800x64xf32, #tpu.memory_space<vmem>> -> memref<50x64xf32, #tpu.memory_space<vmem>>
    tpu.enqueue_dma source(%dma_start3A_528 : memref<50x64xf32, #tpu.memory_space<vmem>>) target(%dma_start3A_525 : memref<50x64xf32, #tpu.memory_space<hbm>>) target_semaphore(%arg13 : memref<!tpu.dma_semaphore, #tpu.memory_space<semaphore_mem>>)
    %add3A_529 = arith.constant 12 : i32
    %add3A_530 = arith.addi %select_n3A_336, %add3A_529 : i32
    %dma_start3A_531 = arith.constant 600 : i32
    %dma_start3A_532 = arith.constant 0 : i32
    %dma_start3A_533 = tpu.memref_slice %arg8[%dma_start3A_531, %dma_start3A_532] : memref<800x64xf32, #tpu.memory_space<vmem>> -> memref<50x64xf32, #tpu.memory_space<vmem>>
    %dma_start3A_534 = arith.constant 0 : i32
    %dma_start3A_535 = arith.constant 0 : i32
    %dma_start3A_536 = tpu.memref_slice %arg4[%add3A_530, %dma_start3A_534, %dma_start3A_535] : memref<16384x50x64xf32, #tpu.memory_space<hbm>> -> memref<1x50x64xf32, #tpu.memory_space<hbm>>
    %dma_start3A_537 = tpu.memref_squeeze %dma_start3A_536 : memref<1x50x64xf32, #tpu.memory_space<hbm>> -> memref<50x64xf32, #tpu.memory_space<hbm>>
    %dma_start3A_538 = arith.constant 0 : i32
    %dma_start3A_539 = arith.constant 0 : i32
    %dma_start3A_540 = tpu.memref_slice %arg4[%add3A_530, %dma_start3A_538, %dma_start3A_539] : memref<16384x50x64xf32, #tpu.memory_space<hbm>> -> memref<1x50x64xf32, #tpu.memory_space<hbm>>
    %dma_start3A_541 = tpu.memref_squeeze %dma_start3A_540 : memref<1x50x64xf32, #tpu.memory_space<hbm>> -> memref<50x64xf32, #tpu.memory_space<hbm>>
    %dma_start3A_542 = arith.constant 600 : i32
    %dma_start3A_543 = arith.constant 0 : i32
    %dma_start3A_544 = tpu.memref_slice %arg8[%dma_start3A_542, %dma_start3A_543] : memref<800x64xf32, #tpu.memory_space<vmem>> -> memref<50x64xf32, #tpu.memory_space<vmem>>
    tpu.enqueue_dma source(%dma_start3A_544 : memref<50x64xf32, #tpu.memory_space<vmem>>) target(%dma_start3A_541 : memref<50x64xf32, #tpu.memory_space<hbm>>) target_semaphore(%arg13 : memref<!tpu.dma_semaphore, #tpu.memory_space<semaphore_mem>>)
    %add3A_545 = arith.constant 13 : i32
    %add3A_546 = arith.addi %select_n3A_336, %add3A_545 : i32
    %dma_start3A_547 = arith.constant 650 : i32
    %dma_start3A_548 = arith.constant 0 : i32
    %dma_start3A_549 = tpu.memref_slice %arg8[%dma_start3A_547, %dma_start3A_548] : memref<800x64xf32, #tpu.memory_space<vmem>> -> memref<50x64xf32, #tpu.memory_space<vmem>>
    %dma_start3A_550 = arith.constant 0 : i32
    %dma_start3A_551 = arith.constant 0 : i32
    %dma_start3A_552 = tpu.memref_slice %arg4[%add3A_546, %dma_start3A_550, %dma_start3A_551] : memref<16384x50x64xf32, #tpu.memory_space<hbm>> -> memref<1x50x64xf32, #tpu.memory_space<hbm>>
    %dma_start3A_553 = tpu.memref_squeeze %dma_start3A_552 : memref<1x50x64xf32, #tpu.memory_space<hbm>> -> memref<50x64xf32, #tpu.memory_space<hbm>>
    %dma_start3A_554 = arith.constant 0 : i32
    %dma_start3A_555 = arith.constant 0 : i32
    %dma_start3A_556 = tpu.memref_slice %arg4[%add3A_546, %dma_start3A_554, %dma_start3A_555] : memref<16384x50x64xf32, #tpu.memory_space<hbm>> -> memref<1x50x64xf32, #tpu.memory_space<hbm>>
    %dma_start3A_557 = tpu.memref_squeeze %dma_start3A_556 : memref<1x50x64xf32, #tpu.memory_space<hbm>> -> memref<50x64xf32, #tpu.memory_space<hbm>>
    %dma_start3A_558 = arith.constant 650 : i32
    %dma_start3A_559 = arith.constant 0 : i32
    %dma_start3A_560 = tpu.memref_slice %arg8[%dma_start3A_558, %dma_start3A_559] : memref<800x64xf32, #tpu.memory_space<vmem>> -> memref<50x64xf32, #tpu.memory_space<vmem>>
    tpu.enqueue_dma source(%dma_start3A_560 : memref<50x64xf32, #tpu.memory_space<vmem>>) target(%dma_start3A_557 : memref<50x64xf32, #tpu.memory_space<hbm>>) target_semaphore(%arg13 : memref<!tpu.dma_semaphore, #tpu.memory_space<semaphore_mem>>)
    %add3A_561 = arith.constant 14 : i32
    %add3A_562 = arith.addi %select_n3A_336, %add3A_561 : i32
    %dma_start3A_563 = arith.constant 700 : i32
    %dma_start3A_564 = arith.constant 0 : i32
    %dma_start3A_565 = tpu.memref_slice %arg8[%dma_start3A_563, %dma_start3A_564] : memref<800x64xf32, #tpu.memory_space<vmem>> -> memref<50x64xf32, #tpu.memory_space<vmem>>
    %dma_start3A_566 = arith.constant 0 : i32
    %dma_start3A_567 = arith.constant 0 : i32
    %dma_start3A_568 = tpu.memref_slice %arg4[%add3A_562, %dma_start3A_566, %dma_start3A_567] : memref<16384x50x64xf32, #tpu.memory_space<hbm>> -> memref<1x50x64xf32, #tpu.memory_space<hbm>>
    %dma_start3A_569 = tpu.memref_squeeze %dma_start3A_568 : memref<1x50x64xf32, #tpu.memory_space<hbm>> -> memref<50x64xf32, #tpu.memory_space<hbm>>
    %dma_start3A_570 = arith.constant 0 : i32
    %dma_start3A_571 = arith.constant 0 : i32
    %dma_start3A_572 = tpu.memref_slice %arg4[%add3A_562, %dma_start3A_570, %dma_start3A_571] : memref<16384x50x64xf32, #tpu.memory_space<hbm>> -> memref<1x50x64xf32, #tpu.memory_space<hbm>>
    %dma_start3A_573 = tpu.memref_squeeze %dma_start3A_572 : memref<1x50x64xf32, #tpu.memory_space<hbm>> -> memref<50x64xf32, #tpu.memory_space<hbm>>
    %dma_start3A_574 = arith.constant 700 : i32
    %dma_start3A_575 = arith.constant 0 : i32
    %dma_start3A_576 = tpu.memref_slice %arg8[%dma_start3A_574, %dma_start3A_575] : memref<800x64xf32, #tpu.memory_space<vmem>> -> memref<50x64xf32, #tpu.memory_space<vmem>>
    tpu.enqueue_dma source(%dma_start3A_576 : memref<50x64xf32, #tpu.memory_space<vmem>>) target(%dma_start3A_573 : memref<50x64xf32, #tpu.memory_space<hbm>>) target_semaphore(%arg13 : memref<!tpu.dma_semaphore, #tpu.memory_space<semaphore_mem>>)
    %add3A_577 = arith.constant 15 : i32
    %add3A_578 = arith.addi %select_n3A_336, %add3A_577 : i32
    %dma_start3A_579 = arith.constant 750 : i32
    %dma_start3A_580 = arith.constant 0 : i32
    %dma_start3A_581 = tpu.memref_slice %arg8[%dma_start3A_579, %dma_start3A_580] : memref<800x64xf32, #tpu.memory_space<vmem>> -> memref<50x64xf32, #tpu.memory_space<vmem>>
    %dma_start3A_582 = arith.constant 0 : i32
    %dma_start3A_583 = arith.constant 0 : i32
    %dma_start3A_584 = tpu.memref_slice %arg4[%add3A_578, %dma_start3A_582, %dma_start3A_583] : memref<16384x50x64xf32, #tpu.memory_space<hbm>> -> memref<1x50x64xf32, #tpu.memory_space<hbm>>
    %dma_start3A_585 = tpu.memref_squeeze %dma_start3A_584 : memref<1x50x64xf32, #tpu.memory_space<hbm>> -> memref<50x64xf32, #tpu.memory_space<hbm>>
    %dma_start3A_586 = arith.constant 0 : i32
    %dma_start3A_587 = arith.constant 0 : i32
    %dma_start3A_588 = tpu.memref_slice %arg4[%add3A_578, %dma_start3A_586, %dma_start3A_587] : memref<16384x50x64xf32, #tpu.memory_space<hbm>> -> memref<1x50x64xf32, #tpu.memory_space<hbm>>
    %dma_start3A_589 = tpu.memref_squeeze %dma_start3A_588 : memref<1x50x64xf32, #tpu.memory_space<hbm>> -> memref<50x64xf32, #tpu.memory_space<hbm>>
    %dma_start3A_590 = arith.constant 750 : i32
    %dma_start3A_591 = arith.constant 0 : i32
    %dma_start3A_592 = tpu.memref_slice %arg8[%dma_start3A_590, %dma_start3A_591] : memref<800x64xf32, #tpu.memory_space<vmem>> -> memref<50x64xf32, #tpu.memory_space<vmem>>
    tpu.enqueue_dma source(%dma_start3A_592 : memref<50x64xf32, #tpu.memory_space<vmem>>) target(%dma_start3A_589 : memref<50x64xf32, #tpu.memory_space<hbm>>) target_semaphore(%arg13 : memref<!tpu.dma_semaphore, #tpu.memory_space<semaphore_mem>>)
    %scan3A = arith.constant 0 : i32
    %scan3A_593 = arith.constant 1 : i32
    %scan3A_594 = arith.constant 15 : i32
    %scan3A_595 = arith.addi %scan3A_593, %scan3A_594 : i32
    %scan3A_596 = arith.constant 1 : i32
    scf.for %scan3A_1086 = %scan3A_593 to %scan3A_595 step %scan3A_596  : i32 {
      %mul3A_1087 = arith.constant 2 : i32
      %mul3A_1088 = arith.muli %mul3A_1087, %scan3A_1086 : i32
      %add3A_1089 = arith.constant 0 : i32
      %add3A_1090 = arith.addi %mul3A_1088, %add3A_1089 : i32
      %dma_wait3A_1091 = arith.constant 0 : i32
      %dma_wait3A_1092 = tpu.memref_slice %arg2[%dma_wait3A_1091] : memref<819200xi32, #tpu.memory_space<hbm>> -> memref<800xi32, #tpu.memory_space<hbm>>
      %dma_wait3A_1093 = arith.constant 0 : i32
      %dma_wait3A_1094 = tpu.memref_slice %arg2[%dma_wait3A_1093] : memref<819200xi32, #tpu.memory_space<hbm>> -> memref<800xi32, #tpu.memory_space<hbm>>
      tpu.wait_dma2 semaphore(%arg9 : memref<!tpu.dma_semaphore, #tpu.memory_space<semaphore_mem>>) src(%dma_wait3A_1094 : memref<800xi32, #tpu.memory_space<hbm>>) dst(%arg5 : memref<800xi32, #tpu.memory_space<vmem>>)
      %dma_wait3A_1095 = arith.constant 0 : i32
      %dma_wait3A_1096 = arith.constant 0 : i32
      %dma_wait3A_1097 = arith.constant 0 : i32
      %dma_wait3A_1098 = tpu.memref_slice %arg7[%dma_wait3A_1096, %dma_wait3A_1097] : memref<800x64xf32, #tpu.memory_space<vmem>> -> memref<50x64xf32, #tpu.memory_space<vmem>>
      %dma_wait3A_1099 = arith.constant 0 : i32
      %dma_wait3A_1100 = arith.constant 0 : i32
      %dma_wait3A_1101 = tpu.memref_slice %arg4[%dma_wait3A_1095, %dma_wait3A_1099, %dma_wait3A_1100] : memref<16384x50x64xf32, #tpu.memory_space<hbm>> -> memref<1x50x64xf32, #tpu.memory_space<hbm>>
      %dma_wait3A_1102 = tpu.memref_squeeze %dma_wait3A_1101 : memref<1x50x64xf32, #tpu.memory_space<hbm>> -> memref<50x64xf32, #tpu.memory_space<hbm>>
      %dma_wait3A_1103 = arith.constant 0 : i32
      %dma_wait3A_1104 = arith.constant 0 : i32
      %dma_wait3A_1105 = tpu.memref_slice %arg4[%dma_wait3A_1095, %dma_wait3A_1103, %dma_wait3A_1104] : memref<16384x50x64xf32, #tpu.memory_space<hbm>> -> memref<1x50x64xf32, #tpu.memory_space<hbm>>
      %dma_wait3A_1106 = tpu.memref_squeeze %dma_wait3A_1105 : memref<1x50x64xf32, #tpu.memory_space<hbm>> -> memref<50x64xf32, #tpu.memory_space<hbm>>
      %dma_wait3A_1107 = arith.constant 0 : i32
      %dma_wait3A_1108 = arith.constant 0 : i32
      %dma_wait3A_1109 = tpu.memref_slice %arg7[%dma_wait3A_1107, %dma_wait3A_1108] : memref<800x64xf32, #tpu.memory_space<vmem>> -> memref<50x64xf32, #tpu.memory_space<vmem>>
      tpu.wait_dma2 semaphore(%arg12 : memref<!tpu.dma_semaphore, #tpu.memory_space<semaphore_mem>>) src(%dma_wait3A_1109 : memref<50x64xf32, #tpu.memory_space<vmem>>) dst(%dma_wait3A_1106 : memref<50x64xf32, #tpu.memory_space<hbm>>)
      %dma_wait3A_1110 = arith.constant 0 : i32
      %dma_wait3A_1111 = arith.constant 0 : i32
      %dma_wait3A_1112 = arith.constant 0 : i32
      %dma_wait3A_1113 = tpu.memref_slice %arg7[%dma_wait3A_1111, %dma_wait3A_1112] : memref<800x64xf32, #tpu.memory_space<vmem>> -> memref<50x64xf32, #tpu.memory_space<vmem>>
      %dma_wait3A_1114 = arith.constant 0 : i32
      %dma_wait3A_1115 = arith.constant 0 : i32
      %dma_wait3A_1116 = tpu.memref_slice %arg4[%dma_wait3A_1110, %dma_wait3A_1114, %dma_wait3A_1115] : memref<16384x50x64xf32, #tpu.memory_space<hbm>> -> memref<1x50x64xf32, #tpu.memory_space<hbm>>
      %dma_wait3A_1117 = tpu.memref_squeeze %dma_wait3A_1116 : memref<1x50x64xf32, #tpu.memory_space<hbm>> -> memref<50x64xf32, #tpu.memory_space<hbm>>
      %dma_wait3A_1118 = arith.constant 0 : i32
      %dma_wait3A_1119 = arith.constant 0 : i32
      %dma_wait3A_1120 = tpu.memref_slice %arg4[%dma_wait3A_1110, %dma_wait3A_1118, %dma_wait3A_1119] : memref<16384x50x64xf32, #tpu.memory_space<hbm>> -> memref<1x50x64xf32, #tpu.memory_space<hbm>>
      %dma_wait3A_1121 = tpu.memref_squeeze %dma_wait3A_1120 : memref<1x50x64xf32, #tpu.memory_space<hbm>> -> memref<50x64xf32, #tpu.memory_space<hbm>>
      %dma_wait3A_1122 = arith.constant 0 : i32
      %dma_wait3A_1123 = arith.constant 0 : i32
      %dma_wait3A_1124 = tpu.memref_slice %arg7[%dma_wait3A_1122, %dma_wait3A_1123] : memref<800x64xf32, #tpu.memory_space<vmem>> -> memref<50x64xf32, #tpu.memory_space<vmem>>
      tpu.wait_dma2 semaphore(%arg12 : memref<!tpu.dma_semaphore, #tpu.memory_space<semaphore_mem>>) src(%dma_wait3A_1124 : memref<50x64xf32, #tpu.memory_space<vmem>>) dst(%dma_wait3A_1121 : memref<50x64xf32, #tpu.memory_space<hbm>>)
      %dma_wait3A_1125 = arith.constant 0 : i32
      %dma_wait3A_1126 = arith.constant 0 : i32
      %dma_wait3A_1127 = arith.constant 0 : i32
      %dma_wait3A_1128 = tpu.memref_slice %arg7[%dma_wait3A_1126, %dma_wait3A_1127] : memref<800x64xf32, #tpu.memory_space<vmem>> -> memref<50x64xf32, #tpu.memory_space<vmem>>
      %dma_wait3A_1129 = arith.constant 0 : i32
      %dma_wait3A_1130 = arith.constant 0 : i32
      %dma_wait3A_1131 = tpu.memref_slice %arg4[%dma_wait3A_1125, %dma_wait3A_1129, %dma_wait3A_1130] : memref<16384x50x64xf32, #tpu.memory_space<hbm>> -> memref<1x50x64xf32, #tpu.memory_space<hbm>>
      %dma_wait3A_1132 = tpu.memref_squeeze %dma_wait3A_1131 : memref<1x50x64xf32, #tpu.memory_space<hbm>> -> memref<50x64xf32, #tpu.memory_space<hbm>>
      %dma_wait3A_1133 = arith.constant 0 : i32
      %dma_wait3A_1134 = arith.constant 0 : i32
      %dma_wait3A_1135 = tpu.memref_slice %arg4[%dma_wait3A_1125, %dma_wait3A_1133, %dma_wait3A_1134] : memref<16384x50x64xf32, #tpu.memory_space<hbm>> -> memref<1x50x64xf32, #tpu.memory_space<hbm>>
      %dma_wait3A_1136 = tpu.memref_squeeze %dma_wait3A_1135 : memref<1x50x64xf32, #tpu.memory_space<hbm>> -> memref<50x64xf32, #tpu.memory_space<hbm>>
      %dma_wait3A_1137 = arith.constant 0 : i32
      %dma_wait3A_1138 = arith.constant 0 : i32
      %dma_wait3A_1139 = tpu.memref_slice %arg7[%dma_wait3A_1137, %dma_wait3A_1138] : memref<800x64xf32, #tpu.memory_space<vmem>> -> memref<50x64xf32, #tpu.memory_space<vmem>>
      tpu.wait_dma2 semaphore(%arg12 : memref<!tpu.dma_semaphore, #tpu.memory_space<semaphore_mem>>) src(%dma_wait3A_1139 : memref<50x64xf32, #tpu.memory_space<vmem>>) dst(%dma_wait3A_1136 : memref<50x64xf32, #tpu.memory_space<hbm>>)
      %dma_wait3A_1140 = arith.constant 0 : i32
      %dma_wait3A_1141 = arith.constant 0 : i32
      %dma_wait3A_1142 = arith.constant 0 : i32
      %dma_wait3A_1143 = tpu.memref_slice %arg7[%dma_wait3A_1141, %dma_wait3A_1142] : memref<800x64xf32, #tpu.memory_space<vmem>> -> memref<50x64xf32, #tpu.memory_space<vmem>>
      %dma_wait3A_1144 = arith.constant 0 : i32
      %dma_wait3A_1145 = arith.constant 0 : i32
      %dma_wait3A_1146 = tpu.memref_slice %arg4[%dma_wait3A_1140, %dma_wait3A_1144, %dma_wait3A_1145] : memref<16384x50x64xf32, #tpu.memory_space<hbm>> -> memref<1x50x64xf32, #tpu.memory_space<hbm>>
      %dma_wait3A_1147 = tpu.memref_squeeze %dma_wait3A_1146 : memref<1x50x64xf32, #tpu.memory_space<hbm>> -> memref<50x64xf32, #tpu.memory_space<hbm>>
      %dma_wait3A_1148 = arith.constant 0 : i32
      %dma_wait3A_1149 = arith.constant 0 : i32
      %dma_wait3A_1150 = tpu.memref_slice %arg4[%dma_wait3A_1140, %dma_wait3A_1148, %dma_wait3A_1149] : memref<16384x50x64xf32, #tpu.memory_space<hbm>> -> memref<1x50x64xf32, #tpu.memory_space<hbm>>
      %dma_wait3A_1151 = tpu.memref_squeeze %dma_wait3A_1150 : memref<1x50x64xf32, #tpu.memory_space<hbm>> -> memref<50x64xf32, #tpu.memory_space<hbm>>
      %dma_wait3A_1152 = arith.constant 0 : i32
      %dma_wait3A_1153 = arith.constant 0 : i32
      %dma_wait3A_1154 = tpu.memref_slice %arg7[%dma_wait3A_1152, %dma_wait3A_1153] : memref<800x64xf32, #tpu.memory_space<vmem>> -> memref<50x64xf32, #tpu.memory_space<vmem>>
      tpu.wait_dma2 semaphore(%arg12 : memref<!tpu.dma_semaphore, #tpu.memory_space<semaphore_mem>>) src(%dma_wait3A_1154 : memref<50x64xf32, #tpu.memory_space<vmem>>) dst(%dma_wait3A_1151 : memref<50x64xf32, #tpu.memory_space<hbm>>)
      %dma_wait3A_1155 = arith.constant 0 : i32
      %dma_wait3A_1156 = arith.constant 0 : i32
      %dma_wait3A_1157 = arith.constant 0 : i32
      %dma_wait3A_1158 = tpu.memref_slice %arg7[%dma_wait3A_1156, %dma_wait3A_1157] : memref<800x64xf32, #tpu.memory_space<vmem>> -> memref<50x64xf32, #tpu.memory_space<vmem>>
      %dma_wait3A_1159 = arith.constant 0 : i32
      %dma_wait3A_1160 = arith.constant 0 : i32
      %dma_wait3A_1161 = tpu.memref_slice %arg4[%dma_wait3A_1155, %dma_wait3A_1159, %dma_wait3A_1160] : memref<16384x50x64xf32, #tpu.memory_space<hbm>> -> memref<1x50x64xf32, #tpu.memory_space<hbm>>
      %dma_wait3A_1162 = tpu.memref_squeeze %dma_wait3A_1161 : memref<1x50x64xf32, #tpu.memory_space<hbm>> -> memref<50x64xf32, #tpu.memory_space<hbm>>
      %dma_wait3A_1163 = arith.constant 0 : i32
      %dma_wait3A_1164 = arith.constant 0 : i32
      %dma_wait3A_1165 = tpu.memref_slice %arg4[%dma_wait3A_1155, %dma_wait3A_1163, %dma_wait3A_1164] : memref<16384x50x64xf32, #tpu.memory_space<hbm>> -> memref<1x50x64xf32, #tpu.memory_space<hbm>>
      %dma_wait3A_1166 = tpu.memref_squeeze %dma_wait3A_1165 : memref<1x50x64xf32, #tpu.memory_space<hbm>> -> memref<50x64xf32, #tpu.memory_space<hbm>>
      %dma_wait3A_1167 = arith.constant 0 : i32
      %dma_wait3A_1168 = arith.constant 0 : i32
      %dma_wait3A_1169 = tpu.memref_slice %arg7[%dma_wait3A_1167, %dma_wait3A_1168] : memref<800x64xf32, #tpu.memory_space<vmem>> -> memref<50x64xf32, #tpu.memory_space<vmem>>
      tpu.wait_dma2 semaphore(%arg12 : memref<!tpu.dma_semaphore, #tpu.memory_space<semaphore_mem>>) src(%dma_wait3A_1169 : memref<50x64xf32, #tpu.memory_space<vmem>>) dst(%dma_wait3A_1166 : memref<50x64xf32, #tpu.memory_space<hbm>>)
      %dma_wait3A_1170 = arith.constant 0 : i32
      %dma_wait3A_1171 = arith.constant 0 : i32
      %dma_wait3A_1172 = arith.constant 0 : i32
      %dma_wait3A_1173 = tpu.memref_slice %arg7[%dma_wait3A_1171, %dma_wait3A_1172] : memref<800x64xf32, #tpu.memory_space<vmem>> -> memref<50x64xf32, #tpu.memory_space<vmem>>
      %dma_wait3A_1174 = arith.constant 0 : i32
      %dma_wait3A_1175 = arith.constant 0 : i32
      %dma_wait3A_1176 = tpu.memref_slice %arg4[%dma_wait3A_1170, %dma_wait3A_1174, %dma_wait3A_1175] : memref<16384x50x64xf32, #tpu.memory_space<hbm>> -> memref<1x50x64xf32, #tpu.memory_space<hbm>>
      %dma_wait3A_1177 = tpu.memref_squeeze %dma_wait3A_1176 : memref<1x50x64xf32, #tpu.memory_space<hbm>> -> memref<50x64xf32, #tpu.memory_space<hbm>>
      %dma_wait3A_1178 = arith.constant 0 : i32
      %dma_wait3A_1179 = arith.constant 0 : i32
      %dma_wait3A_1180 = tpu.memref_slice %arg4[%dma_wait3A_1170, %dma_wait3A_1178, %dma_wait3A_1179] : memref<16384x50x64xf32, #tpu.memory_space<hbm>> -> memref<1x50x64xf32, #tpu.memory_space<hbm>>
      %dma_wait3A_1181 = tpu.memref_squeeze %dma_wait3A_1180 : memref<1x50x64xf32, #tpu.memory_space<hbm>> -> memref<50x64xf32, #tpu.memory_space<hbm>>
      %dma_wait3A_1182 = arith.constant 0 : i32
      %dma_wait3A_1183 = arith.constant 0 : i32
      %dma_wait3A_1184 = tpu.memref_slice %arg7[%dma_wait3A_1182, %dma_wait3A_1183] : memref<800x64xf32, #tpu.memory_space<vmem>> -> memref<50x64xf32, #tpu.memory_space<vmem>>
      tpu.wait_dma2 semaphore(%arg12 : memref<!tpu.dma_semaphore, #tpu.memory_space<semaphore_mem>>) src(%dma_wait3A_1184 : memref<50x64xf32, #tpu.memory_space<vmem>>) dst(%dma_wait3A_1181 : memref<50x64xf32, #tpu.memory_space<hbm>>)
      %dma_wait3A_1185 = arith.constant 0 : i32
      %dma_wait3A_1186 = arith.constant 0 : i32
      %dma_wait3A_1187 = arith.constant 0 : i32
      %dma_wait3A_1188 = tpu.memref_slice %arg7[%dma_wait3A_1186, %dma_wait3A_1187] : memref<800x64xf32, #tpu.memory_space<vmem>> -> memref<50x64xf32, #tpu.memory_space<vmem>>
      %dma_wait3A_1189 = arith.constant 0 : i32
      %dma_wait3A_1190 = arith.constant 0 : i32
      %dma_wait3A_1191 = tpu.memref_slice %arg4[%dma_wait3A_1185, %dma_wait3A_1189, %dma_wait3A_1190] : memref<16384x50x64xf32, #tpu.memory_space<hbm>> -> memref<1x50x64xf32, #tpu.memory_space<hbm>>
      %dma_wait3A_1192 = tpu.memref_squeeze %dma_wait3A_1191 : memref<1x50x64xf32, #tpu.memory_space<hbm>> -> memref<50x64xf32, #tpu.memory_space<hbm>>
      %dma_wait3A_1193 = arith.constant 0 : i32
      %dma_wait3A_1194 = arith.constant 0 : i32
      %dma_wait3A_1195 = tpu.memref_slice %arg4[%dma_wait3A_1185, %dma_wait3A_1193, %dma_wait3A_1194] : memref<16384x50x64xf32, #tpu.memory_space<hbm>> -> memref<1x50x64xf32, #tpu.memory_space<hbm>>
      %dma_wait3A_1196 = tpu.memref_squeeze %dma_wait3A_1195 : memref<1x50x64xf32, #tpu.memory_space<hbm>> -> memref<50x64xf32, #tpu.memory_space<hbm>>
      %dma_wait3A_1197 = arith.constant 0 : i32
      %dma_wait3A_1198 = arith.constant 0 : i32
      %dma_wait3A_1199 = tpu.memref_slice %arg7[%dma_wait3A_1197, %dma_wait3A_1198] : memref<800x64xf32, #tpu.memory_space<vmem>> -> memref<50x64xf32, #tpu.memory_space<vmem>>
      tpu.wait_dma2 semaphore(%arg12 : memref<!tpu.dma_semaphore, #tpu.memory_space<semaphore_mem>>) src(%dma_wait3A_1199 : memref<50x64xf32, #tpu.memory_space<vmem>>) dst(%dma_wait3A_1196 : memref<50x64xf32, #tpu.memory_space<hbm>>)
      %dma_wait3A_1200 = arith.constant 0 : i32
      %dma_wait3A_1201 = arith.constant 0 : i32
      %dma_wait3A_1202 = arith.constant 0 : i32
      %dma_wait3A_1203 = tpu.memref_slice %arg7[%dma_wait3A_1201, %dma_wait3A_1202] : memref<800x64xf32, #tpu.memory_space<vmem>> -> memref<50x64xf32, #tpu.memory_space<vmem>>
      %dma_wait3A_1204 = arith.constant 0 : i32
      %dma_wait3A_1205 = arith.constant 0 : i32
      %dma_wait3A_1206 = tpu.memref_slice %arg4[%dma_wait3A_1200, %dma_wait3A_1204, %dma_wait3A_1205] : memref<16384x50x64xf32, #tpu.memory_space<hbm>> -> memref<1x50x64xf32, #tpu.memory_space<hbm>>
      %dma_wait3A_1207 = tpu.memref_squeeze %dma_wait3A_1206 : memref<1x50x64xf32, #tpu.memory_space<hbm>> -> memref<50x64xf32, #tpu.memory_space<hbm>>
      %dma_wait3A_1208 = arith.constant 0 : i32
      %dma_wait3A_1209 = arith.constant 0 : i32
      %dma_wait3A_1210 = tpu.memref_slice %arg4[%dma_wait3A_1200, %dma_wait3A_1208, %dma_wait3A_1209] : memref<16384x50x64xf32, #tpu.memory_space<hbm>> -> memref<1x50x64xf32, #tpu.memory_space<hbm>>
      %dma_wait3A_1211 = tpu.memref_squeeze %dma_wait3A_1210 : memref<1x50x64xf32, #tpu.memory_space<hbm>> -> memref<50x64xf32, #tpu.memory_space<hbm>>
      %dma_wait3A_1212 = arith.constant 0 : i32
      %dma_wait3A_1213 = arith.constant 0 : i32
      %dma_wait3A_1214 = tpu.memref_slice %arg7[%dma_wait3A_1212, %dma_wait3A_1213] : memref<800x64xf32, #tpu.memory_space<vmem>> -> memref<50x64xf32, #tpu.memory_space<vmem>>
      tpu.wait_dma2 semaphore(%arg12 : memref<!tpu.dma_semaphore, #tpu.memory_space<semaphore_mem>>) src(%dma_wait3A_1214 : memref<50x64xf32, #tpu.memory_space<vmem>>) dst(%dma_wait3A_1211 : memref<50x64xf32, #tpu.memory_space<hbm>>)
      %dma_wait3A_1215 = arith.constant 0 : i32
      %dma_wait3A_1216 = arith.constant 0 : i32
      %dma_wait3A_1217 = arith.constant 0 : i32
      %dma_wait3A_1218 = tpu.memref_slice %arg7[%dma_wait3A_1216, %dma_wait3A_1217] : memref<800x64xf32, #tpu.memory_space<vmem>> -> memref<50x64xf32, #tpu.memory_space<vmem>>
      %dma_wait3A_1219 = arith.constant 0 : i32
      %dma_wait3A_1220 = arith.constant 0 : i32
      %dma_wait3A_1221 = tpu.memref_slice %arg4[%dma_wait3A_1215, %dma_wait3A_1219, %dma_wait3A_1220] : memref<16384x50x64xf32, #tpu.memory_space<hbm>> -> memref<1x50x64xf32, #tpu.memory_space<hbm>>
      %dma_wait3A_1222 = tpu.memref_squeeze %dma_wait3A_1221 : memref<1x50x64xf32, #tpu.memory_space<hbm>> -> memref<50x64xf32, #tpu.memory_space<hbm>>
      %dma_wait3A_1223 = arith.constant 0 : i32
      %dma_wait3A_1224 = arith.constant 0 : i32
      %dma_wait3A_1225 = tpu.memref_slice %arg4[%dma_wait3A_1215, %dma_wait3A_1223, %dma_wait3A_1224] : memref<16384x50x64xf32, #tpu.memory_space<hbm>> -> memref<1x50x64xf32, #tpu.memory_space<hbm>>
      %dma_wait3A_1226 = tpu.memref_squeeze %dma_wait3A_1225 : memref<1x50x64xf32, #tpu.memory_space<hbm>> -> memref<50x64xf32, #tpu.memory_space<hbm>>
      %dma_wait3A_1227 = arith.constant 0 : i32
      %dma_wait3A_1228 = arith.constant 0 : i32
      %dma_wait3A_1229 = tpu.memref_slice %arg7[%dma_wait3A_1227, %dma_wait3A_1228] : memref<800x64xf32, #tpu.memory_space<vmem>> -> memref<50x64xf32, #tpu.memory_space<vmem>>
      tpu.wait_dma2 semaphore(%arg12 : memref<!tpu.dma_semaphore, #tpu.memory_space<semaphore_mem>>) src(%dma_wait3A_1229 : memref<50x64xf32, #tpu.memory_space<vmem>>) dst(%dma_wait3A_1226 : memref<50x64xf32, #tpu.memory_space<hbm>>)
      %dma_wait3A_1230 = arith.constant 0 : i32
      %dma_wait3A_1231 = arith.constant 0 : i32
      %dma_wait3A_1232 = arith.constant 0 : i32
      %dma_wait3A_1233 = tpu.memref_slice %arg7[%dma_wait3A_1231, %dma_wait3A_1232] : memref<800x64xf32, #tpu.memory_space<vmem>> -> memref<50x64xf32, #tpu.memory_space<vmem>>
      %dma_wait3A_1234 = arith.constant 0 : i32
      %dma_wait3A_1235 = arith.constant 0 : i32
      %dma_wait3A_1236 = tpu.memref_slice %arg4[%dma_wait3A_1230, %dma_wait3A_1234, %dma_wait3A_1235] : memref<16384x50x64xf32, #tpu.memory_space<hbm>> -> memref<1x50x64xf32, #tpu.memory_space<hbm>>
      %dma_wait3A_1237 = tpu.memref_squeeze %dma_wait3A_1236 : memref<1x50x64xf32, #tpu.memory_space<hbm>> -> memref<50x64xf32, #tpu.memory_space<hbm>>
      %dma_wait3A_1238 = arith.constant 0 : i32
      %dma_wait3A_1239 = arith.constant 0 : i32
      %dma_wait3A_1240 = tpu.memref_slice %arg4[%dma_wait3A_1230, %dma_wait3A_1238, %dma_wait3A_1239] : memref<16384x50x64xf32, #tpu.memory_space<hbm>> -> memref<1x50x64xf32, #tpu.memory_space<hbm>>
      %dma_wait3A_1241 = tpu.memref_squeeze %dma_wait3A_1240 : memref<1x50x64xf32, #tpu.memory_space<hbm>> -> memref<50x64xf32, #tpu.memory_space<hbm>>
      %dma_wait3A_1242 = arith.constant 0 : i32
      %dma_wait3A_1243 = arith.constant 0 : i32
      %dma_wait3A_1244 = tpu.memref_slice %arg7[%dma_wait3A_1242, %dma_wait3A_1243] : memref<800x64xf32, #tpu.memory_space<vmem>> -> memref<50x64xf32, #tpu.memory_space<vmem>>
      tpu.wait_dma2 semaphore(%arg12 : memref<!tpu.dma_semaphore, #tpu.memory_space<semaphore_mem>>) src(%dma_wait3A_1244 : memref<50x64xf32, #tpu.memory_space<vmem>>) dst(%dma_wait3A_1241 : memref<50x64xf32, #tpu.memory_space<hbm>>)
      %dma_wait3A_1245 = arith.constant 0 : i32
      %dma_wait3A_1246 = arith.constant 0 : i32
      %dma_wait3A_1247 = arith.constant 0 : i32
      %dma_wait3A_1248 = tpu.memref_slice %arg7[%dma_wait3A_1246, %dma_wait3A_1247] : memref<800x64xf32, #tpu.memory_space<vmem>> -> memref<50x64xf32, #tpu.memory_space<vmem>>
      %dma_wait3A_1249 = arith.constant 0 : i32
      %dma_wait3A_1250 = arith.constant 0 : i32
      %dma_wait3A_1251 = tpu.memref_slice %arg4[%dma_wait3A_1245, %dma_wait3A_1249, %dma_wait3A_1250] : memref<16384x50x64xf32, #tpu.memory_space<hbm>> -> memref<1x50x64xf32, #tpu.memory_space<hbm>>
      %dma_wait3A_1252 = tpu.memref_squeeze %dma_wait3A_1251 : memref<1x50x64xf32, #tpu.memory_space<hbm>> -> memref<50x64xf32, #tpu.memory_space<hbm>>
      %dma_wait3A_1253 = arith.constant 0 : i32
      %dma_wait3A_1254 = arith.constant 0 : i32
      %dma_wait3A_1255 = tpu.memref_slice %arg4[%dma_wait3A_1245, %dma_wait3A_1253, %dma_wait3A_1254] : memref<16384x50x64xf32, #tpu.memory_space<hbm>> -> memref<1x50x64xf32, #tpu.memory_space<hbm>>
      %dma_wait3A_1256 = tpu.memref_squeeze %dma_wait3A_1255 : memref<1x50x64xf32, #tpu.memory_space<hbm>> -> memref<50x64xf32, #tpu.memory_space<hbm>>
      %dma_wait3A_1257 = arith.constant 0 : i32
      %dma_wait3A_1258 = arith.constant 0 : i32
      %dma_wait3A_1259 = tpu.memref_slice %arg7[%dma_wait3A_1257, %dma_wait3A_1258] : memref<800x64xf32, #tpu.memory_space<vmem>> -> memref<50x64xf32, #tpu.memory_space<vmem>>
      tpu.wait_dma2 semaphore(%arg12 : memref<!tpu.dma_semaphore, #tpu.memory_space<semaphore_mem>>) src(%dma_wait3A_1259 : memref<50x64xf32, #tpu.memory_space<vmem>>) dst(%dma_wait3A_1256 : memref<50x64xf32, #tpu.memory_space<hbm>>)
      %dma_wait3A_1260 = arith.constant 0 : i32
      %dma_wait3A_1261 = arith.constant 0 : i32
      %dma_wait3A_1262 = arith.constant 0 : i32
      %dma_wait3A_1263 = tpu.memref_slice %arg7[%dma_wait3A_1261, %dma_wait3A_1262] : memref<800x64xf32, #tpu.memory_space<vmem>> -> memref<50x64xf32, #tpu.memory_space<vmem>>
      %dma_wait3A_1264 = arith.constant 0 : i32
      %dma_wait3A_1265 = arith.constant 0 : i32
      %dma_wait3A_1266 = tpu.memref_slice %arg4[%dma_wait3A_1260, %dma_wait3A_1264, %dma_wait3A_1265] : memref<16384x50x64xf32, #tpu.memory_space<hbm>> -> memref<1x50x64xf32, #tpu.memory_space<hbm>>
      %dma_wait3A_1267 = tpu.memref_squeeze %dma_wait3A_1266 : memref<1x50x64xf32, #tpu.memory_space<hbm>> -> memref<50x64xf32, #tpu.memory_space<hbm>>
      %dma_wait3A_1268 = arith.constant 0 : i32
      %dma_wait3A_1269 = arith.constant 0 : i32
      %dma_wait3A_1270 = tpu.memref_slice %arg4[%dma_wait3A_1260, %dma_wait3A_1268, %dma_wait3A_1269] : memref<16384x50x64xf32, #tpu.memory_space<hbm>> -> memref<1x50x64xf32, #tpu.memory_space<hbm>>
      %dma_wait3A_1271 = tpu.memref_squeeze %dma_wait3A_1270 : memref<1x50x64xf32, #tpu.memory_space<hbm>> -> memref<50x64xf32, #tpu.memory_space<hbm>>
      %dma_wait3A_1272 = arith.constant 0 : i32
      %dma_wait3A_1273 = arith.constant 0 : i32
      %dma_wait3A_1274 = tpu.memref_slice %arg7[%dma_wait3A_1272, %dma_wait3A_1273] : memref<800x64xf32, #tpu.memory_space<vmem>> -> memref<50x64xf32, #tpu.memory_space<vmem>>
      tpu.wait_dma2 semaphore(%arg12 : memref<!tpu.dma_semaphore, #tpu.memory_space<semaphore_mem>>) src(%dma_wait3A_1274 : memref<50x64xf32, #tpu.memory_space<vmem>>) dst(%dma_wait3A_1271 : memref<50x64xf32, #tpu.memory_space<hbm>>)
      %dma_wait3A_1275 = arith.constant 0 : i32
      %dma_wait3A_1276 = arith.constant 0 : i32
      %dma_wait3A_1277 = arith.constant 0 : i32
      %dma_wait3A_1278 = tpu.memref_slice %arg7[%dma_wait3A_1276, %dma_wait3A_1277] : memref<800x64xf32, #tpu.memory_space<vmem>> -> memref<50x64xf32, #tpu.memory_space<vmem>>
      %dma_wait3A_1279 = arith.constant 0 : i32
      %dma_wait3A_1280 = arith.constant 0 : i32
      %dma_wait3A_1281 = tpu.memref_slice %arg4[%dma_wait3A_1275, %dma_wait3A_1279, %dma_wait3A_1280] : memref<16384x50x64xf32, #tpu.memory_space<hbm>> -> memref<1x50x64xf32, #tpu.memory_space<hbm>>
      %dma_wait3A_1282 = tpu.memref_squeeze %dma_wait3A_1281 : memref<1x50x64xf32, #tpu.memory_space<hbm>> -> memref<50x64xf32, #tpu.memory_space<hbm>>
      %dma_wait3A_1283 = arith.constant 0 : i32
      %dma_wait3A_1284 = arith.constant 0 : i32
      %dma_wait3A_1285 = tpu.memref_slice %arg4[%dma_wait3A_1275, %dma_wait3A_1283, %dma_wait3A_1284] : memref<16384x50x64xf32, #tpu.memory_space<hbm>> -> memref<1x50x64xf32, #tpu.memory_space<hbm>>
      %dma_wait3A_1286 = tpu.memref_squeeze %dma_wait3A_1285 : memref<1x50x64xf32, #tpu.memory_space<hbm>> -> memref<50x64xf32, #tpu.memory_space<hbm>>
      %dma_wait3A_1287 = arith.constant 0 : i32
      %dma_wait3A_1288 = arith.constant 0 : i32
      %dma_wait3A_1289 = tpu.memref_slice %arg7[%dma_wait3A_1287, %dma_wait3A_1288] : memref<800x64xf32, #tpu.memory_space<vmem>> -> memref<50x64xf32, #tpu.memory_space<vmem>>
      tpu.wait_dma2 semaphore(%arg12 : memref<!tpu.dma_semaphore, #tpu.memory_space<semaphore_mem>>) src(%dma_wait3A_1289 : memref<50x64xf32, #tpu.memory_space<vmem>>) dst(%dma_wait3A_1286 : memref<50x64xf32, #tpu.memory_space<hbm>>)
      %dma_wait3A_1290 = arith.constant 0 : i32
      %dma_wait3A_1291 = arith.constant 0 : i32
      %dma_wait3A_1292 = arith.constant 0 : i32
      %dma_wait3A_1293 = tpu.memref_slice %arg7[%dma_wait3A_1291, %dma_wait3A_1292] : memref<800x64xf32, #tpu.memory_space<vmem>> -> memref<50x64xf32, #tpu.memory_space<vmem>>
      %dma_wait3A_1294 = arith.constant 0 : i32
      %dma_wait3A_1295 = arith.constant 0 : i32
      %dma_wait3A_1296 = tpu.memref_slice %arg4[%dma_wait3A_1290, %dma_wait3A_1294, %dma_wait3A_1295] : memref<16384x50x64xf32, #tpu.memory_space<hbm>> -> memref<1x50x64xf32, #tpu.memory_space<hbm>>
      %dma_wait3A_1297 = tpu.memref_squeeze %dma_wait3A_1296 : memref<1x50x64xf32, #tpu.memory_space<hbm>> -> memref<50x64xf32, #tpu.memory_space<hbm>>
      %dma_wait3A_1298 = arith.constant 0 : i32
      %dma_wait3A_1299 = arith.constant 0 : i32
      %dma_wait3A_1300 = tpu.memref_slice %arg4[%dma_wait3A_1290, %dma_wait3A_1298, %dma_wait3A_1299] : memref<16384x50x64xf32, #tpu.memory_space<hbm>> -> memref<1x50x64xf32, #tpu.memory_space<hbm>>
      %dma_wait3A_1301 = tpu.memref_squeeze %dma_wait3A_1300 : memref<1x50x64xf32, #tpu.memory_space<hbm>> -> memref<50x64xf32, #tpu.memory_space<hbm>>
      %dma_wait3A_1302 = arith.constant 0 : i32
      %dma_wait3A_1303 = arith.constant 0 : i32
      %dma_wait3A_1304 = tpu.memref_slice %arg7[%dma_wait3A_1302, %dma_wait3A_1303] : memref<800x64xf32, #tpu.memory_space<vmem>> -> memref<50x64xf32, #tpu.memory_space<vmem>>
      tpu.wait_dma2 semaphore(%arg12 : memref<!tpu.dma_semaphore, #tpu.memory_space<semaphore_mem>>) src(%dma_wait3A_1304 : memref<50x64xf32, #tpu.memory_space<vmem>>) dst(%dma_wait3A_1301 : memref<50x64xf32, #tpu.memory_space<hbm>>)
      %dma_wait3A_1305 = arith.constant 0 : i32
      %dma_wait3A_1306 = arith.constant 0 : i32
      %dma_wait3A_1307 = arith.constant 0 : i32
      %dma_wait3A_1308 = tpu.memref_slice %arg7[%dma_wait3A_1306, %dma_wait3A_1307] : memref<800x64xf32, #tpu.memory_space<vmem>> -> memref<50x64xf32, #tpu.memory_space<vmem>>
      %dma_wait3A_1309 = arith.constant 0 : i32
      %dma_wait3A_1310 = arith.constant 0 : i32
      %dma_wait3A_1311 = tpu.memref_slice %arg4[%dma_wait3A_1305, %dma_wait3A_1309, %dma_wait3A_1310] : memref<16384x50x64xf32, #tpu.memory_space<hbm>> -> memref<1x50x64xf32, #tpu.memory_space<hbm>>
      %dma_wait3A_1312 = tpu.memref_squeeze %dma_wait3A_1311 : memref<1x50x64xf32, #tpu.memory_space<hbm>> -> memref<50x64xf32, #tpu.memory_space<hbm>>
      %dma_wait3A_1313 = arith.constant 0 : i32
      %dma_wait3A_1314 = arith.constant 0 : i32
      %dma_wait3A_1315 = tpu.memref_slice %arg4[%dma_wait3A_1305, %dma_wait3A_1313, %dma_wait3A_1314] : memref<16384x50x64xf32, #tpu.memory_space<hbm>> -> memref<1x50x64xf32, #tpu.memory_space<hbm>>
      %dma_wait3A_1316 = tpu.memref_squeeze %dma_wait3A_1315 : memref<1x50x64xf32, #tpu.memory_space<hbm>> -> memref<50x64xf32, #tpu.memory_space<hbm>>
      %dma_wait3A_1317 = arith.constant 0 : i32
      %dma_wait3A_1318 = arith.constant 0 : i32
      %dma_wait3A_1319 = tpu.memref_slice %arg7[%dma_wait3A_1317, %dma_wait3A_1318] : memref<800x64xf32, #tpu.memory_space<vmem>> -> memref<50x64xf32, #tpu.memory_space<vmem>>
      tpu.wait_dma2 semaphore(%arg12 : memref<!tpu.dma_semaphore, #tpu.memory_space<semaphore_mem>>) src(%dma_wait3A_1319 : memref<50x64xf32, #tpu.memory_space<vmem>>) dst(%dma_wait3A_1316 : memref<50x64xf32, #tpu.memory_space<hbm>>)
      %dma_wait3A_1320 = arith.constant 0 : i32
      %dma_wait3A_1321 = arith.constant 0 : i32
      %dma_wait3A_1322 = arith.constant 0 : i32
      %dma_wait3A_1323 = tpu.memref_slice %arg7[%dma_wait3A_1321, %dma_wait3A_1322] : memref<800x64xf32, #tpu.memory_space<vmem>> -> memref<50x64xf32, #tpu.memory_space<vmem>>
      %dma_wait3A_1324 = arith.constant 0 : i32
      %dma_wait3A_1325 = arith.constant 0 : i32
      %dma_wait3A_1326 = tpu.memref_slice %arg4[%dma_wait3A_1320, %dma_wait3A_1324, %dma_wait3A_1325] : memref<16384x50x64xf32, #tpu.memory_space<hbm>> -> memref<1x50x64xf32, #tpu.memory_space<hbm>>
      %dma_wait3A_1327 = tpu.memref_squeeze %dma_wait3A_1326 : memref<1x50x64xf32, #tpu.memory_space<hbm>> -> memref<50x64xf32, #tpu.memory_space<hbm>>
      %dma_wait3A_1328 = arith.constant 0 : i32
      %dma_wait3A_1329 = arith.constant 0 : i32
      %dma_wait3A_1330 = tpu.memref_slice %arg4[%dma_wait3A_1320, %dma_wait3A_1328, %dma_wait3A_1329] : memref<16384x50x64xf32, #tpu.memory_space<hbm>> -> memref<1x50x64xf32, #tpu.memory_space<hbm>>
      %dma_wait3A_1331 = tpu.memref_squeeze %dma_wait3A_1330 : memref<1x50x64xf32, #tpu.memory_space<hbm>> -> memref<50x64xf32, #tpu.memory_space<hbm>>
      %dma_wait3A_1332 = arith.constant 0 : i32
      %dma_wait3A_1333 = arith.constant 0 : i32
      %dma_wait3A_1334 = tpu.memref_slice %arg7[%dma_wait3A_1332, %dma_wait3A_1333] : memref<800x64xf32, #tpu.memory_space<vmem>> -> memref<50x64xf32, #tpu.memory_space<vmem>>
      tpu.wait_dma2 semaphore(%arg12 : memref<!tpu.dma_semaphore, #tpu.memory_space<semaphore_mem>>) src(%dma_wait3A_1334 : memref<50x64xf32, #tpu.memory_space<vmem>>) dst(%dma_wait3A_1331 : memref<50x64xf32, #tpu.memory_space<hbm>>)
      %dma_start3A_1335 = arith.constant 0 : i32
      %dma_start3A_1336 = arith.constant 0 : i32
      %dma_start3A_1337 = tpu.memref_slice %arg3[%dma_start3A_1335, %dma_start3A_1336] : memref<1000000x64xf32, #tpu.memory_space<hbm>> -> memref<1000000x64xf32, #tpu.memory_space<hbm>>
      tpu.enqueue_indirect_dma source(%dma_start3A_1337 : memref<1000000x64xf32, #tpu.memory_space<hbm>>) target(%arg7 : memref<800x64xf32, #tpu.memory_space<vmem>>) offsets(%arg5 : memref<800xi32, #tpu.memory_space<vmem>>) semaphore(%arg11 : memref<!tpu.dma_semaphore, #tpu.memory_space<semaphore_mem>>)
      %dma_wait3A_1338 = arith.constant 0 : i32
      %dma_wait3A_1339 = arith.constant 0 : i32
      %dma_wait3A_1340 = tpu.memref_slice %arg3[%dma_wait3A_1338, %dma_wait3A_1339] : memref<1000000x64xf32, #tpu.memory_space<hbm>> -> memref<1000000x64xf32, #tpu.memory_space<hbm>>
      tpu.wait_indirect_dma semaphore(%arg11 : memref<!tpu.dma_semaphore, #tpu.memory_space<semaphore_mem>>) src(%dma_wait3A_1340 : memref<1000000x64xf32, #tpu.memory_space<hbm>>) dst(%arg7 : memref<800x64xf32, #tpu.memory_space<vmem>>)
      %add3A_1341 = arith.constant 2 : i32
      %add3A_1342 = arith.addi %add3A_1090, %add3A_1341 : i32
      %min3A = arith.constant 31 : i32
      %min3A_1343 = arith.minsi %add3A_1342, %min3A : i32
      %mul3A_1344 = arith.constant 800 : i32
      %mul3A_1345 = arith.muli %min3A_1343, %mul3A_1344 : i32
      %add3A_1346 = arith.addi %mul3A_2, %mul3A_1345 : i32
      %dma_start3A_1347 = tpu.memref_slice %arg2[%add3A_1346] : memref<819200xi32, #tpu.memory_space<hbm>> -> memref<800xi32, #tpu.memory_space<hbm>>
      %dma_start3A_1348 = tpu.memref_slice %arg2[%add3A_1346] : memref<819200xi32, #tpu.memory_space<hbm>> -> memref<800xi32, #tpu.memory_space<hbm>>
      tpu.enqueue_dma source(%dma_start3A_1348 : memref<800xi32, #tpu.memory_space<hbm>>) target(%arg5 : memref<800xi32, #tpu.memory_space<vmem>>) target_semaphore(%arg9 : memref<!tpu.dma_semaphore, #tpu.memory_space<semaphore_mem>>)
      %mul3A_1349 = arith.constant 800 : i32
      %mul3A_1350 = arith.muli %add3A_1090, %mul3A_1349 : i32
      %add3A_1351 = arith.addi %mul3A_2, %mul3A_1350 : i32
      %jit3A_1352 = arith.constant 50 : i32
      %div3A_1353 = arith.divsi %add3A_1351, %jit3A_1352 : i32
      %sign3A_1354 = arith.constant 0 : i32
      %sign3A_1355 = arith.cmpi sgt, %add3A_1351, %sign3A_1354 : i32
      %sign3A_1356 = arith.extui %sign3A_1355 : i1 to i32
      %sign3A_1357 = arith.constant 0 : i32
      %sign3A_1358 = arith.cmpi slt, %add3A_1351, %sign3A_1357 : i32
      %sign3A_1359 = arith.extui %sign3A_1358 : i1 to i32
      %sign3A_1360 = arith.subi %sign3A_1356, %sign3A_1359 : i32
      %sign3A_1361 = arith.constant 0 : i32
      %sign3A_1362 = arith.cmpi sgt, %jit3A_1352, %sign3A_1361 : i32
      %sign3A_1363 = arith.extui %sign3A_1362 : i1 to i32
      %sign3A_1364 = arith.constant 0 : i32
      %sign3A_1365 = arith.cmpi slt, %jit3A_1352, %sign3A_1364 : i32
      %sign3A_1366 = arith.extui %sign3A_1365 : i1 to i32
      %sign3A_1367 = arith.subi %sign3A_1363, %sign3A_1366 : i32
      %ne3A_1368 = arith.cmpi ne, %sign3A_1360, %sign3A_1367 : i32
      %rem3A_1369 = arith.remsi %add3A_1351, %jit3A_1352 : i32
      %ne3A_1370 = arith.constant 0 : i32
      %ne3A_1371 = arith.cmpi ne, %rem3A_1369, %ne3A_1370 : i32
      %and3A_1372 = arith.andi %ne3A_1368, %ne3A_1371 : i1
      %sub3A_1373 = arith.constant 1 : i32
      %sub3A_1374 = arith.subi %div3A_1353, %sub3A_1373 : i32
      %select_n3A_1375 = arith.select %and3A_1372, %sub3A_1374, %div3A_1353 : i32
      %add3A_1376 = arith.constant 0 : i32
      %add3A_1377 = arith.addi %select_n3A_1375, %add3A_1376 : i32
      %dma_start3A_1378 = arith.constant 0 : i32
      %dma_start3A_1379 = arith.constant 0 : i32
      %dma_start3A_1380 = tpu.memref_slice %arg7[%dma_start3A_1378, %dma_start3A_1379] : memref<800x64xf32, #tpu.memory_space<vmem>> -> memref<50x64xf32, #tpu.memory_space<vmem>>
      %dma_start3A_1381 = arith.constant 0 : i32
      %dma_start3A_1382 = arith.constant 0 : i32
      %dma_start3A_1383 = tpu.memref_slice %arg4[%add3A_1377, %dma_start3A_1381, %dma_start3A_1382] : memref<16384x50x64xf32, #tpu.memory_space<hbm>> -> memref<1x50x64xf32, #tpu.memory_space<hbm>>
      %dma_start3A_1384 = tpu.memref_squeeze %dma_start3A_1383 : memref<1x50x64xf32, #tpu.memory_space<hbm>> -> memref<50x64xf32, #tpu.memory_space<hbm>>
      %dma_start3A_1385 = arith.constant 0 : i32
      %dma_start3A_1386 = arith.constant 0 : i32
      %dma_start3A_1387 = tpu.memref_slice %arg4[%add3A_1377, %dma_start3A_1385, %dma_start3A_1386] : memref<16384x50x64xf32, #tpu.memory_space<hbm>> -> memref<1x50x64xf32, #tpu.memory_space<hbm>>
      %dma_start3A_1388 = tpu.memref_squeeze %dma_start3A_1387 : memref<1x50x64xf32, #tpu.memory_space<hbm>> -> memref<50x64xf32, #tpu.memory_space<hbm>>
      %dma_start3A_1389 = arith.constant 0 : i32
      %dma_start3A_1390 = arith.constant 0 : i32
      %dma_start3A_1391 = tpu.memref_slice %arg7[%dma_start3A_1389, %dma_start3A_1390] : memref<800x64xf32, #tpu.memory_space<vmem>> -> memref<50x64xf32, #tpu.memory_space<vmem>>
      tpu.enqueue_dma source(%dma_start3A_1391 : memref<50x64xf32, #tpu.memory_space<vmem>>) target(%dma_start3A_1388 : memref<50x64xf32, #tpu.memory_space<hbm>>) target_semaphore(%arg12 : memref<!tpu.dma_semaphore, #tpu.memory_space<semaphore_mem>>)
      %add3A_1392 = arith.constant 1 : i32
      %add3A_1393 = arith.addi %select_n3A_1375, %add3A_1392 : i32
      %dma_start3A_1394 = arith.constant 50 : i32
      %dma_start3A_1395 = arith.constant 0 : i32
      %dma_start3A_1396 = tpu.memref_slice %arg7[%dma_start3A_1394, %dma_start3A_1395] : memref<800x64xf32, #tpu.memory_space<vmem>> -> memref<50x64xf32, #tpu.memory_space<vmem>>
      %dma_start3A_1397 = arith.constant 0 : i32
      %dma_start3A_1398 = arith.constant 0 : i32
      %dma_start3A_1399 = tpu.memref_slice %arg4[%add3A_1393, %dma_start3A_1397, %dma_start3A_1398] : memref<16384x50x64xf32, #tpu.memory_space<hbm>> -> memref<1x50x64xf32, #tpu.memory_space<hbm>>
      %dma_start3A_1400 = tpu.memref_squeeze %dma_start3A_1399 : memref<1x50x64xf32, #tpu.memory_space<hbm>> -> memref<50x64xf32, #tpu.memory_space<hbm>>
      %dma_start3A_1401 = arith.constant 0 : i32
      %dma_start3A_1402 = arith.constant 0 : i32
      %dma_start3A_1403 = tpu.memref_slice %arg4[%add3A_1393, %dma_start3A_1401, %dma_start3A_1402] : memref<16384x50x64xf32, #tpu.memory_space<hbm>> -> memref<1x50x64xf32, #tpu.memory_space<hbm>>
      %dma_start3A_1404 = tpu.memref_squeeze %dma_start3A_1403 : memref<1x50x64xf32, #tpu.memory_space<hbm>> -> memref<50x64xf32, #tpu.memory_space<hbm>>
      %dma_start3A_1405 = arith.constant 50 : i32
      %dma_start3A_1406 = arith.constant 0 : i32
      %dma_start3A_1407 = tpu.memref_slice %arg7[%dma_start3A_1405, %dma_start3A_1406] : memref<800x64xf32, #tpu.memory_space<vmem>> -> memref<50x64xf32, #tpu.memory_space<vmem>>
      tpu.enqueue_dma source(%dma_start3A_1407 : memref<50x64xf32, #tpu.memory_space<vmem>>) target(%dma_start3A_1404 : memref<50x64xf32, #tpu.memory_space<hbm>>) target_semaphore(%arg12 : memref<!tpu.dma_semaphore, #tpu.memory_space<semaphore_mem>>)
      %add3A_1408 = arith.constant 2 : i32
      %add3A_1409 = arith.addi %select_n3A_1375, %add3A_1408 : i32
      %dma_start3A_1410 = arith.constant 100 : i32
      %dma_start3A_1411 = arith.constant 0 : i32
      %dma_start3A_1412 = tpu.memref_slice %arg7[%dma_start3A_1410, %dma_start3A_1411] : memref<800x64xf32, #tpu.memory_space<vmem>> -> memref<50x64xf32, #tpu.memory_space<vmem>>
      %dma_start3A_1413 = arith.constant 0 : i32
      %dma_start3A_1414 = arith.constant 0 : i32
      %dma_start3A_1415 = tpu.memref_slice %arg4[%add3A_1409, %dma_start3A_1413, %dma_start3A_1414] : memref<16384x50x64xf32, #tpu.memory_space<hbm>> -> memref<1x50x64xf32, #tpu.memory_space<hbm>>
      %dma_start3A_1416 = tpu.memref_squeeze %dma_start3A_1415 : memref<1x50x64xf32, #tpu.memory_space<hbm>> -> memref<50x64xf32, #tpu.memory_space<hbm>>
      %dma_start3A_1417 = arith.constant 0 : i32
      %dma_start3A_1418 = arith.constant 0 : i32
      %dma_start3A_1419 = tpu.memref_slice %arg4[%add3A_1409, %dma_start3A_1417, %dma_start3A_1418] : memref<16384x50x64xf32, #tpu.memory_space<hbm>> -> memref<1x50x64xf32, #tpu.memory_space<hbm>>
      %dma_start3A_1420 = tpu.memref_squeeze %dma_start3A_1419 : memref<1x50x64xf32, #tpu.memory_space<hbm>> -> memref<50x64xf32, #tpu.memory_space<hbm>>
      %dma_start3A_1421 = arith.constant 100 : i32
      %dma_start3A_1422 = arith.constant 0 : i32
      %dma_start3A_1423 = tpu.memref_slice %arg7[%dma_start3A_1421, %dma_start3A_1422] : memref<800x64xf32, #tpu.memory_space<vmem>> -> memref<50x64xf32, #tpu.memory_space<vmem>>
      tpu.enqueue_dma source(%dma_start3A_1423 : memref<50x64xf32, #tpu.memory_space<vmem>>) target(%dma_start3A_1420 : memref<50x64xf32, #tpu.memory_space<hbm>>) target_semaphore(%arg12 : memref<!tpu.dma_semaphore, #tpu.memory_space<semaphore_mem>>)
      %add3A_1424 = arith.constant 3 : i32
      %add3A_1425 = arith.addi %select_n3A_1375, %add3A_1424 : i32
      %dma_start3A_1426 = arith.constant 150 : i32
      %dma_start3A_1427 = arith.constant 0 : i32
      %dma_start3A_1428 = tpu.memref_slice %arg7[%dma_start3A_1426, %dma_start3A_1427] : memref<800x64xf32, #tpu.memory_space<vmem>> -> memref<50x64xf32, #tpu.memory_space<vmem>>
      %dma_start3A_1429 = arith.constant 0 : i32
      %dma_start3A_1430 = arith.constant 0 : i32
      %dma_start3A_1431 = tpu.memref_slice %arg4[%add3A_1425, %dma_start3A_1429, %dma_start3A_1430] : memref<16384x50x64xf32, #tpu.memory_space<hbm>> -> memref<1x50x64xf32, #tpu.memory_space<hbm>>
      %dma_start3A_1432 = tpu.memref_squeeze %dma_start3A_1431 : memref<1x50x64xf32, #tpu.memory_space<hbm>> -> memref<50x64xf32, #tpu.memory_space<hbm>>
      %dma_start3A_1433 = arith.constant 0 : i32
      %dma_start3A_1434 = arith.constant 0 : i32
      %dma_start3A_1435 = tpu.memref_slice %arg4[%add3A_1425, %dma_start3A_1433, %dma_start3A_1434] : memref<16384x50x64xf32, #tpu.memory_space<hbm>> -> memref<1x50x64xf32, #tpu.memory_space<hbm>>
      %dma_start3A_1436 = tpu.memref_squeeze %dma_start3A_1435 : memref<1x50x64xf32, #tpu.memory_space<hbm>> -> memref<50x64xf32, #tpu.memory_space<hbm>>
      %dma_start3A_1437 = arith.constant 150 : i32
      %dma_start3A_1438 = arith.constant 0 : i32
      %dma_start3A_1439 = tpu.memref_slice %arg7[%dma_start3A_1437, %dma_start3A_1438] : memref<800x64xf32, #tpu.memory_space<vmem>> -> memref<50x64xf32, #tpu.memory_space<vmem>>
      tpu.enqueue_dma source(%dma_start3A_1439 : memref<50x64xf32, #tpu.memory_space<vmem>>) target(%dma_start3A_1436 : memref<50x64xf32, #tpu.memory_space<hbm>>) target_semaphore(%arg12 : memref<!tpu.dma_semaphore, #tpu.memory_space<semaphore_mem>>)
      %add3A_1440 = arith.constant 4 : i32
      %add3A_1441 = arith.addi %select_n3A_1375, %add3A_1440 : i32
      %dma_start3A_1442 = arith.constant 200 : i32
      %dma_start3A_1443 = arith.constant 0 : i32
      %dma_start3A_1444 = tpu.memref_slice %arg7[%dma_start3A_1442, %dma_start3A_1443] : memref<800x64xf32, #tpu.memory_space<vmem>> -> memref<50x64xf32, #tpu.memory_space<vmem>>
      %dma_start3A_1445 = arith.constant 0 : i32
      %dma_start3A_1446 = arith.constant 0 : i32
      %dma_start3A_1447 = tpu.memref_slice %arg4[%add3A_1441, %dma_start3A_1445, %dma_start3A_1446] : memref<16384x50x64xf32, #tpu.memory_space<hbm>> -> memref<1x50x64xf32, #tpu.memory_space<hbm>>
      %dma_start3A_1448 = tpu.memref_squeeze %dma_start3A_1447 : memref<1x50x64xf32, #tpu.memory_space<hbm>> -> memref<50x64xf32, #tpu.memory_space<hbm>>
      %dma_start3A_1449 = arith.constant 0 : i32
      %dma_start3A_1450 = arith.constant 0 : i32
      %dma_start3A_1451 = tpu.memref_slice %arg4[%add3A_1441, %dma_start3A_1449, %dma_start3A_1450] : memref<16384x50x64xf32, #tpu.memory_space<hbm>> -> memref<1x50x64xf32, #tpu.memory_space<hbm>>
      %dma_start3A_1452 = tpu.memref_squeeze %dma_start3A_1451 : memref<1x50x64xf32, #tpu.memory_space<hbm>> -> memref<50x64xf32, #tpu.memory_space<hbm>>
      %dma_start3A_1453 = arith.constant 200 : i32
      %dma_start3A_1454 = arith.constant 0 : i32
      %dma_start3A_1455 = tpu.memref_slice %arg7[%dma_start3A_1453, %dma_start3A_1454] : memref<800x64xf32, #tpu.memory_space<vmem>> -> memref<50x64xf32, #tpu.memory_space<vmem>>
      tpu.enqueue_dma source(%dma_start3A_1455 : memref<50x64xf32, #tpu.memory_space<vmem>>) target(%dma_start3A_1452 : memref<50x64xf32, #tpu.memory_space<hbm>>) target_semaphore(%arg12 : memref<!tpu.dma_semaphore, #tpu.memory_space<semaphore_mem>>)
      %add3A_1456 = arith.constant 5 : i32
      %add3A_1457 = arith.addi %select_n3A_1375, %add3A_1456 : i32
      %dma_start3A_1458 = arith.constant 250 : i32
      %dma_start3A_1459 = arith.constant 0 : i32
      %dma_start3A_1460 = tpu.memref_slice %arg7[%dma_start3A_1458, %dma_start3A_1459] : memref<800x64xf32, #tpu.memory_space<vmem>> -> memref<50x64xf32, #tpu.memory_space<vmem>>
      %dma_start3A_1461 = arith.constant 0 : i32
      %dma_start3A_1462 = arith.constant 0 : i32
      %dma_start3A_1463 = tpu.memref_slice %arg4[%add3A_1457, %dma_start3A_1461, %dma_start3A_1462] : memref<16384x50x64xf32, #tpu.memory_space<hbm>> -> memref<1x50x64xf32, #tpu.memory_space<hbm>>
      %dma_start3A_1464 = tpu.memref_squeeze %dma_start3A_1463 : memref<1x50x64xf32, #tpu.memory_space<hbm>> -> memref<50x64xf32, #tpu.memory_space<hbm>>
      %dma_start3A_1465 = arith.constant 0 : i32
      %dma_start3A_1466 = arith.constant 0 : i32
      %dma_start3A_1467 = tpu.memref_slice %arg4[%add3A_1457, %dma_start3A_1465, %dma_start3A_1466] : memref<16384x50x64xf32, #tpu.memory_space<hbm>> -> memref<1x50x64xf32, #tpu.memory_space<hbm>>
      %dma_start3A_1468 = tpu.memref_squeeze %dma_start3A_1467 : memref<1x50x64xf32, #tpu.memory_space<hbm>> -> memref<50x64xf32, #tpu.memory_space<hbm>>
      %dma_start3A_1469 = arith.constant 250 : i32
      %dma_start3A_1470 = arith.constant 0 : i32
      %dma_start3A_1471 = tpu.memref_slice %arg7[%dma_start3A_1469, %dma_start3A_1470] : memref<800x64xf32, #tpu.memory_space<vmem>> -> memref<50x64xf32, #tpu.memory_space<vmem>>
      tpu.enqueue_dma source(%dma_start3A_1471 : memref<50x64xf32, #tpu.memory_space<vmem>>) target(%dma_start3A_1468 : memref<50x64xf32, #tpu.memory_space<hbm>>) target_semaphore(%arg12 : memref<!tpu.dma_semaphore, #tpu.memory_space<semaphore_mem>>)
      %add3A_1472 = arith.constant 6 : i32
      %add3A_1473 = arith.addi %select_n3A_1375, %add3A_1472 : i32
      %dma_start3A_1474 = arith.constant 300 : i32
      %dma_start3A_1475 = arith.constant 0 : i32
      %dma_start3A_1476 = tpu.memref_slice %arg7[%dma_start3A_1474, %dma_start3A_1475] : memref<800x64xf32, #tpu.memory_space<vmem>> -> memref<50x64xf32, #tpu.memory_space<vmem>>
      %dma_start3A_1477 = arith.constant 0 : i32
      %dma_start3A_1478 = arith.constant 0 : i32
      %dma_start3A_1479 = tpu.memref_slice %arg4[%add3A_1473, %dma_start3A_1477, %dma_start3A_1478] : memref<16384x50x64xf32, #tpu.memory_space<hbm>> -> memref<1x50x64xf32, #tpu.memory_space<hbm>>
      %dma_start3A_1480 = tpu.memref_squeeze %dma_start3A_1479 : memref<1x50x64xf32, #tpu.memory_space<hbm>> -> memref<50x64xf32, #tpu.memory_space<hbm>>
      %dma_start3A_1481 = arith.constant 0 : i32
      %dma_start3A_1482 = arith.constant 0 : i32
      %dma_start3A_1483 = tpu.memref_slice %arg4[%add3A_1473, %dma_start3A_1481, %dma_start3A_1482] : memref<16384x50x64xf32, #tpu.memory_space<hbm>> -> memref<1x50x64xf32, #tpu.memory_space<hbm>>
      %dma_start3A_1484 = tpu.memref_squeeze %dma_start3A_1483 : memref<1x50x64xf32, #tpu.memory_space<hbm>> -> memref<50x64xf32, #tpu.memory_space<hbm>>
      %dma_start3A_1485 = arith.constant 300 : i32
      %dma_start3A_1486 = arith.constant 0 : i32
      %dma_start3A_1487 = tpu.memref_slice %arg7[%dma_start3A_1485, %dma_start3A_1486] : memref<800x64xf32, #tpu.memory_space<vmem>> -> memref<50x64xf32, #tpu.memory_space<vmem>>
      tpu.enqueue_dma source(%dma_start3A_1487 : memref<50x64xf32, #tpu.memory_space<vmem>>) target(%dma_start3A_1484 : memref<50x64xf32, #tpu.memory_space<hbm>>) target_semaphore(%arg12 : memref<!tpu.dma_semaphore, #tpu.memory_space<semaphore_mem>>)
      %add3A_1488 = arith.constant 7 : i32
      %add3A_1489 = arith.addi %select_n3A_1375, %add3A_1488 : i32
      %dma_start3A_1490 = arith.constant 350 : i32
      %dma_start3A_1491 = arith.constant 0 : i32
      %dma_start3A_1492 = tpu.memref_slice %arg7[%dma_start3A_1490, %dma_start3A_1491] : memref<800x64xf32, #tpu.memory_space<vmem>> -> memref<50x64xf32, #tpu.memory_space<vmem>>
      %dma_start3A_1493 = arith.constant 0 : i32
      %dma_start3A_1494 = arith.constant 0 : i32
      %dma_start3A_1495 = tpu.memref_slice %arg4[%add3A_1489, %dma_start3A_1493, %dma_start3A_1494] : memref<16384x50x64xf32, #tpu.memory_space<hbm>> -> memref<1x50x64xf32, #tpu.memory_space<hbm>>
      %dma_start3A_1496 = tpu.memref_squeeze %dma_start3A_1495 : memref<1x50x64xf32, #tpu.memory_space<hbm>> -> memref<50x64xf32, #tpu.memory_space<hbm>>
      %dma_start3A_1497 = arith.constant 0 : i32
      %dma_start3A_1498 = arith.constant 0 : i32
      %dma_start3A_1499 = tpu.memref_slice %arg4[%add3A_1489, %dma_start3A_1497, %dma_start3A_1498] : memref<16384x50x64xf32, #tpu.memory_space<hbm>> -> memref<1x50x64xf32, #tpu.memory_space<hbm>>
      %dma_start3A_1500 = tpu.memref_squeeze %dma_start3A_1499 : memref<1x50x64xf32, #tpu.memory_space<hbm>> -> memref<50x64xf32, #tpu.memory_space<hbm>>
      %dma_start3A_1501 = arith.constant 350 : i32
      %dma_start3A_1502 = arith.constant 0 : i32
      %dma_start3A_1503 = tpu.memref_slice %arg7[%dma_start3A_1501, %dma_start3A_1502] : memref<800x64xf32, #tpu.memory_space<vmem>> -> memref<50x64xf32, #tpu.memory_space<vmem>>
      tpu.enqueue_dma source(%dma_start3A_1503 : memref<50x64xf32, #tpu.memory_space<vmem>>) target(%dma_start3A_1500 : memref<50x64xf32, #tpu.memory_space<hbm>>) target_semaphore(%arg12 : memref<!tpu.dma_semaphore, #tpu.memory_space<semaphore_mem>>)
      %add3A_1504 = arith.constant 8 : i32
      %add3A_1505 = arith.addi %select_n3A_1375, %add3A_1504 : i32
      %dma_start3A_1506 = arith.constant 400 : i32
      %dma_start3A_1507 = arith.constant 0 : i32
      %dma_start3A_1508 = tpu.memref_slice %arg7[%dma_start3A_1506, %dma_start3A_1507] : memref<800x64xf32, #tpu.memory_space<vmem>> -> memref<50x64xf32, #tpu.memory_space<vmem>>
      %dma_start3A_1509 = arith.constant 0 : i32
      %dma_start3A_1510 = arith.constant 0 : i32
      %dma_start3A_1511 = tpu.memref_slice %arg4[%add3A_1505, %dma_start3A_1509, %dma_start3A_1510] : memref<16384x50x64xf32, #tpu.memory_space<hbm>> -> memref<1x50x64xf32, #tpu.memory_space<hbm>>
      %dma_start3A_1512 = tpu.memref_squeeze %dma_start3A_1511 : memref<1x50x64xf32, #tpu.memory_space<hbm>> -> memref<50x64xf32, #tpu.memory_space<hbm>>
      %dma_start3A_1513 = arith.constant 0 : i32
      %dma_start3A_1514 = arith.constant 0 : i32
      %dma_start3A_1515 = tpu.memref_slice %arg4[%add3A_1505, %dma_start3A_1513, %dma_start3A_1514] : memref<16384x50x64xf32, #tpu.memory_space<hbm>> -> memref<1x50x64xf32, #tpu.memory_space<hbm>>
      %dma_start3A_1516 = tpu.memref_squeeze %dma_start3A_1515 : memref<1x50x64xf32, #tpu.memory_space<hbm>> -> memref<50x64xf32, #tpu.memory_space<hbm>>
      %dma_start3A_1517 = arith.constant 400 : i32
      %dma_start3A_1518 = arith.constant 0 : i32
      %dma_start3A_1519 = tpu.memref_slice %arg7[%dma_start3A_1517, %dma_start3A_1518] : memref<800x64xf32, #tpu.memory_space<vmem>> -> memref<50x64xf32, #tpu.memory_space<vmem>>
      tpu.enqueue_dma source(%dma_start3A_1519 : memref<50x64xf32, #tpu.memory_space<vmem>>) target(%dma_start3A_1516 : memref<50x64xf32, #tpu.memory_space<hbm>>) target_semaphore(%arg12 : memref<!tpu.dma_semaphore, #tpu.memory_space<semaphore_mem>>)
      %add3A_1520 = arith.constant 9 : i32
      %add3A_1521 = arith.addi %select_n3A_1375, %add3A_1520 : i32
      %dma_start3A_1522 = arith.constant 450 : i32
      %dma_start3A_1523 = arith.constant 0 : i32
      %dma_start3A_1524 = tpu.memref_slice %arg7[%dma_start3A_1522, %dma_start3A_1523] : memref<800x64xf32, #tpu.memory_space<vmem>> -> memref<50x64xf32, #tpu.memory_space<vmem>>
      %dma_start3A_1525 = arith.constant 0 : i32
      %dma_start3A_1526 = arith.constant 0 : i32
      %dma_start3A_1527 = tpu.memref_slice %arg4[%add3A_1521, %dma_start3A_1525, %dma_start3A_1526] : memref<16384x50x64xf32, #tpu.memory_space<hbm>> -> memref<1x50x64xf32, #tpu.memory_space<hbm>>
      %dma_start3A_1528 = tpu.memref_squeeze %dma_start3A_1527 : memref<1x50x64xf32, #tpu.memory_space<hbm>> -> memref<50x64xf32, #tpu.memory_space<hbm>>
      %dma_start3A_1529 = arith.constant 0 : i32
      %dma_start3A_1530 = arith.constant 0 : i32
      %dma_start3A_1531 = tpu.memref_slice %arg4[%add3A_1521, %dma_start3A_1529, %dma_start3A_1530] : memref<16384x50x64xf32, #tpu.memory_space<hbm>> -> memref<1x50x64xf32, #tpu.memory_space<hbm>>
      %dma_start3A_1532 = tpu.memref_squeeze %dma_start3A_1531 : memref<1x50x64xf32, #tpu.memory_space<hbm>> -> memref<50x64xf32, #tpu.memory_space<hbm>>
      %dma_start3A_1533 = arith.constant 450 : i32
      %dma_start3A_1534 = arith.constant 0 : i32
      %dma_start3A_1535 = tpu.memref_slice %arg7[%dma_start3A_1533, %dma_start3A_1534] : memref<800x64xf32, #tpu.memory_space<vmem>> -> memref<50x64xf32, #tpu.memory_space<vmem>>
      tpu.enqueue_dma source(%dma_start3A_1535 : memref<50x64xf32, #tpu.memory_space<vmem>>) target(%dma_start3A_1532 : memref<50x64xf32, #tpu.memory_space<hbm>>) target_semaphore(%arg12 : memref<!tpu.dma_semaphore, #tpu.memory_space<semaphore_mem>>)
      %add3A_1536 = arith.constant 10 : i32
      %add3A_1537 = arith.addi %select_n3A_1375, %add3A_1536 : i32
      %dma_start3A_1538 = arith.constant 500 : i32
      %dma_start3A_1539 = arith.constant 0 : i32
      %dma_start3A_1540 = tpu.memref_slice %arg7[%dma_start3A_1538, %dma_start3A_1539] : memref<800x64xf32, #tpu.memory_space<vmem>> -> memref<50x64xf32, #tpu.memory_space<vmem>>
      %dma_start3A_1541 = arith.constant 0 : i32
      %dma_start3A_1542 = arith.constant 0 : i32
      %dma_start3A_1543 = tpu.memref_slice %arg4[%add3A_1537, %dma_start3A_1541, %dma_start3A_1542] : memref<16384x50x64xf32, #tpu.memory_space<hbm>> -> memref<1x50x64xf32, #tpu.memory_space<hbm>>
      %dma_start3A_1544 = tpu.memref_squeeze %dma_start3A_1543 : memref<1x50x64xf32, #tpu.memory_space<hbm>> -> memref<50x64xf32, #tpu.memory_space<hbm>>
      %dma_start3A_1545 = arith.constant 0 : i32
      %dma_start3A_1546 = arith.constant 0 : i32
      %dma_start3A_1547 = tpu.memref_slice %arg4[%add3A_1537, %dma_start3A_1545, %dma_start3A_1546] : memref<16384x50x64xf32, #tpu.memory_space<hbm>> -> memref<1x50x64xf32, #tpu.memory_space<hbm>>
      %dma_start3A_1548 = tpu.memref_squeeze %dma_start3A_1547 : memref<1x50x64xf32, #tpu.memory_space<hbm>> -> memref<50x64xf32, #tpu.memory_space<hbm>>
      %dma_start3A_1549 = arith.constant 500 : i32
      %dma_start3A_1550 = arith.constant 0 : i32
      %dma_start3A_1551 = tpu.memref_slice %arg7[%dma_start3A_1549, %dma_start3A_1550] : memref<800x64xf32, #tpu.memory_space<vmem>> -> memref<50x64xf32, #tpu.memory_space<vmem>>
      tpu.enqueue_dma source(%dma_start3A_1551 : memref<50x64xf32, #tpu.memory_space<vmem>>) target(%dma_start3A_1548 : memref<50x64xf32, #tpu.memory_space<hbm>>) target_semaphore(%arg12 : memref<!tpu.dma_semaphore, #tpu.memory_space<semaphore_mem>>)
      %add3A_1552 = arith.constant 11 : i32
      %add3A_1553 = arith.addi %select_n3A_1375, %add3A_1552 : i32
      %dma_start3A_1554 = arith.constant 550 : i32
      %dma_start3A_1555 = arith.constant 0 : i32
      %dma_start3A_1556 = tpu.memref_slice %arg7[%dma_start3A_1554, %dma_start3A_1555] : memref<800x64xf32, #tpu.memory_space<vmem>> -> memref<50x64xf32, #tpu.memory_space<vmem>>
      %dma_start3A_1557 = arith.constant 0 : i32
      %dma_start3A_1558 = arith.constant 0 : i32
      %dma_start3A_1559 = tpu.memref_slice %arg4[%add3A_1553, %dma_start3A_1557, %dma_start3A_1558] : memref<16384x50x64xf32, #tpu.memory_space<hbm>> -> memref<1x50x64xf32, #tpu.memory_space<hbm>>
      %dma_start3A_1560 = tpu.memref_squeeze %dma_start3A_1559 : memref<1x50x64xf32, #tpu.memory_space<hbm>> -> memref<50x64xf32, #tpu.memory_space<hbm>>
      %dma_start3A_1561 = arith.constant 0 : i32
      %dma_start3A_1562 = arith.constant 0 : i32
      %dma_start3A_1563 = tpu.memref_slice %arg4[%add3A_1553, %dma_start3A_1561, %dma_start3A_1562] : memref<16384x50x64xf32, #tpu.memory_space<hbm>> -> memref<1x50x64xf32, #tpu.memory_space<hbm>>
      %dma_start3A_1564 = tpu.memref_squeeze %dma_start3A_1563 : memref<1x50x64xf32, #tpu.memory_space<hbm>> -> memref<50x64xf32, #tpu.memory_space<hbm>>
      %dma_start3A_1565 = arith.constant 550 : i32
      %dma_start3A_1566 = arith.constant 0 : i32
      %dma_start3A_1567 = tpu.memref_slice %arg7[%dma_start3A_1565, %dma_start3A_1566] : memref<800x64xf32, #tpu.memory_space<vmem>> -> memref<50x64xf32, #tpu.memory_space<vmem>>
      tpu.enqueue_dma source(%dma_start3A_1567 : memref<50x64xf32, #tpu.memory_space<vmem>>) target(%dma_start3A_1564 : memref<50x64xf32, #tpu.memory_space<hbm>>) target_semaphore(%arg12 : memref<!tpu.dma_semaphore, #tpu.memory_space<semaphore_mem>>)
      %add3A_1568 = arith.constant 12 : i32
      %add3A_1569 = arith.addi %select_n3A_1375, %add3A_1568 : i32
      %dma_start3A_1570 = arith.constant 600 : i32
      %dma_start3A_1571 = arith.constant 0 : i32
      %dma_start3A_1572 = tpu.memref_slice %arg7[%dma_start3A_1570, %dma_start3A_1571] : memref<800x64xf32, #tpu.memory_space<vmem>> -> memref<50x64xf32, #tpu.memory_space<vmem>>
      %dma_start3A_1573 = arith.constant 0 : i32
      %dma_start3A_1574 = arith.constant 0 : i32
      %dma_start3A_1575 = tpu.memref_slice %arg4[%add3A_1569, %dma_start3A_1573, %dma_start3A_1574] : memref<16384x50x64xf32, #tpu.memory_space<hbm>> -> memref<1x50x64xf32, #tpu.memory_space<hbm>>
      %dma_start3A_1576 = tpu.memref_squeeze %dma_start3A_1575 : memref<1x50x64xf32, #tpu.memory_space<hbm>> -> memref<50x64xf32, #tpu.memory_space<hbm>>
      %dma_start3A_1577 = arith.constant 0 : i32
      %dma_start3A_1578 = arith.constant 0 : i32
      %dma_start3A_1579 = tpu.memref_slice %arg4[%add3A_1569, %dma_start3A_1577, %dma_start3A_1578] : memref<16384x50x64xf32, #tpu.memory_space<hbm>> -> memref<1x50x64xf32, #tpu.memory_space<hbm>>
      %dma_start3A_1580 = tpu.memref_squeeze %dma_start3A_1579 : memref<1x50x64xf32, #tpu.memory_space<hbm>> -> memref<50x64xf32, #tpu.memory_space<hbm>>
      %dma_start3A_1581 = arith.constant 600 : i32
      %dma_start3A_1582 = arith.constant 0 : i32
      %dma_start3A_1583 = tpu.memref_slice %arg7[%dma_start3A_1581, %dma_start3A_1582] : memref<800x64xf32, #tpu.memory_space<vmem>> -> memref<50x64xf32, #tpu.memory_space<vmem>>
      tpu.enqueue_dma source(%dma_start3A_1583 : memref<50x64xf32, #tpu.memory_space<vmem>>) target(%dma_start3A_1580 : memref<50x64xf32, #tpu.memory_space<hbm>>) target_semaphore(%arg12 : memref<!tpu.dma_semaphore, #tpu.memory_space<semaphore_mem>>)
      %add3A_1584 = arith.constant 13 : i32
      %add3A_1585 = arith.addi %select_n3A_1375, %add3A_1584 : i32
      %dma_start3A_1586 = arith.constant 650 : i32
      %dma_start3A_1587 = arith.constant 0 : i32
      %dma_start3A_1588 = tpu.memref_slice %arg7[%dma_start3A_1586, %dma_start3A_1587] : memref<800x64xf32, #tpu.memory_space<vmem>> -> memref<50x64xf32, #tpu.memory_space<vmem>>
      %dma_start3A_1589 = arith.constant 0 : i32
      %dma_start3A_1590 = arith.constant 0 : i32
      %dma_start3A_1591 = tpu.memref_slice %arg4[%add3A_1585, %dma_start3A_1589, %dma_start3A_1590] : memref<16384x50x64xf32, #tpu.memory_space<hbm>> -> memref<1x50x64xf32, #tpu.memory_space<hbm>>
      %dma_start3A_1592 = tpu.memref_squeeze %dma_start3A_1591 : memref<1x50x64xf32, #tpu.memory_space<hbm>> -> memref<50x64xf32, #tpu.memory_space<hbm>>
      %dma_start3A_1593 = arith.constant 0 : i32
      %dma_start3A_1594 = arith.constant 0 : i32
      %dma_start3A_1595 = tpu.memref_slice %arg4[%add3A_1585, %dma_start3A_1593, %dma_start3A_1594] : memref<16384x50x64xf32, #tpu.memory_space<hbm>> -> memref<1x50x64xf32, #tpu.memory_space<hbm>>
      %dma_start3A_1596 = tpu.memref_squeeze %dma_start3A_1595 : memref<1x50x64xf32, #tpu.memory_space<hbm>> -> memref<50x64xf32, #tpu.memory_space<hbm>>
      %dma_start3A_1597 = arith.constant 650 : i32
      %dma_start3A_1598 = arith.constant 0 : i32
      %dma_start3A_1599 = tpu.memref_slice %arg7[%dma_start3A_1597, %dma_start3A_1598] : memref<800x64xf32, #tpu.memory_space<vmem>> -> memref<50x64xf32, #tpu.memory_space<vmem>>
      tpu.enqueue_dma source(%dma_start3A_1599 : memref<50x64xf32, #tpu.memory_space<vmem>>) target(%dma_start3A_1596 : memref<50x64xf32, #tpu.memory_space<hbm>>) target_semaphore(%arg12 : memref<!tpu.dma_semaphore, #tpu.memory_space<semaphore_mem>>)
      %add3A_1600 = arith.constant 14 : i32
      %add3A_1601 = arith.addi %select_n3A_1375, %add3A_1600 : i32
      %dma_start3A_1602 = arith.constant 700 : i32
      %dma_start3A_1603 = arith.constant 0 : i32
      %dma_start3A_1604 = tpu.memref_slice %arg7[%dma_start3A_1602, %dma_start3A_1603] : memref<800x64xf32, #tpu.memory_space<vmem>> -> memref<50x64xf32, #tpu.memory_space<vmem>>
      %dma_start3A_1605 = arith.constant 0 : i32
      %dma_start3A_1606 = arith.constant 0 : i32
      %dma_start3A_1607 = tpu.memref_slice %arg4[%add3A_1601, %dma_start3A_1605, %dma_start3A_1606] : memref<16384x50x64xf32, #tpu.memory_space<hbm>> -> memref<1x50x64xf32, #tpu.memory_space<hbm>>
      %dma_start3A_1608 = tpu.memref_squeeze %dma_start3A_1607 : memref<1x50x64xf32, #tpu.memory_space<hbm>> -> memref<50x64xf32, #tpu.memory_space<hbm>>
      %dma_start3A_1609 = arith.constant 0 : i32
      %dma_start3A_1610 = arith.constant 0 : i32
      %dma_start3A_1611 = tpu.memref_slice %arg4[%add3A_1601, %dma_start3A_1609, %dma_start3A_1610] : memref<16384x50x64xf32, #tpu.memory_space<hbm>> -> memref<1x50x64xf32, #tpu.memory_space<hbm>>
      %dma_start3A_1612 = tpu.memref_squeeze %dma_start3A_1611 : memref<1x50x64xf32, #tpu.memory_space<hbm>> -> memref<50x64xf32, #tpu.memory_space<hbm>>
      %dma_start3A_1613 = arith.constant 700 : i32
      %dma_start3A_1614 = arith.constant 0 : i32
      %dma_start3A_1615 = tpu.memref_slice %arg7[%dma_start3A_1613, %dma_start3A_1614] : memref<800x64xf32, #tpu.memory_space<vmem>> -> memref<50x64xf32, #tpu.memory_space<vmem>>
      tpu.enqueue_dma source(%dma_start3A_1615 : memref<50x64xf32, #tpu.memory_space<vmem>>) target(%dma_start3A_1612 : memref<50x64xf32, #tpu.memory_space<hbm>>) target_semaphore(%arg12 : memref<!tpu.dma_semaphore, #tpu.memory_space<semaphore_mem>>)
      %add3A_1616 = arith.constant 15 : i32
      %add3A_1617 = arith.addi %select_n3A_1375, %add3A_1616 : i32
      %dma_start3A_1618 = arith.constant 750 : i32
      %dma_start3A_1619 = arith.constant 0 : i32
      %dma_start3A_1620 = tpu.memref_slice %arg7[%dma_start3A_1618, %dma_start3A_1619] : memref<800x64xf32, #tpu.memory_space<vmem>> -> memref<50x64xf32, #tpu.memory_space<vmem>>
      %dma_start3A_1621 = arith.constant 0 : i32
      %dma_start3A_1622 = arith.constant 0 : i32
      %dma_start3A_1623 = tpu.memref_slice %arg4[%add3A_1617, %dma_start3A_1621, %dma_start3A_1622] : memref<16384x50x64xf32, #tpu.memory_space<hbm>> -> memref<1x50x64xf32, #tpu.memory_space<hbm>>
      %dma_start3A_1624 = tpu.memref_squeeze %dma_start3A_1623 : memref<1x50x64xf32, #tpu.memory_space<hbm>> -> memref<50x64xf32, #tpu.memory_space<hbm>>
      %dma_start3A_1625 = arith.constant 0 : i32
      %dma_start3A_1626 = arith.constant 0 : i32
      %dma_start3A_1627 = tpu.memref_slice %arg4[%add3A_1617, %dma_start3A_1625, %dma_start3A_1626] : memref<16384x50x64xf32, #tpu.memory_space<hbm>> -> memref<1x50x64xf32, #tpu.memory_space<hbm>>
      %dma_start3A_1628 = tpu.memref_squeeze %dma_start3A_1627 : memref<1x50x64xf32, #tpu.memory_space<hbm>> -> memref<50x64xf32, #tpu.memory_space<hbm>>
      %dma_start3A_1629 = arith.constant 750 : i32
      %dma_start3A_1630 = arith.constant 0 : i32
      %dma_start3A_1631 = tpu.memref_slice %arg7[%dma_start3A_1629, %dma_start3A_1630] : memref<800x64xf32, #tpu.memory_space<vmem>> -> memref<50x64xf32, #tpu.memory_space<vmem>>
      tpu.enqueue_dma source(%dma_start3A_1631 : memref<50x64xf32, #tpu.memory_space<vmem>>) target(%dma_start3A_1628 : memref<50x64xf32, #tpu.memory_space<hbm>>) target_semaphore(%arg12 : memref<!tpu.dma_semaphore, #tpu.memory_space<semaphore_mem>>)
      %mul3A_1632 = arith.constant 2 : i32
      %mul3A_1633 = arith.muli %mul3A_1632, %scan3A_1086 : i32
      %add3A_1634 = arith.constant 1 : i32
      %add3A_1635 = arith.addi %mul3A_1633, %add3A_1634 : i32
      %dma_wait3A_1636 = arith.constant 0 : i32
      %dma_wait3A_1637 = tpu.memref_slice %arg2[%dma_wait3A_1636] : memref<819200xi32, #tpu.memory_space<hbm>> -> memref<800xi32, #tpu.memory_space<hbm>>
      %dma_wait3A_1638 = arith.constant 0 : i32
      %dma_wait3A_1639 = tpu.memref_slice %arg2[%dma_wait3A_1638] : memref<819200xi32, #tpu.memory_space<hbm>> -> memref<800xi32, #tpu.memory_space<hbm>>
      tpu.wait_dma2 semaphore(%arg10 : memref<!tpu.dma_semaphore, #tpu.memory_space<semaphore_mem>>) src(%dma_wait3A_1639 : memref<800xi32, #tpu.memory_space<hbm>>) dst(%arg6 : memref<800xi32, #tpu.memory_space<vmem>>)
      %dma_wait3A_1640 = arith.constant 0 : i32
      %dma_wait3A_1641 = arith.constant 0 : i32
      %dma_wait3A_1642 = arith.constant 0 : i32
      %dma_wait3A_1643 = tpu.memref_slice %arg8[%dma_wait3A_1641, %dma_wait3A_1642] : memref<800x64xf32, #tpu.memory_space<vmem>> -> memref<50x64xf32, #tpu.memory_space<vmem>>
      %dma_wait3A_1644 = arith.constant 0 : i32
      %dma_wait3A_1645 = arith.constant 0 : i32
      %dma_wait3A_1646 = tpu.memref_slice %arg4[%dma_wait3A_1640, %dma_wait3A_1644, %dma_wait3A_1645] : memref<16384x50x64xf32, #tpu.memory_space<hbm>> -> memref<1x50x64xf32, #tpu.memory_space<hbm>>
      %dma_wait3A_1647 = tpu.memref_squeeze %dma_wait3A_1646 : memref<1x50x64xf32, #tpu.memory_space<hbm>> -> memref<50x64xf32, #tpu.memory_space<hbm>>
      %dma_wait3A_1648 = arith.constant 0 : i32
      %dma_wait3A_1649 = arith.constant 0 : i32
      %dma_wait3A_1650 = tpu.memref_slice %arg4[%dma_wait3A_1640, %dma_wait3A_1648, %dma_wait3A_1649] : memref<16384x50x64xf32, #tpu.memory_space<hbm>> -> memref<1x50x64xf32, #tpu.memory_space<hbm>>
      %dma_wait3A_1651 = tpu.memref_squeeze %dma_wait3A_1650 : memref<1x50x64xf32, #tpu.memory_space<hbm>> -> memref<50x64xf32, #tpu.memory_space<hbm>>
      %dma_wait3A_1652 = arith.constant 0 : i32
      %dma_wait3A_1653 = arith.constant 0 : i32
      %dma_wait3A_1654 = tpu.memref_slice %arg8[%dma_wait3A_1652, %dma_wait3A_1653] : memref<800x64xf32, #tpu.memory_space<vmem>> -> memref<50x64xf32, #tpu.memory_space<vmem>>
      tpu.wait_dma2 semaphore(%arg13 : memref<!tpu.dma_semaphore, #tpu.memory_space<semaphore_mem>>) src(%dma_wait3A_1654 : memref<50x64xf32, #tpu.memory_space<vmem>>) dst(%dma_wait3A_1651 : memref<50x64xf32, #tpu.memory_space<hbm>>)
      %dma_wait3A_1655 = arith.constant 0 : i32
      %dma_wait3A_1656 = arith.constant 0 : i32
      %dma_wait3A_1657 = arith.constant 0 : i32
      %dma_wait3A_1658 = tpu.memref_slice %arg8[%dma_wait3A_1656, %dma_wait3A_1657] : memref<800x64xf32, #tpu.memory_space<vmem>> -> memref<50x64xf32, #tpu.memory_space<vmem>>
      %dma_wait3A_1659 = arith.constant 0 : i32
      %dma_wait3A_1660 = arith.constant 0 : i32
      %dma_wait3A_1661 = tpu.memref_slice %arg4[%dma_wait3A_1655, %dma_wait3A_1659, %dma_wait3A_1660] : memref<16384x50x64xf32, #tpu.memory_space<hbm>> -> memref<1x50x64xf32, #tpu.memory_space<hbm>>
      %dma_wait3A_1662 = tpu.memref_squeeze %dma_wait3A_1661 : memref<1x50x64xf32, #tpu.memory_space<hbm>> -> memref<50x64xf32, #tpu.memory_space<hbm>>
      %dma_wait3A_1663 = arith.constant 0 : i32
      %dma_wait3A_1664 = arith.constant 0 : i32
      %dma_wait3A_1665 = tpu.memref_slice %arg4[%dma_wait3A_1655, %dma_wait3A_1663, %dma_wait3A_1664] : memref<16384x50x64xf32, #tpu.memory_space<hbm>> -> memref<1x50x64xf32, #tpu.memory_space<hbm>>
      %dma_wait3A_1666 = tpu.memref_squeeze %dma_wait3A_1665 : memref<1x50x64xf32, #tpu.memory_space<hbm>> -> memref<50x64xf32, #tpu.memory_space<hbm>>
      %dma_wait3A_1667 = arith.constant 0 : i32
      %dma_wait3A_1668 = arith.constant 0 : i32
      %dma_wait3A_1669 = tpu.memref_slice %arg8[%dma_wait3A_1667, %dma_wait3A_1668] : memref<800x64xf32, #tpu.memory_space<vmem>> -> memref<50x64xf32, #tpu.memory_space<vmem>>
      tpu.wait_dma2 semaphore(%arg13 : memref<!tpu.dma_semaphore, #tpu.memory_space<semaphore_mem>>) src(%dma_wait3A_1669 : memref<50x64xf32, #tpu.memory_space<vmem>>) dst(%dma_wait3A_1666 : memref<50x64xf32, #tpu.memory_space<hbm>>)
      %dma_wait3A_1670 = arith.constant 0 : i32
      %dma_wait3A_1671 = arith.constant 0 : i32
      %dma_wait3A_1672 = arith.constant 0 : i32
      %dma_wait3A_1673 = tpu.memref_slice %arg8[%dma_wait3A_1671, %dma_wait3A_1672] : memref<800x64xf32, #tpu.memory_space<vmem>> -> memref<50x64xf32, #tpu.memory_space<vmem>>
      %dma_wait3A_1674 = arith.constant 0 : i32
      %dma_wait3A_1675 = arith.constant 0 : i32
      %dma_wait3A_1676 = tpu.memref_slice %arg4[%dma_wait3A_1670, %dma_wait3A_1674, %dma_wait3A_1675] : memref<16384x50x64xf32, #tpu.memory_space<hbm>> -> memref<1x50x64xf32, #tpu.memory_space<hbm>>
      %dma_wait3A_1677 = tpu.memref_squeeze %dma_wait3A_1676 : memref<1x50x64xf32, #tpu.memory_space<hbm>> -> memref<50x64xf32, #tpu.memory_space<hbm>>
      %dma_wait3A_1678 = arith.constant 0 : i32
      %dma_wait3A_1679 = arith.constant 0 : i32
      %dma_wait3A_1680 = tpu.memref_slice %arg4[%dma_wait3A_1670, %dma_wait3A_1678, %dma_wait3A_1679] : memref<16384x50x64xf32, #tpu.memory_space<hbm>> -> memref<1x50x64xf32, #tpu.memory_space<hbm>>
      %dma_wait3A_1681 = tpu.memref_squeeze %dma_wait3A_1680 : memref<1x50x64xf32, #tpu.memory_space<hbm>> -> memref<50x64xf32, #tpu.memory_space<hbm>>
      %dma_wait3A_1682 = arith.constant 0 : i32
      %dma_wait3A_1683 = arith.constant 0 : i32
      %dma_wait3A_1684 = tpu.memref_slice %arg8[%dma_wait3A_1682, %dma_wait3A_1683] : memref<800x64xf32, #tpu.memory_space<vmem>> -> memref<50x64xf32, #tpu.memory_space<vmem>>
      tpu.wait_dma2 semaphore(%arg13 : memref<!tpu.dma_semaphore, #tpu.memory_space<semaphore_mem>>) src(%dma_wait3A_1684 : memref<50x64xf32, #tpu.memory_space<vmem>>) dst(%dma_wait3A_1681 : memref<50x64xf32, #tpu.memory_space<hbm>>)
      %dma_wait3A_1685 = arith.constant 0 : i32
      %dma_wait3A_1686 = arith.constant 0 : i32
      %dma_wait3A_1687 = arith.constant 0 : i32
      %dma_wait3A_1688 = tpu.memref_slice %arg8[%dma_wait3A_1686, %dma_wait3A_1687] : memref<800x64xf32, #tpu.memory_space<vmem>> -> memref<50x64xf32, #tpu.memory_space<vmem>>
      %dma_wait3A_1689 = arith.constant 0 : i32
      %dma_wait3A_1690 = arith.constant 0 : i32
      %dma_wait3A_1691 = tpu.memref_slice %arg4[%dma_wait3A_1685, %dma_wait3A_1689, %dma_wait3A_1690] : memref<16384x50x64xf32, #tpu.memory_space<hbm>> -> memref<1x50x64xf32, #tpu.memory_space<hbm>>
      %dma_wait3A_1692 = tpu.memref_squeeze %dma_wait3A_1691 : memref<1x50x64xf32, #tpu.memory_space<hbm>> -> memref<50x64xf32, #tpu.memory_space<hbm>>
      %dma_wait3A_1693 = arith.constant 0 : i32
      %dma_wait3A_1694 = arith.constant 0 : i32
      %dma_wait3A_1695 = tpu.memref_slice %arg4[%dma_wait3A_1685, %dma_wait3A_1693, %dma_wait3A_1694] : memref<16384x50x64xf32, #tpu.memory_space<hbm>> -> memref<1x50x64xf32, #tpu.memory_space<hbm>>
      %dma_wait3A_1696 = tpu.memref_squeeze %dma_wait3A_1695 : memref<1x50x64xf32, #tpu.memory_space<hbm>> -> memref<50x64xf32, #tpu.memory_space<hbm>>
      %dma_wait3A_1697 = arith.constant 0 : i32
      %dma_wait3A_1698 = arith.constant 0 : i32
      %dma_wait3A_1699 = tpu.memref_slice %arg8[%dma_wait3A_1697, %dma_wait3A_1698] : memref<800x64xf32, #tpu.memory_space<vmem>> -> memref<50x64xf32, #tpu.memory_space<vmem>>
      tpu.wait_dma2 semaphore(%arg13 : memref<!tpu.dma_semaphore, #tpu.memory_space<semaphore_mem>>) src(%dma_wait3A_1699 : memref<50x64xf32, #tpu.memory_space<vmem>>) dst(%dma_wait3A_1696 : memref<50x64xf32, #tpu.memory_space<hbm>>)
      %dma_wait3A_1700 = arith.constant 0 : i32
      %dma_wait3A_1701 = arith.constant 0 : i32
      %dma_wait3A_1702 = arith.constant 0 : i32
      %dma_wait3A_1703 = tpu.memref_slice %arg8[%dma_wait3A_1701, %dma_wait3A_1702] : memref<800x64xf32, #tpu.memory_space<vmem>> -> memref<50x64xf32, #tpu.memory_space<vmem>>
      %dma_wait3A_1704 = arith.constant 0 : i32
      %dma_wait3A_1705 = arith.constant 0 : i32
      %dma_wait3A_1706 = tpu.memref_slice %arg4[%dma_wait3A_1700, %dma_wait3A_1704, %dma_wait3A_1705] : memref<16384x50x64xf32, #tpu.memory_space<hbm>> -> memref<1x50x64xf32, #tpu.memory_space<hbm>>
      %dma_wait3A_1707 = tpu.memref_squeeze %dma_wait3A_1706 : memref<1x50x64xf32, #tpu.memory_space<hbm>> -> memref<50x64xf32, #tpu.memory_space<hbm>>
      %dma_wait3A_1708 = arith.constant 0 : i32
      %dma_wait3A_1709 = arith.constant 0 : i32
      %dma_wait3A_1710 = tpu.memref_slice %arg4[%dma_wait3A_1700, %dma_wait3A_1708, %dma_wait3A_1709] : memref<16384x50x64xf32, #tpu.memory_space<hbm>> -> memref<1x50x64xf32, #tpu.memory_space<hbm>>
      %dma_wait3A_1711 = tpu.memref_squeeze %dma_wait3A_1710 : memref<1x50x64xf32, #tpu.memory_space<hbm>> -> memref<50x64xf32, #tpu.memory_space<hbm>>
      %dma_wait3A_1712 = arith.constant 0 : i32
      %dma_wait3A_1713 = arith.constant 0 : i32
      %dma_wait3A_1714 = tpu.memref_slice %arg8[%dma_wait3A_1712, %dma_wait3A_1713] : memref<800x64xf32, #tpu.memory_space<vmem>> -> memref<50x64xf32, #tpu.memory_space<vmem>>
      tpu.wait_dma2 semaphore(%arg13 : memref<!tpu.dma_semaphore, #tpu.memory_space<semaphore_mem>>) src(%dma_wait3A_1714 : memref<50x64xf32, #tpu.memory_space<vmem>>) dst(%dma_wait3A_1711 : memref<50x64xf32, #tpu.memory_space<hbm>>)
      %dma_wait3A_1715 = arith.constant 0 : i32
      %dma_wait3A_1716 = arith.constant 0 : i32
      %dma_wait3A_1717 = arith.constant 0 : i32
      %dma_wait3A_1718 = tpu.memref_slice %arg8[%dma_wait3A_1716, %dma_wait3A_1717] : memref<800x64xf32, #tpu.memory_space<vmem>> -> memref<50x64xf32, #tpu.memory_space<vmem>>
      %dma_wait3A_1719 = arith.constant 0 : i32
      %dma_wait3A_1720 = arith.constant 0 : i32
      %dma_wait3A_1721 = tpu.memref_slice %arg4[%dma_wait3A_1715, %dma_wait3A_1719, %dma_wait3A_1720] : memref<16384x50x64xf32, #tpu.memory_space<hbm>> -> memref<1x50x64xf32, #tpu.memory_space<hbm>>
      %dma_wait3A_1722 = tpu.memref_squeeze %dma_wait3A_1721 : memref<1x50x64xf32, #tpu.memory_space<hbm>> -> memref<50x64xf32, #tpu.memory_space<hbm>>
      %dma_wait3A_1723 = arith.constant 0 : i32
      %dma_wait3A_1724 = arith.constant 0 : i32
      %dma_wait3A_1725 = tpu.memref_slice %arg4[%dma_wait3A_1715, %dma_wait3A_1723, %dma_wait3A_1724] : memref<16384x50x64xf32, #tpu.memory_space<hbm>> -> memref<1x50x64xf32, #tpu.memory_space<hbm>>
      %dma_wait3A_1726 = tpu.memref_squeeze %dma_wait3A_1725 : memref<1x50x64xf32, #tpu.memory_space<hbm>> -> memref<50x64xf32, #tpu.memory_space<hbm>>
      %dma_wait3A_1727 = arith.constant 0 : i32
      %dma_wait3A_1728 = arith.constant 0 : i32
      %dma_wait3A_1729 = tpu.memref_slice %arg8[%dma_wait3A_1727, %dma_wait3A_1728] : memref<800x64xf32, #tpu.memory_space<vmem>> -> memref<50x64xf32, #tpu.memory_space<vmem>>
      tpu.wait_dma2 semaphore(%arg13 : memref<!tpu.dma_semaphore, #tpu.memory_space<semaphore_mem>>) src(%dma_wait3A_1729 : memref<50x64xf32, #tpu.memory_space<vmem>>) dst(%dma_wait3A_1726 : memref<50x64xf32, #tpu.memory_space<hbm>>)
      %dma_wait3A_1730 = arith.constant 0 : i32
      %dma_wait3A_1731 = arith.constant 0 : i32
      %dma_wait3A_1732 = arith.constant 0 : i32
      %dma_wait3A_1733 = tpu.memref_slice %arg8[%dma_wait3A_1731, %dma_wait3A_1732] : memref<800x64xf32, #tpu.memory_space<vmem>> -> memref<50x64xf32, #tpu.memory_space<vmem>>
      %dma_wait3A_1734 = arith.constant 0 : i32
      %dma_wait3A_1735 = arith.constant 0 : i32
      %dma_wait3A_1736 = tpu.memref_slice %arg4[%dma_wait3A_1730, %dma_wait3A_1734, %dma_wait3A_1735] : memref<16384x50x64xf32, #tpu.memory_space<hbm>> -> memref<1x50x64xf32, #tpu.memory_space<hbm>>
      %dma_wait3A_1737 = tpu.memref_squeeze %dma_wait3A_1736 : memref<1x50x64xf32, #tpu.memory_space<hbm>> -> memref<50x64xf32, #tpu.memory_space<hbm>>
      %dma_wait3A_1738 = arith.constant 0 : i32
      %dma_wait3A_1739 = arith.constant 0 : i32
      %dma_wait3A_1740 = tpu.memref_slice %arg4[%dma_wait3A_1730, %dma_wait3A_1738, %dma_wait3A_1739] : memref<16384x50x64xf32, #tpu.memory_space<hbm>> -> memref<1x50x64xf32, #tpu.memory_space<hbm>>
      %dma_wait3A_1741 = tpu.memref_squeeze %dma_wait3A_1740 : memref<1x50x64xf32, #tpu.memory_space<hbm>> -> memref<50x64xf32, #tpu.memory_space<hbm>>
      %dma_wait3A_1742 = arith.constant 0 : i32
      %dma_wait3A_1743 = arith.constant 0 : i32
      %dma_wait3A_1744 = tpu.memref_slice %arg8[%dma_wait3A_1742, %dma_wait3A_1743] : memref<800x64xf32, #tpu.memory_space<vmem>> -> memref<50x64xf32, #tpu.memory_space<vmem>>
      tpu.wait_dma2 semaphore(%arg13 : memref<!tpu.dma_semaphore, #tpu.memory_space<semaphore_mem>>) src(%dma_wait3A_1744 : memref<50x64xf32, #tpu.memory_space<vmem>>) dst(%dma_wait3A_1741 : memref<50x64xf32, #tpu.memory_space<hbm>>)
      %dma_wait3A_1745 = arith.constant 0 : i32
      %dma_wait3A_1746 = arith.constant 0 : i32
      %dma_wait3A_1747 = arith.constant 0 : i32
      %dma_wait3A_1748 = tpu.memref_slice %arg8[%dma_wait3A_1746, %dma_wait3A_1747] : memref<800x64xf32, #tpu.memory_space<vmem>> -> memref<50x64xf32, #tpu.memory_space<vmem>>
      %dma_wait3A_1749 = arith.constant 0 : i32
      %dma_wait3A_1750 = arith.constant 0 : i32
      %dma_wait3A_1751 = tpu.memref_slice %arg4[%dma_wait3A_1745, %dma_wait3A_1749, %dma_wait3A_1750] : memref<16384x50x64xf32, #tpu.memory_space<hbm>> -> memref<1x50x64xf32, #tpu.memory_space<hbm>>
      %dma_wait3A_1752 = tpu.memref_squeeze %dma_wait3A_1751 : memref<1x50x64xf32, #tpu.memory_space<hbm>> -> memref<50x64xf32, #tpu.memory_space<hbm>>
      %dma_wait3A_1753 = arith.constant 0 : i32
      %dma_wait3A_1754 = arith.constant 0 : i32
      %dma_wait3A_1755 = tpu.memref_slice %arg4[%dma_wait3A_1745, %dma_wait3A_1753, %dma_wait3A_1754] : memref<16384x50x64xf32, #tpu.memory_space<hbm>> -> memref<1x50x64xf32, #tpu.memory_space<hbm>>
      %dma_wait3A_1756 = tpu.memref_squeeze %dma_wait3A_1755 : memref<1x50x64xf32, #tpu.memory_space<hbm>> -> memref<50x64xf32, #tpu.memory_space<hbm>>
      %dma_wait3A_1757 = arith.constant 0 : i32
      %dma_wait3A_1758 = arith.constant 0 : i32
      %dma_wait3A_1759 = tpu.memref_slice %arg8[%dma_wait3A_1757, %dma_wait3A_1758] : memref<800x64xf32, #tpu.memory_space<vmem>> -> memref<50x64xf32, #tpu.memory_space<vmem>>
      tpu.wait_dma2 semaphore(%arg13 : memref<!tpu.dma_semaphore, #tpu.memory_space<semaphore_mem>>) src(%dma_wait3A_1759 : memref<50x64xf32, #tpu.memory_space<vmem>>) dst(%dma_wait3A_1756 : memref<50x64xf32, #tpu.memory_space<hbm>>)
      %dma_wait3A_1760 = arith.constant 0 : i32
      %dma_wait3A_1761 = arith.constant 0 : i32
      %dma_wait3A_1762 = arith.constant 0 : i32
      %dma_wait3A_1763 = tpu.memref_slice %arg8[%dma_wait3A_1761, %dma_wait3A_1762] : memref<800x64xf32, #tpu.memory_space<vmem>> -> memref<50x64xf32, #tpu.memory_space<vmem>>
      %dma_wait3A_1764 = arith.constant 0 : i32
      %dma_wait3A_1765 = arith.constant 0 : i32
      %dma_wait3A_1766 = tpu.memref_slice %arg4[%dma_wait3A_1760, %dma_wait3A_1764, %dma_wait3A_1765] : memref<16384x50x64xf32, #tpu.memory_space<hbm>> -> memref<1x50x64xf32, #tpu.memory_space<hbm>>
      %dma_wait3A_1767 = tpu.memref_squeeze %dma_wait3A_1766 : memref<1x50x64xf32, #tpu.memory_space<hbm>> -> memref<50x64xf32, #tpu.memory_space<hbm>>
      %dma_wait3A_1768 = arith.constant 0 : i32
      %dma_wait3A_1769 = arith.constant 0 : i32
      %dma_wait3A_1770 = tpu.memref_slice %arg4[%dma_wait3A_1760, %dma_wait3A_1768, %dma_wait3A_1769] : memref<16384x50x64xf32, #tpu.memory_space<hbm>> -> memref<1x50x64xf32, #tpu.memory_space<hbm>>
      %dma_wait3A_1771 = tpu.memref_squeeze %dma_wait3A_1770 : memref<1x50x64xf32, #tpu.memory_space<hbm>> -> memref<50x64xf32, #tpu.memory_space<hbm>>
      %dma_wait3A_1772 = arith.constant 0 : i32
      %dma_wait3A_1773 = arith.constant 0 : i32
      %dma_wait3A_1774 = tpu.memref_slice %arg8[%dma_wait3A_1772, %dma_wait3A_1773] : memref<800x64xf32, #tpu.memory_space<vmem>> -> memref<50x64xf32, #tpu.memory_space<vmem>>
      tpu.wait_dma2 semaphore(%arg13 : memref<!tpu.dma_semaphore, #tpu.memory_space<semaphore_mem>>) src(%dma_wait3A_1774 : memref<50x64xf32, #tpu.memory_space<vmem>>) dst(%dma_wait3A_1771 : memref<50x64xf32, #tpu.memory_space<hbm>>)
      %dma_wait3A_1775 = arith.constant 0 : i32
      %dma_wait3A_1776 = arith.constant 0 : i32
      %dma_wait3A_1777 = arith.constant 0 : i32
      %dma_wait3A_1778 = tpu.memref_slice %arg8[%dma_wait3A_1776, %dma_wait3A_1777] : memref<800x64xf32, #tpu.memory_space<vmem>> -> memref<50x64xf32, #tpu.memory_space<vmem>>
      %dma_wait3A_1779 = arith.constant 0 : i32
      %dma_wait3A_1780 = arith.constant 0 : i32
      %dma_wait3A_1781 = tpu.memref_slice %arg4[%dma_wait3A_1775, %dma_wait3A_1779, %dma_wait3A_1780] : memref<16384x50x64xf32, #tpu.memory_space<hbm>> -> memref<1x50x64xf32, #tpu.memory_space<hbm>>
      %dma_wait3A_1782 = tpu.memref_squeeze %dma_wait3A_1781 : memref<1x50x64xf32, #tpu.memory_space<hbm>> -> memref<50x64xf32, #tpu.memory_space<hbm>>
      %dma_wait3A_1783 = arith.constant 0 : i32
      %dma_wait3A_1784 = arith.constant 0 : i32
      %dma_wait3A_1785 = tpu.memref_slice %arg4[%dma_wait3A_1775, %dma_wait3A_1783, %dma_wait3A_1784] : memref<16384x50x64xf32, #tpu.memory_space<hbm>> -> memref<1x50x64xf32, #tpu.memory_space<hbm>>
      %dma_wait3A_1786 = tpu.memref_squeeze %dma_wait3A_1785 : memref<1x50x64xf32, #tpu.memory_space<hbm>> -> memref<50x64xf32, #tpu.memory_space<hbm>>
      %dma_wait3A_1787 = arith.constant 0 : i32
      %dma_wait3A_1788 = arith.constant 0 : i32
      %dma_wait3A_1789 = tpu.memref_slice %arg8[%dma_wait3A_1787, %dma_wait3A_1788] : memref<800x64xf32, #tpu.memory_space<vmem>> -> memref<50x64xf32, #tpu.memory_space<vmem>>
      tpu.wait_dma2 semaphore(%arg13 : memref<!tpu.dma_semaphore, #tpu.memory_space<semaphore_mem>>) src(%dma_wait3A_1789 : memref<50x64xf32, #tpu.memory_space<vmem>>) dst(%dma_wait3A_1786 : memref<50x64xf32, #tpu.memory_space<hbm>>)
      %dma_wait3A_1790 = arith.constant 0 : i32
      %dma_wait3A_1791 = arith.constant 0 : i32
      %dma_wait3A_1792 = arith.constant 0 : i32
      %dma_wait3A_1793 = tpu.memref_slice %arg8[%dma_wait3A_1791, %dma_wait3A_1792] : memref<800x64xf32, #tpu.memory_space<vmem>> -> memref<50x64xf32, #tpu.memory_space<vmem>>
      %dma_wait3A_1794 = arith.constant 0 : i32
      %dma_wait3A_1795 = arith.constant 0 : i32
      %dma_wait3A_1796 = tpu.memref_slice %arg4[%dma_wait3A_1790, %dma_wait3A_1794, %dma_wait3A_1795] : memref<16384x50x64xf32, #tpu.memory_space<hbm>> -> memref<1x50x64xf32, #tpu.memory_space<hbm>>
      %dma_wait3A_1797 = tpu.memref_squeeze %dma_wait3A_1796 : memref<1x50x64xf32, #tpu.memory_space<hbm>> -> memref<50x64xf32, #tpu.memory_space<hbm>>
      %dma_wait3A_1798 = arith.constant 0 : i32
      %dma_wait3A_1799 = arith.constant 0 : i32
      %dma_wait3A_1800 = tpu.memref_slice %arg4[%dma_wait3A_1790, %dma_wait3A_1798, %dma_wait3A_1799] : memref<16384x50x64xf32, #tpu.memory_space<hbm>> -> memref<1x50x64xf32, #tpu.memory_space<hbm>>
      %dma_wait3A_1801 = tpu.memref_squeeze %dma_wait3A_1800 : memref<1x50x64xf32, #tpu.memory_space<hbm>> -> memref<50x64xf32, #tpu.memory_space<hbm>>
      %dma_wait3A_1802 = arith.constant 0 : i32
      %dma_wait3A_1803 = arith.constant 0 : i32
      %dma_wait3A_1804 = tpu.memref_slice %arg8[%dma_wait3A_1802, %dma_wait3A_1803] : memref<800x64xf32, #tpu.memory_space<vmem>> -> memref<50x64xf32, #tpu.memory_space<vmem>>
      tpu.wait_dma2 semaphore(%arg13 : memref<!tpu.dma_semaphore, #tpu.memory_space<semaphore_mem>>) src(%dma_wait3A_1804 : memref<50x64xf32, #tpu.memory_space<vmem>>) dst(%dma_wait3A_1801 : memref<50x64xf32, #tpu.memory_space<hbm>>)
      %dma_wait3A_1805 = arith.constant 0 : i32
      %dma_wait3A_1806 = arith.constant 0 : i32
      %dma_wait3A_1807 = arith.constant 0 : i32
      %dma_wait3A_1808 = tpu.memref_slice %arg8[%dma_wait3A_1806, %dma_wait3A_1807] : memref<800x64xf32, #tpu.memory_space<vmem>> -> memref<50x64xf32, #tpu.memory_space<vmem>>
      %dma_wait3A_1809 = arith.constant 0 : i32
      %dma_wait3A_1810 = arith.constant 0 : i32
      %dma_wait3A_1811 = tpu.memref_slice %arg4[%dma_wait3A_1805, %dma_wait3A_1809, %dma_wait3A_1810] : memref<16384x50x64xf32, #tpu.memory_space<hbm>> -> memref<1x50x64xf32, #tpu.memory_space<hbm>>
      %dma_wait3A_1812 = tpu.memref_squeeze %dma_wait3A_1811 : memref<1x50x64xf32, #tpu.memory_space<hbm>> -> memref<50x64xf32, #tpu.memory_space<hbm>>
      %dma_wait3A_1813 = arith.constant 0 : i32
      %dma_wait3A_1814 = arith.constant 0 : i32
      %dma_wait3A_1815 = tpu.memref_slice %arg4[%dma_wait3A_1805, %dma_wait3A_1813, %dma_wait3A_1814] : memref<16384x50x64xf32, #tpu.memory_space<hbm>> -> memref<1x50x64xf32, #tpu.memory_space<hbm>>
      %dma_wait3A_1816 = tpu.memref_squeeze %dma_wait3A_1815 : memref<1x50x64xf32, #tpu.memory_space<hbm>> -> memref<50x64xf32, #tpu.memory_space<hbm>>
      %dma_wait3A_1817 = arith.constant 0 : i32
      %dma_wait3A_1818 = arith.constant 0 : i32
      %dma_wait3A_1819 = tpu.memref_slice %arg8[%dma_wait3A_1817, %dma_wait3A_1818] : memref<800x64xf32, #tpu.memory_space<vmem>> -> memref<50x64xf32, #tpu.memory_space<vmem>>
      tpu.wait_dma2 semaphore(%arg13 : memref<!tpu.dma_semaphore, #tpu.memory_space<semaphore_mem>>) src(%dma_wait3A_1819 : memref<50x64xf32, #tpu.memory_space<vmem>>) dst(%dma_wait3A_1816 : memref<50x64xf32, #tpu.memory_space<hbm>>)
      %dma_wait3A_1820 = arith.constant 0 : i32
      %dma_wait3A_1821 = arith.constant 0 : i32
      %dma_wait3A_1822 = arith.constant 0 : i32
      %dma_wait3A_1823 = tpu.memref_slice %arg8[%dma_wait3A_1821, %dma_wait3A_1822] : memref<800x64xf32, #tpu.memory_space<vmem>> -> memref<50x64xf32, #tpu.memory_space<vmem>>
      %dma_wait3A_1824 = arith.constant 0 : i32
      %dma_wait3A_1825 = arith.constant 0 : i32
      %dma_wait3A_1826 = tpu.memref_slice %arg4[%dma_wait3A_1820, %dma_wait3A_1824, %dma_wait3A_1825] : memref<16384x50x64xf32, #tpu.memory_space<hbm>> -> memref<1x50x64xf32, #tpu.memory_space<hbm>>
      %dma_wait3A_1827 = tpu.memref_squeeze %dma_wait3A_1826 : memref<1x50x64xf32, #tpu.memory_space<hbm>> -> memref<50x64xf32, #tpu.memory_space<hbm>>
      %dma_wait3A_1828 = arith.constant 0 : i32
      %dma_wait3A_1829 = arith.constant 0 : i32
      %dma_wait3A_1830 = tpu.memref_slice %arg4[%dma_wait3A_1820, %dma_wait3A_1828, %dma_wait3A_1829] : memref<16384x50x64xf32, #tpu.memory_space<hbm>> -> memref<1x50x64xf32, #tpu.memory_space<hbm>>
      %dma_wait3A_1831 = tpu.memref_squeeze %dma_wait3A_1830 : memref<1x50x64xf32, #tpu.memory_space<hbm>> -> memref<50x64xf32, #tpu.memory_space<hbm>>
      %dma_wait3A_1832 = arith.constant 0 : i32
      %dma_wait3A_1833 = arith.constant 0 : i32
      %dma_wait3A_1834 = tpu.memref_slice %arg8[%dma_wait3A_1832, %dma_wait3A_1833] : memref<800x64xf32, #tpu.memory_space<vmem>> -> memref<50x64xf32, #tpu.memory_space<vmem>>
      tpu.wait_dma2 semaphore(%arg13 : memref<!tpu.dma_semaphore, #tpu.memory_space<semaphore_mem>>) src(%dma_wait3A_1834 : memref<50x64xf32, #tpu.memory_space<vmem>>) dst(%dma_wait3A_1831 : memref<50x64xf32, #tpu.memory_space<hbm>>)
      %dma_wait3A_1835 = arith.constant 0 : i32
      %dma_wait3A_1836 = arith.constant 0 : i32
      %dma_wait3A_1837 = arith.constant 0 : i32
      %dma_wait3A_1838 = tpu.memref_slice %arg8[%dma_wait3A_1836, %dma_wait3A_1837] : memref<800x64xf32, #tpu.memory_space<vmem>> -> memref<50x64xf32, #tpu.memory_space<vmem>>
      %dma_wait3A_1839 = arith.constant 0 : i32
      %dma_wait3A_1840 = arith.constant 0 : i32
      %dma_wait3A_1841 = tpu.memref_slice %arg4[%dma_wait3A_1835, %dma_wait3A_1839, %dma_wait3A_1840] : memref<16384x50x64xf32, #tpu.memory_space<hbm>> -> memref<1x50x64xf32, #tpu.memory_space<hbm>>
      %dma_wait3A_1842 = tpu.memref_squeeze %dma_wait3A_1841 : memref<1x50x64xf32, #tpu.memory_space<hbm>> -> memref<50x64xf32, #tpu.memory_space<hbm>>
      %dma_wait3A_1843 = arith.constant 0 : i32
      %dma_wait3A_1844 = arith.constant 0 : i32
      %dma_wait3A_1845 = tpu.memref_slice %arg4[%dma_wait3A_1835, %dma_wait3A_1843, %dma_wait3A_1844] : memref<16384x50x64xf32, #tpu.memory_space<hbm>> -> memref<1x50x64xf32, #tpu.memory_space<hbm>>
      %dma_wait3A_1846 = tpu.memref_squeeze %dma_wait3A_1845 : memref<1x50x64xf32, #tpu.memory_space<hbm>> -> memref<50x64xf32, #tpu.memory_space<hbm>>
      %dma_wait3A_1847 = arith.constant 0 : i32
      %dma_wait3A_1848 = arith.constant 0 : i32
      %dma_wait3A_1849 = tpu.memref_slice %arg8[%dma_wait3A_1847, %dma_wait3A_1848] : memref<800x64xf32, #tpu.memory_space<vmem>> -> memref<50x64xf32, #tpu.memory_space<vmem>>
      tpu.wait_dma2 semaphore(%arg13 : memref<!tpu.dma_semaphore, #tpu.memory_space<semaphore_mem>>) src(%dma_wait3A_1849 : memref<50x64xf32, #tpu.memory_space<vmem>>) dst(%dma_wait3A_1846 : memref<50x64xf32, #tpu.memory_space<hbm>>)
      %dma_wait3A_1850 = arith.constant 0 : i32
      %dma_wait3A_1851 = arith.constant 0 : i32
      %dma_wait3A_1852 = arith.constant 0 : i32
      %dma_wait3A_1853 = tpu.memref_slice %arg8[%dma_wait3A_1851, %dma_wait3A_1852] : memref<800x64xf32, #tpu.memory_space<vmem>> -> memref<50x64xf32, #tpu.memory_space<vmem>>
      %dma_wait3A_1854 = arith.constant 0 : i32
      %dma_wait3A_1855 = arith.constant 0 : i32
      %dma_wait3A_1856 = tpu.memref_slice %arg4[%dma_wait3A_1850, %dma_wait3A_1854, %dma_wait3A_1855] : memref<16384x50x64xf32, #tpu.memory_space<hbm>> -> memref<1x50x64xf32, #tpu.memory_space<hbm>>
      %dma_wait3A_1857 = tpu.memref_squeeze %dma_wait3A_1856 : memref<1x50x64xf32, #tpu.memory_space<hbm>> -> memref<50x64xf32, #tpu.memory_space<hbm>>
      %dma_wait3A_1858 = arith.constant 0 : i32
      %dma_wait3A_1859 = arith.constant 0 : i32
      %dma_wait3A_1860 = tpu.memref_slice %arg4[%dma_wait3A_1850, %dma_wait3A_1858, %dma_wait3A_1859] : memref<16384x50x64xf32, #tpu.memory_space<hbm>> -> memref<1x50x64xf32, #tpu.memory_space<hbm>>
      %dma_wait3A_1861 = tpu.memref_squeeze %dma_wait3A_1860 : memref<1x50x64xf32, #tpu.memory_space<hbm>> -> memref<50x64xf32, #tpu.memory_space<hbm>>
      %dma_wait3A_1862 = arith.constant 0 : i32
      %dma_wait3A_1863 = arith.constant 0 : i32
      %dma_wait3A_1864 = tpu.memref_slice %arg8[%dma_wait3A_1862, %dma_wait3A_1863] : memref<800x64xf32, #tpu.memory_space<vmem>> -> memref<50x64xf32, #tpu.memory_space<vmem>>
      tpu.wait_dma2 semaphore(%arg13 : memref<!tpu.dma_semaphore, #tpu.memory_space<semaphore_mem>>) src(%dma_wait3A_1864 : memref<50x64xf32, #tpu.memory_space<vmem>>) dst(%dma_wait3A_1861 : memref<50x64xf32, #tpu.memory_space<hbm>>)
      %dma_wait3A_1865 = arith.constant 0 : i32
      %dma_wait3A_1866 = arith.constant 0 : i32
      %dma_wait3A_1867 = arith.constant 0 : i32
      %dma_wait3A_1868 = tpu.memref_slice %arg8[%dma_wait3A_1866, %dma_wait3A_1867] : memref<800x64xf32, #tpu.memory_space<vmem>> -> memref<50x64xf32, #tpu.memory_space<vmem>>
      %dma_wait3A_1869 = arith.constant 0 : i32
      %dma_wait3A_1870 = arith.constant 0 : i32
      %dma_wait3A_1871 = tpu.memref_slice %arg4[%dma_wait3A_1865, %dma_wait3A_1869, %dma_wait3A_1870] : memref<16384x50x64xf32, #tpu.memory_space<hbm>> -> memref<1x50x64xf32, #tpu.memory_space<hbm>>
      %dma_wait3A_1872 = tpu.memref_squeeze %dma_wait3A_1871 : memref<1x50x64xf32, #tpu.memory_space<hbm>> -> memref<50x64xf32, #tpu.memory_space<hbm>>
      %dma_wait3A_1873 = arith.constant 0 : i32
      %dma_wait3A_1874 = arith.constant 0 : i32
      %dma_wait3A_1875 = tpu.memref_slice %arg4[%dma_wait3A_1865, %dma_wait3A_1873, %dma_wait3A_1874] : memref<16384x50x64xf32, #tpu.memory_space<hbm>> -> memref<1x50x64xf32, #tpu.memory_space<hbm>>
      %dma_wait3A_1876 = tpu.memref_squeeze %dma_wait3A_1875 : memref<1x50x64xf32, #tpu.memory_space<hbm>> -> memref<50x64xf32, #tpu.memory_space<hbm>>
      %dma_wait3A_1877 = arith.constant 0 : i32
      %dma_wait3A_1878 = arith.constant 0 : i32
      %dma_wait3A_1879 = tpu.memref_slice %arg8[%dma_wait3A_1877, %dma_wait3A_1878] : memref<800x64xf32, #tpu.memory_space<vmem>> -> memref<50x64xf32, #tpu.memory_space<vmem>>
      tpu.wait_dma2 semaphore(%arg13 : memref<!tpu.dma_semaphore, #tpu.memory_space<semaphore_mem>>) src(%dma_wait3A_1879 : memref<50x64xf32, #tpu.memory_space<vmem>>) dst(%dma_wait3A_1876 : memref<50x64xf32, #tpu.memory_space<hbm>>)
      %dma_start3A_1880 = arith.constant 0 : i32
      %dma_start3A_1881 = arith.constant 0 : i32
      %dma_start3A_1882 = tpu.memref_slice %arg3[%dma_start3A_1880, %dma_start3A_1881] : memref<1000000x64xf32, #tpu.memory_space<hbm>> -> memref<1000000x64xf32, #tpu.memory_space<hbm>>
      tpu.enqueue_indirect_dma source(%dma_start3A_1882 : memref<1000000x64xf32, #tpu.memory_space<hbm>>) target(%arg8 : memref<800x64xf32, #tpu.memory_space<vmem>>) offsets(%arg6 : memref<800xi32, #tpu.memory_space<vmem>>) semaphore(%arg11 : memref<!tpu.dma_semaphore, #tpu.memory_space<semaphore_mem>>)
      %dma_wait3A_1883 = arith.constant 0 : i32
      %dma_wait3A_1884 = arith.constant 0 : i32
      %dma_wait3A_1885 = tpu.memref_slice %arg3[%dma_wait3A_1883, %dma_wait3A_1884] : memref<1000000x64xf32, #tpu.memory_space<hbm>> -> memref<1000000x64xf32, #tpu.memory_space<hbm>>
      tpu.wait_indirect_dma semaphore(%arg11 : memref<!tpu.dma_semaphore, #tpu.memory_space<semaphore_mem>>) src(%dma_wait3A_1885 : memref<1000000x64xf32, #tpu.memory_space<hbm>>) dst(%arg8 : memref<800x64xf32, #tpu.memory_space<vmem>>)
      %add3A_1886 = arith.constant 2 : i32
      %add3A_1887 = arith.addi %add3A_1635, %add3A_1886 : i32
      %min3A_1888 = arith.constant 31 : i32
      %min3A_1889 = arith.minsi %add3A_1887, %min3A_1888 : i32
      %mul3A_1890 = arith.constant 800 : i32
      %mul3A_1891 = arith.muli %min3A_1889, %mul3A_1890 : i32
      %add3A_1892 = arith.addi %mul3A_2, %mul3A_1891 : i32
      %dma_start3A_1893 = tpu.memref_slice %arg2[%add3A_1892] : memref<819200xi32, #tpu.memory_space<hbm>> -> memref<800xi32, #tpu.memory_space<hbm>>
      %dma_start3A_1894 = tpu.memref_slice %arg2[%add3A_1892] : memref<819200xi32, #tpu.memory_space<hbm>> -> memref<800xi32, #tpu.memory_space<hbm>>
      tpu.enqueue_dma source(%dma_start3A_1894 : memref<800xi32, #tpu.memory_space<hbm>>) target(%arg6 : memref<800xi32, #tpu.memory_space<vmem>>) target_semaphore(%arg10 : memref<!tpu.dma_semaphore, #tpu.memory_space<semaphore_mem>>)
      %mul3A_1895 = arith.constant 800 : i32
      %mul3A_1896 = arith.muli %add3A_1635, %mul3A_1895 : i32
      %add3A_1897 = arith.addi %mul3A_2, %mul3A_1896 : i32
      %jit3A_1898 = arith.constant 50 : i32
      %div3A_1899 = arith.divsi %add3A_1897, %jit3A_1898 : i32
      %sign3A_1900 = arith.constant 0 : i32
      %sign3A_1901 = arith.cmpi sgt, %add3A_1897, %sign3A_1900 : i32
      %sign3A_1902 = arith.extui %sign3A_1901 : i1 to i32
      %sign3A_1903 = arith.constant 0 : i32
      %sign3A_1904 = arith.cmpi slt, %add3A_1897, %sign3A_1903 : i32
      %sign3A_1905 = arith.extui %sign3A_1904 : i1 to i32
      %sign3A_1906 = arith.subi %sign3A_1902, %sign3A_1905 : i32
      %sign3A_1907 = arith.constant 0 : i32
      %sign3A_1908 = arith.cmpi sgt, %jit3A_1898, %sign3A_1907 : i32
      %sign3A_1909 = arith.extui %sign3A_1908 : i1 to i32
      %sign3A_1910 = arith.constant 0 : i32
      %sign3A_1911 = arith.cmpi slt, %jit3A_1898, %sign3A_1910 : i32
      %sign3A_1912 = arith.extui %sign3A_1911 : i1 to i32
      %sign3A_1913 = arith.subi %sign3A_1909, %sign3A_1912 : i32
      %ne3A_1914 = arith.cmpi ne, %sign3A_1906, %sign3A_1913 : i32
      %rem3A_1915 = arith.remsi %add3A_1897, %jit3A_1898 : i32
      %ne3A_1916 = arith.constant 0 : i32
      %ne3A_1917 = arith.cmpi ne, %rem3A_1915, %ne3A_1916 : i32
      %and3A_1918 = arith.andi %ne3A_1914, %ne3A_1917 : i1
      %sub3A_1919 = arith.constant 1 : i32
      %sub3A_1920 = arith.subi %div3A_1899, %sub3A_1919 : i32
      %select_n3A_1921 = arith.select %and3A_1918, %sub3A_1920, %div3A_1899 : i32
      %add3A_1922 = arith.constant 0 : i32
      %add3A_1923 = arith.addi %select_n3A_1921, %add3A_1922 : i32
      %dma_start3A_1924 = arith.constant 0 : i32
      %dma_start3A_1925 = arith.constant 0 : i32
      %dma_start3A_1926 = tpu.memref_slice %arg8[%dma_start3A_1924, %dma_start3A_1925] : memref<800x64xf32, #tpu.memory_space<vmem>> -> memref<50x64xf32, #tpu.memory_space<vmem>>
      %dma_start3A_1927 = arith.constant 0 : i32
      %dma_start3A_1928 = arith.constant 0 : i32
      %dma_start3A_1929 = tpu.memref_slice %arg4[%add3A_1923, %dma_start3A_1927, %dma_start3A_1928] : memref<16384x50x64xf32, #tpu.memory_space<hbm>> -> memref<1x50x64xf32, #tpu.memory_space<hbm>>
      %dma_start3A_1930 = tpu.memref_squeeze %dma_start3A_1929 : memref<1x50x64xf32, #tpu.memory_space<hbm>> -> memref<50x64xf32, #tpu.memory_space<hbm>>
      %dma_start3A_1931 = arith.constant 0 : i32
      %dma_start3A_1932 = arith.constant 0 : i32
      %dma_start3A_1933 = tpu.memref_slice %arg4[%add3A_1923, %dma_start3A_1931, %dma_start3A_1932] : memref<16384x50x64xf32, #tpu.memory_space<hbm>> -> memref<1x50x64xf32, #tpu.memory_space<hbm>>
      %dma_start3A_1934 = tpu.memref_squeeze %dma_start3A_1933 : memref<1x50x64xf32, #tpu.memory_space<hbm>> -> memref<50x64xf32, #tpu.memory_space<hbm>>
      %dma_start3A_1935 = arith.constant 0 : i32
      %dma_start3A_1936 = arith.constant 0 : i32
      %dma_start3A_1937 = tpu.memref_slice %arg8[%dma_start3A_1935, %dma_start3A_1936] : memref<800x64xf32, #tpu.memory_space<vmem>> -> memref<50x64xf32, #tpu.memory_space<vmem>>
      tpu.enqueue_dma source(%dma_start3A_1937 : memref<50x64xf32, #tpu.memory_space<vmem>>) target(%dma_start3A_1934 : memref<50x64xf32, #tpu.memory_space<hbm>>) target_semaphore(%arg13 : memref<!tpu.dma_semaphore, #tpu.memory_space<semaphore_mem>>)
      %add3A_1938 = arith.constant 1 : i32
      %add3A_1939 = arith.addi %select_n3A_1921, %add3A_1938 : i32
      %dma_start3A_1940 = arith.constant 50 : i32
      %dma_start3A_1941 = arith.constant 0 : i32
      %dma_start3A_1942 = tpu.memref_slice %arg8[%dma_start3A_1940, %dma_start3A_1941] : memref<800x64xf32, #tpu.memory_space<vmem>> -> memref<50x64xf32, #tpu.memory_space<vmem>>
      %dma_start3A_1943 = arith.constant 0 : i32
      %dma_start3A_1944 = arith.constant 0 : i32
      %dma_start3A_1945 = tpu.memref_slice %arg4[%add3A_1939, %dma_start3A_1943, %dma_start3A_1944] : memref<16384x50x64xf32, #tpu.memory_space<hbm>> -> memref<1x50x64xf32, #tpu.memory_space<hbm>>
      %dma_start3A_1946 = tpu.memref_squeeze %dma_start3A_1945 : memref<1x50x64xf32, #tpu.memory_space<hbm>> -> memref<50x64xf32, #tpu.memory_space<hbm>>
      %dma_start3A_1947 = arith.constant 0 : i32
      %dma_start3A_1948 = arith.constant 0 : i32
      %dma_start3A_1949 = tpu.memref_slice %arg4[%add3A_1939, %dma_start3A_1947, %dma_start3A_1948] : memref<16384x50x64xf32, #tpu.memory_space<hbm>> -> memref<1x50x64xf32, #tpu.memory_space<hbm>>
      %dma_start3A_1950 = tpu.memref_squeeze %dma_start3A_1949 : memref<1x50x64xf32, #tpu.memory_space<hbm>> -> memref<50x64xf32, #tpu.memory_space<hbm>>
      %dma_start3A_1951 = arith.constant 50 : i32
      %dma_start3A_1952 = arith.constant 0 : i32
      %dma_start3A_1953 = tpu.memref_slice %arg8[%dma_start3A_1951, %dma_start3A_1952] : memref<800x64xf32, #tpu.memory_space<vmem>> -> memref<50x64xf32, #tpu.memory_space<vmem>>
      tpu.enqueue_dma source(%dma_start3A_1953 : memref<50x64xf32, #tpu.memory_space<vmem>>) target(%dma_start3A_1950 : memref<50x64xf32, #tpu.memory_space<hbm>>) target_semaphore(%arg13 : memref<!tpu.dma_semaphore, #tpu.memory_space<semaphore_mem>>)
      %add3A_1954 = arith.constant 2 : i32
      %add3A_1955 = arith.addi %select_n3A_1921, %add3A_1954 : i32
      %dma_start3A_1956 = arith.constant 100 : i32
      %dma_start3A_1957 = arith.constant 0 : i32
      %dma_start3A_1958 = tpu.memref_slice %arg8[%dma_start3A_1956, %dma_start3A_1957] : memref<800x64xf32, #tpu.memory_space<vmem>> -> memref<50x64xf32, #tpu.memory_space<vmem>>
      %dma_start3A_1959 = arith.constant 0 : i32
      %dma_start3A_1960 = arith.constant 0 : i32
      %dma_start3A_1961 = tpu.memref_slice %arg4[%add3A_1955, %dma_start3A_1959, %dma_start3A_1960] : memref<16384x50x64xf32, #tpu.memory_space<hbm>> -> memref<1x50x64xf32, #tpu.memory_space<hbm>>
      %dma_start3A_1962 = tpu.memref_squeeze %dma_start3A_1961 : memref<1x50x64xf32, #tpu.memory_space<hbm>> -> memref<50x64xf32, #tpu.memory_space<hbm>>
      %dma_start3A_1963 = arith.constant 0 : i32
      %dma_start3A_1964 = arith.constant 0 : i32
      %dma_start3A_1965 = tpu.memref_slice %arg4[%add3A_1955, %dma_start3A_1963, %dma_start3A_1964] : memref<16384x50x64xf32, #tpu.memory_space<hbm>> -> memref<1x50x64xf32, #tpu.memory_space<hbm>>
      %dma_start3A_1966 = tpu.memref_squeeze %dma_start3A_1965 : memref<1x50x64xf32, #tpu.memory_space<hbm>> -> memref<50x64xf32, #tpu.memory_space<hbm>>
      %dma_start3A_1967 = arith.constant 100 : i32
      %dma_start3A_1968 = arith.constant 0 : i32
      %dma_start3A_1969 = tpu.memref_slice %arg8[%dma_start3A_1967, %dma_start3A_1968] : memref<800x64xf32, #tpu.memory_space<vmem>> -> memref<50x64xf32, #tpu.memory_space<vmem>>
      tpu.enqueue_dma source(%dma_start3A_1969 : memref<50x64xf32, #tpu.memory_space<vmem>>) target(%dma_start3A_1966 : memref<50x64xf32, #tpu.memory_space<hbm>>) target_semaphore(%arg13 : memref<!tpu.dma_semaphore, #tpu.memory_space<semaphore_mem>>)
      %add3A_1970 = arith.constant 3 : i32
      %add3A_1971 = arith.addi %select_n3A_1921, %add3A_1970 : i32
      %dma_start3A_1972 = arith.constant 150 : i32
      %dma_start3A_1973 = arith.constant 0 : i32
      %dma_start3A_1974 = tpu.memref_slice %arg8[%dma_start3A_1972, %dma_start3A_1973] : memref<800x64xf32, #tpu.memory_space<vmem>> -> memref<50x64xf32, #tpu.memory_space<vmem>>
      %dma_start3A_1975 = arith.constant 0 : i32
      %dma_start3A_1976 = arith.constant 0 : i32
      %dma_start3A_1977 = tpu.memref_slice %arg4[%add3A_1971, %dma_start3A_1975, %dma_start3A_1976] : memref<16384x50x64xf32, #tpu.memory_space<hbm>> -> memref<1x50x64xf32, #tpu.memory_space<hbm>>
      %dma_start3A_1978 = tpu.memref_squeeze %dma_start3A_1977 : memref<1x50x64xf32, #tpu.memory_space<hbm>> -> memref<50x64xf32, #tpu.memory_space<hbm>>
      %dma_start3A_1979 = arith.constant 0 : i32
      %dma_start3A_1980 = arith.constant 0 : i32
      %dma_start3A_1981 = tpu.memref_slice %arg4[%add3A_1971, %dma_start3A_1979, %dma_start3A_1980] : memref<16384x50x64xf32, #tpu.memory_space<hbm>> -> memref<1x50x64xf32, #tpu.memory_space<hbm>>
      %dma_start3A_1982 = tpu.memref_squeeze %dma_start3A_1981 : memref<1x50x64xf32, #tpu.memory_space<hbm>> -> memref<50x64xf32, #tpu.memory_space<hbm>>
      %dma_start3A_1983 = arith.constant 150 : i32
      %dma_start3A_1984 = arith.constant 0 : i32
      %dma_start3A_1985 = tpu.memref_slice %arg8[%dma_start3A_1983, %dma_start3A_1984] : memref<800x64xf32, #tpu.memory_space<vmem>> -> memref<50x64xf32, #tpu.memory_space<vmem>>
      tpu.enqueue_dma source(%dma_start3A_1985 : memref<50x64xf32, #tpu.memory_space<vmem>>) target(%dma_start3A_1982 : memref<50x64xf32, #tpu.memory_space<hbm>>) target_semaphore(%arg13 : memref<!tpu.dma_semaphore, #tpu.memory_space<semaphore_mem>>)
      %add3A_1986 = arith.constant 4 : i32
      %add3A_1987 = arith.addi %select_n3A_1921, %add3A_1986 : i32
      %dma_start3A_1988 = arith.constant 200 : i32
      %dma_start3A_1989 = arith.constant 0 : i32
      %dma_start3A_1990 = tpu.memref_slice %arg8[%dma_start3A_1988, %dma_start3A_1989] : memref<800x64xf32, #tpu.memory_space<vmem>> -> memref<50x64xf32, #tpu.memory_space<vmem>>
      %dma_start3A_1991 = arith.constant 0 : i32
      %dma_start3A_1992 = arith.constant 0 : i32
      %dma_start3A_1993 = tpu.memref_slice %arg4[%add3A_1987, %dma_start3A_1991, %dma_start3A_1992] : memref<16384x50x64xf32, #tpu.memory_space<hbm>> -> memref<1x50x64xf32, #tpu.memory_space<hbm>>
      %dma_start3A_1994 = tpu.memref_squeeze %dma_start3A_1993 : memref<1x50x64xf32, #tpu.memory_space<hbm>> -> memref<50x64xf32, #tpu.memory_space<hbm>>
      %dma_start3A_1995 = arith.constant 0 : i32
      %dma_start3A_1996 = arith.constant 0 : i32
      %dma_start3A_1997 = tpu.memref_slice %arg4[%add3A_1987, %dma_start3A_1995, %dma_start3A_1996] : memref<16384x50x64xf32, #tpu.memory_space<hbm>> -> memref<1x50x64xf32, #tpu.memory_space<hbm>>
      %dma_start3A_1998 = tpu.memref_squeeze %dma_start3A_1997 : memref<1x50x64xf32, #tpu.memory_space<hbm>> -> memref<50x64xf32, #tpu.memory_space<hbm>>
      %dma_start3A_1999 = arith.constant 200 : i32
      %dma_start3A_2000 = arith.constant 0 : i32
      %dma_start3A_2001 = tpu.memref_slice %arg8[%dma_start3A_1999, %dma_start3A_2000] : memref<800x64xf32, #tpu.memory_space<vmem>> -> memref<50x64xf32, #tpu.memory_space<vmem>>
      tpu.enqueue_dma source(%dma_start3A_2001 : memref<50x64xf32, #tpu.memory_space<vmem>>) target(%dma_start3A_1998 : memref<50x64xf32, #tpu.memory_space<hbm>>) target_semaphore(%arg13 : memref<!tpu.dma_semaphore, #tpu.memory_space<semaphore_mem>>)
      %add3A_2002 = arith.constant 5 : i32
      %add3A_2003 = arith.addi %select_n3A_1921, %add3A_2002 : i32
      %dma_start3A_2004 = arith.constant 250 : i32
      %dma_start3A_2005 = arith.constant 0 : i32
      %dma_start3A_2006 = tpu.memref_slice %arg8[%dma_start3A_2004, %dma_start3A_2005] : memref<800x64xf32, #tpu.memory_space<vmem>> -> memref<50x64xf32, #tpu.memory_space<vmem>>
      %dma_start3A_2007 = arith.constant 0 : i32
      %dma_start3A_2008 = arith.constant 0 : i32
      %dma_start3A_2009 = tpu.memref_slice %arg4[%add3A_2003, %dma_start3A_2007, %dma_start3A_2008] : memref<16384x50x64xf32, #tpu.memory_space<hbm>> -> memref<1x50x64xf32, #tpu.memory_space<hbm>>
      %dma_start3A_2010 = tpu.memref_squeeze %dma_start3A_2009 : memref<1x50x64xf32, #tpu.memory_space<hbm>> -> memref<50x64xf32, #tpu.memory_space<hbm>>
      %dma_start3A_2011 = arith.constant 0 : i32
      %dma_start3A_2012 = arith.constant 0 : i32
      %dma_start3A_2013 = tpu.memref_slice %arg4[%add3A_2003, %dma_start3A_2011, %dma_start3A_2012] : memref<16384x50x64xf32, #tpu.memory_space<hbm>> -> memref<1x50x64xf32, #tpu.memory_space<hbm>>
      %dma_start3A_2014 = tpu.memref_squeeze %dma_start3A_2013 : memref<1x50x64xf32, #tpu.memory_space<hbm>> -> memref<50x64xf32, #tpu.memory_space<hbm>>
      %dma_start3A_2015 = arith.constant 250 : i32
      %dma_start3A_2016 = arith.constant 0 : i32
      %dma_start3A_2017 = tpu.memref_slice %arg8[%dma_start3A_2015, %dma_start3A_2016] : memref<800x64xf32, #tpu.memory_space<vmem>> -> memref<50x64xf32, #tpu.memory_space<vmem>>
      tpu.enqueue_dma source(%dma_start3A_2017 : memref<50x64xf32, #tpu.memory_space<vmem>>) target(%dma_start3A_2014 : memref<50x64xf32, #tpu.memory_space<hbm>>) target_semaphore(%arg13 : memref<!tpu.dma_semaphore, #tpu.memory_space<semaphore_mem>>)
      %add3A_2018 = arith.constant 6 : i32
      %add3A_2019 = arith.addi %select_n3A_1921, %add3A_2018 : i32
      %dma_start3A_2020 = arith.constant 300 : i32
      %dma_start3A_2021 = arith.constant 0 : i32
      %dma_start3A_2022 = tpu.memref_slice %arg8[%dma_start3A_2020, %dma_start3A_2021] : memref<800x64xf32, #tpu.memory_space<vmem>> -> memref<50x64xf32, #tpu.memory_space<vmem>>
      %dma_start3A_2023 = arith.constant 0 : i32
      %dma_start3A_2024 = arith.constant 0 : i32
      %dma_start3A_2025 = tpu.memref_slice %arg4[%add3A_2019, %dma_start3A_2023, %dma_start3A_2024] : memref<16384x50x64xf32, #tpu.memory_space<hbm>> -> memref<1x50x64xf32, #tpu.memory_space<hbm>>
      %dma_start3A_2026 = tpu.memref_squeeze %dma_start3A_2025 : memref<1x50x64xf32, #tpu.memory_space<hbm>> -> memref<50x64xf32, #tpu.memory_space<hbm>>
      %dma_start3A_2027 = arith.constant 0 : i32
      %dma_start3A_2028 = arith.constant 0 : i32
      %dma_start3A_2029 = tpu.memref_slice %arg4[%add3A_2019, %dma_start3A_2027, %dma_start3A_2028] : memref<16384x50x64xf32, #tpu.memory_space<hbm>> -> memref<1x50x64xf32, #tpu.memory_space<hbm>>
      %dma_start3A_2030 = tpu.memref_squeeze %dma_start3A_2029 : memref<1x50x64xf32, #tpu.memory_space<hbm>> -> memref<50x64xf32, #tpu.memory_space<hbm>>
      %dma_start3A_2031 = arith.constant 300 : i32
      %dma_start3A_2032 = arith.constant 0 : i32
      %dma_start3A_2033 = tpu.memref_slice %arg8[%dma_start3A_2031, %dma_start3A_2032] : memref<800x64xf32, #tpu.memory_space<vmem>> -> memref<50x64xf32, #tpu.memory_space<vmem>>
      tpu.enqueue_dma source(%dma_start3A_2033 : memref<50x64xf32, #tpu.memory_space<vmem>>) target(%dma_start3A_2030 : memref<50x64xf32, #tpu.memory_space<hbm>>) target_semaphore(%arg13 : memref<!tpu.dma_semaphore, #tpu.memory_space<semaphore_mem>>)
      %add3A_2034 = arith.constant 7 : i32
      %add3A_2035 = arith.addi %select_n3A_1921, %add3A_2034 : i32
      %dma_start3A_2036 = arith.constant 350 : i32
      %dma_start3A_2037 = arith.constant 0 : i32
      %dma_start3A_2038 = tpu.memref_slice %arg8[%dma_start3A_2036, %dma_start3A_2037] : memref<800x64xf32, #tpu.memory_space<vmem>> -> memref<50x64xf32, #tpu.memory_space<vmem>>
      %dma_start3A_2039 = arith.constant 0 : i32
      %dma_start3A_2040 = arith.constant 0 : i32
      %dma_start3A_2041 = tpu.memref_slice %arg4[%add3A_2035, %dma_start3A_2039, %dma_start3A_2040] : memref<16384x50x64xf32, #tpu.memory_space<hbm>> -> memref<1x50x64xf32, #tpu.memory_space<hbm>>
      %dma_start3A_2042 = tpu.memref_squeeze %dma_start3A_2041 : memref<1x50x64xf32, #tpu.memory_space<hbm>> -> memref<50x64xf32, #tpu.memory_space<hbm>>
      %dma_start3A_2043 = arith.constant 0 : i32
      %dma_start3A_2044 = arith.constant 0 : i32
      %dma_start3A_2045 = tpu.memref_slice %arg4[%add3A_2035, %dma_start3A_2043, %dma_start3A_2044] : memref<16384x50x64xf32, #tpu.memory_space<hbm>> -> memref<1x50x64xf32, #tpu.memory_space<hbm>>
      %dma_start3A_2046 = tpu.memref_squeeze %dma_start3A_2045 : memref<1x50x64xf32, #tpu.memory_space<hbm>> -> memref<50x64xf32, #tpu.memory_space<hbm>>
      %dma_start3A_2047 = arith.constant 350 : i32
      %dma_start3A_2048 = arith.constant 0 : i32
      %dma_start3A_2049 = tpu.memref_slice %arg8[%dma_start3A_2047, %dma_start3A_2048] : memref<800x64xf32, #tpu.memory_space<vmem>> -> memref<50x64xf32, #tpu.memory_space<vmem>>
      tpu.enqueue_dma source(%dma_start3A_2049 : memref<50x64xf32, #tpu.memory_space<vmem>>) target(%dma_start3A_2046 : memref<50x64xf32, #tpu.memory_space<hbm>>) target_semaphore(%arg13 : memref<!tpu.dma_semaphore, #tpu.memory_space<semaphore_mem>>)
      %add3A_2050 = arith.constant 8 : i32
      %add3A_2051 = arith.addi %select_n3A_1921, %add3A_2050 : i32
      %dma_start3A_2052 = arith.constant 400 : i32
      %dma_start3A_2053 = arith.constant 0 : i32
      %dma_start3A_2054 = tpu.memref_slice %arg8[%dma_start3A_2052, %dma_start3A_2053] : memref<800x64xf32, #tpu.memory_space<vmem>> -> memref<50x64xf32, #tpu.memory_space<vmem>>
      %dma_start3A_2055 = arith.constant 0 : i32
      %dma_start3A_2056 = arith.constant 0 : i32
      %dma_start3A_2057 = tpu.memref_slice %arg4[%add3A_2051, %dma_start3A_2055, %dma_start3A_2056] : memref<16384x50x64xf32, #tpu.memory_space<hbm>> -> memref<1x50x64xf32, #tpu.memory_space<hbm>>
      %dma_start3A_2058 = tpu.memref_squeeze %dma_start3A_2057 : memref<1x50x64xf32, #tpu.memory_space<hbm>> -> memref<50x64xf32, #tpu.memory_space<hbm>>
      %dma_start3A_2059 = arith.constant 0 : i32
      %dma_start3A_2060 = arith.constant 0 : i32
      %dma_start3A_2061 = tpu.memref_slice %arg4[%add3A_2051, %dma_start3A_2059, %dma_start3A_2060] : memref<16384x50x64xf32, #tpu.memory_space<hbm>> -> memref<1x50x64xf32, #tpu.memory_space<hbm>>
      %dma_start3A_2062 = tpu.memref_squeeze %dma_start3A_2061 : memref<1x50x64xf32, #tpu.memory_space<hbm>> -> memref<50x64xf32, #tpu.memory_space<hbm>>
      %dma_start3A_2063 = arith.constant 400 : i32
      %dma_start3A_2064 = arith.constant 0 : i32
      %dma_start3A_2065 = tpu.memref_slice %arg8[%dma_start3A_2063, %dma_start3A_2064] : memref<800x64xf32, #tpu.memory_space<vmem>> -> memref<50x64xf32, #tpu.memory_space<vmem>>
      tpu.enqueue_dma source(%dma_start3A_2065 : memref<50x64xf32, #tpu.memory_space<vmem>>) target(%dma_start3A_2062 : memref<50x64xf32, #tpu.memory_space<hbm>>) target_semaphore(%arg13 : memref<!tpu.dma_semaphore, #tpu.memory_space<semaphore_mem>>)
      %add3A_2066 = arith.constant 9 : i32
      %add3A_2067 = arith.addi %select_n3A_1921, %add3A_2066 : i32
      %dma_start3A_2068 = arith.constant 450 : i32
      %dma_start3A_2069 = arith.constant 0 : i32
      %dma_start3A_2070 = tpu.memref_slice %arg8[%dma_start3A_2068, %dma_start3A_2069] : memref<800x64xf32, #tpu.memory_space<vmem>> -> memref<50x64xf32, #tpu.memory_space<vmem>>
      %dma_start3A_2071 = arith.constant 0 : i32
      %dma_start3A_2072 = arith.constant 0 : i32
      %dma_start3A_2073 = tpu.memref_slice %arg4[%add3A_2067, %dma_start3A_2071, %dma_start3A_2072] : memref<16384x50x64xf32, #tpu.memory_space<hbm>> -> memref<1x50x64xf32, #tpu.memory_space<hbm>>
      %dma_start3A_2074 = tpu.memref_squeeze %dma_start3A_2073 : memref<1x50x64xf32, #tpu.memory_space<hbm>> -> memref<50x64xf32, #tpu.memory_space<hbm>>
      %dma_start3A_2075 = arith.constant 0 : i32
      %dma_start3A_2076 = arith.constant 0 : i32
      %dma_start3A_2077 = tpu.memref_slice %arg4[%add3A_2067, %dma_start3A_2075, %dma_start3A_2076] : memref<16384x50x64xf32, #tpu.memory_space<hbm>> -> memref<1x50x64xf32, #tpu.memory_space<hbm>>
      %dma_start3A_2078 = tpu.memref_squeeze %dma_start3A_2077 : memref<1x50x64xf32, #tpu.memory_space<hbm>> -> memref<50x64xf32, #tpu.memory_space<hbm>>
      %dma_start3A_2079 = arith.constant 450 : i32
      %dma_start3A_2080 = arith.constant 0 : i32
      %dma_start3A_2081 = tpu.memref_slice %arg8[%dma_start3A_2079, %dma_start3A_2080] : memref<800x64xf32, #tpu.memory_space<vmem>> -> memref<50x64xf32, #tpu.memory_space<vmem>>
      tpu.enqueue_dma source(%dma_start3A_2081 : memref<50x64xf32, #tpu.memory_space<vmem>>) target(%dma_start3A_2078 : memref<50x64xf32, #tpu.memory_space<hbm>>) target_semaphore(%arg13 : memref<!tpu.dma_semaphore, #tpu.memory_space<semaphore_mem>>)
      %add3A_2082 = arith.constant 10 : i32
      %add3A_2083 = arith.addi %select_n3A_1921, %add3A_2082 : i32
      %dma_start3A_2084 = arith.constant 500 : i32
      %dma_start3A_2085 = arith.constant 0 : i32
      %dma_start3A_2086 = tpu.memref_slice %arg8[%dma_start3A_2084, %dma_start3A_2085] : memref<800x64xf32, #tpu.memory_space<vmem>> -> memref<50x64xf32, #tpu.memory_space<vmem>>
      %dma_start3A_2087 = arith.constant 0 : i32
      %dma_start3A_2088 = arith.constant 0 : i32
      %dma_start3A_2089 = tpu.memref_slice %arg4[%add3A_2083, %dma_start3A_2087, %dma_start3A_2088] : memref<16384x50x64xf32, #tpu.memory_space<hbm>> -> memref<1x50x64xf32, #tpu.memory_space<hbm>>
      %dma_start3A_2090 = tpu.memref_squeeze %dma_start3A_2089 : memref<1x50x64xf32, #tpu.memory_space<hbm>> -> memref<50x64xf32, #tpu.memory_space<hbm>>
      %dma_start3A_2091 = arith.constant 0 : i32
      %dma_start3A_2092 = arith.constant 0 : i32
      %dma_start3A_2093 = tpu.memref_slice %arg4[%add3A_2083, %dma_start3A_2091, %dma_start3A_2092] : memref<16384x50x64xf32, #tpu.memory_space<hbm>> -> memref<1x50x64xf32, #tpu.memory_space<hbm>>
      %dma_start3A_2094 = tpu.memref_squeeze %dma_start3A_2093 : memref<1x50x64xf32, #tpu.memory_space<hbm>> -> memref<50x64xf32, #tpu.memory_space<hbm>>
      %dma_start3A_2095 = arith.constant 500 : i32
      %dma_start3A_2096 = arith.constant 0 : i32
      %dma_start3A_2097 = tpu.memref_slice %arg8[%dma_start3A_2095, %dma_start3A_2096] : memref<800x64xf32, #tpu.memory_space<vmem>> -> memref<50x64xf32, #tpu.memory_space<vmem>>
      tpu.enqueue_dma source(%dma_start3A_2097 : memref<50x64xf32, #tpu.memory_space<vmem>>) target(%dma_start3A_2094 : memref<50x64xf32, #tpu.memory_space<hbm>>) target_semaphore(%arg13 : memref<!tpu.dma_semaphore, #tpu.memory_space<semaphore_mem>>)
      %add3A_2098 = arith.constant 11 : i32
      %add3A_2099 = arith.addi %select_n3A_1921, %add3A_2098 : i32
      %dma_start3A_2100 = arith.constant 550 : i32
      %dma_start3A_2101 = arith.constant 0 : i32
      %dma_start3A_2102 = tpu.memref_slice %arg8[%dma_start3A_2100, %dma_start3A_2101] : memref<800x64xf32, #tpu.memory_space<vmem>> -> memref<50x64xf32, #tpu.memory_space<vmem>>
      %dma_start3A_2103 = arith.constant 0 : i32
      %dma_start3A_2104 = arith.constant 0 : i32
      %dma_start3A_2105 = tpu.memref_slice %arg4[%add3A_2099, %dma_start3A_2103, %dma_start3A_2104] : memref<16384x50x64xf32, #tpu.memory_space<hbm>> -> memref<1x50x64xf32, #tpu.memory_space<hbm>>
      %dma_start3A_2106 = tpu.memref_squeeze %dma_start3A_2105 : memref<1x50x64xf32, #tpu.memory_space<hbm>> -> memref<50x64xf32, #tpu.memory_space<hbm>>
      %dma_start3A_2107 = arith.constant 0 : i32
      %dma_start3A_2108 = arith.constant 0 : i32
      %dma_start3A_2109 = tpu.memref_slice %arg4[%add3A_2099, %dma_start3A_2107, %dma_start3A_2108] : memref<16384x50x64xf32, #tpu.memory_space<hbm>> -> memref<1x50x64xf32, #tpu.memory_space<hbm>>
      %dma_start3A_2110 = tpu.memref_squeeze %dma_start3A_2109 : memref<1x50x64xf32, #tpu.memory_space<hbm>> -> memref<50x64xf32, #tpu.memory_space<hbm>>
      %dma_start3A_2111 = arith.constant 550 : i32
      %dma_start3A_2112 = arith.constant 0 : i32
      %dma_start3A_2113 = tpu.memref_slice %arg8[%dma_start3A_2111, %dma_start3A_2112] : memref<800x64xf32, #tpu.memory_space<vmem>> -> memref<50x64xf32, #tpu.memory_space<vmem>>
      tpu.enqueue_dma source(%dma_start3A_2113 : memref<50x64xf32, #tpu.memory_space<vmem>>) target(%dma_start3A_2110 : memref<50x64xf32, #tpu.memory_space<hbm>>) target_semaphore(%arg13 : memref<!tpu.dma_semaphore, #tpu.memory_space<semaphore_mem>>)
      %add3A_2114 = arith.constant 12 : i32
      %add3A_2115 = arith.addi %select_n3A_1921, %add3A_2114 : i32
      %dma_start3A_2116 = arith.constant 600 : i32
      %dma_start3A_2117 = arith.constant 0 : i32
      %dma_start3A_2118 = tpu.memref_slice %arg8[%dma_start3A_2116, %dma_start3A_2117] : memref<800x64xf32, #tpu.memory_space<vmem>> -> memref<50x64xf32, #tpu.memory_space<vmem>>
      %dma_start3A_2119 = arith.constant 0 : i32
      %dma_start3A_2120 = arith.constant 0 : i32
      %dma_start3A_2121 = tpu.memref_slice %arg4[%add3A_2115, %dma_start3A_2119, %dma_start3A_2120] : memref<16384x50x64xf32, #tpu.memory_space<hbm>> -> memref<1x50x64xf32, #tpu.memory_space<hbm>>
      %dma_start3A_2122 = tpu.memref_squeeze %dma_start3A_2121 : memref<1x50x64xf32, #tpu.memory_space<hbm>> -> memref<50x64xf32, #tpu.memory_space<hbm>>
      %dma_start3A_2123 = arith.constant 0 : i32
      %dma_start3A_2124 = arith.constant 0 : i32
      %dma_start3A_2125 = tpu.memref_slice %arg4[%add3A_2115, %dma_start3A_2123, %dma_start3A_2124] : memref<16384x50x64xf32, #tpu.memory_space<hbm>> -> memref<1x50x64xf32, #tpu.memory_space<hbm>>
      %dma_start3A_2126 = tpu.memref_squeeze %dma_start3A_2125 : memref<1x50x64xf32, #tpu.memory_space<hbm>> -> memref<50x64xf32, #tpu.memory_space<hbm>>
      %dma_start3A_2127 = arith.constant 600 : i32
      %dma_start3A_2128 = arith.constant 0 : i32
      %dma_start3A_2129 = tpu.memref_slice %arg8[%dma_start3A_2127, %dma_start3A_2128] : memref<800x64xf32, #tpu.memory_space<vmem>> -> memref<50x64xf32, #tpu.memory_space<vmem>>
      tpu.enqueue_dma source(%dma_start3A_2129 : memref<50x64xf32, #tpu.memory_space<vmem>>) target(%dma_start3A_2126 : memref<50x64xf32, #tpu.memory_space<hbm>>) target_semaphore(%arg13 : memref<!tpu.dma_semaphore, #tpu.memory_space<semaphore_mem>>)
      %add3A_2130 = arith.constant 13 : i32
      %add3A_2131 = arith.addi %select_n3A_1921, %add3A_2130 : i32
      %dma_start3A_2132 = arith.constant 650 : i32
      %dma_start3A_2133 = arith.constant 0 : i32
      %dma_start3A_2134 = tpu.memref_slice %arg8[%dma_start3A_2132, %dma_start3A_2133] : memref<800x64xf32, #tpu.memory_space<vmem>> -> memref<50x64xf32, #tpu.memory_space<vmem>>
      %dma_start3A_2135 = arith.constant 0 : i32
      %dma_start3A_2136 = arith.constant 0 : i32
      %dma_start3A_2137 = tpu.memref_slice %arg4[%add3A_2131, %dma_start3A_2135, %dma_start3A_2136] : memref<16384x50x64xf32, #tpu.memory_space<hbm>> -> memref<1x50x64xf32, #tpu.memory_space<hbm>>
      %dma_start3A_2138 = tpu.memref_squeeze %dma_start3A_2137 : memref<1x50x64xf32, #tpu.memory_space<hbm>> -> memref<50x64xf32, #tpu.memory_space<hbm>>
      %dma_start3A_2139 = arith.constant 0 : i32
      %dma_start3A_2140 = arith.constant 0 : i32
      %dma_start3A_2141 = tpu.memref_slice %arg4[%add3A_2131, %dma_start3A_2139, %dma_start3A_2140] : memref<16384x50x64xf32, #tpu.memory_space<hbm>> -> memref<1x50x64xf32, #tpu.memory_space<hbm>>
      %dma_start3A_2142 = tpu.memref_squeeze %dma_start3A_2141 : memref<1x50x64xf32, #tpu.memory_space<hbm>> -> memref<50x64xf32, #tpu.memory_space<hbm>>
      %dma_start3A_2143 = arith.constant 650 : i32
      %dma_start3A_2144 = arith.constant 0 : i32
      %dma_start3A_2145 = tpu.memref_slice %arg8[%dma_start3A_2143, %dma_start3A_2144] : memref<800x64xf32, #tpu.memory_space<vmem>> -> memref<50x64xf32, #tpu.memory_space<vmem>>
      tpu.enqueue_dma source(%dma_start3A_2145 : memref<50x64xf32, #tpu.memory_space<vmem>>) target(%dma_start3A_2142 : memref<50x64xf32, #tpu.memory_space<hbm>>) target_semaphore(%arg13 : memref<!tpu.dma_semaphore, #tpu.memory_space<semaphore_mem>>)
      %add3A_2146 = arith.constant 14 : i32
      %add3A_2147 = arith.addi %select_n3A_1921, %add3A_2146 : i32
      %dma_start3A_2148 = arith.constant 700 : i32
      %dma_start3A_2149 = arith.constant 0 : i32
      %dma_start3A_2150 = tpu.memref_slice %arg8[%dma_start3A_2148, %dma_start3A_2149] : memref<800x64xf32, #tpu.memory_space<vmem>> -> memref<50x64xf32, #tpu.memory_space<vmem>>
      %dma_start3A_2151 = arith.constant 0 : i32
      %dma_start3A_2152 = arith.constant 0 : i32
      %dma_start3A_2153 = tpu.memref_slice %arg4[%add3A_2147, %dma_start3A_2151, %dma_start3A_2152] : memref<16384x50x64xf32, #tpu.memory_space<hbm>> -> memref<1x50x64xf32, #tpu.memory_space<hbm>>
      %dma_start3A_2154 = tpu.memref_squeeze %dma_start3A_2153 : memref<1x50x64xf32, #tpu.memory_space<hbm>> -> memref<50x64xf32, #tpu.memory_space<hbm>>
      %dma_start3A_2155 = arith.constant 0 : i32
      %dma_start3A_2156 = arith.constant 0 : i32
      %dma_start3A_2157 = tpu.memref_slice %arg4[%add3A_2147, %dma_start3A_2155, %dma_start3A_2156] : memref<16384x50x64xf32, #tpu.memory_space<hbm>> -> memref<1x50x64xf32, #tpu.memory_space<hbm>>
      %dma_start3A_2158 = tpu.memref_squeeze %dma_start3A_2157 : memref<1x50x64xf32, #tpu.memory_space<hbm>> -> memref<50x64xf32, #tpu.memory_space<hbm>>
      %dma_start3A_2159 = arith.constant 700 : i32
      %dma_start3A_2160 = arith.constant 0 : i32
      %dma_start3A_2161 = tpu.memref_slice %arg8[%dma_start3A_2159, %dma_start3A_2160] : memref<800x64xf32, #tpu.memory_space<vmem>> -> memref<50x64xf32, #tpu.memory_space<vmem>>
      tpu.enqueue_dma source(%dma_start3A_2161 : memref<50x64xf32, #tpu.memory_space<vmem>>) target(%dma_start3A_2158 : memref<50x64xf32, #tpu.memory_space<hbm>>) target_semaphore(%arg13 : memref<!tpu.dma_semaphore, #tpu.memory_space<semaphore_mem>>)
      %add3A_2162 = arith.constant 15 : i32
      %add3A_2163 = arith.addi %select_n3A_1921, %add3A_2162 : i32
      %dma_start3A_2164 = arith.constant 750 : i32
      %dma_start3A_2165 = arith.constant 0 : i32
      %dma_start3A_2166 = tpu.memref_slice %arg8[%dma_start3A_2164, %dma_start3A_2165] : memref<800x64xf32, #tpu.memory_space<vmem>> -> memref<50x64xf32, #tpu.memory_space<vmem>>
      %dma_start3A_2167 = arith.constant 0 : i32
      %dma_start3A_2168 = arith.constant 0 : i32
      %dma_start3A_2169 = tpu.memref_slice %arg4[%add3A_2163, %dma_start3A_2167, %dma_start3A_2168] : memref<16384x50x64xf32, #tpu.memory_space<hbm>> -> memref<1x50x64xf32, #tpu.memory_space<hbm>>
      %dma_start3A_2170 = tpu.memref_squeeze %dma_start3A_2169 : memref<1x50x64xf32, #tpu.memory_space<hbm>> -> memref<50x64xf32, #tpu.memory_space<hbm>>
      %dma_start3A_2171 = arith.constant 0 : i32
      %dma_start3A_2172 = arith.constant 0 : i32
      %dma_start3A_2173 = tpu.memref_slice %arg4[%add3A_2163, %dma_start3A_2171, %dma_start3A_2172] : memref<16384x50x64xf32, #tpu.memory_space<hbm>> -> memref<1x50x64xf32, #tpu.memory_space<hbm>>
      %dma_start3A_2174 = tpu.memref_squeeze %dma_start3A_2173 : memref<1x50x64xf32, #tpu.memory_space<hbm>> -> memref<50x64xf32, #tpu.memory_space<hbm>>
      %dma_start3A_2175 = arith.constant 750 : i32
      %dma_start3A_2176 = arith.constant 0 : i32
      %dma_start3A_2177 = tpu.memref_slice %arg8[%dma_start3A_2175, %dma_start3A_2176] : memref<800x64xf32, #tpu.memory_space<vmem>> -> memref<50x64xf32, #tpu.memory_space<vmem>>
      tpu.enqueue_dma source(%dma_start3A_2177 : memref<50x64xf32, #tpu.memory_space<vmem>>) target(%dma_start3A_2174 : memref<50x64xf32, #tpu.memory_space<hbm>>) target_semaphore(%arg13 : memref<!tpu.dma_semaphore, #tpu.memory_space<semaphore_mem>>)
    }
    %scan3A_597 = arith.constant 15 : i32
    %dma_wait3A_598 = arith.constant 0 : i32
    %dma_wait3A_599 = tpu.memref_slice %arg2[%dma_wait3A_598] : memref<819200xi32, #tpu.memory_space<hbm>> -> memref<800xi32, #tpu.memory_space<hbm>>
    %dma_wait3A_600 = arith.constant 0 : i32
    %dma_wait3A_601 = tpu.memref_slice %arg2[%dma_wait3A_600] : memref<819200xi32, #tpu.memory_space<hbm>> -> memref<800xi32, #tpu.memory_space<hbm>>
    tpu.wait_dma2 semaphore(%arg9 : memref<!tpu.dma_semaphore, #tpu.memory_space<semaphore_mem>>) src(%dma_wait3A_601 : memref<800xi32, #tpu.memory_space<hbm>>) dst(%arg5 : memref<800xi32, #tpu.memory_space<vmem>>)
    %dma_wait3A_602 = arith.constant 0 : i32
    %dma_wait3A_603 = arith.constant 0 : i32
    %dma_wait3A_604 = arith.constant 0 : i32
    %dma_wait3A_605 = tpu.memref_slice %arg7[%dma_wait3A_603, %dma_wait3A_604] : memref<800x64xf32, #tpu.memory_space<vmem>> -> memref<50x64xf32, #tpu.memory_space<vmem>>
    %dma_wait3A_606 = arith.constant 0 : i32
    %dma_wait3A_607 = arith.constant 0 : i32
    %dma_wait3A_608 = tpu.memref_slice %arg4[%dma_wait3A_602, %dma_wait3A_606, %dma_wait3A_607] : memref<16384x50x64xf32, #tpu.memory_space<hbm>> -> memref<1x50x64xf32, #tpu.memory_space<hbm>>
    %dma_wait3A_609 = tpu.memref_squeeze %dma_wait3A_608 : memref<1x50x64xf32, #tpu.memory_space<hbm>> -> memref<50x64xf32, #tpu.memory_space<hbm>>
    %dma_wait3A_610 = arith.constant 0 : i32
    %dma_wait3A_611 = arith.constant 0 : i32
    %dma_wait3A_612 = tpu.memref_slice %arg4[%dma_wait3A_602, %dma_wait3A_610, %dma_wait3A_611] : memref<16384x50x64xf32, #tpu.memory_space<hbm>> -> memref<1x50x64xf32, #tpu.memory_space<hbm>>
    %dma_wait3A_613 = tpu.memref_squeeze %dma_wait3A_612 : memref<1x50x64xf32, #tpu.memory_space<hbm>> -> memref<50x64xf32, #tpu.memory_space<hbm>>
    %dma_wait3A_614 = arith.constant 0 : i32
    %dma_wait3A_615 = arith.constant 0 : i32
    %dma_wait3A_616 = tpu.memref_slice %arg7[%dma_wait3A_614, %dma_wait3A_615] : memref<800x64xf32, #tpu.memory_space<vmem>> -> memref<50x64xf32, #tpu.memory_space<vmem>>
    tpu.wait_dma2 semaphore(%arg12 : memref<!tpu.dma_semaphore, #tpu.memory_space<semaphore_mem>>) src(%dma_wait3A_616 : memref<50x64xf32, #tpu.memory_space<vmem>>) dst(%dma_wait3A_613 : memref<50x64xf32, #tpu.memory_space<hbm>>)
    %dma_wait3A_617 = arith.constant 0 : i32
    %dma_wait3A_618 = arith.constant 0 : i32
    %dma_wait3A_619 = arith.constant 0 : i32
    %dma_wait3A_620 = tpu.memref_slice %arg7[%dma_wait3A_618, %dma_wait3A_619] : memref<800x64xf32, #tpu.memory_space<vmem>> -> memref<50x64xf32, #tpu.memory_space<vmem>>
    %dma_wait3A_621 = arith.constant 0 : i32
    %dma_wait3A_622 = arith.constant 0 : i32
    %dma_wait3A_623 = tpu.memref_slice %arg4[%dma_wait3A_617, %dma_wait3A_621, %dma_wait3A_622] : memref<16384x50x64xf32, #tpu.memory_space<hbm>> -> memref<1x50x64xf32, #tpu.memory_space<hbm>>
    %dma_wait3A_624 = tpu.memref_squeeze %dma_wait3A_623 : memref<1x50x64xf32, #tpu.memory_space<hbm>> -> memref<50x64xf32, #tpu.memory_space<hbm>>
    %dma_wait3A_625 = arith.constant 0 : i32
    %dma_wait3A_626 = arith.constant 0 : i32
    %dma_wait3A_627 = tpu.memref_slice %arg4[%dma_wait3A_617, %dma_wait3A_625, %dma_wait3A_626] : memref<16384x50x64xf32, #tpu.memory_space<hbm>> -> memref<1x50x64xf32, #tpu.memory_space<hbm>>
    %dma_wait3A_628 = tpu.memref_squeeze %dma_wait3A_627 : memref<1x50x64xf32, #tpu.memory_space<hbm>> -> memref<50x64xf32, #tpu.memory_space<hbm>>
    %dma_wait3A_629 = arith.constant 0 : i32
    %dma_wait3A_630 = arith.constant 0 : i32
    %dma_wait3A_631 = tpu.memref_slice %arg7[%dma_wait3A_629, %dma_wait3A_630] : memref<800x64xf32, #tpu.memory_space<vmem>> -> memref<50x64xf32, #tpu.memory_space<vmem>>
    tpu.wait_dma2 semaphore(%arg12 : memref<!tpu.dma_semaphore, #tpu.memory_space<semaphore_mem>>) src(%dma_wait3A_631 : memref<50x64xf32, #tpu.memory_space<vmem>>) dst(%dma_wait3A_628 : memref<50x64xf32, #tpu.memory_space<hbm>>)
    %dma_wait3A_632 = arith.constant 0 : i32
    %dma_wait3A_633 = arith.constant 0 : i32
    %dma_wait3A_634 = arith.constant 0 : i32
    %dma_wait3A_635 = tpu.memref_slice %arg7[%dma_wait3A_633, %dma_wait3A_634] : memref<800x64xf32, #tpu.memory_space<vmem>> -> memref<50x64xf32, #tpu.memory_space<vmem>>
    %dma_wait3A_636 = arith.constant 0 : i32
    %dma_wait3A_637 = arith.constant 0 : i32
    %dma_wait3A_638 = tpu.memref_slice %arg4[%dma_wait3A_632, %dma_wait3A_636, %dma_wait3A_637] : memref<16384x50x64xf32, #tpu.memory_space<hbm>> -> memref<1x50x64xf32, #tpu.memory_space<hbm>>
    %dma_wait3A_639 = tpu.memref_squeeze %dma_wait3A_638 : memref<1x50x64xf32, #tpu.memory_space<hbm>> -> memref<50x64xf32, #tpu.memory_space<hbm>>
    %dma_wait3A_640 = arith.constant 0 : i32
    %dma_wait3A_641 = arith.constant 0 : i32
    %dma_wait3A_642 = tpu.memref_slice %arg4[%dma_wait3A_632, %dma_wait3A_640, %dma_wait3A_641] : memref<16384x50x64xf32, #tpu.memory_space<hbm>> -> memref<1x50x64xf32, #tpu.memory_space<hbm>>
    %dma_wait3A_643 = tpu.memref_squeeze %dma_wait3A_642 : memref<1x50x64xf32, #tpu.memory_space<hbm>> -> memref<50x64xf32, #tpu.memory_space<hbm>>
    %dma_wait3A_644 = arith.constant 0 : i32
    %dma_wait3A_645 = arith.constant 0 : i32
    %dma_wait3A_646 = tpu.memref_slice %arg7[%dma_wait3A_644, %dma_wait3A_645] : memref<800x64xf32, #tpu.memory_space<vmem>> -> memref<50x64xf32, #tpu.memory_space<vmem>>
    tpu.wait_dma2 semaphore(%arg12 : memref<!tpu.dma_semaphore, #tpu.memory_space<semaphore_mem>>) src(%dma_wait3A_646 : memref<50x64xf32, #tpu.memory_space<vmem>>) dst(%dma_wait3A_643 : memref<50x64xf32, #tpu.memory_space<hbm>>)
    %dma_wait3A_647 = arith.constant 0 : i32
    %dma_wait3A_648 = arith.constant 0 : i32
    %dma_wait3A_649 = arith.constant 0 : i32
    %dma_wait3A_650 = tpu.memref_slice %arg7[%dma_wait3A_648, %dma_wait3A_649] : memref<800x64xf32, #tpu.memory_space<vmem>> -> memref<50x64xf32, #tpu.memory_space<vmem>>
    %dma_wait3A_651 = arith.constant 0 : i32
    %dma_wait3A_652 = arith.constant 0 : i32
    %dma_wait3A_653 = tpu.memref_slice %arg4[%dma_wait3A_647, %dma_wait3A_651, %dma_wait3A_652] : memref<16384x50x64xf32, #tpu.memory_space<hbm>> -> memref<1x50x64xf32, #tpu.memory_space<hbm>>
    %dma_wait3A_654 = tpu.memref_squeeze %dma_wait3A_653 : memref<1x50x64xf32, #tpu.memory_space<hbm>> -> memref<50x64xf32, #tpu.memory_space<hbm>>
    %dma_wait3A_655 = arith.constant 0 : i32
    %dma_wait3A_656 = arith.constant 0 : i32
    %dma_wait3A_657 = tpu.memref_slice %arg4[%dma_wait3A_647, %dma_wait3A_655, %dma_wait3A_656] : memref<16384x50x64xf32, #tpu.memory_space<hbm>> -> memref<1x50x64xf32, #tpu.memory_space<hbm>>
    %dma_wait3A_658 = tpu.memref_squeeze %dma_wait3A_657 : memref<1x50x64xf32, #tpu.memory_space<hbm>> -> memref<50x64xf32, #tpu.memory_space<hbm>>
    %dma_wait3A_659 = arith.constant 0 : i32
    %dma_wait3A_660 = arith.constant 0 : i32
    %dma_wait3A_661 = tpu.memref_slice %arg7[%dma_wait3A_659, %dma_wait3A_660] : memref<800x64xf32, #tpu.memory_space<vmem>> -> memref<50x64xf32, #tpu.memory_space<vmem>>
    tpu.wait_dma2 semaphore(%arg12 : memref<!tpu.dma_semaphore, #tpu.memory_space<semaphore_mem>>) src(%dma_wait3A_661 : memref<50x64xf32, #tpu.memory_space<vmem>>) dst(%dma_wait3A_658 : memref<50x64xf32, #tpu.memory_space<hbm>>)
    %dma_wait3A_662 = arith.constant 0 : i32
    %dma_wait3A_663 = arith.constant 0 : i32
    %dma_wait3A_664 = arith.constant 0 : i32
    %dma_wait3A_665 = tpu.memref_slice %arg7[%dma_wait3A_663, %dma_wait3A_664] : memref<800x64xf32, #tpu.memory_space<vmem>> -> memref<50x64xf32, #tpu.memory_space<vmem>>
    %dma_wait3A_666 = arith.constant 0 : i32
    %dma_wait3A_667 = arith.constant 0 : i32
    %dma_wait3A_668 = tpu.memref_slice %arg4[%dma_wait3A_662, %dma_wait3A_666, %dma_wait3A_667] : memref<16384x50x64xf32, #tpu.memory_space<hbm>> -> memref<1x50x64xf32, #tpu.memory_space<hbm>>
    %dma_wait3A_669 = tpu.memref_squeeze %dma_wait3A_668 : memref<1x50x64xf32, #tpu.memory_space<hbm>> -> memref<50x64xf32, #tpu.memory_space<hbm>>
    %dma_wait3A_670 = arith.constant 0 : i32
    %dma_wait3A_671 = arith.constant 0 : i32
    %dma_wait3A_672 = tpu.memref_slice %arg4[%dma_wait3A_662, %dma_wait3A_670, %dma_wait3A_671] : memref<16384x50x64xf32, #tpu.memory_space<hbm>> -> memref<1x50x64xf32, #tpu.memory_space<hbm>>
    %dma_wait3A_673 = tpu.memref_squeeze %dma_wait3A_672 : memref<1x50x64xf32, #tpu.memory_space<hbm>> -> memref<50x64xf32, #tpu.memory_space<hbm>>
    %dma_wait3A_674 = arith.constant 0 : i32
    %dma_wait3A_675 = arith.constant 0 : i32
    %dma_wait3A_676 = tpu.memref_slice %arg7[%dma_wait3A_674, %dma_wait3A_675] : memref<800x64xf32, #tpu.memory_space<vmem>> -> memref<50x64xf32, #tpu.memory_space<vmem>>
    tpu.wait_dma2 semaphore(%arg12 : memref<!tpu.dma_semaphore, #tpu.memory_space<semaphore_mem>>) src(%dma_wait3A_676 : memref<50x64xf32, #tpu.memory_space<vmem>>) dst(%dma_wait3A_673 : memref<50x64xf32, #tpu.memory_space<hbm>>)
    %dma_wait3A_677 = arith.constant 0 : i32
    %dma_wait3A_678 = arith.constant 0 : i32
    %dma_wait3A_679 = arith.constant 0 : i32
    %dma_wait3A_680 = tpu.memref_slice %arg7[%dma_wait3A_678, %dma_wait3A_679] : memref<800x64xf32, #tpu.memory_space<vmem>> -> memref<50x64xf32, #tpu.memory_space<vmem>>
    %dma_wait3A_681 = arith.constant 0 : i32
    %dma_wait3A_682 = arith.constant 0 : i32
    %dma_wait3A_683 = tpu.memref_slice %arg4[%dma_wait3A_677, %dma_wait3A_681, %dma_wait3A_682] : memref<16384x50x64xf32, #tpu.memory_space<hbm>> -> memref<1x50x64xf32, #tpu.memory_space<hbm>>
    %dma_wait3A_684 = tpu.memref_squeeze %dma_wait3A_683 : memref<1x50x64xf32, #tpu.memory_space<hbm>> -> memref<50x64xf32, #tpu.memory_space<hbm>>
    %dma_wait3A_685 = arith.constant 0 : i32
    %dma_wait3A_686 = arith.constant 0 : i32
    %dma_wait3A_687 = tpu.memref_slice %arg4[%dma_wait3A_677, %dma_wait3A_685, %dma_wait3A_686] : memref<16384x50x64xf32, #tpu.memory_space<hbm>> -> memref<1x50x64xf32, #tpu.memory_space<hbm>>
    %dma_wait3A_688 = tpu.memref_squeeze %dma_wait3A_687 : memref<1x50x64xf32, #tpu.memory_space<hbm>> -> memref<50x64xf32, #tpu.memory_space<hbm>>
    %dma_wait3A_689 = arith.constant 0 : i32
    %dma_wait3A_690 = arith.constant 0 : i32
    %dma_wait3A_691 = tpu.memref_slice %arg7[%dma_wait3A_689, %dma_wait3A_690] : memref<800x64xf32, #tpu.memory_space<vmem>> -> memref<50x64xf32, #tpu.memory_space<vmem>>
    tpu.wait_dma2 semaphore(%arg12 : memref<!tpu.dma_semaphore, #tpu.memory_space<semaphore_mem>>) src(%dma_wait3A_691 : memref<50x64xf32, #tpu.memory_space<vmem>>) dst(%dma_wait3A_688 : memref<50x64xf32, #tpu.memory_space<hbm>>)
    %dma_wait3A_692 = arith.constant 0 : i32
    %dma_wait3A_693 = arith.constant 0 : i32
    %dma_wait3A_694 = arith.constant 0 : i32
    %dma_wait3A_695 = tpu.memref_slice %arg7[%dma_wait3A_693, %dma_wait3A_694] : memref<800x64xf32, #tpu.memory_space<vmem>> -> memref<50x64xf32, #tpu.memory_space<vmem>>
    %dma_wait3A_696 = arith.constant 0 : i32
    %dma_wait3A_697 = arith.constant 0 : i32
    %dma_wait3A_698 = tpu.memref_slice %arg4[%dma_wait3A_692, %dma_wait3A_696, %dma_wait3A_697] : memref<16384x50x64xf32, #tpu.memory_space<hbm>> -> memref<1x50x64xf32, #tpu.memory_space<hbm>>
    %dma_wait3A_699 = tpu.memref_squeeze %dma_wait3A_698 : memref<1x50x64xf32, #tpu.memory_space<hbm>> -> memref<50x64xf32, #tpu.memory_space<hbm>>
    %dma_wait3A_700 = arith.constant 0 : i32
    %dma_wait3A_701 = arith.constant 0 : i32
    %dma_wait3A_702 = tpu.memref_slice %arg4[%dma_wait3A_692, %dma_wait3A_700, %dma_wait3A_701] : memref<16384x50x64xf32, #tpu.memory_space<hbm>> -> memref<1x50x64xf32, #tpu.memory_space<hbm>>
    %dma_wait3A_703 = tpu.memref_squeeze %dma_wait3A_702 : memref<1x50x64xf32, #tpu.memory_space<hbm>> -> memref<50x64xf32, #tpu.memory_space<hbm>>
    %dma_wait3A_704 = arith.constant 0 : i32
    %dma_wait3A_705 = arith.constant 0 : i32
    %dma_wait3A_706 = tpu.memref_slice %arg7[%dma_wait3A_704, %dma_wait3A_705] : memref<800x64xf32, #tpu.memory_space<vmem>> -> memref<50x64xf32, #tpu.memory_space<vmem>>
    tpu.wait_dma2 semaphore(%arg12 : memref<!tpu.dma_semaphore, #tpu.memory_space<semaphore_mem>>) src(%dma_wait3A_706 : memref<50x64xf32, #tpu.memory_space<vmem>>) dst(%dma_wait3A_703 : memref<50x64xf32, #tpu.memory_space<hbm>>)
    %dma_wait3A_707 = arith.constant 0 : i32
    %dma_wait3A_708 = arith.constant 0 : i32
    %dma_wait3A_709 = arith.constant 0 : i32
    %dma_wait3A_710 = tpu.memref_slice %arg7[%dma_wait3A_708, %dma_wait3A_709] : memref<800x64xf32, #tpu.memory_space<vmem>> -> memref<50x64xf32, #tpu.memory_space<vmem>>
    %dma_wait3A_711 = arith.constant 0 : i32
    %dma_wait3A_712 = arith.constant 0 : i32
    %dma_wait3A_713 = tpu.memref_slice %arg4[%dma_wait3A_707, %dma_wait3A_711, %dma_wait3A_712] : memref<16384x50x64xf32, #tpu.memory_space<hbm>> -> memref<1x50x64xf32, #tpu.memory_space<hbm>>
    %dma_wait3A_714 = tpu.memref_squeeze %dma_wait3A_713 : memref<1x50x64xf32, #tpu.memory_space<hbm>> -> memref<50x64xf32, #tpu.memory_space<hbm>>
    %dma_wait3A_715 = arith.constant 0 : i32
    %dma_wait3A_716 = arith.constant 0 : i32
    %dma_wait3A_717 = tpu.memref_slice %arg4[%dma_wait3A_707, %dma_wait3A_715, %dma_wait3A_716] : memref<16384x50x64xf32, #tpu.memory_space<hbm>> -> memref<1x50x64xf32, #tpu.memory_space<hbm>>
    %dma_wait3A_718 = tpu.memref_squeeze %dma_wait3A_717 : memref<1x50x64xf32, #tpu.memory_space<hbm>> -> memref<50x64xf32, #tpu.memory_space<hbm>>
    %dma_wait3A_719 = arith.constant 0 : i32
    %dma_wait3A_720 = arith.constant 0 : i32
    %dma_wait3A_721 = tpu.memref_slice %arg7[%dma_wait3A_719, %dma_wait3A_720] : memref<800x64xf32, #tpu.memory_space<vmem>> -> memref<50x64xf32, #tpu.memory_space<vmem>>
    tpu.wait_dma2 semaphore(%arg12 : memref<!tpu.dma_semaphore, #tpu.memory_space<semaphore_mem>>) src(%dma_wait3A_721 : memref<50x64xf32, #tpu.memory_space<vmem>>) dst(%dma_wait3A_718 : memref<50x64xf32, #tpu.memory_space<hbm>>)
    %dma_wait3A_722 = arith.constant 0 : i32
    %dma_wait3A_723 = arith.constant 0 : i32
    %dma_wait3A_724 = arith.constant 0 : i32
    %dma_wait3A_725 = tpu.memref_slice %arg7[%dma_wait3A_723, %dma_wait3A_724] : memref<800x64xf32, #tpu.memory_space<vmem>> -> memref<50x64xf32, #tpu.memory_space<vmem>>
    %dma_wait3A_726 = arith.constant 0 : i32
    %dma_wait3A_727 = arith.constant 0 : i32
    %dma_wait3A_728 = tpu.memref_slice %arg4[%dma_wait3A_722, %dma_wait3A_726, %dma_wait3A_727] : memref<16384x50x64xf32, #tpu.memory_space<hbm>> -> memref<1x50x64xf32, #tpu.memory_space<hbm>>
    %dma_wait3A_729 = tpu.memref_squeeze %dma_wait3A_728 : memref<1x50x64xf32, #tpu.memory_space<hbm>> -> memref<50x64xf32, #tpu.memory_space<hbm>>
    %dma_wait3A_730 = arith.constant 0 : i32
    %dma_wait3A_731 = arith.constant 0 : i32
    %dma_wait3A_732 = tpu.memref_slice %arg4[%dma_wait3A_722, %dma_wait3A_730, %dma_wait3A_731] : memref<16384x50x64xf32, #tpu.memory_space<hbm>> -> memref<1x50x64xf32, #tpu.memory_space<hbm>>
    %dma_wait3A_733 = tpu.memref_squeeze %dma_wait3A_732 : memref<1x50x64xf32, #tpu.memory_space<hbm>> -> memref<50x64xf32, #tpu.memory_space<hbm>>
    %dma_wait3A_734 = arith.constant 0 : i32
    %dma_wait3A_735 = arith.constant 0 : i32
    %dma_wait3A_736 = tpu.memref_slice %arg7[%dma_wait3A_734, %dma_wait3A_735] : memref<800x64xf32, #tpu.memory_space<vmem>> -> memref<50x64xf32, #tpu.memory_space<vmem>>
    tpu.wait_dma2 semaphore(%arg12 : memref<!tpu.dma_semaphore, #tpu.memory_space<semaphore_mem>>) src(%dma_wait3A_736 : memref<50x64xf32, #tpu.memory_space<vmem>>) dst(%dma_wait3A_733 : memref<50x64xf32, #tpu.memory_space<hbm>>)
    %dma_wait3A_737 = arith.constant 0 : i32
    %dma_wait3A_738 = arith.constant 0 : i32
    %dma_wait3A_739 = arith.constant 0 : i32
    %dma_wait3A_740 = tpu.memref_slice %arg7[%dma_wait3A_738, %dma_wait3A_739] : memref<800x64xf32, #tpu.memory_space<vmem>> -> memref<50x64xf32, #tpu.memory_space<vmem>>
    %dma_wait3A_741 = arith.constant 0 : i32
    %dma_wait3A_742 = arith.constant 0 : i32
    %dma_wait3A_743 = tpu.memref_slice %arg4[%dma_wait3A_737, %dma_wait3A_741, %dma_wait3A_742] : memref<16384x50x64xf32, #tpu.memory_space<hbm>> -> memref<1x50x64xf32, #tpu.memory_space<hbm>>
    %dma_wait3A_744 = tpu.memref_squeeze %dma_wait3A_743 : memref<1x50x64xf32, #tpu.memory_space<hbm>> -> memref<50x64xf32, #tpu.memory_space<hbm>>
    %dma_wait3A_745 = arith.constant 0 : i32
    %dma_wait3A_746 = arith.constant 0 : i32
    %dma_wait3A_747 = tpu.memref_slice %arg4[%dma_wait3A_737, %dma_wait3A_745, %dma_wait3A_746] : memref<16384x50x64xf32, #tpu.memory_space<hbm>> -> memref<1x50x64xf32, #tpu.memory_space<hbm>>
    %dma_wait3A_748 = tpu.memref_squeeze %dma_wait3A_747 : memref<1x50x64xf32, #tpu.memory_space<hbm>> -> memref<50x64xf32, #tpu.memory_space<hbm>>
    %dma_wait3A_749 = arith.constant 0 : i32
    %dma_wait3A_750 = arith.constant 0 : i32
    %dma_wait3A_751 = tpu.memref_slice %arg7[%dma_wait3A_749, %dma_wait3A_750] : memref<800x64xf32, #tpu.memory_space<vmem>> -> memref<50x64xf32, #tpu.memory_space<vmem>>
    tpu.wait_dma2 semaphore(%arg12 : memref<!tpu.dma_semaphore, #tpu.memory_space<semaphore_mem>>) src(%dma_wait3A_751 : memref<50x64xf32, #tpu.memory_space<vmem>>) dst(%dma_wait3A_748 : memref<50x64xf32, #tpu.memory_space<hbm>>)
    %dma_wait3A_752 = arith.constant 0 : i32
    %dma_wait3A_753 = arith.constant 0 : i32
    %dma_wait3A_754 = arith.constant 0 : i32
    %dma_wait3A_755 = tpu.memref_slice %arg7[%dma_wait3A_753, %dma_wait3A_754] : memref<800x64xf32, #tpu.memory_space<vmem>> -> memref<50x64xf32, #tpu.memory_space<vmem>>
    %dma_wait3A_756 = arith.constant 0 : i32
    %dma_wait3A_757 = arith.constant 0 : i32
    %dma_wait3A_758 = tpu.memref_slice %arg4[%dma_wait3A_752, %dma_wait3A_756, %dma_wait3A_757] : memref<16384x50x64xf32, #tpu.memory_space<hbm>> -> memref<1x50x64xf32, #tpu.memory_space<hbm>>
    %dma_wait3A_759 = tpu.memref_squeeze %dma_wait3A_758 : memref<1x50x64xf32, #tpu.memory_space<hbm>> -> memref<50x64xf32, #tpu.memory_space<hbm>>
    %dma_wait3A_760 = arith.constant 0 : i32
    %dma_wait3A_761 = arith.constant 0 : i32
    %dma_wait3A_762 = tpu.memref_slice %arg4[%dma_wait3A_752, %dma_wait3A_760, %dma_wait3A_761] : memref<16384x50x64xf32, #tpu.memory_space<hbm>> -> memref<1x50x64xf32, #tpu.memory_space<hbm>>
    %dma_wait3A_763 = tpu.memref_squeeze %dma_wait3A_762 : memref<1x50x64xf32, #tpu.memory_space<hbm>> -> memref<50x64xf32, #tpu.memory_space<hbm>>
    %dma_wait3A_764 = arith.constant 0 : i32
    %dma_wait3A_765 = arith.constant 0 : i32
    %dma_wait3A_766 = tpu.memref_slice %arg7[%dma_wait3A_764, %dma_wait3A_765] : memref<800x64xf32, #tpu.memory_space<vmem>> -> memref<50x64xf32, #tpu.memory_space<vmem>>
    tpu.wait_dma2 semaphore(%arg12 : memref<!tpu.dma_semaphore, #tpu.memory_space<semaphore_mem>>) src(%dma_wait3A_766 : memref<50x64xf32, #tpu.memory_space<vmem>>) dst(%dma_wait3A_763 : memref<50x64xf32, #tpu.memory_space<hbm>>)
    %dma_wait3A_767 = arith.constant 0 : i32
    %dma_wait3A_768 = arith.constant 0 : i32
    %dma_wait3A_769 = arith.constant 0 : i32
    %dma_wait3A_770 = tpu.memref_slice %arg7[%dma_wait3A_768, %dma_wait3A_769] : memref<800x64xf32, #tpu.memory_space<vmem>> -> memref<50x64xf32, #tpu.memory_space<vmem>>
    %dma_wait3A_771 = arith.constant 0 : i32
    %dma_wait3A_772 = arith.constant 0 : i32
    %dma_wait3A_773 = tpu.memref_slice %arg4[%dma_wait3A_767, %dma_wait3A_771, %dma_wait3A_772] : memref<16384x50x64xf32, #tpu.memory_space<hbm>> -> memref<1x50x64xf32, #tpu.memory_space<hbm>>
    %dma_wait3A_774 = tpu.memref_squeeze %dma_wait3A_773 : memref<1x50x64xf32, #tpu.memory_space<hbm>> -> memref<50x64xf32, #tpu.memory_space<hbm>>
    %dma_wait3A_775 = arith.constant 0 : i32
    %dma_wait3A_776 = arith.constant 0 : i32
    %dma_wait3A_777 = tpu.memref_slice %arg4[%dma_wait3A_767, %dma_wait3A_775, %dma_wait3A_776] : memref<16384x50x64xf32, #tpu.memory_space<hbm>> -> memref<1x50x64xf32, #tpu.memory_space<hbm>>
    %dma_wait3A_778 = tpu.memref_squeeze %dma_wait3A_777 : memref<1x50x64xf32, #tpu.memory_space<hbm>> -> memref<50x64xf32, #tpu.memory_space<hbm>>
    %dma_wait3A_779 = arith.constant 0 : i32
    %dma_wait3A_780 = arith.constant 0 : i32
    %dma_wait3A_781 = tpu.memref_slice %arg7[%dma_wait3A_779, %dma_wait3A_780] : memref<800x64xf32, #tpu.memory_space<vmem>> -> memref<50x64xf32, #tpu.memory_space<vmem>>
    tpu.wait_dma2 semaphore(%arg12 : memref<!tpu.dma_semaphore, #tpu.memory_space<semaphore_mem>>) src(%dma_wait3A_781 : memref<50x64xf32, #tpu.memory_space<vmem>>) dst(%dma_wait3A_778 : memref<50x64xf32, #tpu.memory_space<hbm>>)
    %dma_wait3A_782 = arith.constant 0 : i32
    %dma_wait3A_783 = arith.constant 0 : i32
    %dma_wait3A_784 = arith.constant 0 : i32
    %dma_wait3A_785 = tpu.memref_slice %arg7[%dma_wait3A_783, %dma_wait3A_784] : memref<800x64xf32, #tpu.memory_space<vmem>> -> memref<50x64xf32, #tpu.memory_space<vmem>>
    %dma_wait3A_786 = arith.constant 0 : i32
    %dma_wait3A_787 = arith.constant 0 : i32
    %dma_wait3A_788 = tpu.memref_slice %arg4[%dma_wait3A_782, %dma_wait3A_786, %dma_wait3A_787] : memref<16384x50x64xf32, #tpu.memory_space<hbm>> -> memref<1x50x64xf32, #tpu.memory_space<hbm>>
    %dma_wait3A_789 = tpu.memref_squeeze %dma_wait3A_788 : memref<1x50x64xf32, #tpu.memory_space<hbm>> -> memref<50x64xf32, #tpu.memory_space<hbm>>
    %dma_wait3A_790 = arith.constant 0 : i32
    %dma_wait3A_791 = arith.constant 0 : i32
    %dma_wait3A_792 = tpu.memref_slice %arg4[%dma_wait3A_782, %dma_wait3A_790, %dma_wait3A_791] : memref<16384x50x64xf32, #tpu.memory_space<hbm>> -> memref<1x50x64xf32, #tpu.memory_space<hbm>>
    %dma_wait3A_793 = tpu.memref_squeeze %dma_wait3A_792 : memref<1x50x64xf32, #tpu.memory_space<hbm>> -> memref<50x64xf32, #tpu.memory_space<hbm>>
    %dma_wait3A_794 = arith.constant 0 : i32
    %dma_wait3A_795 = arith.constant 0 : i32
    %dma_wait3A_796 = tpu.memref_slice %arg7[%dma_wait3A_794, %dma_wait3A_795] : memref<800x64xf32, #tpu.memory_space<vmem>> -> memref<50x64xf32, #tpu.memory_space<vmem>>
    tpu.wait_dma2 semaphore(%arg12 : memref<!tpu.dma_semaphore, #tpu.memory_space<semaphore_mem>>) src(%dma_wait3A_796 : memref<50x64xf32, #tpu.memory_space<vmem>>) dst(%dma_wait3A_793 : memref<50x64xf32, #tpu.memory_space<hbm>>)
    %dma_wait3A_797 = arith.constant 0 : i32
    %dma_wait3A_798 = arith.constant 0 : i32
    %dma_wait3A_799 = arith.constant 0 : i32
    %dma_wait3A_800 = tpu.memref_slice %arg7[%dma_wait3A_798, %dma_wait3A_799] : memref<800x64xf32, #tpu.memory_space<vmem>> -> memref<50x64xf32, #tpu.memory_space<vmem>>
    %dma_wait3A_801 = arith.constant 0 : i32
    %dma_wait3A_802 = arith.constant 0 : i32
    %dma_wait3A_803 = tpu.memref_slice %arg4[%dma_wait3A_797, %dma_wait3A_801, %dma_wait3A_802] : memref<16384x50x64xf32, #tpu.memory_space<hbm>> -> memref<1x50x64xf32, #tpu.memory_space<hbm>>
    %dma_wait3A_804 = tpu.memref_squeeze %dma_wait3A_803 : memref<1x50x64xf32, #tpu.memory_space<hbm>> -> memref<50x64xf32, #tpu.memory_space<hbm>>
    %dma_wait3A_805 = arith.constant 0 : i32
    %dma_wait3A_806 = arith.constant 0 : i32
    %dma_wait3A_807 = tpu.memref_slice %arg4[%dma_wait3A_797, %dma_wait3A_805, %dma_wait3A_806] : memref<16384x50x64xf32, #tpu.memory_space<hbm>> -> memref<1x50x64xf32, #tpu.memory_space<hbm>>
    %dma_wait3A_808 = tpu.memref_squeeze %dma_wait3A_807 : memref<1x50x64xf32, #tpu.memory_space<hbm>> -> memref<50x64xf32, #tpu.memory_space<hbm>>
    %dma_wait3A_809 = arith.constant 0 : i32
    %dma_wait3A_810 = arith.constant 0 : i32
    %dma_wait3A_811 = tpu.memref_slice %arg7[%dma_wait3A_809, %dma_wait3A_810] : memref<800x64xf32, #tpu.memory_space<vmem>> -> memref<50x64xf32, #tpu.memory_space<vmem>>
    tpu.wait_dma2 semaphore(%arg12 : memref<!tpu.dma_semaphore, #tpu.memory_space<semaphore_mem>>) src(%dma_wait3A_811 : memref<50x64xf32, #tpu.memory_space<vmem>>) dst(%dma_wait3A_808 : memref<50x64xf32, #tpu.memory_space<hbm>>)
    %dma_wait3A_812 = arith.constant 0 : i32
    %dma_wait3A_813 = arith.constant 0 : i32
    %dma_wait3A_814 = arith.constant 0 : i32
    %dma_wait3A_815 = tpu.memref_slice %arg7[%dma_wait3A_813, %dma_wait3A_814] : memref<800x64xf32, #tpu.memory_space<vmem>> -> memref<50x64xf32, #tpu.memory_space<vmem>>
    %dma_wait3A_816 = arith.constant 0 : i32
    %dma_wait3A_817 = arith.constant 0 : i32
    %dma_wait3A_818 = tpu.memref_slice %arg4[%dma_wait3A_812, %dma_wait3A_816, %dma_wait3A_817] : memref<16384x50x64xf32, #tpu.memory_space<hbm>> -> memref<1x50x64xf32, #tpu.memory_space<hbm>>
    %dma_wait3A_819 = tpu.memref_squeeze %dma_wait3A_818 : memref<1x50x64xf32, #tpu.memory_space<hbm>> -> memref<50x64xf32, #tpu.memory_space<hbm>>
    %dma_wait3A_820 = arith.constant 0 : i32
    %dma_wait3A_821 = arith.constant 0 : i32
    %dma_wait3A_822 = tpu.memref_slice %arg4[%dma_wait3A_812, %dma_wait3A_820, %dma_wait3A_821] : memref<16384x50x64xf32, #tpu.memory_space<hbm>> -> memref<1x50x64xf32, #tpu.memory_space<hbm>>
    %dma_wait3A_823 = tpu.memref_squeeze %dma_wait3A_822 : memref<1x50x64xf32, #tpu.memory_space<hbm>> -> memref<50x64xf32, #tpu.memory_space<hbm>>
    %dma_wait3A_824 = arith.constant 0 : i32
    %dma_wait3A_825 = arith.constant 0 : i32
    %dma_wait3A_826 = tpu.memref_slice %arg7[%dma_wait3A_824, %dma_wait3A_825] : memref<800x64xf32, #tpu.memory_space<vmem>> -> memref<50x64xf32, #tpu.memory_space<vmem>>
    tpu.wait_dma2 semaphore(%arg12 : memref<!tpu.dma_semaphore, #tpu.memory_space<semaphore_mem>>) src(%dma_wait3A_826 : memref<50x64xf32, #tpu.memory_space<vmem>>) dst(%dma_wait3A_823 : memref<50x64xf32, #tpu.memory_space<hbm>>)
    %dma_wait3A_827 = arith.constant 0 : i32
    %dma_wait3A_828 = arith.constant 0 : i32
    %dma_wait3A_829 = arith.constant 0 : i32
    %dma_wait3A_830 = tpu.memref_slice %arg7[%dma_wait3A_828, %dma_wait3A_829] : memref<800x64xf32, #tpu.memory_space<vmem>> -> memref<50x64xf32, #tpu.memory_space<vmem>>
    %dma_wait3A_831 = arith.constant 0 : i32
    %dma_wait3A_832 = arith.constant 0 : i32
    %dma_wait3A_833 = tpu.memref_slice %arg4[%dma_wait3A_827, %dma_wait3A_831, %dma_wait3A_832] : memref<16384x50x64xf32, #tpu.memory_space<hbm>> -> memref<1x50x64xf32, #tpu.memory_space<hbm>>
    %dma_wait3A_834 = tpu.memref_squeeze %dma_wait3A_833 : memref<1x50x64xf32, #tpu.memory_space<hbm>> -> memref<50x64xf32, #tpu.memory_space<hbm>>
    %dma_wait3A_835 = arith.constant 0 : i32
    %dma_wait3A_836 = arith.constant 0 : i32
    %dma_wait3A_837 = tpu.memref_slice %arg4[%dma_wait3A_827, %dma_wait3A_835, %dma_wait3A_836] : memref<16384x50x64xf32, #tpu.memory_space<hbm>> -> memref<1x50x64xf32, #tpu.memory_space<hbm>>
    %dma_wait3A_838 = tpu.memref_squeeze %dma_wait3A_837 : memref<1x50x64xf32, #tpu.memory_space<hbm>> -> memref<50x64xf32, #tpu.memory_space<hbm>>
    %dma_wait3A_839 = arith.constant 0 : i32
    %dma_wait3A_840 = arith.constant 0 : i32
    %dma_wait3A_841 = tpu.memref_slice %arg7[%dma_wait3A_839, %dma_wait3A_840] : memref<800x64xf32, #tpu.memory_space<vmem>> -> memref<50x64xf32, #tpu.memory_space<vmem>>
    tpu.wait_dma2 semaphore(%arg12 : memref<!tpu.dma_semaphore, #tpu.memory_space<semaphore_mem>>) src(%dma_wait3A_841 : memref<50x64xf32, #tpu.memory_space<vmem>>) dst(%dma_wait3A_838 : memref<50x64xf32, #tpu.memory_space<hbm>>)
    %dma_wait3A_842 = arith.constant 0 : i32
    %dma_wait3A_843 = tpu.memref_slice %arg2[%dma_wait3A_842] : memref<819200xi32, #tpu.memory_space<hbm>> -> memref<800xi32, #tpu.memory_space<hbm>>
    %dma_wait3A_844 = arith.constant 0 : i32
    %dma_wait3A_845 = tpu.memref_slice %arg2[%dma_wait3A_844] : memref<819200xi32, #tpu.memory_space<hbm>> -> memref<800xi32, #tpu.memory_space<hbm>>
    tpu.wait_dma2 semaphore(%arg10 : memref<!tpu.dma_semaphore, #tpu.memory_space<semaphore_mem>>) src(%dma_wait3A_845 : memref<800xi32, #tpu.memory_space<hbm>>) dst(%arg6 : memref<800xi32, #tpu.memory_space<vmem>>)
    %dma_wait3A_846 = arith.constant 0 : i32
    %dma_wait3A_847 = arith.constant 0 : i32
    %dma_wait3A_848 = arith.constant 0 : i32
    %dma_wait3A_849 = tpu.memref_slice %arg8[%dma_wait3A_847, %dma_wait3A_848] : memref<800x64xf32, #tpu.memory_space<vmem>> -> memref<50x64xf32, #tpu.memory_space<vmem>>
    %dma_wait3A_850 = arith.constant 0 : i32
    %dma_wait3A_851 = arith.constant 0 : i32
    %dma_wait3A_852 = tpu.memref_slice %arg4[%dma_wait3A_846, %dma_wait3A_850, %dma_wait3A_851] : memref<16384x50x64xf32, #tpu.memory_space<hbm>> -> memref<1x50x64xf32, #tpu.memory_space<hbm>>
    %dma_wait3A_853 = tpu.memref_squeeze %dma_wait3A_852 : memref<1x50x64xf32, #tpu.memory_space<hbm>> -> memref<50x64xf32, #tpu.memory_space<hbm>>
    %dma_wait3A_854 = arith.constant 0 : i32
    %dma_wait3A_855 = arith.constant 0 : i32
    %dma_wait3A_856 = tpu.memref_slice %arg4[%dma_wait3A_846, %dma_wait3A_854, %dma_wait3A_855] : memref<16384x50x64xf32, #tpu.memory_space<hbm>> -> memref<1x50x64xf32, #tpu.memory_space<hbm>>
    %dma_wait3A_857 = tpu.memref_squeeze %dma_wait3A_856 : memref<1x50x64xf32, #tpu.memory_space<hbm>> -> memref<50x64xf32, #tpu.memory_space<hbm>>
    %dma_wait3A_858 = arith.constant 0 : i32
    %dma_wait3A_859 = arith.constant 0 : i32
    %dma_wait3A_860 = tpu.memref_slice %arg8[%dma_wait3A_858, %dma_wait3A_859] : memref<800x64xf32, #tpu.memory_space<vmem>> -> memref<50x64xf32, #tpu.memory_space<vmem>>
    tpu.wait_dma2 semaphore(%arg13 : memref<!tpu.dma_semaphore, #tpu.memory_space<semaphore_mem>>) src(%dma_wait3A_860 : memref<50x64xf32, #tpu.memory_space<vmem>>) dst(%dma_wait3A_857 : memref<50x64xf32, #tpu.memory_space<hbm>>)
    %dma_wait3A_861 = arith.constant 0 : i32
    %dma_wait3A_862 = arith.constant 0 : i32
    %dma_wait3A_863 = arith.constant 0 : i32
    %dma_wait3A_864 = tpu.memref_slice %arg8[%dma_wait3A_862, %dma_wait3A_863] : memref<800x64xf32, #tpu.memory_space<vmem>> -> memref<50x64xf32, #tpu.memory_space<vmem>>
    %dma_wait3A_865 = arith.constant 0 : i32
    %dma_wait3A_866 = arith.constant 0 : i32
    %dma_wait3A_867 = tpu.memref_slice %arg4[%dma_wait3A_861, %dma_wait3A_865, %dma_wait3A_866] : memref<16384x50x64xf32, #tpu.memory_space<hbm>> -> memref<1x50x64xf32, #tpu.memory_space<hbm>>
    %dma_wait3A_868 = tpu.memref_squeeze %dma_wait3A_867 : memref<1x50x64xf32, #tpu.memory_space<hbm>> -> memref<50x64xf32, #tpu.memory_space<hbm>>
    %dma_wait3A_869 = arith.constant 0 : i32
    %dma_wait3A_870 = arith.constant 0 : i32
    %dma_wait3A_871 = tpu.memref_slice %arg4[%dma_wait3A_861, %dma_wait3A_869, %dma_wait3A_870] : memref<16384x50x64xf32, #tpu.memory_space<hbm>> -> memref<1x50x64xf32, #tpu.memory_space<hbm>>
    %dma_wait3A_872 = tpu.memref_squeeze %dma_wait3A_871 : memref<1x50x64xf32, #tpu.memory_space<hbm>> -> memref<50x64xf32, #tpu.memory_space<hbm>>
    %dma_wait3A_873 = arith.constant 0 : i32
    %dma_wait3A_874 = arith.constant 0 : i32
    %dma_wait3A_875 = tpu.memref_slice %arg8[%dma_wait3A_873, %dma_wait3A_874] : memref<800x64xf32, #tpu.memory_space<vmem>> -> memref<50x64xf32, #tpu.memory_space<vmem>>
    tpu.wait_dma2 semaphore(%arg13 : memref<!tpu.dma_semaphore, #tpu.memory_space<semaphore_mem>>) src(%dma_wait3A_875 : memref<50x64xf32, #tpu.memory_space<vmem>>) dst(%dma_wait3A_872 : memref<50x64xf32, #tpu.memory_space<hbm>>)
    %dma_wait3A_876 = arith.constant 0 : i32
    %dma_wait3A_877 = arith.constant 0 : i32
    %dma_wait3A_878 = arith.constant 0 : i32
    %dma_wait3A_879 = tpu.memref_slice %arg8[%dma_wait3A_877, %dma_wait3A_878] : memref<800x64xf32, #tpu.memory_space<vmem>> -> memref<50x64xf32, #tpu.memory_space<vmem>>
    %dma_wait3A_880 = arith.constant 0 : i32
    %dma_wait3A_881 = arith.constant 0 : i32
    %dma_wait3A_882 = tpu.memref_slice %arg4[%dma_wait3A_876, %dma_wait3A_880, %dma_wait3A_881] : memref<16384x50x64xf32, #tpu.memory_space<hbm>> -> memref<1x50x64xf32, #tpu.memory_space<hbm>>
    %dma_wait3A_883 = tpu.memref_squeeze %dma_wait3A_882 : memref<1x50x64xf32, #tpu.memory_space<hbm>> -> memref<50x64xf32, #tpu.memory_space<hbm>>
    %dma_wait3A_884 = arith.constant 0 : i32
    %dma_wait3A_885 = arith.constant 0 : i32
    %dma_wait3A_886 = tpu.memref_slice %arg4[%dma_wait3A_876, %dma_wait3A_884, %dma_wait3A_885] : memref<16384x50x64xf32, #tpu.memory_space<hbm>> -> memref<1x50x64xf32, #tpu.memory_space<hbm>>
    %dma_wait3A_887 = tpu.memref_squeeze %dma_wait3A_886 : memref<1x50x64xf32, #tpu.memory_space<hbm>> -> memref<50x64xf32, #tpu.memory_space<hbm>>
    %dma_wait3A_888 = arith.constant 0 : i32
    %dma_wait3A_889 = arith.constant 0 : i32
    %dma_wait3A_890 = tpu.memref_slice %arg8[%dma_wait3A_888, %dma_wait3A_889] : memref<800x64xf32, #tpu.memory_space<vmem>> -> memref<50x64xf32, #tpu.memory_space<vmem>>
    tpu.wait_dma2 semaphore(%arg13 : memref<!tpu.dma_semaphore, #tpu.memory_space<semaphore_mem>>) src(%dma_wait3A_890 : memref<50x64xf32, #tpu.memory_space<vmem>>) dst(%dma_wait3A_887 : memref<50x64xf32, #tpu.memory_space<hbm>>)
    %dma_wait3A_891 = arith.constant 0 : i32
    %dma_wait3A_892 = arith.constant 0 : i32
    %dma_wait3A_893 = arith.constant 0 : i32
    %dma_wait3A_894 = tpu.memref_slice %arg8[%dma_wait3A_892, %dma_wait3A_893] : memref<800x64xf32, #tpu.memory_space<vmem>> -> memref<50x64xf32, #tpu.memory_space<vmem>>
    %dma_wait3A_895 = arith.constant 0 : i32
    %dma_wait3A_896 = arith.constant 0 : i32
    %dma_wait3A_897 = tpu.memref_slice %arg4[%dma_wait3A_891, %dma_wait3A_895, %dma_wait3A_896] : memref<16384x50x64xf32, #tpu.memory_space<hbm>> -> memref<1x50x64xf32, #tpu.memory_space<hbm>>
    %dma_wait3A_898 = tpu.memref_squeeze %dma_wait3A_897 : memref<1x50x64xf32, #tpu.memory_space<hbm>> -> memref<50x64xf32, #tpu.memory_space<hbm>>
    %dma_wait3A_899 = arith.constant 0 : i32
    %dma_wait3A_900 = arith.constant 0 : i32
    %dma_wait3A_901 = tpu.memref_slice %arg4[%dma_wait3A_891, %dma_wait3A_899, %dma_wait3A_900] : memref<16384x50x64xf32, #tpu.memory_space<hbm>> -> memref<1x50x64xf32, #tpu.memory_space<hbm>>
    %dma_wait3A_902 = tpu.memref_squeeze %dma_wait3A_901 : memref<1x50x64xf32, #tpu.memory_space<hbm>> -> memref<50x64xf32, #tpu.memory_space<hbm>>
    %dma_wait3A_903 = arith.constant 0 : i32
    %dma_wait3A_904 = arith.constant 0 : i32
    %dma_wait3A_905 = tpu.memref_slice %arg8[%dma_wait3A_903, %dma_wait3A_904] : memref<800x64xf32, #tpu.memory_space<vmem>> -> memref<50x64xf32, #tpu.memory_space<vmem>>
    tpu.wait_dma2 semaphore(%arg13 : memref<!tpu.dma_semaphore, #tpu.memory_space<semaphore_mem>>) src(%dma_wait3A_905 : memref<50x64xf32, #tpu.memory_space<vmem>>) dst(%dma_wait3A_902 : memref<50x64xf32, #tpu.memory_space<hbm>>)
    %dma_wait3A_906 = arith.constant 0 : i32
    %dma_wait3A_907 = arith.constant 0 : i32
    %dma_wait3A_908 = arith.constant 0 : i32
    %dma_wait3A_909 = tpu.memref_slice %arg8[%dma_wait3A_907, %dma_wait3A_908] : memref<800x64xf32, #tpu.memory_space<vmem>> -> memref<50x64xf32, #tpu.memory_space<vmem>>
    %dma_wait3A_910 = arith.constant 0 : i32
    %dma_wait3A_911 = arith.constant 0 : i32
    %dma_wait3A_912 = tpu.memref_slice %arg4[%dma_wait3A_906, %dma_wait3A_910, %dma_wait3A_911] : memref<16384x50x64xf32, #tpu.memory_space<hbm>> -> memref<1x50x64xf32, #tpu.memory_space<hbm>>
    %dma_wait3A_913 = tpu.memref_squeeze %dma_wait3A_912 : memref<1x50x64xf32, #tpu.memory_space<hbm>> -> memref<50x64xf32, #tpu.memory_space<hbm>>
    %dma_wait3A_914 = arith.constant 0 : i32
    %dma_wait3A_915 = arith.constant 0 : i32
    %dma_wait3A_916 = tpu.memref_slice %arg4[%dma_wait3A_906, %dma_wait3A_914, %dma_wait3A_915] : memref<16384x50x64xf32, #tpu.memory_space<hbm>> -> memref<1x50x64xf32, #tpu.memory_space<hbm>>
    %dma_wait3A_917 = tpu.memref_squeeze %dma_wait3A_916 : memref<1x50x64xf32, #tpu.memory_space<hbm>> -> memref<50x64xf32, #tpu.memory_space<hbm>>
    %dma_wait3A_918 = arith.constant 0 : i32
    %dma_wait3A_919 = arith.constant 0 : i32
    %dma_wait3A_920 = tpu.memref_slice %arg8[%dma_wait3A_918, %dma_wait3A_919] : memref<800x64xf32, #tpu.memory_space<vmem>> -> memref<50x64xf32, #tpu.memory_space<vmem>>
    tpu.wait_dma2 semaphore(%arg13 : memref<!tpu.dma_semaphore, #tpu.memory_space<semaphore_mem>>) src(%dma_wait3A_920 : memref<50x64xf32, #tpu.memory_space<vmem>>) dst(%dma_wait3A_917 : memref<50x64xf32, #tpu.memory_space<hbm>>)
    %dma_wait3A_921 = arith.constant 0 : i32
    %dma_wait3A_922 = arith.constant 0 : i32
    %dma_wait3A_923 = arith.constant 0 : i32
    %dma_wait3A_924 = tpu.memref_slice %arg8[%dma_wait3A_922, %dma_wait3A_923] : memref<800x64xf32, #tpu.memory_space<vmem>> -> memref<50x64xf32, #tpu.memory_space<vmem>>
    %dma_wait3A_925 = arith.constant 0 : i32
    %dma_wait3A_926 = arith.constant 0 : i32
    %dma_wait3A_927 = tpu.memref_slice %arg4[%dma_wait3A_921, %dma_wait3A_925, %dma_wait3A_926] : memref<16384x50x64xf32, #tpu.memory_space<hbm>> -> memref<1x50x64xf32, #tpu.memory_space<hbm>>
    %dma_wait3A_928 = tpu.memref_squeeze %dma_wait3A_927 : memref<1x50x64xf32, #tpu.memory_space<hbm>> -> memref<50x64xf32, #tpu.memory_space<hbm>>
    %dma_wait3A_929 = arith.constant 0 : i32
    %dma_wait3A_930 = arith.constant 0 : i32
    %dma_wait3A_931 = tpu.memref_slice %arg4[%dma_wait3A_921, %dma_wait3A_929, %dma_wait3A_930] : memref<16384x50x64xf32, #tpu.memory_space<hbm>> -> memref<1x50x64xf32, #tpu.memory_space<hbm>>
    %dma_wait3A_932 = tpu.memref_squeeze %dma_wait3A_931 : memref<1x50x64xf32, #tpu.memory_space<hbm>> -> memref<50x64xf32, #tpu.memory_space<hbm>>
    %dma_wait3A_933 = arith.constant 0 : i32
    %dma_wait3A_934 = arith.constant 0 : i32
    %dma_wait3A_935 = tpu.memref_slice %arg8[%dma_wait3A_933, %dma_wait3A_934] : memref<800x64xf32, #tpu.memory_space<vmem>> -> memref<50x64xf32, #tpu.memory_space<vmem>>
    tpu.wait_dma2 semaphore(%arg13 : memref<!tpu.dma_semaphore, #tpu.memory_space<semaphore_mem>>) src(%dma_wait3A_935 : memref<50x64xf32, #tpu.memory_space<vmem>>) dst(%dma_wait3A_932 : memref<50x64xf32, #tpu.memory_space<hbm>>)
    %dma_wait3A_936 = arith.constant 0 : i32
    %dma_wait3A_937 = arith.constant 0 : i32
    %dma_wait3A_938 = arith.constant 0 : i32
    %dma_wait3A_939 = tpu.memref_slice %arg8[%dma_wait3A_937, %dma_wait3A_938] : memref<800x64xf32, #tpu.memory_space<vmem>> -> memref<50x64xf32, #tpu.memory_space<vmem>>
    %dma_wait3A_940 = arith.constant 0 : i32
    %dma_wait3A_941 = arith.constant 0 : i32
    %dma_wait3A_942 = tpu.memref_slice %arg4[%dma_wait3A_936, %dma_wait3A_940, %dma_wait3A_941] : memref<16384x50x64xf32, #tpu.memory_space<hbm>> -> memref<1x50x64xf32, #tpu.memory_space<hbm>>
    %dma_wait3A_943 = tpu.memref_squeeze %dma_wait3A_942 : memref<1x50x64xf32, #tpu.memory_space<hbm>> -> memref<50x64xf32, #tpu.memory_space<hbm>>
    %dma_wait3A_944 = arith.constant 0 : i32
    %dma_wait3A_945 = arith.constant 0 : i32
    %dma_wait3A_946 = tpu.memref_slice %arg4[%dma_wait3A_936, %dma_wait3A_944, %dma_wait3A_945] : memref<16384x50x64xf32, #tpu.memory_space<hbm>> -> memref<1x50x64xf32, #tpu.memory_space<hbm>>
    %dma_wait3A_947 = tpu.memref_squeeze %dma_wait3A_946 : memref<1x50x64xf32, #tpu.memory_space<hbm>> -> memref<50x64xf32, #tpu.memory_space<hbm>>
    %dma_wait3A_948 = arith.constant 0 : i32
    %dma_wait3A_949 = arith.constant 0 : i32
    %dma_wait3A_950 = tpu.memref_slice %arg8[%dma_wait3A_948, %dma_wait3A_949] : memref<800x64xf32, #tpu.memory_space<vmem>> -> memref<50x64xf32, #tpu.memory_space<vmem>>
    tpu.wait_dma2 semaphore(%arg13 : memref<!tpu.dma_semaphore, #tpu.memory_space<semaphore_mem>>) src(%dma_wait3A_950 : memref<50x64xf32, #tpu.memory_space<vmem>>) dst(%dma_wait3A_947 : memref<50x64xf32, #tpu.memory_space<hbm>>)
    %dma_wait3A_951 = arith.constant 0 : i32
    %dma_wait3A_952 = arith.constant 0 : i32
    %dma_wait3A_953 = arith.constant 0 : i32
    %dma_wait3A_954 = tpu.memref_slice %arg8[%dma_wait3A_952, %dma_wait3A_953] : memref<800x64xf32, #tpu.memory_space<vmem>> -> memref<50x64xf32, #tpu.memory_space<vmem>>
    %dma_wait3A_955 = arith.constant 0 : i32
    %dma_wait3A_956 = arith.constant 0 : i32
    %dma_wait3A_957 = tpu.memref_slice %arg4[%dma_wait3A_951, %dma_wait3A_955, %dma_wait3A_956] : memref<16384x50x64xf32, #tpu.memory_space<hbm>> -> memref<1x50x64xf32, #tpu.memory_space<hbm>>
    %dma_wait3A_958 = tpu.memref_squeeze %dma_wait3A_957 : memref<1x50x64xf32, #tpu.memory_space<hbm>> -> memref<50x64xf32, #tpu.memory_space<hbm>>
    %dma_wait3A_959 = arith.constant 0 : i32
    %dma_wait3A_960 = arith.constant 0 : i32
    %dma_wait3A_961 = tpu.memref_slice %arg4[%dma_wait3A_951, %dma_wait3A_959, %dma_wait3A_960] : memref<16384x50x64xf32, #tpu.memory_space<hbm>> -> memref<1x50x64xf32, #tpu.memory_space<hbm>>
    %dma_wait3A_962 = tpu.memref_squeeze %dma_wait3A_961 : memref<1x50x64xf32, #tpu.memory_space<hbm>> -> memref<50x64xf32, #tpu.memory_space<hbm>>
    %dma_wait3A_963 = arith.constant 0 : i32
    %dma_wait3A_964 = arith.constant 0 : i32
    %dma_wait3A_965 = tpu.memref_slice %arg8[%dma_wait3A_963, %dma_wait3A_964] : memref<800x64xf32, #tpu.memory_space<vmem>> -> memref<50x64xf32, #tpu.memory_space<vmem>>
    tpu.wait_dma2 semaphore(%arg13 : memref<!tpu.dma_semaphore, #tpu.memory_space<semaphore_mem>>) src(%dma_wait3A_965 : memref<50x64xf32, #tpu.memory_space<vmem>>) dst(%dma_wait3A_962 : memref<50x64xf32, #tpu.memory_space<hbm>>)
    %dma_wait3A_966 = arith.constant 0 : i32
    %dma_wait3A_967 = arith.constant 0 : i32
    %dma_wait3A_968 = arith.constant 0 : i32
    %dma_wait3A_969 = tpu.memref_slice %arg8[%dma_wait3A_967, %dma_wait3A_968] : memref<800x64xf32, #tpu.memory_space<vmem>> -> memref<50x64xf32, #tpu.memory_space<vmem>>
    %dma_wait3A_970 = arith.constant 0 : i32
    %dma_wait3A_971 = arith.constant 0 : i32
    %dma_wait3A_972 = tpu.memref_slice %arg4[%dma_wait3A_966, %dma_wait3A_970, %dma_wait3A_971] : memref<16384x50x64xf32, #tpu.memory_space<hbm>> -> memref<1x50x64xf32, #tpu.memory_space<hbm>>
    %dma_wait3A_973 = tpu.memref_squeeze %dma_wait3A_972 : memref<1x50x64xf32, #tpu.memory_space<hbm>> -> memref<50x64xf32, #tpu.memory_space<hbm>>
    %dma_wait3A_974 = arith.constant 0 : i32
    %dma_wait3A_975 = arith.constant 0 : i32
    %dma_wait3A_976 = tpu.memref_slice %arg4[%dma_wait3A_966, %dma_wait3A_974, %dma_wait3A_975] : memref<16384x50x64xf32, #tpu.memory_space<hbm>> -> memref<1x50x64xf32, #tpu.memory_space<hbm>>
    %dma_wait3A_977 = tpu.memref_squeeze %dma_wait3A_976 : memref<1x50x64xf32, #tpu.memory_space<hbm>> -> memref<50x64xf32, #tpu.memory_space<hbm>>
    %dma_wait3A_978 = arith.constant 0 : i32
    %dma_wait3A_979 = arith.constant 0 : i32
    %dma_wait3A_980 = tpu.memref_slice %arg8[%dma_wait3A_978, %dma_wait3A_979] : memref<800x64xf32, #tpu.memory_space<vmem>> -> memref<50x64xf32, #tpu.memory_space<vmem>>
    tpu.wait_dma2 semaphore(%arg13 : memref<!tpu.dma_semaphore, #tpu.memory_space<semaphore_mem>>) src(%dma_wait3A_980 : memref<50x64xf32, #tpu.memory_space<vmem>>) dst(%dma_wait3A_977 : memref<50x64xf32, #tpu.memory_space<hbm>>)
    %dma_wait3A_981 = arith.constant 0 : i32
    %dma_wait3A_982 = arith.constant 0 : i32
    %dma_wait3A_983 = arith.constant 0 : i32
    %dma_wait3A_984 = tpu.memref_slice %arg8[%dma_wait3A_982, %dma_wait3A_983] : memref<800x64xf32, #tpu.memory_space<vmem>> -> memref<50x64xf32, #tpu.memory_space<vmem>>
    %dma_wait3A_985 = arith.constant 0 : i32
    %dma_wait3A_986 = arith.constant 0 : i32
    %dma_wait3A_987 = tpu.memref_slice %arg4[%dma_wait3A_981, %dma_wait3A_985, %dma_wait3A_986] : memref<16384x50x64xf32, #tpu.memory_space<hbm>> -> memref<1x50x64xf32, #tpu.memory_space<hbm>>
    %dma_wait3A_988 = tpu.memref_squeeze %dma_wait3A_987 : memref<1x50x64xf32, #tpu.memory_space<hbm>> -> memref<50x64xf32, #tpu.memory_space<hbm>>
    %dma_wait3A_989 = arith.constant 0 : i32
    %dma_wait3A_990 = arith.constant 0 : i32
    %dma_wait3A_991 = tpu.memref_slice %arg4[%dma_wait3A_981, %dma_wait3A_989, %dma_wait3A_990] : memref<16384x50x64xf32, #tpu.memory_space<hbm>> -> memref<1x50x64xf32, #tpu.memory_space<hbm>>
    %dma_wait3A_992 = tpu.memref_squeeze %dma_wait3A_991 : memref<1x50x64xf32, #tpu.memory_space<hbm>> -> memref<50x64xf32, #tpu.memory_space<hbm>>
    %dma_wait3A_993 = arith.constant 0 : i32
    %dma_wait3A_994 = arith.constant 0 : i32
    %dma_wait3A_995 = tpu.memref_slice %arg8[%dma_wait3A_993, %dma_wait3A_994] : memref<800x64xf32, #tpu.memory_space<vmem>> -> memref<50x64xf32, #tpu.memory_space<vmem>>
    tpu.wait_dma2 semaphore(%arg13 : memref<!tpu.dma_semaphore, #tpu.memory_space<semaphore_mem>>) src(%dma_wait3A_995 : memref<50x64xf32, #tpu.memory_space<vmem>>) dst(%dma_wait3A_992 : memref<50x64xf32, #tpu.memory_space<hbm>>)
    %dma_wait3A_996 = arith.constant 0 : i32
    %dma_wait3A_997 = arith.constant 0 : i32
    %dma_wait3A_998 = arith.constant 0 : i32
    %dma_wait3A_999 = tpu.memref_slice %arg8[%dma_wait3A_997, %dma_wait3A_998] : memref<800x64xf32, #tpu.memory_space<vmem>> -> memref<50x64xf32, #tpu.memory_space<vmem>>
    %dma_wait3A_1000 = arith.constant 0 : i32
    %dma_wait3A_1001 = arith.constant 0 : i32
    %dma_wait3A_1002 = tpu.memref_slice %arg4[%dma_wait3A_996, %dma_wait3A_1000, %dma_wait3A_1001] : memref<16384x50x64xf32, #tpu.memory_space<hbm>> -> memref<1x50x64xf32, #tpu.memory_space<hbm>>
    %dma_wait3A_1003 = tpu.memref_squeeze %dma_wait3A_1002 : memref<1x50x64xf32, #tpu.memory_space<hbm>> -> memref<50x64xf32, #tpu.memory_space<hbm>>
    %dma_wait3A_1004 = arith.constant 0 : i32
    %dma_wait3A_1005 = arith.constant 0 : i32
    %dma_wait3A_1006 = tpu.memref_slice %arg4[%dma_wait3A_996, %dma_wait3A_1004, %dma_wait3A_1005] : memref<16384x50x64xf32, #tpu.memory_space<hbm>> -> memref<1x50x64xf32, #tpu.memory_space<hbm>>
    %dma_wait3A_1007 = tpu.memref_squeeze %dma_wait3A_1006 : memref<1x50x64xf32, #tpu.memory_space<hbm>> -> memref<50x64xf32, #tpu.memory_space<hbm>>
    %dma_wait3A_1008 = arith.constant 0 : i32
    %dma_wait3A_1009 = arith.constant 0 : i32
    %dma_wait3A_1010 = tpu.memref_slice %arg8[%dma_wait3A_1008, %dma_wait3A_1009] : memref<800x64xf32, #tpu.memory_space<vmem>> -> memref<50x64xf32, #tpu.memory_space<vmem>>
    tpu.wait_dma2 semaphore(%arg13 : memref<!tpu.dma_semaphore, #tpu.memory_space<semaphore_mem>>) src(%dma_wait3A_1010 : memref<50x64xf32, #tpu.memory_space<vmem>>) dst(%dma_wait3A_1007 : memref<50x64xf32, #tpu.memory_space<hbm>>)
    %dma_wait3A_1011 = arith.constant 0 : i32
    %dma_wait3A_1012 = arith.constant 0 : i32
    %dma_wait3A_1013 = arith.constant 0 : i32
    %dma_wait3A_1014 = tpu.memref_slice %arg8[%dma_wait3A_1012, %dma_wait3A_1013] : memref<800x64xf32, #tpu.memory_space<vmem>> -> memref<50x64xf32, #tpu.memory_space<vmem>>
    %dma_wait3A_1015 = arith.constant 0 : i32
    %dma_wait3A_1016 = arith.constant 0 : i32
    %dma_wait3A_1017 = tpu.memref_slice %arg4[%dma_wait3A_1011, %dma_wait3A_1015, %dma_wait3A_1016] : memref<16384x50x64xf32, #tpu.memory_space<hbm>> -> memref<1x50x64xf32, #tpu.memory_space<hbm>>
    %dma_wait3A_1018 = tpu.memref_squeeze %dma_wait3A_1017 : memref<1x50x64xf32, #tpu.memory_space<hbm>> -> memref<50x64xf32, #tpu.memory_space<hbm>>
    %dma_wait3A_1019 = arith.constant 0 : i32
    %dma_wait3A_1020 = arith.constant 0 : i32
    %dma_wait3A_1021 = tpu.memref_slice %arg4[%dma_wait3A_1011, %dma_wait3A_1019, %dma_wait3A_1020] : memref<16384x50x64xf32, #tpu.memory_space<hbm>> -> memref<1x50x64xf32, #tpu.memory_space<hbm>>
    %dma_wait3A_1022 = tpu.memref_squeeze %dma_wait3A_1021 : memref<1x50x64xf32, #tpu.memory_space<hbm>> -> memref<50x64xf32, #tpu.memory_space<hbm>>
    %dma_wait3A_1023 = arith.constant 0 : i32
    %dma_wait3A_1024 = arith.constant 0 : i32
    %dma_wait3A_1025 = tpu.memref_slice %arg8[%dma_wait3A_1023, %dma_wait3A_1024] : memref<800x64xf32, #tpu.memory_space<vmem>> -> memref<50x64xf32, #tpu.memory_space<vmem>>
    tpu.wait_dma2 semaphore(%arg13 : memref<!tpu.dma_semaphore, #tpu.memory_space<semaphore_mem>>) src(%dma_wait3A_1025 : memref<50x64xf32, #tpu.memory_space<vmem>>) dst(%dma_wait3A_1022 : memref<50x64xf32, #tpu.memory_space<hbm>>)
    %dma_wait3A_1026 = arith.constant 0 : i32
    %dma_wait3A_1027 = arith.constant 0 : i32
    %dma_wait3A_1028 = arith.constant 0 : i32
    %dma_wait3A_1029 = tpu.memref_slice %arg8[%dma_wait3A_1027, %dma_wait3A_1028] : memref<800x64xf32, #tpu.memory_space<vmem>> -> memref<50x64xf32, #tpu.memory_space<vmem>>
    %dma_wait3A_1030 = arith.constant 0 : i32
    %dma_wait3A_1031 = arith.constant 0 : i32
    %dma_wait3A_1032 = tpu.memref_slice %arg4[%dma_wait3A_1026, %dma_wait3A_1030, %dma_wait3A_1031] : memref<16384x50x64xf32, #tpu.memory_space<hbm>> -> memref<1x50x64xf32, #tpu.memory_space<hbm>>
    %dma_wait3A_1033 = tpu.memref_squeeze %dma_wait3A_1032 : memref<1x50x64xf32, #tpu.memory_space<hbm>> -> memref<50x64xf32, #tpu.memory_space<hbm>>
    %dma_wait3A_1034 = arith.constant 0 : i32
    %dma_wait3A_1035 = arith.constant 0 : i32
    %dma_wait3A_1036 = tpu.memref_slice %arg4[%dma_wait3A_1026, %dma_wait3A_1034, %dma_wait3A_1035] : memref<16384x50x64xf32, #tpu.memory_space<hbm>> -> memref<1x50x64xf32, #tpu.memory_space<hbm>>
    %dma_wait3A_1037 = tpu.memref_squeeze %dma_wait3A_1036 : memref<1x50x64xf32, #tpu.memory_space<hbm>> -> memref<50x64xf32, #tpu.memory_space<hbm>>
    %dma_wait3A_1038 = arith.constant 0 : i32
    %dma_wait3A_1039 = arith.constant 0 : i32
    %dma_wait3A_1040 = tpu.memref_slice %arg8[%dma_wait3A_1038, %dma_wait3A_1039] : memref<800x64xf32, #tpu.memory_space<vmem>> -> memref<50x64xf32, #tpu.memory_space<vmem>>
    tpu.wait_dma2 semaphore(%arg13 : memref<!tpu.dma_semaphore, #tpu.memory_space<semaphore_mem>>) src(%dma_wait3A_1040 : memref<50x64xf32, #tpu.memory_space<vmem>>) dst(%dma_wait3A_1037 : memref<50x64xf32, #tpu.memory_space<hbm>>)
    %dma_wait3A_1041 = arith.constant 0 : i32
    %dma_wait3A_1042 = arith.constant 0 : i32
    %dma_wait3A_1043 = arith.constant 0 : i32
    %dma_wait3A_1044 = tpu.memref_slice %arg8[%dma_wait3A_1042, %dma_wait3A_1043] : memref<800x64xf32, #tpu.memory_space<vmem>> -> memref<50x64xf32, #tpu.memory_space<vmem>>
    %dma_wait3A_1045 = arith.constant 0 : i32
    %dma_wait3A_1046 = arith.constant 0 : i32
    %dma_wait3A_1047 = tpu.memref_slice %arg4[%dma_wait3A_1041, %dma_wait3A_1045, %dma_wait3A_1046] : memref<16384x50x64xf32, #tpu.memory_space<hbm>> -> memref<1x50x64xf32, #tpu.memory_space<hbm>>
    %dma_wait3A_1048 = tpu.memref_squeeze %dma_wait3A_1047 : memref<1x50x64xf32, #tpu.memory_space<hbm>> -> memref<50x64xf32, #tpu.memory_space<hbm>>
    %dma_wait3A_1049 = arith.constant 0 : i32
    %dma_wait3A_1050 = arith.constant 0 : i32
    %dma_wait3A_1051 = tpu.memref_slice %arg4[%dma_wait3A_1041, %dma_wait3A_1049, %dma_wait3A_1050] : memref<16384x50x64xf32, #tpu.memory_space<hbm>> -> memref<1x50x64xf32, #tpu.memory_space<hbm>>
    %dma_wait3A_1052 = tpu.memref_squeeze %dma_wait3A_1051 : memref<1x50x64xf32, #tpu.memory_space<hbm>> -> memref<50x64xf32, #tpu.memory_space<hbm>>
    %dma_wait3A_1053 = arith.constant 0 : i32
    %dma_wait3A_1054 = arith.constant 0 : i32
    %dma_wait3A_1055 = tpu.memref_slice %arg8[%dma_wait3A_1053, %dma_wait3A_1054] : memref<800x64xf32, #tpu.memory_space<vmem>> -> memref<50x64xf32, #tpu.memory_space<vmem>>
    tpu.wait_dma2 semaphore(%arg13 : memref<!tpu.dma_semaphore, #tpu.memory_space<semaphore_mem>>) src(%dma_wait3A_1055 : memref<50x64xf32, #tpu.memory_space<vmem>>) dst(%dma_wait3A_1052 : memref<50x64xf32, #tpu.memory_space<hbm>>)
    %dma_wait3A_1056 = arith.constant 0 : i32
    %dma_wait3A_1057 = arith.constant 0 : i32
    %dma_wait3A_1058 = arith.constant 0 : i32
    %dma_wait3A_1059 = tpu.memref_slice %arg8[%dma_wait3A_1057, %dma_wait3A_1058] : memref<800x64xf32, #tpu.memory_space<vmem>> -> memref<50x64xf32, #tpu.memory_space<vmem>>
    %dma_wait3A_1060 = arith.constant 0 : i32
    %dma_wait3A_1061 = arith.constant 0 : i32
    %dma_wait3A_1062 = tpu.memref_slice %arg4[%dma_wait3A_1056, %dma_wait3A_1060, %dma_wait3A_1061] : memref<16384x50x64xf32, #tpu.memory_space<hbm>> -> memref<1x50x64xf32, #tpu.memory_space<hbm>>
    %dma_wait3A_1063 = tpu.memref_squeeze %dma_wait3A_1062 : memref<1x50x64xf32, #tpu.memory_space<hbm>> -> memref<50x64xf32, #tpu.memory_space<hbm>>
    %dma_wait3A_1064 = arith.constant 0 : i32
    %dma_wait3A_1065 = arith.constant 0 : i32
    %dma_wait3A_1066 = tpu.memref_slice %arg4[%dma_wait3A_1056, %dma_wait3A_1064, %dma_wait3A_1065] : memref<16384x50x64xf32, #tpu.memory_space<hbm>> -> memref<1x50x64xf32, #tpu.memory_space<hbm>>
    %dma_wait3A_1067 = tpu.memref_squeeze %dma_wait3A_1066 : memref<1x50x64xf32, #tpu.memory_space<hbm>> -> memref<50x64xf32, #tpu.memory_space<hbm>>
    %dma_wait3A_1068 = arith.constant 0 : i32
    %dma_wait3A_1069 = arith.constant 0 : i32
    %dma_wait3A_1070 = tpu.memref_slice %arg8[%dma_wait3A_1068, %dma_wait3A_1069] : memref<800x64xf32, #tpu.memory_space<vmem>> -> memref<50x64xf32, #tpu.memory_space<vmem>>
    tpu.wait_dma2 semaphore(%arg13 : memref<!tpu.dma_semaphore, #tpu.memory_space<semaphore_mem>>) src(%dma_wait3A_1070 : memref<50x64xf32, #tpu.memory_space<vmem>>) dst(%dma_wait3A_1067 : memref<50x64xf32, #tpu.memory_space<hbm>>)
    %dma_wait3A_1071 = arith.constant 0 : i32
    %dma_wait3A_1072 = arith.constant 0 : i32
    %dma_wait3A_1073 = arith.constant 0 : i32
    %dma_wait3A_1074 = tpu.memref_slice %arg8[%dma_wait3A_1072, %dma_wait3A_1073] : memref<800x64xf32, #tpu.memory_space<vmem>> -> memref<50x64xf32, #tpu.memory_space<vmem>>
    %dma_wait3A_1075 = arith.constant 0 : i32
    %dma_wait3A_1076 = arith.constant 0 : i32
    %dma_wait3A_1077 = tpu.memref_slice %arg4[%dma_wait3A_1071, %dma_wait3A_1075, %dma_wait3A_1076] : memref<16384x50x64xf32, #tpu.memory_space<hbm>> -> memref<1x50x64xf32, #tpu.memory_space<hbm>>
    %dma_wait3A_1078 = tpu.memref_squeeze %dma_wait3A_1077 : memref<1x50x64xf32, #tpu.memory_space<hbm>> -> memref<50x64xf32, #tpu.memory_space<hbm>>
    %dma_wait3A_1079 = arith.constant 0 : i32
    %dma_wait3A_1080 = arith.constant 0 : i32
    %dma_wait3A_1081 = tpu.memref_slice %arg4[%dma_wait3A_1071, %dma_wait3A_1079, %dma_wait3A_1080] : memref<16384x50x64xf32, #tpu.memory_space<hbm>> -> memref<1x50x64xf32, #tpu.memory_space<hbm>>
    %dma_wait3A_1082 = tpu.memref_squeeze %dma_wait3A_1081 : memref<1x50x64xf32, #tpu.memory_space<hbm>> -> memref<50x64xf32, #tpu.memory_space<hbm>>
    %dma_wait3A_1083 = arith.constant 0 : i32
    %dma_wait3A_1084 = arith.constant 0 : i32
    %dma_wait3A_1085 = tpu.memref_slice %arg8[%dma_wait3A_1083, %dma_wait3A_1084] : memref<800x64xf32, #tpu.memory_space<vmem>> -> memref<50x64xf32, #tpu.memory_space<vmem>>
    tpu.wait_dma2 semaphore(%arg13 : memref<!tpu.dma_semaphore, #tpu.memory_space<semaphore_mem>>) src(%dma_wait3A_1085 : memref<50x64xf32, #tpu.memory_space<vmem>>) dst(%dma_wait3A_1082 : memref<50x64xf32, #tpu.memory_space<hbm>>)
    return
  }
}

</mosaic_0001>

<sc_bundles>
// kernel: _run.3.cloned.1.call-start
scs
__scs_entry_jumppad:
0x0: {  	(pc) =	sbr.rel $0x88, $3  }
0x1: {  	(tag) =	ssettag $0x0;
	lr =	simm.s32 $0x1  }
0x2: {  	[smem:$0x3F9F] =	sst lr;
	_ =	strace $0xD0000000  }
0x3: {  	_ = 	snop  }
0x4: {  	_ = 	snop  }
0x5: {  	_ = 	snop  }
0x6: {  	_ = 	snop  }
0x7: {  	_ = 	snop  }
__scs_overlays_trampoline_lowered:
0x8: {  	[smem:$0x3FAE] =	sst s0  }
0x9: {  	[smem:$0x3FAF] =	sst s1  }
0xa: {  	[smem:$0x3FB0] =	sst s2  }
0xb: {  	[smem:$0x3FB1] =	sst s3  }
0xc: {  	[smem:$0x3FB2] =	sst s4  }
0xd: {  	[smem:$0x3FB3] =	sst s5  }
0xe: {  	[smem:$0x3FB4] =	sst s6  }
0xf: {  	[smem:$0x3FB5] =	sst s7  }
0x10: {  	[smem:$0x3FB6] =	sst s8  }
0x11: {  	[smem:$0x3FB7] =	sst s9;
	s0 =	simm.s32 @!p0 $0x0  }
0x12: {  	s1 =	sld [smem:$0x3F9D];
	s0 =	simm.s32 @p0 $0x1  }
0x13: {  	[smem:$0x3FB8] =	sst s0;
	s0 =	simm.s32 @!p1 $0x0  }
0x14: {  	s2 =	sld [smem:$0x3F9C];
	s0 =	simm.s32 @p1 $0x1  }
0x15: {  	[smem:$0x3FB9] =	sst s0;
	s0 =	simm.s32 @!p2 $0x0  }
0x16: {  	s3 =	sld [smem:$0x3FDB];
	s0 =	simm.s32 @p2 $0x1  }
0x17: {  	s4 =	simm.s32 $0x1BF5;
	[smem:$0x3FBB] =	sst s0  }
0x18: {  	s0 =	sld [smem:$0x3F9E];
	_ =	swait.ge [sflag:s4], $0x0  }
0x19: {  	s7 =	sld [smem:$0x3F9F]  }
0x1a: {  	s8 =	sadd.s32 $0xFFFFE003, lr  }
0x1b: {  	s9 =	sadd.s32 $0xFFFFFEF7, lr;
	s5 =	simm.s32 $0xFFFFFFFF;
	p2 =	slt.u32 s8, $0xFFFFF086  }
0x1c: {  	p1 =	slt.u32 s9, $0xF7A;
	s5 =	simm.s32 @!p2 $0x0  }
0x1d: {  	s5 =	simm.s32 @p1 $0x1;
	p0 =	seq.s32 s7, s2  }
0x1e: {  	s7 =	smul.u32 @!p0 $0xF7A, s2;
	p2 =	seq.s32 @!p0 s5, $0x0  }
0x1f: {  	s9 =	smul.u32 $0xF7A, s1;
	s8 =	simm.s32 @!p0 $0x1BF5;
	p2 =	por !p2, p0  }
0x20: {  	[sflag:s8] =	ssyncset.s32 @!p0 $0xFFFFF086;
	s6 =	sadd.s32 @!p0 s3, s7;
	s7 =	simm.s32 @!p0 $0x108  }
0x21: {  	s3 =	sadd.s32 s3, s9;
	s6 =	sadd.s32 @!p0 $0x88, s6;
	s7 =	simm.s32 @p2 $0x1082  }
0x22: {  	[simem:s7], [sflag:s8] =	dma.local @!p0 [hbm:s6], $0xF7A  }
0x23: {  	s9 =	sor.u32 $0xD0000000, s2;
	s6 =	simm.s32 $0x108;
	_ =	swait.ge @!p0 [sflag:s8], $0x0  }
0x24: {  	s3 =	sadd.s32 $0x88, s3;
	s6 =	simm.s32 @!p1 $0x1082;
	[sflag:s4] =	ssyncset.s32 $0xFFFFF086  }
0x25: {  	[simem:s6], [sflag:s4] =	dma.local [hbm:s3], $0xF7A  }
0x26: {  	[smem:$0x3F9F] =	sst s1;
	(tag) =	ssettag s2;
	_ =	strace s9  }
0x27: {  	s1 =	sld [smem:$0x3FAF]  }
0x28: {  	s2 =	sld [smem:$0x3FB0]  }
0x29: {  	s4 =	sld [smem:$0x3FB2]  }
0x2a: {  	p0 =	seq.s32 s5, $0x0;
	s5 =	sld [smem:$0x3FB3]  }
0x2b: {  	s6 =	sld [smem:$0x3FB4]  }
0x2c: {  	s7 =	sld [smem:$0x3FB5]  }
0x2d: {  	s3 =	simm.s32 $0x108;
	s8 =	sld [smem:$0x3FB6]  }
0x2e: {  	s3 =	simm.s32 @!p0 $0x1082;
	s9 =	sld [smem:$0x3FB7]  }
0x2f: {  	lr =	sadd.s32 s0, s3;
	s0 =	sld [smem:$0x3FAE]  }
0x30: {  	s3 =	sld [smem:$0x3FB1]  }
0x31: {  	[smem:$0x3FBA] =	sst s10  }
0x32: {  	s10 =	sld [smem:$0x3FB8];
	_ =	sdelay $0x3  }
0x33: {  	p0 =	seq.s32 s10, $0x1;
	s10 =	sld [smem:$0x3FBA];
	_ =	sdelay $0x3  }
0x34: {  	[smem:$0x3FBA] =	sst s10  }
0x35: {  	s10 =	sld [smem:$0x3FB9];
	_ =	sdelay $0x3  }
0x36: {  	p1 =	seq.s32 s10, $0x1;
	s10 =	sld [smem:$0x3FBA];
	_ =	sdelay $0x3  }
0x37: {  	[smem:$0x3FBA] =	sst s10  }
0x38: {  	s10 =	sld [smem:$0x3FBB]  }
0x39: {  	_ = 	snop;
	(pc) =	sbr.ind lr, $3  }
0x3a: {  	_ = 	snop  }
0x3b: {  	_ = 	snop  }
0x3c: {  	p2 =	seq.s32 s10, $0x1;
	s10 =	sld [smem:$0x3FBA]  }
0x3d: {  	_ =	shalt  }
0x3e: {  	_ =	shalt  }
0x3f: {  	_ =	shalt  }
0x40: {  	_ =	shalt  }
0x41: {  	_ =	shalt  }
0x42: {  	_ =	shalt  }
0x43: {  	_ =	shalt  }
0x44: {  	_ =	shalt  }
0x45: {  	_ =	shalt  }
0x46: {  	_ =	shalt  }
0x47: {  	_ =	shalt  }
0x48: {  	_ =	shalt  }
0x49: {  	_ =	shalt  }
0x4a: {  	_ =	shalt  }
0x4b: {  	_ =	shalt  }
0x4c: {  	_ =	shalt  }
0x4d: {  	_ =	shalt  }
0x4e: {  	_ =	shalt  }
0x4f: {  	_ =	shalt  }
0x50: {  	_ =	shalt  }
0x51: {  	_ =	shalt  }
0x52: {  	_ =	shalt  }
0x53: {  	_ =	shalt  }
0x54: {  	_ =	shalt  }
0x55: {  	_ =	shalt  }
0x56: {  	_ =	shalt  }
0x57: {  	_ =	shalt  }
0x58: {  	_ =	shalt  }
0x59: {  	_ =	shalt  }
0x5a: {  	_ =	shalt  }
0x5b: {  	_ =	shalt  }
0x5c: {  	_ =	shalt  }
0x5d: {  	_ =	shalt  }
0x5e: {  	_ =	shalt  }
0x5f: {  	_ =	shalt  }
0x60: {  	_ =	shalt  }
0x61: {  	_ =	shalt  }
0x62: {  	_ =	shalt  }
0x63: {  	_ =	shalt  }
0x64: {  	_ =	shalt  }
0x65: {  	_ =	shalt  }
0x66: {  	_ =	shalt  }
0x67: {  	_ =	shalt  }
0x68: {  	_ =	shalt  }
0x69: {  	_ =	shalt  }
0x6a: {  	_ =	shalt  }
0x6b: {  	_ =	shalt  }
0x6c: {  	_ =	shalt  }
0x6d: {  	_ =	shalt  }
0x6e: {  	_ =	shalt  }
0x6f: {  	_ =	shalt  }
0x70: {  	_ =	shalt  }
0x71: {  	_ =	shalt  }
0x72: {  	_ =	shalt  }
0x73: {  	_ =	shalt  }
0x74: {  	_ =	shalt  }
0x75: {  	_ =	shalt  }
0x76: {  	_ =	shalt  }
0x77: {  	_ =	shalt  }
0x78: {  	_ =	shalt  }
0x79: {  	_ =	shalt  }
0x7a: {  	_ =	shalt  }
0x7b: {  	_ =	shalt  }
0x7c: {  	_ =	shalt  }
0x7d: {  	_ =	shalt  }
0x7e: {  	_ =	shalt  }
0x7f: {  	_ =	shalt  }
0x80: {  	_ =	shalt  }
0x81: {  	_ =	shalt  }
0x82: {  	_ =	shalt  }
0x83: {  	_ =	shalt  }
0x84: {  	_ =	shalt  }
0x85: {  	_ =	shalt  }
0x86: {  	_ =	shalt  }
0x87: {  	_ =	shalt  }
.Lfunc_end0:
.L_simem_size_0:
called_computation.1_lowered:
.L_overlay_start_0:
0x88: {  	s2 =	sld [smem:$0x3FD9]  }
0x89: {  	s3 =	sld [smem:$0x3FFE];
	_ =	sdelay $0x1  }
0x8a: {  	s1 =	srdreg.scid  }
0x8b: {  	s0 =	sand.u32 $0x1, s1  }
0x8c: {  	s17 =	sshll.u32 s0, $0xA;
	s2 =	sadd.s32 s3, s2  }
0x8d: {  	s2 =	sadd.s32 s2, s17  }
0x8e: {  	[smem:$0x3FC6] =	sst s2  }
0x8f: {  	_ = 	snop  }
0x90: {  	s2 =	sld [smem:$0x3FC9]  }
0x91: {  	s18 =	sld [smem:$0x3FD0];
	(tm) =	ssettm $0x1  }
0x92: {  	s4 =	sld [smem:$0x3FFB];
	_ =	sdelay $0x3  }
0x93: {  	_ =	strace s4  }
0x94: {  	s4 =	sld [smem:$0x3FFC];
	_ =	sdelay $0x3  }
0x95: {  	_ =	strace s4  }
0x96: {  	s4 =	sld [smem:$0x3FFD];
	_ =	sdelay $0x3  }
0x97: {  	_ =	strace s4  }
0x98: {  	_ =	strace $0x8FFFFFFF  }
0x99: {  	s19 =	sld [smem:$0x3FDB];
	_ =	sdelay $0x1  }
0x9a: {  	s5 =	simm.s32 $_scs_section_size  }
0x9b: {  	s6 =	simm.s32 $_size__tile_overlayer_lowered;
	s7 =	simm.s32 $_tile_overlayer_lowered  }
0x9c: {  	s22 =	simm.s32 $0x1BFF;
	s21 =	sshll.u32 s7, $0x1;
	s4 =	sadd.s32 s5, s19  }
0x9d: {  	s8 =	simm.s32 $0x0;
	s20 =	sshll.u32 s6, $0x1;
	s6 =	sadd.s32 s21, s4  }
0x9e: {  	[timem:s8], [sflag:s22] =	dma.local [hbm:s6], s20  }
0x9f: {  	_ =	swait.ge [sflag:s22], s20  }
0xa0: {  	s5 =	ssub.s32 $0x0, s20;
	[sflag:s22] =	ssyncset.done $0x0  }
0xa1: {  	[sflag:s22] =	ssyncadd.s32 s5;
	_ =	sdelay $0x1  }
0xa2: {  	s23 =	simm.s32 $0x1B8B  }
0xa3: {  	_ =	swait.ge [sflag:s23], $0x1  }
0xa4: {  	[sflag:s23] =	ssyncset.done $0x0  }
0xa5: {  	s25 =	simm.s32 $0x1B8E;
	s24 =	sld [smem:$0x3FFE];
	[sflag:s23] =	ssyncadd.s32 $0xFFFFFFFF  }
0xa6: {  	s26 =	simm.s32 $execute0_lowered;
	[smem:$0x3FD2] =	sst s25  }
0xa7: {  	s6 =	sshll.u32 s26, $0x1;
	_ =	strace $0x80000046;
	[dreg:$0x1] =	wrdreg $0xFFFFFFFF  }
0xa8: {  	s28 =	simm.s32 $_size_execute0_lowered;
	s4 =	sadd.s32 s4, s6;
	[dreg:$0x0] =	wrdreg $0x0  }
0xa9: {  	s6 =	sshll.u32 s28, $0x1;
	[dreg:$0x2] =	wrdreg s4  }
0xaa: {  	[dreg:$0x3] =	wrdreg s6  }
0xab: {  	[dreg:$0x4] =	wrdreg $0xC0  }
0xac: {  	_ =	task [dreg:s8], $0x5FFFF  }
0xad: {  	[dreg:$0x1] =	wrdreg $0xFFFFFFFF  }
0xae: {  	[dreg:$0x0] =	wrdreg $0x60  }
0xaf: {  	[dreg:$0x2] =	wrdreg s2  }
0xb0: {  	[dreg:$0x3] =	wrdreg s24  }
0xb1: {  	[dreg:$0x4] =	wrdreg s18  }
0xb2: {  	[dreg:$0x5] =	wrdreg $0x9  }
0xb3: {  	_ =	task.clear_ibuf [dreg:s8], $0x6FFFF;
	_ =	strace $0x90000046  }
0xb4: {  	s29 =	simm.s32 $0x9;
	_ =	strace $0x80000048  }
0xb5: {  	_ =	swait.ge [sflag:s29], $0x1  }
0xb6: {  	[sflag:s29] =	ssyncadd.s32 $0xFFFFFFFF  }
0xb7: {  	_ =	strace $0x90000048  }
0xb8: {  	_ =	sfence  }
0xb9: {  	s30 =	sld [smem:$0x0];
	_ =	sdelay $0x2  }
0xba: {  	s31 =	sshll.u32 s1, $0xD;
	s1 =	sshrl.u32 s1, $0x2  }
0xbb: {  	s3 =	sand.u32 $0x4000, s31;
	s1 =	sadd.s32 s1, s30  }
0xbc: {  	s0 =	sor.u32 s3, s0;
	s1 =	sshll.u32 s1, $0x11  }
0xbd: {  	s0 =	sor.u32 s1, s0  }
0xbe: {  	s0 =	sadd.s32 $0x8F2B, s0  }
0xbf: {  	[sflag:s0] =	ssyncadd.remote.s32 $0x1  }
0xc0: {  	_ =	sfence.sel $0xFFFF  }
0xc1: {  	[dreg:$0x0] =	wrdreg $0xFFFFFFFF;
	(pc) =	sbr.abs _section_cstart, $3  }
0xc2: {  	[dreg:$0x1] =	wrdreg $0xFFFFFFFF  }
0xc3: {  	_ =	task.clear_ibuf [dreg:s8], $0x2FFFF;
	_ =	strace $0x9FFFFFFF  }
0xc4: {  	(tm) =	ssettm $0x7FFFFFFF  }
0xc5: {  	_ =	shalt  }
tec
execute0_lowered:
.L_overlay_start_1:
0x0: {  	(tag) =	ssettag $0x1  }
0x1: {  	s3 =	rddreg [dreg:$0x0]  }
0x2: {  	s0 =	rddreg [dreg:$0x1]  }
0x3: {  	s2 =	srdreg.scid;
	s9 =	stileid.u32  }
0x4: {  	s30 =	rddreg [dreg:$0x2];
	s4 =	simm.s32 $0x0;
	s28 =	simm.s32 $0x5140  }
0x5: {  	s2 =	sand.u32 $0x1, s2;
	s5 =	sshll.u32 s9, $0x1;
	[smem:$0x7FF] =	sst s4  }
0x6: {  	s9 =	smul.u32 $0xC800, s9;
	s23 =	sadd.s32 $0x190, s30;
	s12 =	sadd.s32 $0x320, s30  }
0x7: {  	s13 =	sadd.s32 $0x4B0, s30;
	s26 =	sadd.s32 $0x640, s30;
	s17 =	sadd.s32 $0x7D0, s30  }
0x8: {  	s6 =	sor.u32 s2, s5;
	s7 =	ssub.s32 $0x2, s2;
	s2 =	smul.u32 $0x6400, s2  }
0x9: {  	s18 =	sadd.s32 $0x960, s30;
	_ =	strace $0x80000047;
	s8 =	smul.u32 $0x6400, s6  }
0xa: {  	s5 =	sadd.s32 $0xF42C00, s0;
	s20 =	sshrl.u32 s7, $0x1;
	s6 =	smul.u32 $0x32000, s6  }
0xb: {  	s0 =	ssub.s32 s7, s20;
	s2 =	sadd.s32 s2, s9;
	s21 =	sshrl.u32 s8, $0x3  }
0xc: {  	s10 =	sor.u32 $0x320, s8;
	s1 =	sadd.s32 $0x640, s8;
	s14 =	sadd.s32 s6, s23  }
0xd: {  	s9 =	sadd.s32 $0x960, s2;
	s24 =	sadd.s32 s6, s12;
	[dreg:$0x8] =	wrdreg s14  }
0xe: {  	s25 =	sadd.s32 s6, s13;
	s15 =	sadd.s32 s6, s26;
	[dreg:$0x9] =	wrdreg s24  }
0xf: {  	s20 =	sadd.s32 s6, s18;
	s0 =	smax.u32 s0, $0x1;
	[dreg:$0xa] =	wrdreg s25  }
0x10: {  	s7 =	sadd.s32 s3, s21;
	s11 =	sshrl.u32 s10, $0x3;
	[dreg:$0xb] =	wrdreg s15  }
0x11: {  	s22 =	sshrl.u32 s1, $0x3;
	s9 =	smulhi.u32 $0x51EB852, s9;
	[dreg:$0x12] =	wrdreg s20  }
0x12: {  	s10 =	smulhi.u32 $0x51EB852, s10;
	s21 =	sadd.s32 $0xAF0, s30;
	[smem:$0x7FB] =	sst s0  }
0x13: {  	[dreg:$0x5] =	wrdreg s7;
	s11 =	sadd.s32 s3, s11;
	s7 =	smov.u32 s1  }
0x14: {  	s1 =	sadd.s32 s6, s17;
	[dreg:$0x6] =	wrdreg s11;
	s9 =	smul.u32 $0x190, s9  }
0x15: {  	s11 =	sadd.s32 s3, s22;
	s16 =	smul.u32 $0xC80, s10;
	[dreg:$0xc] =	wrdreg s1  }
0x16: {  	s29 =	sadd.s32 $0x960, s8;
	s22 =	sadd.s32 s6, s21;
	[dreg:$0x7] =	wrdreg s11  }
0x17: {  	[dreg:$0x14] =	wrdreg s22;
	s9 =	sadd.s32 s9, s30;
	s8 =	sshrl.u32 s16, $0x3  }
0x18: {  	s31 =	simm.s32 $0xA8C0;
	[dreg:$0x4] =	wrdreg s9;
	s11 =	sadd.s32 s8, s23  }
0x19: {  	s25 =	sadd.s32 $0xE10, s30;
	s12 =	sadd.s32 s8, s12;
	[dreg:$0xd] =	wrdreg s11  }
0x1a: {  	s0 =	simm.s32 $0x6A40;
	s15 =	sadd.s32 s8, s13;
	[dreg:$0xe] =	wrdreg s12  }
0x1b: {  	s1 =	sadd.s32 $0xFA0, s30;
	s16 =	sadd.s32 s8, s26;
	[dreg:$0xf] =	wrdreg s15  }
0x1c: {  	s22 =	sshrl.u32 s29, $0x3;
	s19 =	sadd.s32 s8, s17;
	[dreg:$0x10] =	wrdreg s16  }
0x1d: {  	s9 =	smul.u32 $0x190, s10;
	s10 =	sadd.s32 s8, s18;
	[dreg:$0x11] =	wrdreg s19  }
0x1e: {  	s23 =	sadd.s32 $0xC80, s30;
	s26 =	sadd.s32 s6, s25;
	[dreg:$0x13] =	wrdreg s10  }
0x1f: {  	s13 =	sadd.s32 $0x1130, s30;
	s11 =	sadd.s32 s8, s21;
	[dreg:$0x18] =	wrdreg s26  }
0x20: {  	s17 =	sadd.s32 $0x1450, s30;
	s24 =	sadd.s32 s6, s23;
	[dreg:$0x15] =	wrdreg s11  }
0x21: {  	s10 =	sadd.s32 s8, s23;
	s12 =	sadd.s32 s6, s1;
	[dreg:$0x16] =	wrdreg s24  }
0x22: {  	s14 =	sadd.s32 s6, s13;
	s15 =	sadd.s32 $0x12C0, s30;
	[dreg:$0x17] =	wrdreg s10  }
0x23: {  	s18 =	sadd.s32 s6, s17;
	s19 =	sadd.s32 $0x15E0, s30;
	[dreg:$0x1a] =	wrdreg s12  }
0x24: {  	s21 =	sadd.s32 $0x1770, s30;
	s26 =	sadd.s32 $0x640, s2;
	[dreg:$0x1c] =	wrdreg s14  }
0x25: {  	s2 =	simm.s32 $0x5DC0;
	s11 =	sadd.s32 s8, s25;
	[smem:$0x7F2] =	sst s18  }
0x26: {  	s10 =	sadd.s32 s8, s1;
	s16 =	sadd.s32 s6, s15;
	[smem:$0x7FC] =	sst s26  }
0x27: {  	s20 =	sadd.s32 s6, s19;
	s23 =	sadd.s32 s6, s21;
	[dreg:$0x19] =	wrdreg s11  }
0x28: {  	s6 =	sadd.s32 s30, s6;
	s24 =	sadd.s32 s3, s22;
	[dreg:$0x1b] =	wrdreg s10  }
0x29: {  	s25 =	sadd.s32 s30, s9;
	s22 =	simm.s32 $0x1;
	[dreg:$0x1e] =	wrdreg s16  }
0x2a: {  	s26 =	simm.s32 $0x44C0;
	s1 =	simm.s32 $0x8FC0;
	[smem:$0x7F4] =	sst s20  }
0x2b: {  	s14 =	simm.s32 $0xCE40;
	s18 =	simm.s32 $0xDAC0;
	[smem:$0x7F7] =	sst s23  }
0x2c: {  	s9 =	simm.s32 $0x4;
	s12 =	simm.s32 $0x0;
	[smem:$0x7F8] =	sst s6  }
0x2d: {  	s11 =	sadd.s32 s8, s13;
	s10 =	sadd.s32 s8, s15;
	[smem:$0x7F9] =	sst s24  }
0x2e: {  	[smem:$0x7FA] =	sst s25;
	s23 =	simm.s32 $0x640;
	s24 =	simm.s32 $0x3  }
0x2f: {  	s20 =	simm.s32 $0x2BC0;
	s25 =	simm.s32 $0x3840;
	[smem:$0x7FD] =	sst s12  }
0x30: {  	s6 =	simm.s32 $0x76C0;
	s15 =	simm.s32 $0x9C40;
	[dreg:$0x1d] =	wrdreg s11  }
0x31: {  	s13 =	simm.s32 $0xB540;
	[dreg:$0x1f] =	wrdreg s10;
	s11 =	sadd.s32 s8, s17  }
0x32: {  	s16 =	simm.s32 $0xC1C0;
	s10 =	sadd.s32 s8, s19;
	[smem:$0x7F3] =	sst s11  }
0x33: {  	s8 =	sadd.s32 s8, s21;
	s21 =	simm.s32 $0x320;
	[smem:$0x7F5] =	sst s10  }
0x34: {  	s17 =	simm.s32 $0x12C0;
	s19 =	simm.s32 $0x1F40;
	[smem:$0x7F6] =	sst s8  }
0x35: {  	s8 =	simm.s32 $0x8340;
	s10 =	simm.s32 $0x2;
	s11 =	simm.s32 $0x5  }
.LBB2_1:
0x36: {  	s12 =	rddreg [dreg:$0x5]  }
0x37: {  	[tilespmem:s4], [sflag:$0x1] =	stream.linear.gather [hbm4b:s12+s4], $0x320, $0x38;
	[tilespmem:$0x19640] =	vst v63  }
0x38: {  	s12 =	rddreg [dreg:$0x6]  }
0x39: {  	[tilespmem:s21], [sflag:$0x2] =	stream.linear.gather [hbm4b:s12+s4], $0x320, $0x38;
	[tilespmem:$0x19640] =	vst v63  }
0x3a: {  	_ =	swait.ge [sflag:s22], $0x320  }
0x3b: {  	[sflag:s22] =	ssyncset.done $0x0  }
0x3c: {  	[sflag:s22] =	ssyncadd.s32 $0xFFFFFCE0  }
0x3d: {  	[tilespmem:s23], [sflag:$0x3] =	stream.indirect.gather [hbm4b:s5+s21], $0x40, s4, s21, $0xb8;
	[tilespmem:$0x19640] =	vst v63  }
0x3e: {  	_ =	swait.ge [sflag:s24], $0xC800  }
0x3f: {  	[sflag:s24] =	ssyncset.done $0x0  }
0x40: {  	s12 =	rddreg [dreg:$0x7];
	[sflag:s24] =	ssyncadd.s32 $0xFFFF3800  }
0x41: {  	[tilespmem:s4], [sflag:$0x1] =	stream.linear.gather [hbm4b:s12+s4], $0x320, $0x38;
	[tilespmem:$0x19640] =	vst v63  }
0x42: {  	s12 =	sld [smem:$0x7F8];
	_ =	sdelay $0x2  }
0x43: {  	[hbm4b:s12+s4] =	stream.linear.scatter [tilespmem:s23], [sflag:$0x4], $0xC80, $0x38;
	[tilespmem:$0x19640] =	vst v63  }
0x44: {  	s12 =	rddreg [dreg:$0x8]  }
0x45: {  	[hbm4b:s12+s4] =	stream.linear.scatter [tilespmem:s17], [sflag:$0x4], $0xC80, $0x38;
	[tilespmem:$0x19640] =	vst v63  }
0x46: {  	s12 =	rddreg [dreg:$0x9]  }
0x47: {  	[hbm4b:s12+s4] =	stream.linear.scatter [tilespmem:s19], [sflag:$0x4], $0xC80, $0x38;
	[tilespmem:$0x19640] =	vst v63  }
0x48: {  	s12 =	rddreg [dreg:$0xa]  }
0x49: {  	[hbm4b:s12+s4] =	stream.linear.scatter [tilespmem:s20], [sflag:$0x4], $0xC80, $0x38;
	[tilespmem:$0x19640] =	vst v63  }
0x4a: {  	s12 =	rddreg [dreg:$0xb]  }
0x4b: {  	[hbm4b:s12+s4] =	stream.linear.scatter [tilespmem:s25], [sflag:$0x4], $0xC80, $0x38;
	[tilespmem:$0x19640] =	vst v63  }
0x4c: {  	s12 =	rddreg [dreg:$0xc]  }
0x4d: {  	[hbm4b:s12+s4] =	stream.linear.scatter [tilespmem:s26], [sflag:$0x4], $0xC80, $0x38;
	[tilespmem:$0x19640] =	vst v63  }
0x4e: {  	s12 =	rddreg [dreg:$0x12]  }
0x4f: {  	[hbm4b:s12+s4] =	stream.linear.scatter [tilespmem:s28], [sflag:$0x4], $0xC80, $0x38;
	[tilespmem:$0x19640] =	vst v63  }
0x50: {  	s12 =	rddreg [dreg:$0x14]  }
0x51: {  	[hbm4b:s12+s4] =	stream.linear.scatter [tilespmem:s2], [sflag:$0x4], $0xC80, $0x38;
	[tilespmem:$0x19640] =	vst v63  }
0x52: {  	s12 =	rddreg [dreg:$0x16]  }
0x53: {  	[hbm4b:s12+s4] =	stream.linear.scatter [tilespmem:s0], [sflag:$0x4], $0xC80, $0x38;
	[tilespmem:$0x19640] =	vst v63  }
0x54: {  	s12 =	rddreg [dreg:$0x18]  }
0x55: {  	[hbm4b:s12+s4] =	stream.linear.scatter [tilespmem:s6], [sflag:$0x4], $0xC80, $0x38;
	[tilespmem:$0x19640] =	vst v63  }
0x56: {  	s12 =	rddreg [dreg:$0x1a]  }
0x57: {  	[hbm4b:s12+s4] =	stream.linear.scatter [tilespmem:s8], [sflag:$0x4], $0xC80, $0x38;
	[tilespmem:$0x19640] =	vst v63  }
0x58: {  	s12 =	rddreg [dreg:$0x1c]  }
0x59: {  	[hbm4b:s12+s4] =	stream.linear.scatter [tilespmem:s1], [sflag:$0x4], $0xC80, $0x38;
	[tilespmem:$0x19640] =	vst v63  }
0x5a: {  	s12 =	rddreg [dreg:$0x1e]  }
0x5b: {  	[hbm4b:s12+s4] =	stream.linear.scatter [tilespmem:s15], [sflag:$0x4], $0xC80, $0x38;
	[tilespmem:$0x19640] =	vst v63  }
0x5c: {  	s12 =	sld [smem:$0x7F2];
	_ =	sdelay $0x2  }
0x5d: {  	[hbm4b:s12+s4] =	stream.linear.scatter [tilespmem:s31], [sflag:$0x4], $0xC80, $0x38;
	[tilespmem:$0x19640] =	vst v63  }
0x5e: {  	s12 =	sld [smem:$0x7F4];
	_ =	sdelay $0x2  }
0x5f: {  	[hbm4b:s12+s4] =	stream.linear.scatter [tilespmem:s13], [sflag:$0x4], $0xC80, $0x38;
	[tilespmem:$0x19640] =	vst v63  }
0x60: {  	s13 =	sld [smem:$0x7F7];
	_ =	sdelay $0x2  }
0x61: {  	[hbm4b:s13+s4] =	stream.linear.scatter [tilespmem:s16], [sflag:$0x4], $0xC80, $0x38;
	[tilespmem:$0x19640] =	vst v63  }
0x62: {  	_ =	swait.ge [sflag:s10], $0x320  }
0x63: {  	[sflag:s10] =	ssyncset.done $0x0  }
0x64: {  	[sflag:s10] =	ssyncadd.s32 $0xFFFFFCE0  }
0x65: {  	[tilespmem:s14], [sflag:$0x3] =	stream.indirect.gather [hbm4b:s5+s21], $0x40, s21, s21, $0xb8;
	[tilespmem:$0x19640] =	vst v63  }
0x66: {  	_ =	swait.ge [sflag:s24], $0xC800  }
0x67: {  	s13 =	sld [smem:$0x7F9]  }
0x68: {  	[sflag:s24] =	ssyncset.done $0x0  }
0x69: {  	s16 =	sld [smem:$0x7FA];
	[sflag:s24] =	ssyncadd.s32 $0xFFFF3800  }
0x6a: {  	[tilespmem:s21], [sflag:$0x2] =	stream.linear.gather [hbm4b:s13+s4], $0x320, $0x38;
	[tilespmem:$0x19640] =	vst v63  }
0x6b: {  	_ = 	snop  }
0x6c: {  	[hbm4b:s16+s4] =	stream.linear.scatter [tilespmem:s14], [sflag:$0x5], $0xC80, $0x38;
	[tilespmem:$0x19640] =	vst v63  }
0x6d: {  	s13 =	rddreg [dreg:$0xd]  }
0x6e: {  	[hbm4b:s13+s4] =	stream.linear.scatter [tilespmem:s18], [sflag:$0x5], $0xC80, $0x38;
	[tilespmem:$0x19640] =	vst v63  }
0x6f: {  	s16 =	rddreg [dreg:$0xe];
	s18 =	simm.s32 $0xE740  }
0x70: {  	[hbm4b:s16+s4] =	stream.linear.scatter [tilespmem:s18], [sflag:$0x5], $0xC80, $0x38;
	[tilespmem:$0x19640] =	vst v63  }
0x71: {  	s16 =	rddreg [dreg:$0xf];
	s18 =	simm.s32 $0xF3C0  }
0x72: {  	[hbm4b:s16+s4] =	stream.linear.scatter [tilespmem:s18], [sflag:$0x5], $0xC80, $0x38;
	[tilespmem:$0x19640] =	vst v63  }
0x73: {  	s16 =	rddreg [dreg:$0x10];
	s18 =	simm.s32 $0x10040  }
0x74: {  	[hbm4b:s16+s4] =	stream.linear.scatter [tilespmem:s18], [sflag:$0x5], $0xC80, $0x38;
	[tilespmem:$0x19640] =	vst v63  }
0x75: {  	s16 =	rddreg [dreg:$0x11];
	s18 =	simm.s32 $0x10CC0  }
0x76: {  	[hbm4b:s16+s4] =	stream.linear.scatter [tilespmem:s18], [sflag:$0x5], $0xC80, $0x38;
	[tilespmem:$0x19640] =	vst v63  }
0x77: {  	s16 =	rddreg [dreg:$0x13];
	s18 =	simm.s32 $0x11940  }
0x78: {  	[hbm4b:s16+s4] =	stream.linear.scatter [tilespmem:s18], [sflag:$0x5], $0xC80, $0x38;
	[tilespmem:$0x19640] =	vst v63  }
0x79: {  	s16 =	rddreg [dreg:$0x15];
	s18 =	simm.s32 $0x125C0  }
0x7a: {  	[hbm4b:s16+s4] =	stream.linear.scatter [tilespmem:s18], [sflag:$0x5], $0xC80, $0x38;
	[tilespmem:$0x19640] =	vst v63  }
0x7b: {  	s16 =	rddreg [dreg:$0x17];
	s18 =	simm.s32 $0x13240  }
0x7c: {  	[hbm4b:s16+s4] =	stream.linear.scatter [tilespmem:s18], [sflag:$0x5], $0xC80, $0x38;
	[tilespmem:$0x19640] =	vst v63  }
0x7d: {  	s16 =	rddreg [dreg:$0x19];
	s18 =	simm.s32 $0x13EC0  }
0x7e: {  	[hbm4b:s16+s4] =	stream.linear.scatter [tilespmem:s18], [sflag:$0x5], $0xC80, $0x38;
	[tilespmem:$0x19640] =	vst v63  }
0x7f: {  	s16 =	rddreg [dreg:$0x1b];
	s18 =	simm.s32 $0x14B40  }
0x80: {  	[hbm4b:s16+s4] =	stream.linear.scatter [tilespmem:s18], [sflag:$0x5], $0xC80, $0x38;
	[tilespmem:$0x19640] =	vst v63  }
0x81: {  	s16 =	rddreg [dreg:$0x1d];
	s18 =	simm.s32 $0x157C0  }
0x82: {  	[hbm4b:s16+s4] =	stream.linear.scatter [tilespmem:s18], [sflag:$0x5], $0xC80, $0x38;
	[tilespmem:$0x19640] =	vst v63  }
0x83: {  	s16 =	rddreg [dreg:$0x1f];
	s18 =	simm.s32 $0x16440  }
0x84: {  	[hbm4b:s16+s4] =	stream.linear.scatter [tilespmem:s18], [sflag:$0x5], $0xC80, $0x38;
	[tilespmem:$0x19640] =	vst v63  }
0x85: {  	s16 =	sld [smem:$0x7F3];
	_ =	sdelay $0x1  }
0x86: {  	s18 =	simm.s32 $0x170C0  }
0x87: {  	[hbm4b:s16+s4] =	stream.linear.scatter [tilespmem:s18], [sflag:$0x5], $0xC80, $0x38;
	[tilespmem:$0x19640] =	vst v63  }
0x88: {  	s16 =	sld [smem:$0x7F5];
	_ =	sdelay $0x1  }
0x89: {  	s18 =	simm.s32 $0x17D40  }
0x8a: {  	[hbm4b:s16+s4] =	stream.linear.scatter [tilespmem:s18], [sflag:$0x5], $0xC80, $0x38;
	[tilespmem:$0x19640] =	vst v63  }
0x8b: {  	s16 =	sld [smem:$0x7F6];
	_ =	sdelay $0x1  }
0x8c: {  	s18 =	simm.s32 $0x189C0  }
0x8d: {  	[hbm4b:s16+s4] =	stream.linear.scatter [tilespmem:s18], [sflag:$0x5], $0xC80, $0x38;
	[tilespmem:$0x19640] =	vst v63  }
0x8e: {  	_ =	swait.ge [sflag:s22], $0x320  }
0x8f: {  	[sflag:s22] =	ssyncset.done $0x0  }
0x90: {  	[sflag:s22] =	ssyncadd.s32 $0xFFFFFCE0  }
0x91: {  	_ =	swait.ge [sflag:s9], $0xC80  }
0x92: {  	[sflag:s9] =	ssyncset.done $0x0  }
0x93: {  	[sflag:s9] =	ssyncadd.s32 $0xFFFFF380  }
0x94: {  	_ =	swait.ge [sflag:s9], $0xC80  }
0x95: {  	[sflag:s9] =	ssyncset.done $0x0  }
0x96: {  	[sflag:s9] =	ssyncadd.s32 $0xFFFFF380  }
0x97: {  	_ =	swait.ge [sflag:s9], $0xC80  }
0x98: {  	[sflag:s9] =	ssyncset.done $0x0  }
0x99: {  	[sflag:s9] =	ssyncadd.s32 $0xFFFFF380  }
0x9a: {  	_ =	swait.ge [sflag:s9], $0xC80  }
0x9b: {  	[sflag:s9] =	ssyncset.done $0x0  }
0x9c: {  	[sflag:s9] =	ssyncadd.s32 $0xFFFFF380  }
0x9d: {  	_ =	swait.ge [sflag:s9], $0xC80  }
0x9e: {  	[sflag:s9] =	ssyncset.done $0x0  }
0x9f: {  	[sflag:s9] =	ssyncadd.s32 $0xFFFFF380  }
0xa0: {  	_ =	swait.ge [sflag:s9], $0xC80  }
0xa1: {  	[sflag:s9] =	ssyncset.done $0x0  }
0xa2: {  	[sflag:s9] =	ssyncadd.s32 $0xFFFFF380  }
0xa3: {  	_ =	swait.ge [sflag:s9], $0xC80  }
0xa4: {  	[sflag:s9] =	ssyncset.done $0x0  }
0xa5: {  	[sflag:s9] =	ssyncadd.s32 $0xFFFFF380  }
0xa6: {  	_ =	swait.ge [sflag:s9], $0xC80  }
0xa7: {  	[sflag:s9] =	ssyncset.done $0x0  }
0xa8: {  	[sflag:s9] =	ssyncadd.s32 $0xFFFFF380  }
0xa9: {  	_ =	swait.ge [sflag:s9], $0xC80  }
0xaa: {  	[sflag:s9] =	ssyncset.done $0x0  }
0xab: {  	[sflag:s9] =	ssyncadd.s32 $0xFFFFF380  }
0xac: {  	_ =	swait.ge [sflag:s9], $0xC80  }
0xad: {  	[sflag:s9] =	ssyncset.done $0x0  }
0xae: {  	[sflag:s9] =	ssyncadd.s32 $0xFFFFF380  }
0xaf: {  	_ =	swait.ge [sflag:s9], $0xC80  }
0xb0: {  	[sflag:s9] =	ssyncset.done $0x0  }
0xb1: {  	[sflag:s9] =	ssyncadd.s32 $0xFFFFF380  }
0xb2: {  	_ =	swait.ge [sflag:s9], $0xC80  }
0xb3: {  	[sflag:s9] =	ssyncset.done $0x0  }
0xb4: {  	[sflag:s9] =	ssyncadd.s32 $0xFFFFF380  }
0xb5: {  	_ =	swait.ge [sflag:s9], $0xC80  }
0xb6: {  	[sflag:s9] =	ssyncset.done $0x0  }
0xb7: {  	[sflag:s9] =	ssyncadd.s32 $0xFFFFF380  }
0xb8: {  	_ =	swait.ge [sflag:s9], $0xC80  }
0xb9: {  	[sflag:s9] =	ssyncset.done $0x0  }
0xba: {  	[sflag:s9] =	ssyncadd.s32 $0xFFFFF380  }
0xbb: {  	_ =	swait.ge [sflag:s9], $0xC80  }
0xbc: {  	[sflag:s9] =	ssyncset.done $0x0  }
0xbd: {  	[sflag:s9] =	ssyncadd.s32 $0xFFFFF380  }
0xbe: {  	_ =	swait.ge [sflag:s9], $0xC80  }
0xbf: {  	s18 =	sld [smem:$0x7FC]  }
0xc0: {  	s13 =	smin.u32 s10, $0x1D  }
0xc1: {  	s12 =	smul.u32 $0x320, s13;
	[sflag:s9] =	ssyncset.done $0x0  }
0xc2: {  	[sflag:s9] =	ssyncadd.s32 $0xFFFFF380;
	s16 =	smulhi.u32 $0x51EB851F, s18  }
0xc3: {  	[tilespmem:s23], [sflag:$0x3] =	stream.indirect.gather [hbm4b:s5+s21], $0x40, s4, s21, $0xb8;
	[tilespmem:$0x19640] =	vst v63  }
0xc4: {  	s12 =	sadd.s32 s12, s7;
	_ =	swait.ge [sflag:s24], $0xC800;
	s13 =	sshrl.u32 s16, $0x4  }
0xc5: {  	s12 =	sshrl.u32 s12, $0x3;
	[sflag:s24] =	ssyncset.done $0x0;
	s16 =	smul.u32 $0x190, s13  }
0xc6: {  	s12 =	sadd.s32 s3, s12;
	[sflag:s24] =	ssyncadd.s32 $0xFFFF3800;
	s13 =	smul.u32 $0xC80, s13  }
0xc7: {  	[tilespmem:s4], [sflag:$0x1] =	stream.linear.gather [hbm4b:s12+s4], $0x320, $0x38;
	[tilespmem:$0x19640] =	vst v63  }
0xc8: {  	s16 =	sadd.s32 s30, s16;
	s13 =	sshrl.u32 s13, $0x3  }
0xc9: {  	[hbm4b:s16+s4] =	stream.linear.scatter [tilespmem:s23], [sflag:$0x4], $0xC80, $0x38;
	[tilespmem:$0x19640] =	vst v63  }
0xca: {  	s12 =	sadd.s32 s30, s13  }
0xcb: {  	s13 =	sadd.s32 $0x190, s12  }
0xcc: {  	[hbm4b:s13+s4] =	stream.linear.scatter [tilespmem:s17], [sflag:$0x4], $0xC80, $0x38;
	[tilespmem:$0x19640] =	vst v63  }
0xcd: {  	s17 =	sadd.s32 $0x320, s12  }
0xce: {  	[hbm4b:s17+s4] =	stream.linear.scatter [tilespmem:s19], [sflag:$0x4], $0xC80, $0x38;
	[tilespmem:$0x19640] =	vst v63  }
0xcf: {  	s19 =	sadd.s32 $0x4B0, s12  }
0xd0: {  	[hbm4b:s19+s4] =	stream.linear.scatter [tilespmem:s20], [sflag:$0x4], $0xC80, $0x38;
	[tilespmem:$0x19640] =	vst v63  }
0xd1: {  	s20 =	sadd.s32 $0x640, s12  }
0xd2: {  	[hbm4b:s20+s4] =	stream.linear.scatter [tilespmem:s25], [sflag:$0x4], $0xC80, $0x38;
	[tilespmem:$0x19640] =	vst v63  }
0xd3: {  	s16 =	sadd.s32 $0x7D0, s12  }
0xd4: {  	[hbm4b:s16+s4] =	stream.linear.scatter [tilespmem:s26], [sflag:$0x4], $0xC80, $0x38;
	[tilespmem:$0x19640] =	vst v63  }
0xd5: {  	s17 =	sadd.s32 $0x960, s12  }
0xd6: {  	[hbm4b:s17+s4] =	stream.linear.scatter [tilespmem:s28], [sflag:$0x4], $0xC80, $0x38;
	[tilespmem:$0x19640] =	vst v63  }
0xd7: {  	s19 =	sadd.s32 $0xAF0, s12  }
0xd8: {  	[hbm4b:s19+s4] =	stream.linear.scatter [tilespmem:s2], [sflag:$0x4], $0xC80, $0x38;
	[tilespmem:$0x19640] =	vst v63  }
0xd9: {  	s20 =	sadd.s32 $0xC80, s12  }
0xda: {  	[hbm4b:s20+s4] =	stream.linear.scatter [tilespmem:s0], [sflag:$0x4], $0xC80, $0x38;
	[tilespmem:$0x19640] =	vst v63  }
0xdb: {  	s25 =	sadd.s32 $0xE10, s12  }
0xdc: {  	[hbm4b:s25+s4] =	stream.linear.scatter [tilespmem:s6], [sflag:$0x4], $0xC80, $0x38;
	[tilespmem:$0x19640] =	vst v63  }
0xdd: {  	s26 =	sadd.s32 $0xFA0, s12  }
0xde: {  	[hbm4b:s26+s4] =	stream.linear.scatter [tilespmem:s8], [sflag:$0x4], $0xC80, $0x38;
	[tilespmem:$0x19640] =	vst v63  }
0xdf: {  	s0 =	sadd.s32 $0x1130, s12  }
0xe0: {  	[hbm4b:s0+s4] =	stream.linear.scatter [tilespmem:s1], [sflag:$0x4], $0xC80, $0x38;
	[tilespmem:$0x19640] =	vst v63  }
0xe1: {  	s1 =	sadd.s32 $0x12C0, s12  }
0xe2: {  	[hbm4b:s1+s4] =	stream.linear.scatter [tilespmem:s15], [sflag:$0x4], $0xC80, $0x38;
	[tilespmem:$0x19640] =	vst v63  }
0xe3: {  	s2 =	sadd.s32 $0x1450, s12  }
0xe4: {  	[hbm4b:s2+s4] =	stream.linear.scatter [tilespmem:s31], [sflag:$0x4], $0xC80, $0x38;
	[tilespmem:$0x19640] =	vst v63  }
0xe5: {  	s6 =	sadd.s32 $0x15E0, s12;
	s8 =	simm.s32 $0xB540  }
0xe6: {  	[hbm4b:s6+s4] =	stream.linear.scatter [tilespmem:s8], [sflag:$0x4], $0xC80, $0x38;
	[tilespmem:$0x19640] =	vst v63  }
0xe7: {  	s12 =	sadd.s32 $0x1770, s12;
	s15 =	simm.s32 $0xC1C0  }
0xe8: {  	[hbm4b:s12+s4] =	stream.linear.scatter [tilespmem:s15], [sflag:$0x4], $0xC80, $0x38;
	[tilespmem:$0x19640] =	vst v63  }
0xe9: {  	_ =	swait.ge [sflag:s10], $0x320  }
0xea: {  	[sflag:s10] =	ssyncset.done $0x0  }
0xeb: {  	[sflag:s10] =	ssyncadd.s32 $0xFFFFFCE0  }
0xec: {  	_ =	swait.ge [sflag:s11], $0xC80  }
0xed: {  	[sflag:s11] =	ssyncset.done $0x0  }
0xee: {  	[sflag:s11] =	ssyncadd.s32 $0xFFFFF380  }
0xef: {  	_ =	swait.ge [sflag:s11], $0xC80  }
0xf0: {  	[sflag:s11] =	ssyncset.done $0x0  }
0xf1: {  	[sflag:s11] =	ssyncadd.s32 $0xFFFFF380  }
0xf2: {  	_ =	swait.ge [sflag:s11], $0xC80  }
0xf3: {  	[sflag:s11] =	ssyncset.done $0x0  }
0xf4: {  	[sflag:s11] =	ssyncadd.s32 $0xFFFFF380  }
0xf5: {  	_ =	swait.ge [sflag:s11], $0xC80  }
0xf6: {  	[sflag:s11] =	ssyncset.done $0x0  }
0xf7: {  	[sflag:s11] =	ssyncadd.s32 $0xFFFFF380  }
0xf8: {  	_ =	swait.ge [sflag:s11], $0xC80  }
0xf9: {  	[sflag:s11] =	ssyncset.done $0x0  }
0xfa: {  	[sflag:s11] =	ssyncadd.s32 $0xFFFFF380  }
0xfb: {  	_ =	swait.ge [sflag:s11], $0xC80  }
0xfc: {  	[sflag:s11] =	ssyncset.done $0x0  }
0xfd: {  	[sflag:s11] =	ssyncadd.s32 $0xFFFFF380  }
0xfe: {  	_ =	swait.ge [sflag:s11], $0xC80  }
0xff: {  	[sflag:s11] =	ssyncset.done $0x0  }
0x100: {  	[sflag:s11] =	ssyncadd.s32 $0xFFFFF380  }
0x101: {  	_ =	swait.ge [sflag:s11], $0xC80  }
0x102: {  	[sflag:s11] =	ssyncset.done $0x0  }
0x103: {  	[sflag:s11] =	ssyncadd.s32 $0xFFFFF380  }
0x104: {  	_ =	swait.ge [sflag:s11], $0xC80  }
0x105: {  	[sflag:s11] =	ssyncset.done $0x0  }
0x106: {  	[sflag:s11] =	ssyncadd.s32 $0xFFFFF380  }
0x107: {  	_ =	swait.ge [sflag:s11], $0xC80  }
0x108: {  	[sflag:s11] =	ssyncset.done $0x0  }
0x109: {  	[sflag:s11] =	ssyncadd.s32 $0xFFFFF380  }
0x10a: {  	_ =	swait.ge [sflag:s11], $0xC80  }
0x10b: {  	[sflag:s11] =	ssyncset.done $0x0  }
0x10c: {  	[sflag:s11] =	ssyncadd.s32 $0xFFFFF380  }
0x10d: {  	_ =	swait.ge [sflag:s11], $0xC80  }
0x10e: {  	[sflag:s11] =	ssyncset.done $0x0  }
0x10f: {  	[sflag:s11] =	ssyncadd.s32 $0xFFFFF380  }
0x110: {  	_ =	swait.ge [sflag:s11], $0xC80  }
0x111: {  	[sflag:s11] =	ssyncset.done $0x0  }
0x112: {  	[sflag:s11] =	ssyncadd.s32 $0xFFFFF380  }
0x113: {  	_ =	swait.ge [sflag:s11], $0xC80  }
0x114: {  	[sflag:s11] =	ssyncset.done $0x0  }
0x115: {  	[sflag:s11] =	ssyncadd.s32 $0xFFFFF380  }
0x116: {  	_ =	swait.ge [sflag:s11], $0xC80  }
0x117: {  	[sflag:s11] =	ssyncset.done $0x0  }
0x118: {  	[sflag:s11] =	ssyncadd.s32 $0xFFFFF380  }
0x119: {  	_ =	swait.ge [sflag:s11], $0xC80  }
0x11a: {  	s16 =	smin.u32 s10, $0x1C;
	[sflag:s11] =	ssyncset.done $0x0  }
0x11b: {  	s12 =	smul.u32 $0x320, s16;
	[sflag:s11] =	ssyncadd.s32 $0xFFFFF380  }
0x11c: {  	[tilespmem:s14], [sflag:$0x3] =	stream.indirect.gather [hbm4b:s5+s21], $0x40, s21, s21, $0xb8;
	[tilespmem:$0x19640] =	vst v63  }
0x11d: {  	s12 =	sadd.s32 s12, s29;
	_ =	swait.ge [sflag:s24], $0xC800  }
0x11e: {  	s12 =	sshrl.u32 s12, $0x3;
	[sflag:s24] =	ssyncset.done $0x0  }
0x11f: {  	s12 =	sadd.s32 s3, s12;
	s17 =	rddreg [dreg:$0x4];
	[sflag:s24] =	ssyncadd.s32 $0xFFFF3800  }
0x120: {  	[tilespmem:s21], [sflag:$0x2] =	stream.linear.gather [hbm4b:s12+s4], $0x320, $0x38;
	[tilespmem:$0x19640] =	vst v63  }
0x121: {  	s13 =	sadd.s32 $0x0, s17  }
0x122: {  	[hbm4b:s13+s4] =	stream.linear.scatter [tilespmem:s14], [sflag:$0x5], $0xC80, $0x38;
	[tilespmem:$0x19640] =	vst v63  }
0x123: {  	s20 =	simm.s32 $0xDAC0;
	s19 =	sadd.s32 $0x190, s13  }
0x124: {  	[hbm4b:s19+s4] =	stream.linear.scatter [tilespmem:s20], [sflag:$0x5], $0xC80, $0x38;
	[tilespmem:$0x19640] =	vst v63  }
0x125: {  	s26 =	simm.s32 $0xE740;
	s25 =	sadd.s32 $0x320, s13  }
0x126: {  	[hbm4b:s25+s4] =	stream.linear.scatter [tilespmem:s26], [sflag:$0x5], $0xC80, $0x38;
	[tilespmem:$0x19640] =	vst v63  }
0x127: {  	s28 =	simm.s32 $0x2BC0;
	s1 =	simm.s32 $0xF3C0;
	s0 =	sadd.s32 $0x4B0, s13  }
0x128: {  	[hbm4b:s0+s4] =	stream.linear.scatter [tilespmem:s1], [sflag:$0x5], $0xC80, $0x38;
	[tilespmem:$0x19640] =	vst v63  }
0x129: {  	s31 =	simm.s32 $0x5140;
	s6 =	simm.s32 $0x10040;
	s2 =	sadd.s32 $0x640, s13  }
0x12a: {  	[hbm4b:s2+s4] =	stream.linear.scatter [tilespmem:s6], [sflag:$0x5], $0xC80, $0x38;
	[tilespmem:$0x19640] =	vst v63  }
0x12b: {  	s15 =	simm.s32 $0x10CC0;
	s17 =	simm.s32 $0x11940;
	s8 =	sadd.s32 $0x7D0, s13  }
0x12c: {  	[hbm4b:s8+s4] =	stream.linear.scatter [tilespmem:s15], [sflag:$0x5], $0xC80, $0x38;
	[tilespmem:$0x19640] =	vst v63  }
0x12d: {  	s16 =	sadd.s32 $0x960, s13;
	s12 =	simm.s32 $0x3200;
	s19 =	sadd.s32 $0xAF0, s13  }
0x12e: {  	[hbm4b:s16+s4] =	stream.linear.scatter [tilespmem:s17], [sflag:$0x5], $0xC80, $0x38;
	[tilespmem:$0x19640] =	vst v63  }
0x12f: {  	s20 =	simm.s32 $0x125C0;
	s25 =	sadd.s32 $0xC80, s13;
	s26 =	simm.s32 $0x13240  }
0x130: {  	[hbm4b:s19+s4] =	stream.linear.scatter [tilespmem:s20], [sflag:$0x5], $0xC80, $0x38;
	[tilespmem:$0x19640] =	vst v63  }
0x131: {  	s0 =	sadd.s32 $0xE10, s13;
	s1 =	simm.s32 $0x13EC0;
	s2 =	sadd.s32 $0xFA0, s13  }
0x132: {  	[hbm4b:s25+s4] =	stream.linear.scatter [tilespmem:s26], [sflag:$0x5], $0xC80, $0x38;
	[tilespmem:$0x19640] =	vst v63  }
0x133: {  	s6 =	simm.s32 $0x14B40;
	s8 =	sadd.s32 $0x1130, s13;
	s15 =	simm.s32 $0x157C0  }
0x134: {  	[hbm4b:s0+s4] =	stream.linear.scatter [tilespmem:s1], [sflag:$0x5], $0xC80, $0x38;
	[tilespmem:$0x19640] =	vst v63  }
0x135: {  	s16 =	sadd.s32 $0x12C0, s13;
	s17 =	simm.s32 $0x16440;
	s19 =	sadd.s32 $0x1450, s13  }
0x136: {  	[hbm4b:s2+s4] =	stream.linear.scatter [tilespmem:s6], [sflag:$0x5], $0xC80, $0x38;
	[tilespmem:$0x19640] =	vst v63  }
0x137: {  	s20 =	simm.s32 $0x170C0;
	s25 =	sadd.s32 $0x15E0, s13;
	s26 =	simm.s32 $0x17D40  }
0x138: {  	[hbm4b:s8+s4] =	stream.linear.scatter [tilespmem:s15], [sflag:$0x5], $0xC80, $0x38;
	[tilespmem:$0x19640] =	vst v63  }
0x139: {  	s1 =	simm.s32 $0x8FC0;
	s6 =	simm.s32 $0x76C0;
	s2 =	simm.s32 $0x9C40  }
0x13a: {  	[hbm4b:s16+s4] =	stream.linear.scatter [tilespmem:s17], [sflag:$0x5], $0xC80, $0x38;
	[tilespmem:$0x19640] =	vst v63  }
0x13b: {  	s8 =	simm.s32 $0x8340;
	s15 =	smov.u32 s7;
	s7 =	smov.u32 s30  }
0x13c: {  	[hbm4b:s19+s4] =	stream.linear.scatter [tilespmem:s20], [sflag:$0x5], $0xC80, $0x38;
	[tilespmem:$0x19640] =	vst v63  }
0x13d: {  	s30 =	simm.s32 $0x44C0;
	s17 =	sadd.s32 $0x1770, s13;
	s13 =	smov.u32 s18  }
0x13e: {  	[hbm4b:s25+s4] =	stream.linear.scatter [tilespmem:s26], [sflag:$0x5], $0xC80, $0x38;
	[tilespmem:$0x19640] =	vst v63  }
0x13f: {  	s16 =	simm.s32 $0x2;
	s26 =	simm.s32 $0x1F40;
	s25 =	simm.s32 $0xA8C0  }
.LBB2_2:
0x140: {  	s18 =	simm.s32 $0x189C0  }
0x141: {  	[hbm4b:s17+s4] =	stream.linear.scatter [tilespmem:s18], [sflag:$0x5], $0xC80, $0x38;
	[tilespmem:$0x19640] =	vst v63  }
0x142: {  	_ =	swait.ge [sflag:s22], $0x320  }
0x143: {  	[sflag:s22] =	ssyncset.done $0x0  }
0x144: {  	[sflag:s22] =	ssyncadd.s32 $0xFFFFFCE0  }
0x145: {  	_ =	swait.ge [sflag:s9], $0xC80  }
0x146: {  	[sflag:s9] =	ssyncset.done $0x0  }
0x147: {  	[sflag:s9] =	ssyncadd.s32 $0xFFFFF380  }
0x148: {  	_ =	swait.ge [sflag:s9], $0xC80  }
0x149: {  	[sflag:s9] =	ssyncset.done $0x0  }
0x14a: {  	[sflag:s9] =	ssyncadd.s32 $0xFFFFF380  }
0x14b: {  	_ =	swait.ge [sflag:s9], $0xC80  }
0x14c: {  	[sflag:s9] =	ssyncset.done $0x0  }
0x14d: {  	[sflag:s9] =	ssyncadd.s32 $0xFFFFF380  }
0x14e: {  	_ =	swait.ge [sflag:s9], $0xC80  }
0x14f: {  	[sflag:s9] =	ssyncset.done $0x0  }
0x150: {  	[sflag:s9] =	ssyncadd.s32 $0xFFFFF380  }
0x151: {  	_ =	swait.ge [sflag:s9], $0xC80  }
0x152: {  	[sflag:s9] =	ssyncset.done $0x0  }
0x153: {  	[sflag:s9] =	ssyncadd.s32 $0xFFFFF380  }
0x154: {  	_ =	swait.ge [sflag:s9], $0xC80  }
0x155: {  	[sflag:s9] =	ssyncset.done $0x0  }
0x156: {  	[sflag:s9] =	ssyncadd.s32 $0xFFFFF380  }
0x157: {  	_ =	swait.ge [sflag:s9], $0xC80  }
0x158: {  	[sflag:s9] =	ssyncset.done $0x0  }
0x159: {  	[sflag:s9] =	ssyncadd.s32 $0xFFFFF380  }
0x15a: {  	_ =	swait.ge [sflag:s9], $0xC80  }
0x15b: {  	[sflag:s9] =	ssyncset.done $0x0  }
0x15c: {  	[sflag:s9] =	ssyncadd.s32 $0xFFFFF380  }
0x15d: {  	_ =	swait.ge [sflag:s9], $0xC80  }
0x15e: {  	[sflag:s9] =	ssyncset.done $0x0  }
0x15f: {  	[sflag:s9] =	ssyncadd.s32 $0xFFFFF380  }
0x160: {  	_ =	swait.ge [sflag:s9], $0xC80  }
0x161: {  	[sflag:s9] =	ssyncset.done $0x0  }
0x162: {  	[sflag:s9] =	ssyncadd.s32 $0xFFFFF380  }
0x163: {  	_ =	swait.ge [sflag:s9], $0xC80  }
0x164: {  	[sflag:s9] =	ssyncset.done $0x0  }
0x165: {  	[sflag:s9] =	ssyncadd.s32 $0xFFFFF380  }
0x166: {  	_ =	swait.ge [sflag:s9], $0xC80  }
0x167: {  	[sflag:s9] =	ssyncset.done $0x0  }
0x168: {  	[sflag:s9] =	ssyncadd.s32 $0xFFFFF380  }
0x169: {  	_ =	swait.ge [sflag:s9], $0xC80  }
0x16a: {  	[sflag:s9] =	ssyncset.done $0x0  }
0x16b: {  	[sflag:s9] =	ssyncadd.s32 $0xFFFFF380  }
0x16c: {  	_ =	swait.ge [sflag:s9], $0xC80  }
0x16d: {  	[sflag:s9] =	ssyncset.done $0x0  }
0x16e: {  	[sflag:s9] =	ssyncadd.s32 $0xFFFFF380  }
0x16f: {  	_ =	swait.ge [sflag:s9], $0xC80  }
0x170: {  	s13 =	sadd.s32 $0x640, s13;
	[sflag:s9] =	ssyncset.done $0x0  }
0x171: {  	s16 =	sadd.s32 $0x2, s16;
	s19 =	smulhi.u32 $0x51EB851F, s13;
	[sflag:s9] =	ssyncadd.s32 $0xFFFFF380  }
0x172: {  	s0 =	smin.u32 s16, $0x1D;
	_ =	swait.ge [sflag:s9], $0xC80  }
0x173: {  	s18 =	smul.u32 $0x320, s0;
	s19 =	sshrl.u32 s19, $0x4;
	[sflag:s9] =	ssyncset.done $0x0  }
0x174: {  	s20 =	smul.u32 $0x190, s19;
	[sflag:s9] =	ssyncadd.s32 $0xFFFFF380  }
0x175: {  	[tilespmem:s23], [sflag:$0x3] =	stream.indirect.gather [hbm4b:s5+s21], $0x40, s4, s21, $0xb8;
	[tilespmem:$0x19640] =	vst v63  }
0x176: {  	s18 =	sadd.s32 s18, s15;
	s19 =	smul.u32 $0xC80, s19;
	_ =	swait.ge [sflag:s24], $0xC800  }
0x177: {  	s18 =	sshrl.u32 s18, $0x3;
	[sflag:s24] =	ssyncset.done $0x0  }
0x178: {  	s18 =	sadd.s32 s3, s18;
	s19 =	sshrl.u32 s19, $0x3;
	[sflag:s24] =	ssyncadd.s32 $0xFFFF3800  }
0x179: {  	[tilespmem:s4], [sflag:$0x1] =	stream.linear.gather [hbm4b:s18+s4], $0x320, $0x38;
	[tilespmem:$0x19640] =	vst v63  }
0x17a: {  	s20 =	sadd.s32 s7, s20;
	s18 =	sadd.s32 s7, s19  }
0x17b: {  	[hbm4b:s20+s4] =	stream.linear.scatter [tilespmem:s23], [sflag:$0x4], $0xC80, $0x38;
	[tilespmem:$0x19640] =	vst v63  }
0x17c: {  	s0 =	simm.s32 $0x12C0;
	s19 =	sadd.s32 $0x190, s18  }
0x17d: {  	[hbm4b:s19+s4] =	stream.linear.scatter [tilespmem:s0], [sflag:$0x4], $0xC80, $0x38;
	[tilespmem:$0x19640] =	vst v63  }
0x17e: {  	s20 =	sadd.s32 $0x320, s18  }
0x17f: {  	[hbm4b:s20+s4] =	stream.linear.scatter [tilespmem:s26], [sflag:$0x4], $0xC80, $0x38;
	[tilespmem:$0x19640] =	vst v63  }
0x180: {  	s0 =	sadd.s32 $0x4B0, s18  }
0x181: {  	[hbm4b:s0+s4] =	stream.linear.scatter [tilespmem:s28], [sflag:$0x4], $0xC80, $0x38;
	[tilespmem:$0x19640] =	vst v63  }
0x182: {  	s20 =	sadd.s32 $0x640, s18;
	s0 =	simm.s32 $0x3840  }
0x183: {  	[hbm4b:s20+s4] =	stream.linear.scatter [tilespmem:s0], [sflag:$0x4], $0xC80, $0x38;
	[tilespmem:$0x19640] =	vst v63  }
0x184: {  	s19 =	sadd.s32 $0x7D0, s18  }
0x185: {  	[hbm4b:s19+s4] =	stream.linear.scatter [tilespmem:s30], [sflag:$0x4], $0xC80, $0x38;
	[tilespmem:$0x19640] =	vst v63  }
0x186: {  	s0 =	sadd.s32 $0x960, s18  }
0x187: {  	[hbm4b:s0+s4] =	stream.linear.scatter [tilespmem:s31], [sflag:$0x4], $0xC80, $0x38;
	[tilespmem:$0x19640] =	vst v63  }
0x188: {  	s19 =	sadd.s32 $0xAF0, s18;
	s0 =	simm.s32 $0x5DC0  }
0x189: {  	[hbm4b:s19+s4] =	stream.linear.scatter [tilespmem:s0], [sflag:$0x4], $0xC80, $0x38;
	[tilespmem:$0x19640] =	vst v63  }
0x18a: {  	s20 =	sadd.s32 $0xC80, s18;
	s0 =	simm.s32 $0x6A40  }
0x18b: {  	[hbm4b:s20+s4] =	stream.linear.scatter [tilespmem:s0], [sflag:$0x4], $0xC80, $0x38;
	[tilespmem:$0x19640] =	vst v63  }
0x18c: {  	s19 =	sadd.s32 $0xE10, s18  }
0x18d: {  	[hbm4b:s19+s4] =	stream.linear.scatter [tilespmem:s6], [sflag:$0x4], $0xC80, $0x38;
	[tilespmem:$0x19640] =	vst v63  }
0x18e: {  	s20 =	sadd.s32 $0xFA0, s18  }
0x18f: {  	[hbm4b:s20+s4] =	stream.linear.scatter [tilespmem:s8], [sflag:$0x4], $0xC80, $0x38;
	[tilespmem:$0x19640] =	vst v63  }
0x190: {  	s0 =	sadd.s32 $0x1130, s18  }
0x191: {  	[hbm4b:s0+s4] =	stream.linear.scatter [tilespmem:s1], [sflag:$0x4], $0xC80, $0x38;
	[tilespmem:$0x19640] =	vst v63  }
0x192: {  	s20 =	sadd.s32 $0x12C0, s18  }
0x193: {  	[hbm4b:s20+s4] =	stream.linear.scatter [tilespmem:s2], [sflag:$0x4], $0xC80, $0x38;
	[tilespmem:$0x19640] =	vst v63  }
0x194: {  	s0 =	sadd.s32 $0x1450, s18  }
0x195: {  	[hbm4b:s0+s4] =	stream.linear.scatter [tilespmem:s25], [sflag:$0x4], $0xC80, $0x38;
	[tilespmem:$0x19640] =	vst v63  }
0x196: {  	s20 =	sadd.s32 $0x15E0, s18;
	s0 =	simm.s32 $0xB540  }
0x197: {  	[hbm4b:s20+s4] =	stream.linear.scatter [tilespmem:s0], [sflag:$0x4], $0xC80, $0x38;
	[tilespmem:$0x19640] =	vst v63  }
0x198: {  	s18 =	sadd.s32 $0x1770, s18;
	s0 =	simm.s32 $0xC1C0  }
0x199: {  	[hbm4b:s18+s4] =	stream.linear.scatter [tilespmem:s0], [sflag:$0x4], $0xC80, $0x38;
	[tilespmem:$0x19640] =	vst v63  }
0x19a: {  	_ =	swait.ge [sflag:s10], $0x320  }
0x19b: {  	[sflag:s10] =	ssyncset.done $0x0  }
0x19c: {  	[sflag:s10] =	ssyncadd.s32 $0xFFFFFCE0  }
0x19d: {  	_ =	swait.ge [sflag:s11], $0xC80  }
0x19e: {  	[sflag:s11] =	ssyncset.done $0x0  }
0x19f: {  	[sflag:s11] =	ssyncadd.s32 $0xFFFFF380  }
0x1a0: {  	_ =	swait.ge [sflag:s11], $0xC80  }
0x1a1: {  	[sflag:s11] =	ssyncset.done $0x0  }
0x1a2: {  	[sflag:s11] =	ssyncadd.s32 $0xFFFFF380  }
0x1a3: {  	_ =	swait.ge [sflag:s11], $0xC80  }
0x1a4: {  	[sflag:s11] =	ssyncset.done $0x0  }
0x1a5: {  	[sflag:s11] =	ssyncadd.s32 $0xFFFFF380  }
0x1a6: {  	_ =	swait.ge [sflag:s11], $0xC80  }
0x1a7: {  	[sflag:s11] =	ssyncset.done $0x0  }
0x1a8: {  	[sflag:s11] =	ssyncadd.s32 $0xFFFFF380  }
0x1a9: {  	_ =	swait.ge [sflag:s11], $0xC80  }
0x1aa: {  	[sflag:s11] =	ssyncset.done $0x0  }
0x1ab: {  	[sflag:s11] =	ssyncadd.s32 $0xFFFFF380  }
0x1ac: {  	_ =	swait.ge [sflag:s11], $0xC80  }
0x1ad: {  	[sflag:s11] =	ssyncset.done $0x0  }
0x1ae: {  	[sflag:s11] =	ssyncadd.s32 $0xFFFFF380  }
0x1af: {  	_ =	swait.ge [sflag:s11], $0xC80  }
0x1b0: {  	[sflag:s11] =	ssyncset.done $0x0  }
0x1b1: {  	[sflag:s11] =	ssyncadd.s32 $0xFFFFF380  }
0x1b2: {  	_ =	swait.ge [sflag:s11], $0xC80  }
0x1b3: {  	[sflag:s11] =	ssyncset.done $0x0  }
0x1b4: {  	[sflag:s11] =	ssyncadd.s32 $0xFFFFF380  }
0x1b5: {  	_ =	swait.ge [sflag:s11], $0xC80  }
0x1b6: {  	[sflag:s11] =	ssyncset.done $0x0  }
0x1b7: {  	[sflag:s11] =	ssyncadd.s32 $0xFFFFF380  }
0x1b8: {  	_ =	swait.ge [sflag:s11], $0xC80  }
0x1b9: {  	[sflag:s11] =	ssyncset.done $0x0  }
0x1ba: {  	[sflag:s11] =	ssyncadd.s32 $0xFFFFF380  }
0x1bb: {  	_ =	swait.ge [sflag:s11], $0xC80  }
0x1bc: {  	[sflag:s11] =	ssyncset.done $0x0  }
0x1bd: {  	[sflag:s11] =	ssyncadd.s32 $0xFFFFF380  }
0x1be: {  	_ =	swait.ge [sflag:s11], $0xC80  }
0x1bf: {  	[sflag:s11] =	ssyncset.done $0x0  }
0x1c0: {  	[sflag:s11] =	ssyncadd.s32 $0xFFFFF380  }
0x1c1: {  	_ =	swait.ge [sflag:s11], $0xC80  }
0x1c2: {  	[sflag:s11] =	ssyncset.done $0x0  }
0x1c3: {  	[sflag:s11] =	ssyncadd.s32 $0xFFFFF380  }
0x1c4: {  	_ =	swait.ge [sflag:s11], $0xC80  }
0x1c5: {  	[sflag:s11] =	ssyncset.done $0x0  }
0x1c6: {  	[sflag:s11] =	ssyncadd.s32 $0xFFFFF380  }
0x1c7: {  	_ =	swait.ge [sflag:s11], $0xC80  }
0x1c8: {  	[sflag:s11] =	ssyncset.done $0x0  }
0x1c9: {  	[sflag:s11] =	ssyncadd.s32 $0xFFFFF380  }
0x1ca: {  	_ =	swait.ge [sflag:s11], $0xC80  }
0x1cb: {  	s19 =	smin.u32 s16, $0x1C;
	[sflag:s11] =	ssyncset.done $0x0  }
0x1cc: {  	s18 =	smul.u32 $0x320, s19;
	[sflag:s11] =	ssyncadd.s32 $0xFFFFF380  }
0x1cd: {  	[tilespmem:s14], [sflag:$0x3] =	stream.indirect.gather [hbm4b:s5+s21], $0x40, s21, s21, $0xb8;
	[tilespmem:$0x19640] =	vst v63  }
0x1ce: {  	s18 =	sadd.s32 s18, s29;
	_ =	swait.ge [sflag:s24], $0xC800  }
0x1cf: {  	s17 =	smov.u32 s12;
	s18 =	sshrl.u32 s18, $0x3;
	[sflag:s24] =	ssyncset.done $0x0  }
0x1d0: {  	s18 =	sadd.s32 s3, s18;
	s20 =	rddreg [dreg:$0x4];
	[sflag:s24] =	ssyncadd.s32 $0xFFFF3800  }
0x1d1: {  	[tilespmem:s21], [sflag:$0x2] =	stream.linear.gather [hbm4b:s18+s4], $0x320, $0x38;
	[tilespmem:$0x19640] =	vst v63  }
0x1d2: {  	s18 =	sadd.s32 s17, s20  }
0x1d3: {  	[hbm4b:s18+s4] =	stream.linear.scatter [tilespmem:s14], [sflag:$0x5], $0xC80, $0x38;
	[tilespmem:$0x19640] =	vst v63  }
0x1d4: {  	s0 =	simm.s32 $0xDAC0;
	s19 =	sadd.s32 $0x190, s18  }
0x1d5: {  	[hbm4b:s19+s4] =	stream.linear.scatter [tilespmem:s0], [sflag:$0x5], $0xC80, $0x38;
	[tilespmem:$0x19640] =	vst v63  }
0x1d6: {  	s20 =	sadd.s32 $0x320, s18;
	s0 =	simm.s32 $0xE740  }
0x1d7: {  	[hbm4b:s20+s4] =	stream.linear.scatter [tilespmem:s0], [sflag:$0x5], $0xC80, $0x38;
	[tilespmem:$0x19640] =	vst v63  }
0x1d8: {  	s20 =	sadd.s32 $0x4B0, s18;
	s0 =	simm.s32 $0xF3C0  }
0x1d9: {  	[hbm4b:s20+s4] =	stream.linear.scatter [tilespmem:s0], [sflag:$0x5], $0xC80, $0x38;
	[tilespmem:$0x19640] =	vst v63  }
0x1da: {  	s20 =	sadd.s32 $0x640, s18;
	s0 =	simm.s32 $0x10040  }
0x1db: {  	[hbm4b:s20+s4] =	stream.linear.scatter [tilespmem:s0], [sflag:$0x5], $0xC80, $0x38;
	[tilespmem:$0x19640] =	vst v63  }
0x1dc: {  	s20 =	sadd.s32 $0x7D0, s18;
	s0 =	simm.s32 $0x10CC0  }
0x1dd: {  	[hbm4b:s20+s4] =	stream.linear.scatter [tilespmem:s0], [sflag:$0x5], $0xC80, $0x38;
	[tilespmem:$0x19640] =	vst v63  }
0x1de: {  	s20 =	sadd.s32 $0x960, s18;
	s0 =	simm.s32 $0x11940  }
0x1df: {  	[hbm4b:s20+s4] =	stream.linear.scatter [tilespmem:s0], [sflag:$0x5], $0xC80, $0x38;
	[tilespmem:$0x19640] =	vst v63  }
0x1e0: {  	s20 =	sadd.s32 $0xAF0, s18;
	s0 =	simm.s32 $0x125C0  }
0x1e1: {  	[hbm4b:s20+s4] =	stream.linear.scatter [tilespmem:s0], [sflag:$0x5], $0xC80, $0x38;
	[tilespmem:$0x19640] =	vst v63  }
0x1e2: {  	s20 =	sadd.s32 $0xC80, s18;
	s0 =	simm.s32 $0x13240  }
0x1e3: {  	[hbm4b:s20+s4] =	stream.linear.scatter [tilespmem:s0], [sflag:$0x5], $0xC80, $0x38;
	[tilespmem:$0x19640] =	vst v63  }
0x1e4: {  	s20 =	sadd.s32 $0xE10, s18;
	s0 =	simm.s32 $0x13EC0  }
0x1e5: {  	[hbm4b:s20+s4] =	stream.linear.scatter [tilespmem:s0], [sflag:$0x5], $0xC80, $0x38;
	[tilespmem:$0x19640] =	vst v63  }
0x1e6: {  	s20 =	sadd.s32 $0xFA0, s18;
	s0 =	simm.s32 $0x14B40  }
0x1e7: {  	[hbm4b:s20+s4] =	stream.linear.scatter [tilespmem:s0], [sflag:$0x5], $0xC80, $0x38;
	[tilespmem:$0x19640] =	vst v63  }
0x1e8: {  	s20 =	sadd.s32 $0x1130, s18;
	s0 =	simm.s32 $0x157C0  }
0x1e9: {  	[hbm4b:s20+s4] =	stream.linear.scatter [tilespmem:s0], [sflag:$0x5], $0xC80, $0x38;
	[tilespmem:$0x19640] =	vst v63  }
0x1ea: {  	p0 =	sne.s32 s12, $0x2BC00;
	s20 =	sadd.s32 $0x12C0, s18;
	s0 =	simm.s32 $0x16440  }
0x1eb: {  	[hbm4b:s20+s4] =	stream.linear.scatter [tilespmem:s0], [sflag:$0x5], $0xC80, $0x38;
	[tilespmem:$0x19640] =	vst v63  }
.Ltmp0:
0x1ec: {  	_ = 	snop;
	(pc) =	sbr.rel @p0 .LBB2_2-.Ltmp0, $4  }
0x1ed: {  	s12 =	sadd.s32 $0x3200, s12;
	s20 =	sadd.s32 $0x1450, s18;
	s0 =	simm.s32 $0x170C0  }
0x1ee: {  	[hbm4b:s20+s4] =	stream.linear.scatter [tilespmem:s0], [sflag:$0x5], $0xC80, $0x38;
	[tilespmem:$0x19640] =	vst v63  }
0x1ef: {  	s17 =	sadd.s32 $0x1770, s18;
	s18 =	sadd.s32 $0x15E0, s18;
	s20 =	simm.s32 $0x17D40  }
0x1f0: {  	[hbm4b:s18+s4] =	stream.linear.scatter [tilespmem:s20], [sflag:$0x5], $0xC80, $0x38;
	[tilespmem:$0x19640] =	vst v63  }
0x1f1: {  	s0 =	simm.s32 $0x189C0  }
0x1f2: {  	[hbm4b:s17+s4] =	stream.linear.scatter [tilespmem:s0], [sflag:$0x5], $0xC80, $0x38;
	[tilespmem:$0x19640] =	vst v63  }
0x1f3: {  	_ =	swait.ge [sflag:s22], $0x320  }
0x1f4: {  	[sflag:s22] =	ssyncset.done $0x0  }
0x1f5: {  	[sflag:s22] =	ssyncadd.s32 $0xFFFFFCE0  }
0x1f6: {  	_ =	swait.ge [sflag:s9], $0xC80  }
0x1f7: {  	[sflag:s9] =	ssyncset.done $0x0  }
0x1f8: {  	[sflag:s9] =	ssyncadd.s32 $0xFFFFF380  }
0x1f9: {  	_ =	swait.ge [sflag:s9], $0xC80  }
0x1fa: {  	[sflag:s9] =	ssyncset.done $0x0  }
0x1fb: {  	[sflag:s9] =	ssyncadd.s32 $0xFFFFF380  }
0x1fc: {  	_ =	swait.ge [sflag:s9], $0xC80  }
0x1fd: {  	[sflag:s9] =	ssyncset.done $0x0  }
0x1fe: {  	[sflag:s9] =	ssyncadd.s32 $0xFFFFF380  }
0x1ff: {  	_ =	swait.ge [sflag:s9], $0xC80  }
0x200: {  	[sflag:s9] =	ssyncset.done $0x0  }
0x201: {  	[sflag:s9] =	ssyncadd.s32 $0xFFFFF380  }
0x202: {  	_ =	swait.ge [sflag:s9], $0xC80  }
0x203: {  	[sflag:s9] =	ssyncset.done $0x0  }
0x204: {  	[sflag:s9] =	ssyncadd.s32 $0xFFFFF380  }
0x205: {  	_ =	swait.ge [sflag:s9], $0xC80  }
0x206: {  	[sflag:s9] =	ssyncset.done $0x0  }
0x207: {  	[sflag:s9] =	ssyncadd.s32 $0xFFFFF380  }
0x208: {  	_ =	swait.ge [sflag:s9], $0xC80  }
0x209: {  	[sflag:s9] =	ssyncset.done $0x0  }
0x20a: {  	[sflag:s9] =	ssyncadd.s32 $0xFFFFF380  }
0x20b: {  	_ =	swait.ge [sflag:s9], $0xC80  }
0x20c: {  	[sflag:s9] =	ssyncset.done $0x0  }
0x20d: {  	[sflag:s9] =	ssyncadd.s32 $0xFFFFF380  }
0x20e: {  	_ =	swait.ge [sflag:s9], $0xC80  }
0x20f: {  	[sflag:s9] =	ssyncset.done $0x0  }
0x210: {  	[sflag:s9] =	ssyncadd.s32 $0xFFFFF380  }
0x211: {  	_ =	swait.ge [sflag:s9], $0xC80  }
0x212: {  	[sflag:s9] =	ssyncset.done $0x0  }
0x213: {  	[sflag:s9] =	ssyncadd.s32 $0xFFFFF380  }
0x214: {  	_ =	swait.ge [sflag:s9], $0xC80  }
0x215: {  	[sflag:s9] =	ssyncset.done $0x0  }
0x216: {  	[sflag:s9] =	ssyncadd.s32 $0xFFFFF380  }
0x217: {  	_ =	swait.ge [sflag:s9], $0xC80  }
0x218: {  	[sflag:s9] =	ssyncset.done $0x0  }
0x219: {  	[sflag:s9] =	ssyncadd.s32 $0xFFFFF380  }
0x21a: {  	_ =	swait.ge [sflag:s9], $0xC80  }
0x21b: {  	[sflag:s9] =	ssyncset.done $0x0  }
0x21c: {  	[sflag:s9] =	ssyncadd.s32 $0xFFFFF380  }
0x21d: {  	_ =	swait.ge [sflag:s9], $0xC80  }
0x21e: {  	[sflag:s9] =	ssyncset.done $0x0  }
0x21f: {  	[sflag:s9] =	ssyncadd.s32 $0xFFFFF380  }
0x220: {  	_ =	swait.ge [sflag:s9], $0xC80  }
0x221: {  	[sflag:s9] =	ssyncset.done $0x0  }
0x222: {  	[sflag:s9] =	ssyncadd.s32 $0xFFFFF380  }
0x223: {  	_ =	swait.ge [sflag:s9], $0xC80  }
0x224: {  	[sflag:s9] =	ssyncset.done $0x0  }
0x225: {  	[sflag:s9] =	ssyncadd.s32 $0xFFFFF380  }
0x226: {  	_ =	swait.ge [sflag:s10], $0x320  }
0x227: {  	[sflag:s10] =	ssyncset.done $0x0  }
0x228: {  	[sflag:s10] =	ssyncadd.s32 $0xFFFFFCE0  }
0x229: {  	_ =	swait.ge [sflag:s11], $0xC80  }
0x22a: {  	[sflag:s11] =	ssyncset.done $0x0  }
0x22b: {  	[sflag:s11] =	ssyncadd.s32 $0xFFFFF380  }
0x22c: {  	_ =	swait.ge [sflag:s11], $0xC80  }
0x22d: {  	[sflag:s11] =	ssyncset.done $0x0  }
0x22e: {  	[sflag:s11] =	ssyncadd.s32 $0xFFFFF380  }
0x22f: {  	_ =	swait.ge [sflag:s11], $0xC80  }
0x230: {  	[sflag:s11] =	ssyncset.done $0x0  }
0x231: {  	[sflag:s11] =	ssyncadd.s32 $0xFFFFF380  }
0x232: {  	_ =	swait.ge [sflag:s11], $0xC80  }
0x233: {  	[sflag:s11] =	ssyncset.done $0x0  }
0x234: {  	[sflag:s11] =	ssyncadd.s32 $0xFFFFF380  }
0x235: {  	_ =	swait.ge [sflag:s11], $0xC80  }
0x236: {  	[sflag:s11] =	ssyncset.done $0x0  }
0x237: {  	[sflag:s11] =	ssyncadd.s32 $0xFFFFF380  }
0x238: {  	_ =	swait.ge [sflag:s11], $0xC80  }
0x239: {  	[sflag:s11] =	ssyncset.done $0x0  }
0x23a: {  	[sflag:s11] =	ssyncadd.s32 $0xFFFFF380  }
0x23b: {  	_ =	swait.ge [sflag:s11], $0xC80  }
0x23c: {  	[sflag:s11] =	ssyncset.done $0x0  }
0x23d: {  	[sflag:s11] =	ssyncadd.s32 $0xFFFFF380  }
0x23e: {  	_ =	swait.ge [sflag:s11], $0xC80  }
0x23f: {  	[sflag:s11] =	ssyncset.done $0x0  }
0x240: {  	[sflag:s11] =	ssyncadd.s32 $0xFFFFF380  }
0x241: {  	_ =	swait.ge [sflag:s11], $0xC80  }
0x242: {  	[sflag:s11] =	ssyncset.done $0x0  }
0x243: {  	[sflag:s11] =	ssyncadd.s32 $0xFFFFF380  }
0x244: {  	_ =	swait.ge [sflag:s11], $0xC80  }
0x245: {  	[sflag:s11] =	ssyncset.done $0x0  }
0x246: {  	[sflag:s11] =	ssyncadd.s32 $0xFFFFF380  }
0x247: {  	_ =	swait.ge [sflag:s11], $0xC80  }
0x248: {  	[sflag:s11] =	ssyncset.done $0x0  }
0x249: {  	[sflag:s11] =	ssyncadd.s32 $0xFFFFF380  }
0x24a: {  	_ =	swait.ge [sflag:s11], $0xC80  }
0x24b: {  	[sflag:s11] =	ssyncset.done $0x0  }
0x24c: {  	[sflag:s11] =	ssyncadd.s32 $0xFFFFF380  }
0x24d: {  	_ =	swait.ge [sflag:s11], $0xC80  }
0x24e: {  	[sflag:s11] =	ssyncset.done $0x0  }
0x24f: {  	[sflag:s11] =	ssyncadd.s32 $0xFFFFF380  }
0x250: {  	_ =	swait.ge [sflag:s11], $0xC80  }
0x251: {  	[sflag:s11] =	ssyncset.done $0x0  }
0x252: {  	[sflag:s11] =	ssyncadd.s32 $0xFFFFF380  }
0x253: {  	_ =	swait.ge [sflag:s11], $0xC80  }
0x254: {  	[sflag:s11] =	ssyncset.done $0x0  }
0x255: {  	[sflag:s11] =	ssyncadd.s32 $0xFFFFF380  }
0x256: {  	_ =	swait.ge [sflag:s11], $0xC80  }
0x257: {  	s26 =	sld [smem:$0x7FD]  }
0x258: {  	s12 =	sld [smem:$0x7FB]  }
0x259: {  	s19 =	simm.s32 $0x1F40;
	s20 =	simm.s32 $0x2BC0;
	s25 =	simm.s32 $0x3840  }
0x25a: {  	s28 =	simm.s32 $0x5140;
	s2 =	simm.s32 $0x5DC0;
	s0 =	sadd.s32 $0x1, s26  }
0x25b: {  	s6 =	simm.s32 $0x76C0;
	s8 =	simm.s32 $0x8340;
	p0 =	sne.s32 s0, s12  }
.Ltmp1:
0x25c: {  	s1 =	simm.s32 $0x8FC0;
	s30 =	smov.u32 s7;
	(pc) =	sbr.rel @p0 .LBB2_1-.Ltmp1, $4  }
0x25d: {  	s7 =	smov.u32 s15;
	s15 =	simm.s32 $0x9C40;
	s31 =	simm.s32 $0xA8C0  }
0x25e: {  	s13 =	simm.s32 $0xB540;
	s16 =	simm.s32 $0xC1C0;
	[sflag:s11] =	ssyncset.done $0x0  }
0x25f: {  	s18 =	simm.s32 $0xDAC0;
	s17 =	simm.s32 $0x12C0;
	[sflag:s11] =	ssyncadd.s32 $0xFFFFF380  }
0x260: {  	s26 =	simm.s32 $0x44C0;
	[smem:$0x7FD] =	sst s0;
	s0 =	simm.s32 $0x6A40  }
0x261: {  	_ =	sfence.sel $0x180000  }
0x262: {  	[bflag:$0x0] =	sbarrier.arrive $0xFFFF  }
0x263: {  	_ =	strace $0x90000047  }
0x264: {  	s0 =	stileid.u32;
	[bflag:$0x2] =	sbarrier.arrive $0xFFFF  }
0x265: {  	p0 =	sne.s32 s0, $0x0;
	s0 =	rddreg [dreg:$0x3]  }
0x266: {  	s0 =	sadd.s32 @!p0 $0x100000, s0  }
0x267: {  	[sflag:s0] =	ssyncadd.tile.s32 @!p0 $0x1;
	_ =	shalt  }
.Lfunc_end2:
_tile_overlayer_lowered:
.L_overlay_start_2:
0x268: {  	(tag) =	ssettag $0x2  }
0x269: {  	s0 =	rddreg [dreg:$0x0];
	s2 =	stileid.u32  }
0x26a: {  	s1 =	rddreg [dreg:$0x1];
	p0 =	sne.s32 s2, $0x0  }
0x26b: {  	s3 =	rddreg [dreg:$0x2];
	[bflag:$0x3] =	sbarrier.arrive $0xFFFF;
	s2 =	simm.s32 @!p0 $0x1C06  }
0x26c: {  	[timem:s3], [sflag:s2] =	dma.local @!p0 [hbm:s0], s1  }
0x26d: {  	s0 =	simm.s32 @!p0 $0x6  }
0x26e: {  	_ =	swait.ge @!p0 [sflag:s0], s1  }
0x26f: {  	s1 =	ssub.s32 @!p0 $0x0, s1;
	[sflag:s0] =	ssyncset.done @!p0 $0x0  }
0x270: {  	[sflag:s0] =	ssyncadd.s32 @!p0 s1  }
0x271: {  	[bflag:$0x3] =	sbarrier.arrive $0xFFFF  }
0x272: {  	_ =	shalt  }

// kernel: sparse-core-data-format-call.cloned.1.call-start
scs
called_computation_lowered:
.L_overlay_start_0:
0x0: {  	s2 =	sld [smem:$0x3FD9]  }
0x1: {  	s3 =	sld [smem:$0x3FFE];
	_ =	sdelay $0x1  }
0x2: {  	s1 =	srdreg.scid  }
0x3: {  	s0 =	sand.u32 $0x1, s1  }
0x4: {  	s18 =	sshll.u32 s0, $0xA;
	s2 =	sadd.s32 s3, s2  }
0x5: {  	s2 =	sadd.s32 s2, s18  }
0x6: {  	[smem:$0x3FC6] =	sst s2  }
0x7: {  	_ = 	snop  }
0x8: {  	s2 =	sld [smem:$0x3FD0];
	(tm) =	ssettm $0x1  }
0x9: {  	s19 =	sld [smem:$0x3FFB];
	_ =	sdelay $0x3  }
0xa: {  	_ =	strace s19  }
0xb: {  	s3 =	sld [smem:$0x3FFC];
	_ =	sdelay $0x3  }
0xc: {  	_ =	strace s3  }
0xd: {  	s3 =	sld [smem:$0x3FFD];
	_ =	sdelay $0x3  }
0xe: {  	_ =	strace s3  }
0xf: {  	_ =	strace $0x8FFFFFFF  }
0x10: {  	s20 =	sld [smem:$0x3FDB];
	_ =	sdelay $0x1  }
0x11: {  	s4 =	simm.s32 $_scs_section_size  }
0x12: {  	s5 =	simm.s32 $_size__tile_overlayer_lowered;
	s6 =	simm.s32 $_tile_overlayer_lowered  }
0x13: {  	s23 =	simm.s32 $0x1BFF;
	s22 =	sshll.u32 s6, $0x1;
	s3 =	sadd.s32 s4, s20  }
0x14: {  	s7 =	simm.s32 $0x0;
	s21 =	sshll.u32 s5, $0x1;
	s5 =	sadd.s32 s22, s3  }
0x15: {  	[timem:s7], [sflag:s23] =	dma.local [hbm:s5], s21  }
0x16: {  	_ =	swait.ge [sflag:s23], s21  }
0x17: {  	s4 =	ssub.s32 $0x0, s21;
	[sflag:s23] =	ssyncset.done $0x0  }
0x18: {  	[sflag:s23] =	ssyncadd.s32 s4;
	_ =	sdelay $0x1  }
0x19: {  	s24 =	simm.s32 $0x1B8B  }
0x1a: {  	_ =	swait.ge [sflag:s24], $0x1  }
0x1b: {  	[sflag:s24] =	ssyncset.done $0x0  }
0x1c: {  	s26 =	simm.s32 $0x1B8E;
	s25 =	sld [smem:$0x3FFE];
	[sflag:s24] =	ssyncadd.s32 $0xFFFFFFFF  }
0x1d: {  	s27 =	simm.s32 $execute0_lowered;
	[smem:$0x3FD2] =	sst s26  }
0x1e: {  	s5 =	sshll.u32 s27, $0x1;
	_ =	strace $0x80000049;
	[dreg:$0x1] =	wrdreg $0xFFFFFFFF  }
0x1f: {  	s28 =	simm.s32 $_size_execute0_lowered;
	s3 =	sadd.s32 s3, s5;
	[dreg:$0x0] =	wrdreg $0x0  }
0x20: {  	s5 =	sshll.u32 s28, $0x1;
	[dreg:$0x2] =	wrdreg s3  }
0x21: {  	[dreg:$0x3] =	wrdreg s5  }
0x22: {  	[dreg:$0x4] =	wrdreg $0xC0  }
0x23: {  	_ =	task [dreg:s7], $0x5FFFF  }
0x24: {  	[dreg:$0x1] =	wrdreg $0xFFFFFFFF  }
0x25: {  	[dreg:$0x0] =	wrdreg $0x60  }
0x26: {  	[dreg:$0x2] =	wrdreg s25  }
0x27: {  	[dreg:$0x3] =	wrdreg s2  }
0x28: {  	[dreg:$0x4] =	wrdreg $0x9  }
0x29: {  	_ =	task.clear_ibuf [dreg:s7], $0x5FFFF;
	_ =	strace $0x90000049  }
0x2a: {  	s29 =	simm.s32 $0x9;
	_ =	strace $0x8000004B  }
0x2b: {  	_ =	swait.ge [sflag:s29], $0x1  }
0x2c: {  	[sflag:s29] =	ssyncadd.s32 $0xFFFFFFFF  }
0x2d: {  	_ =	strace $0x9000004B  }
0x2e: {  	_ =	sfence  }
0x2f: {  	s30 =	sld [smem:$0x0];
	_ =	sdelay $0x2  }
0x30: {  	s31 =	sshll.u32 s1, $0xD;
	s1 =	sshrl.u32 s1, $0x2  }
0x31: {  	s3 =	sand.u32 $0x4000, s31;
	s1 =	sadd.s32 s1, s30  }
0x32: {  	s0 =	sor.u32 s3, s0;
	s1 =	sshll.u32 s1, $0x11  }
0x33: {  	s0 =	sor.u32 s1, s0  }
0x34: {  	s0 =	sadd.s32 $0x8F2B, s0  }
0x35: {  	[sflag:s0] =	ssyncadd.remote.s32 $0x1  }
0x36: {  	_ =	sfence.sel $0xFFFF  }
0x37: {  	[dreg:$0x0] =	wrdreg $0xFFFFFFFF;
	(pc) =	sbr.abs _section_cstart, $3  }
0x38: {  	[dreg:$0x1] =	wrdreg $0xFFFFFFFF  }
0x39: {  	_ =	task.clear_ibuf [dreg:s7], $0x2FFFF;
	_ =	strace $0x9FFFFFFF  }
0x3a: {  	(tm) =	ssettm $0x7FFFFFFF  }
0x3b: {  	_ =	shalt  }
tec
execute0_lowered:
.L_overlay_start_1:
0x0: {  	(tag) =	ssettag $0x1  }
0x1: {  	s0 =	srdreg.scid  }
0x2: {  	s1 =	sshll.u32 s0, $0x4  }
0x3: {  	s0 =	stileid.u32;
	s1 =	sand.u32 $0x10, s1  }
0x4: {  	s1 =	sor.u32 s0, s1  }
0x5: {  	s6 =	rddreg [dreg:$0x0];
	s4 =	simm.s32 $0x1;
	s2 =	sshll.u32 s1, $0x7  }
0x6: {  	s7 =	simm.s32 $0x2;
	s12 =	simm.s32 $0x0;
	s1 =	ssub.s32 $0x4000, s2  }
0x7: {  	s8 =	simm.s32 $0x20000;
	s13 =	simm.s32 $0x0;
	s3 =	sand.u32 $0xF80, s1  }
0x8: {  	s9 =	simm.s32 $0x0;
	s5 =	sshrl.u32 s1, $0xC;
	p0 =	sne.s32 s3, $0x0  }
.Ltmp0:
0x9: {  	s1 =	rddreg [dreg:$0x2];
	s4 =	simm.s32 @!p0 $0x0;
	(pc) =	sbr.rel .LBB1_1-.Ltmp0, $4  }
0xa: {  	s11 =	simm.s32 $0x0;
	s3 =	rddreg [dreg:$0x1];
	s5 =	sadd.s32 s4, s5  }
0xb: {  	_ =	strace $0x8000004A;
	s4 =	simm.s32 $0x1;
	s5 =	smul.u32 $0x32, s5  }
0xc: {  	s6 =	sadd.s32 $0x800, s6;
	s10 =	smov.u32 s2;
	[sflag:s4] =	ssyncpa.u1 $0x0  }
0xd: {  	p0 =	por $0x0, $0x0;
	[sflag:s7] =	ssyncpa.u1 $0x0;
	s7 =	sor.u32 $0x1, s5  }
.LBB1_4:
0xe: {  	s16 =	sshll.u32 s13, $0x3;
	s17 =	sand.u32 $0x78, s13  }
0xf: {  	s30 =	sand.u32 $0x1F800, s13;
	s12 =	sshll.u32 s12, $0x11;
	s16 =	sand.u32 $0x3C00, s16  }
0x10: {  	[tilespmem:s15+$0x810 ss:$0x81] =	vst.msk $0xffff, v2;
	s31 =	sand.u32 $0x7, s13;
	s16 =	sor.u32 s17, s16;
	s17 =	sadd.s32 s3, s30  }
0x11: {  	[tilespmem:s15+$0x1020 ss:$0x81] =	vst.msk $0xffff, v0;
	s13 =	sshll.u32 s31, $0x12;
	s12 =	sadd.s32 s12, s17;
	s16 =	sshrl.u32 s16, $0x3  }
0x12: {  	[tilespmem:s15+$0x0 ss:$0x81] =	vst.msk $0xffff, v1;
	s13 =	sor.u32 $0x400, s13;
	s12 =	sadd.s32 s16, s12  }
0x13: {  	[hbm4b:s12+s13] =	stream.strided.scatter [tilespmem:s14], [sflag:$0x2], $0x2000, s8, s13, $0x20;
	[tilespmem:$0x8080] =	vst v63  }
.LBB1_5:
0x14: {  	s14 =	sadd.s32 $0x1, s9  }
0x15: {  	s12 =	sadd.s32 $0x1000, s10;
	s16 =	smov.u32 s10;
	p2 =	sgt.s32 s14, $0x31  }
0x16: {  	s16 =	smov.u32 @p2 s12  }
0x17: {  	s14 =	simm.s32 @p2 $0x0;
	p2 =	sgt.s32 s16, $0x3FFF  }
0x18: {  	s16 =	smov.u32 @p2 s2;
	p2 =	sne.s32 s11, s7  }
.Ltmp1:
0x19: {  	p1 =	slt.u32 s11, $0x2;
	(pc) =	sbr.rel @!p2 .LBB1_6-.Ltmp1, $4  }
0x1a: {  	s15 =	simm.s32 @!p1 $0x2  }
0x1b: {  	s13 =	smov.u32 s10;
	p0 =	por !p0, !p0;
	_ =	swait.ge @!p1 [sflag:s15], $0x2000  }
0x1c: {  	s12 =	smov.u32 s9;
	[sflag:s15] =	ssyncset.done @!p1 $0x0;
	s9 =	smov.u32 s14  }
0x1d: {  	s11 =	sadd.s32 $0x1, s11;
	[sflag:s15] =	ssyncadd.s32 @!p1 $0xFFFFE000;
	s10 =	smov.u32 s16  }
.LBB1_1:
0x1e: {  	p1 =	sge.u32 s11, s5  }
0x1f: {  	s14 =	sand.u32 @!p1 $0x1FFFFFF, s9  }
0x20: {  	s15 =	smulhi.u32 @!p1 $0x4924925, s14;
	_ =	sdelay $0x1  }
0x21: {  	s15 =	smul.u32 @!p1 $0x38, s15  }
0x22: {  	s16 =	sxor.u32 @!p1 $0xFFFFFFFF, s11;
	s17 =	smul.u32 @!p1 $0x380, s10  }
0x23: {  	s31 =	sadd.s32 $0xFFFFFFFF, s11;
	s16 =	sshll.u32 @!p1 s16, $0xD;
	s14 =	ssub.s32 @!p1 s14, s15  }
0x24: {  	s15 =	sand.u32 @!p1 $0x2000, s16;
	s16 =	sadd.s32 @!p1 s6, s17;
	s14 =	sshll.u32 @!p1 s14, $0x4  }
0x25: {  	s17 =	simm.s32 @!p1 $0x1C00;
	s14 =	sadd.s32 @!p1 s14, s16;
	s16 =	simm.s32 @!p1 $0x40  }
0x26: {  	[tilespmem:s15], [sflag:$0x1] =	stream.strided.gather @!p1 [hbm4b:s14+s16], $0x2000, s17, s16, $0x38;
	[tilespmem:$0x8080] =	vst v63  }
0x27: {  	p1 =	sge.u32 s31, s5  }
.Ltmp2:
0x28: {  	_ = 	snop;
	(pc) =	sbr.rel @p1 .LBB1_5-.Ltmp2, $1  }
0x29: {  	_ =	sdelay $0x3  }
0x2a: {  	s14 =	simm.s32 $0x1  }
0x2b: {  	_ =	swait.ge [sflag:s4], $0x2000;
	s14 =	simm.s32 @!p0 $0x0  }
0x2c: {  	[sflag:s4] =	ssyncset.done $0x0;
	s15 =	sshll.u32 s14, $0xD  }
0x2d: {  	[sflag:s4] =	ssyncadd.s32 $0xFFFFE000;
	s18 =	sor.u32 $0x20, s15  }
0x2e: {  	s14 =	smul.u32 $0x8100, s14;
	v3 =	vld [tilespmem:s18+$0x10]  }
0x2f: {  	s30 =	sand.u32 $0x1, s11;
	v2 =	vld [tilespmem:s18+$0xFFFFFFF0]  }
0x30: {  	s15 =	smul.u32 $0x8100, s30;
	s14 =	sshrl.u32 s14, $0x2;
	v0 =	vld [tilespmem:s18+$0x0]  }
0x31: {  	v1 =	vld [tilespmem:s18+$0xFFFFFFE0];
	s16 =	sor.u32 $0x4000, s14  }
0x32: {  	s31 =	sshrl.u32 s15, $0x2;
	s15 =	sadd.s32 $0x0, s16  }
0x33: {  	s17 =	simm.s32 $0x4;
	s18 =	sadd.s32 $0x40, s18;
	s14 =	sor.u32 $0x4000, s31;
	[tilespmem:s15+$0x1830 ss:$0x81] =	vst.msk $0xffff, v3  }
.LBB1_3:
0x34: {  	v3 =	vld [tilespmem:s18+$0x10];
	p1 =	sne.s32 s17, $0x1FC;
	[tilespmem:s15+$0x810 ss:$0x81] =	vst.msk $0xffff, v2;
	s19 =	smov.u32 s17;
	s17 =	sadd.s32 $0x4, s17  }
.Ltmp3:
0x35: {  	v2 =	vld [tilespmem:s18+$0xFFFFFFF0];
	[tilespmem:s15+$0x1020 ss:$0x81] =	vst.msk $0xffff, v0;
	(pc) =	sbr.rel @p1 .LBB1_3-.Ltmp3, $4  }
0x36: {  	v0 =	vld [tilespmem:s18+$0x0];
	[tilespmem:s15+$0x0 ss:$0x81] =	vst.msk $0xffff, v1  }
0x37: {  	s15 =	sshra.s32 s19, $0x2;
	v1 =	vld [tilespmem:s18+$0xFFFFFFE0]  }
0x38: {  	s15 =	sadd.s32 s15, s16  }
0x39: {  	s18 =	sadd.s32 $0x40, s18;
	[tilespmem:s15+$0x1830 ss:$0x81] =	vst.msk $0xffff, v3  }
.Ltmp4:
0x3a: {  	_ = 	snop;
	(pc) =	sbr.rel .LBB1_4-.Ltmp4, $1  }
0x3b: {  	_ =	sdelay $0x3  }
.LBB1_6:
0x3c: {  	_ =	sfence.sel $0x180000  }
0x3d: {  	s2 =	simm.s32 $0x1;
	[bflag:$0x0] =	sbarrier.arrive $0xFFFF  }
0x3e: {  	s31 =	simm.s32 $0x2;
	[sflag:s2] =	ssyncpa.u1 $0x1  }
0x3f: {  	[sflag:s31] =	ssyncpa.u1 $0x1  }
0x40: {  	p0 =	sne.s32 s0, $0x0;
	_ =	strace $0x9000004A  }
0x41: {  	s0 =	sadd.s32 @!p0 $0x100000, s1;
	[bflag:$0x2] =	sbarrier.arrive $0xFFFF  }
0x42: {  	[sflag:s0] =	ssyncadd.tile.s32 @!p0 $0x1;
	_ =	shalt  }
.Lfunc_end1:
_tile_overlayer_lowered:
.L_overlay_start_2:
0x43: {  	(tag) =	ssettag $0x2  }
0x44: {  	s0 =	rddreg [dreg:$0x0];
	s2 =	stileid.u32  }
0x45: {  	s1 =	rddreg [dreg:$0x1];
	p0 =	sne.s32 s2, $0x0  }
0x46: {  	s3 =	rddreg [dreg:$0x2];
	[bflag:$0x3] =	sbarrier.arrive $0xFFFF;
	s2 =	simm.s32 @!p0 $0x1C01  }
0x47: {  	[timem:s3], [sflag:s2] =	dma.local @!p0 [hbm:s0], s1  }
0x48: {  	s0 =	simm.s32 @!p0 $0x1  }
0x49: {  	_ =	swait.ge @!p0 [sflag:s0], s1  }
0x4a: {  	s1 =	ssub.s32 @!p0 $0x0, s1;
	[sflag:s0] =	ssyncset.done @!p0 $0x0  }
0x4b: {  	[sflag:s0] =	ssyncadd.s32 @!p0 s1  }
0x4c: {  	[bflag:$0x3] =	sbarrier.arrive $0xFFFF  }
0x4d: {  	_ =	shalt  }

</sc_bundles>
